<compile_context>
chip_gen: v7x
topology: tpu7x:2x2x1
jax: 0.10.2.dev20260603
libtpu: 0.0.44.dev20260713+nightly
codegen_flags: <defaults>
</compile_context>

<pallas_src>
import functools

import jax
import jax.numpy as jnp
from jax import lax
from jax.experimental import pallas as pl
from jax.experimental.pallas import tpu as pltpu
from jax.experimental.pallas import tpu_sc as plsc

N = 10000
D = 128
MID = 128
OUT = 128
E = 320000

NC = 2
NS = 16
NW = NC * NS

B = 128
NBLK = 80
E_PAD = NW * B * NBLK


def _sc_gather_combine(tab, colp, eap):
    mesh = plsc.VectorSubcoreMesh(
        core_axis_name="c", subcore_axis_name="s", num_cores=NC, num_subcores=NS
    )

    @functools.partial(
        pl.kernel,
        out_type=jax.ShapeDtypeStruct((E_PAD, MID), jnp.float32),
        mesh=mesh,
        scratch_types=[
            pltpu.VMEM((B,), jnp.int32),
            pltpu.VMEM((B,), jnp.float32),
            pltpu.VMEM((B, 2 * MID), jnp.float32),
            pltpu.VMEM((B, MID), jnp.float32),
            pltpu.SemaphoreType.DMA,
        ],
    )
    def k(tab_hbm, col_hbm, ea_hbm, u_out, colv, eav, rowsbuf, ubuf, sem):
        c = lax.axis_index("c")
        s = lax.axis_index("s")
        wid = c * NS + s
        ebase = wid * (B * NBLK)

        def blk(i, carry):
            off = ebase + i * B
            pltpu.sync_copy(col_hbm.at[pl.ds(off, B)], colv)
            pltpu.sync_copy(ea_hbm.at[pl.ds(off, B)], eav)
            pltpu.async_copy(tab_hbm.at[colv], rowsbuf, sem).wait()

            def edge16(g, carry2):
                ev16 = eav[pl.ds(16 * g, 16)]
                for l in range(16):
                    b = 16 * g + l
                    ev = jnp.full((16,), ev16[l], jnp.float32)
                    for j in range(MID // 16):
                        y = rowsbuf[b, pl.ds(16 * j, 16)]
                        z = rowsbuf[b, pl.ds(MID + 16 * j, 16)]
                        ubuf[b, pl.ds(16 * j, 16)] = y + ev * z
                return carry2
            lax.fori_loop(0, B // 16, edge16, 0)

            pltpu.sync_copy(ubuf, u_out.at[pl.ds(off, B)])
            return carry
        lax.fori_loop(0, NBLK, blk, 0)

    return k(tab, colp, eap)


def _tc_matmul(x, wcat):
    bn = 2000

    def body(x_ref, w_ref, o_ref):
        o_ref[...] = jnp.dot(x_ref[...], w_ref[...],
                             preferred_element_type=jnp.float32)

    return pl.pallas_call(
        body,
        out_shape=jax.ShapeDtypeStruct((N, 2 * MID), jnp.float32),
        grid=(N // bn,),
        in_specs=[
            pl.BlockSpec((bn, D), lambda i: (i, 0)),
            pl.BlockSpec((D, 2 * MID), lambda i: (0, 0)),
        ],
        out_specs=pl.BlockSpec((bn, 2 * MID), lambda i: (i, 0)),
    )(x, wcat)


def _tc_mean_relu_stats(acc, cnt, b1):
    bn = 2000

    def body(a_ref, cn_ref, b1_ref, h_ref, st_ref):
        c = jnp.maximum(cn_ref[...][:, 0:1], 1.0)
        h = a_ref[...] / c + b1_ref[...]
        hr = jnp.maximum(h, 0.0)
        h_ref[...] = hr

        @pl.when(pl.program_id(0) == 0)
        def _():
            st_ref[...] = jnp.zeros_like(st_ref)

        s1 = jnp.sum(hr, axis=0, keepdims=True)
        s2 = jnp.sum(hr * hr, axis=0, keepdims=True)
        pad = jnp.zeros((6, MID), jnp.float32)
        st_ref[...] += jnp.concatenate([s1, s2, pad], axis=0)

    return pl.pallas_call(
        body,
        out_shape=(
            jax.ShapeDtypeStruct((N, MID), jnp.float32),
            jax.ShapeDtypeStruct((8, MID), jnp.float32),
        ),
        grid=(N // bn,),
        in_specs=[
            pl.BlockSpec((bn, MID), lambda i: (i, 0)),
            pl.BlockSpec((bn, 8), lambda i: (i, 0)),
            pl.BlockSpec((1, MID), lambda i: (0, 0)),
        ],
        out_specs=(
            pl.BlockSpec((bn, MID), lambda i: (i, 0)),
            pl.BlockSpec((8, MID), lambda i: (0, 0)),
        ),
    )(acc, cnt, b1)


def _tc_bn_linear(h, stats, gamma, beta, w2, b2):
    bn = 2000

    def body(h_ref, st_ref, g_ref, be_ref, w2_ref, b2_ref, o_ref):
        hr = h_ref[...]
        st = st_ref[...]
        mu = st[0:1, :] * (1.0 / N)
        var = st[1:2, :] * (1.0 / N) - mu * mu
        rstd = lax.rsqrt(var + 1e-5)
        scale = rstd * g_ref[...]
        shift = be_ref[...] - mu * scale
        xn = hr * scale + shift
        o_ref[...] = jnp.dot(xn, w2_ref[...],
                             preferred_element_type=jnp.float32) + b2_ref[...]

    return pl.pallas_call(
        body,
        out_shape=jax.ShapeDtypeStruct((N, OUT), jnp.float32),
        grid=(N // bn,),
        in_specs=[
            pl.BlockSpec((bn, MID), lambda i: (i, 0)),
            pl.BlockSpec((8, MID), lambda i: (0, 0)),
            pl.BlockSpec((1, MID), lambda i: (0, 0)),
            pl.BlockSpec((1, MID), lambda i: (0, 0)),
            pl.BlockSpec((MID, OUT), lambda i: (0, 0)),
            pl.BlockSpec((1, OUT), lambda i: (0, 0)),
        ],
        out_specs=pl.BlockSpec((bn, OUT), lambda i: (i, 0)),
    )(h, stats, gamma, beta, w2, b2)


def kernel(x, edge_index, edge_attr, batch, W1, b1, gamma, beta, W2, b2):
    del batch
    row = edge_index[0].astype(jnp.int32)
    col = edge_index[1].astype(jnp.int32)
    ea = edge_attr[:, 0].astype(jnp.float32)

    pad = E_PAD - E
    colp = jnp.concatenate([col, jnp.zeros((pad,), jnp.int32)])
    eap = jnp.concatenate([ea, jnp.zeros((pad,), jnp.float32)])

    wcat = jnp.concatenate([W1[:D], W1[D:]], axis=1)

    yz = _tc_matmul(x, wcat)
    u = _sc_gather_combine(yz, colp, eap)[:E]

    acc = jax.ops.segment_sum(u, row, num_segments=N)
    cnt = jax.ops.segment_sum(jnp.ones((E,), jnp.float32), row,
                              num_segments=N)
    cnt8 = jnp.broadcast_to(cnt[:, None], (N, 8))

    h, stats = _tc_mean_relu_stats(acc, cnt8, b1.reshape(1, MID))
    out = _tc_bn_linear(h, stats, gamma.reshape(1, MID), beta.reshape(1, MID),
                        W2, b2.reshape(1, OUT))
    return out

# --- scband reference (transcript-rebuilt; emitter-appended) ---
"""Pipeline reference for scband-my-layer-90117003805128 (READ-ONLY COPY).

The authoritative reference and input builder live on the scoring server;
editing this copy changes nothing except your own understanding.
"""

import jax, jax.numpy as jnp
import numpy as np

N = 10000
E = 320000
D = 128
MID = 128
OUT = 128


def setup_inputs(seed: int = 0) -> dict:
    key = jax.random.key(seed)
    ks = jax.random.split(key, 10)
    x = jax.random.normal(ks[0], (N, D), dtype=jnp.float32)
    edge_index = jax.random.randint(ks[1], (2, E), 0, N, dtype=jnp.int64)
    edge_attr = jax.random.normal(ks[2], (E, 1), dtype=jnp.float32)
    batch = jnp.sort(jax.random.randint(ks[3], (N,), 0, 64, dtype=jnp.int64))
    # node_mlp_2 params: Lin(2D, MID), BatchNorm1d(MID), Lin(MID, OUT)
    W1 = jax.random.normal(ks[4], (2 * D, MID), dtype=jnp.float32) * (1.0 / np.sqrt(2 * D))
    b1 = jnp.zeros((MID,), dtype=jnp.float32)
    gamma = jnp.ones((MID,), dtype=jnp.float32)
    beta = jnp.zeros((MID,), dtype=jnp.float32)
    W2 = jax.random.normal(ks[5], (MID, OUT), dtype=jnp.float32) * (1.0 / np.sqrt(MID))
    b2 = jnp.zeros((OUT,), dtype=jnp.float32)
    return {"x": x, "edge_index": edge_index, "edge_attr": edge_attr, "batch": batch,
            "W1": W1, "b1": b1, "gamma": gamma, "beta": beta, "W2": W2, "b2": b2}


def reference(x, edge_index, edge_attr, batch, W1, b1, gamma, beta, W2, b2):
    row = edge_index[0]
    col = edge_index[1]
    # edge_model is identity on edge_attr
    e = jnp.broadcast_to(edge_attr, (edge_attr.shape[0], x.shape[1]))
    xc = jnp.take(x, col, axis=0)
    msg = jnp.concatenate([xc, xc * e], axis=1)  # [E, 2D]
    # scatter_mean over destination (row), dim_size = N
    summed = jax.ops.segment_sum(msg, row, num_segments=N)
    cnt = jax.ops.segment_sum(jnp.ones((msg.shape[0],), dtype=msg.dtype), row, num_segments=N)
    mean = summed / jnp.clip(cnt, 1.0, None)[:, None]
    # node_mlp_2: Linear -> ReLU -> BatchNorm1d (training-mode batch stats) -> Linear
    h = mean @ W1 + b1
    h = jax.nn.relu(h)
    mu = jnp.mean(h, axis=0)
    var = jnp.mean((h - mu) ** 2, axis=0)  # biased variance, as torch BN uses for normalization
    h = (h - mu) / jnp.sqrt(var + 1e-5) * gamma + beta
    out = h @ W2 + b2
    return out

if __name__ == "__main__":
    import jax
    _d = setup_inputs()
    print(jax.jit(kernel)(*tuple(_d.values())))

</pallas_src>

<mosaic_0001>
#map = affine_map<(d0, d1) -> (0, 0)>
#map1 = affine_map<(d0, d1) -> (0)>
module attributes {stable_mosaic.version = 14 : i64} {
  func.func @k(%arg0: i32, %arg1: i32, %arg2: memref<10000x256xf32, #tpu.memory_space<hbm>>, %arg3: memref<327680xi32, #tpu.memory_space<hbm>>, %arg4: memref<327680xf32, #tpu.memory_space<hbm>>, %arg5: memref<327680x128xf32, #tpu.memory_space<hbm>>, %arg6: memref<128xi32, #tpu.memory_space<vmem>>, %arg7: memref<128xf32, #tpu.memory_space<vmem>>, %arg8: memref<128x256xf32, #tpu.memory_space<vmem>>, %arg9: memref<128x128xf32, #tpu.memory_space<vmem>>, %arg10: memref<!tpu.dma_semaphore, #tpu.memory_space<semaphore_mem>>) attributes {dimension_semantics = [#tpu.dimension_semantics<core_parallel>, #tpu.dimension_semantics<subcore_parallel>], iteration_bounds = array<i64: 2, 16>, scalar_prefetch = 0 : i64, scratch_operands = 5 : i64, tpu.core_type = #tpu.core_type<sc_vector_subcore>, window_params = [{transform_indices = #map}, {transform_indices = #map1}, {transform_indices = #map1}, {transform_indices = #map}]} {
    %mul3A = arith.constant 16 : i32
    %mul3A_0 = arith.muli %arg0, %mul3A : i32
    %add3A = arith.addi %mul3A_0, %arg1 : i32
    %mul3A_1 = arith.constant 10240 : i32
    %mul3A_2 = arith.muli %add3A, %mul3A_1 : i32
    %scan3A = arith.constant 0 : i32
    %scan3A_3 = arith.constant 0 : i32
    %scan3A_4 = arith.constant 80 : i32
    %scan3A_5 = arith.addi %scan3A_3, %scan3A_4 : i32
    %scan3A_6 = arith.constant 1 : i32
    scf.for %scan3A_8 = %scan3A_3 to %scan3A_5 step %scan3A_6  : i32 {
      %mul3A_9 = arith.constant 128 : i32
      %mul3A_10 = arith.muli %scan3A_8, %mul3A_9 : i32
      %add3A_11 = arith.addi %mul3A_2, %mul3A_10 : i32
      "tpu.region"() ({
        %run_scoped3A = tpu.sem_alloc : memref<!tpu.dma_semaphore, #tpu.memory_space<semaphore_mem>>
        %dma_start3A_22 = tpu.memref_slice %arg3[%add3A_11] : memref<327680xi32, #tpu.memory_space<hbm>> -> memref<128xi32, #tpu.memory_space<hbm>>
        %dma_start3A_23 = tpu.memref_slice %arg3[%add3A_11] : memref<327680xi32, #tpu.memory_space<hbm>> -> memref<128xi32, #tpu.memory_space<hbm>>
        tpu.enqueue_dma source(%dma_start3A_23 : memref<128xi32, #tpu.memory_space<hbm>>) target(%arg6 : memref<128xi32, #tpu.memory_space<vmem>>) target_semaphore(%run_scoped3A : memref<!tpu.dma_semaphore, #tpu.memory_space<semaphore_mem>>)
        %dma_wait3A_24 = tpu.memref_slice %arg3[%add3A_11] : memref<327680xi32, #tpu.memory_space<hbm>> -> memref<128xi32, #tpu.memory_space<hbm>>
        %dma_wait3A_25 = tpu.memref_slice %arg3[%add3A_11] : memref<327680xi32, #tpu.memory_space<hbm>> -> memref<128xi32, #tpu.memory_space<hbm>>
        tpu.wait_dma2 semaphore(%run_scoped3A : memref<!tpu.dma_semaphore, #tpu.memory_space<semaphore_mem>>) src(%dma_wait3A_25 : memref<128xi32, #tpu.memory_space<hbm>>) dst(%arg6 : memref<128xi32, #tpu.memory_space<vmem>>)
        tpu.yield
      }) : () -> ()
      "tpu.region"() ({
        %run_scoped3A = tpu.sem_alloc : memref<!tpu.dma_semaphore, #tpu.memory_space<semaphore_mem>>
        %dma_start3A_22 = tpu.memref_slice %arg4[%add3A_11] : memref<327680xf32, #tpu.memory_space<hbm>> -> memref<128xf32, #tpu.memory_space<hbm>>
        %dma_start3A_23 = tpu.memref_slice %arg4[%add3A_11] : memref<327680xf32, #tpu.memory_space<hbm>> -> memref<128xf32, #tpu.memory_space<hbm>>
        tpu.enqueue_dma source(%dma_start3A_23 : memref<128xf32, #tpu.memory_space<hbm>>) target(%arg7 : memref<128xf32, #tpu.memory_space<vmem>>) target_semaphore(%run_scoped3A : memref<!tpu.dma_semaphore, #tpu.memory_space<semaphore_mem>>)
        %dma_wait3A_24 = tpu.memref_slice %arg4[%add3A_11] : memref<327680xf32, #tpu.memory_space<hbm>> -> memref<128xf32, #tpu.memory_space<hbm>>
        %dma_wait3A_25 = tpu.memref_slice %arg4[%add3A_11] : memref<327680xf32, #tpu.memory_space<hbm>> -> memref<128xf32, #tpu.memory_space<hbm>>
        tpu.wait_dma2 semaphore(%run_scoped3A : memref<!tpu.dma_semaphore, #tpu.memory_space<semaphore_mem>>) src(%dma_wait3A_25 : memref<128xf32, #tpu.memory_space<hbm>>) dst(%arg7 : memref<128xf32, #tpu.memory_space<vmem>>)
        tpu.yield
      }) : () -> ()
      %dma_start3A = arith.constant 0 : i32
      %dma_start3A_12 = arith.constant 0 : i32
      %dma_start3A_13 = tpu.memref_slice %arg2[%dma_start3A, %dma_start3A_12] : memref<10000x256xf32, #tpu.memory_space<hbm>> -> memref<10000x256xf32, #tpu.memory_space<hbm>>
      tpu.enqueue_indirect_dma source(%dma_start3A_13 : memref<10000x256xf32, #tpu.memory_space<hbm>>) target(%arg8 : memref<128x256xf32, #tpu.memory_space<vmem>>) offsets(%arg6 : memref<128xi32, #tpu.memory_space<vmem>>) semaphore(%arg10 : memref<!tpu.dma_semaphore, #tpu.memory_space<semaphore_mem>>)
      %dma_wait3A = arith.constant 0 : i32
      %dma_wait3A_14 = arith.constant 0 : i32
      %dma_wait3A_15 = tpu.memref_slice %arg2[%dma_wait3A, %dma_wait3A_14] : memref<10000x256xf32, #tpu.memory_space<hbm>> -> memref<10000x256xf32, #tpu.memory_space<hbm>>
      tpu.wait_indirect_dma semaphore(%arg10 : memref<!tpu.dma_semaphore, #tpu.memory_space<semaphore_mem>>) src(%dma_wait3A_15 : memref<10000x256xf32, #tpu.memory_space<hbm>>) dst(%arg8 : memref<128x256xf32, #tpu.memory_space<vmem>>)
      %scan3A_16 = arith.constant 0 : i32
      %scan3A_17 = arith.constant 0 : i32
      %scan3A_18 = arith.constant 8 : i32
      %scan3A_19 = arith.addi %scan3A_17, %scan3A_18 : i32
      %scan3A_20 = arith.constant 1 : i32
      scf.for %scan3A_22 = %scan3A_17 to %scan3A_19 step %scan3A_20  : i32 {
        %mul3A_23 = arith.constant 16 : i32
        %mul3A_24 = arith.muli %mul3A_23, %scan3A_22 : i32
        %get3A = arith.index_cast %mul3A_24 : i32 to index
        %get3A_25 = tpu.vector_load %arg7[%get3A] {strides = array<i32>} : memref<128xf32, #tpu.memory_space<vmem>>, vector<16xf32>,
        %get3A_26 = vector.shape_cast %get3A_25 : vector<16xf32> to vector<16xf32>
        %mul3A_27 = arith.constant 16 : i32
        %mul3A_28 = arith.muli %mul3A_27, %scan3A_22 : i32
        %add3A_29 = arith.constant 0 : i32
        %add3A_30 = arith.addi %mul3A_28, %add3A_29 : i32
        %slice3A = vector.extract_strided_slice %get3A_26 {offsets = [0], sizes = [1], strides = [1]} : vector<16xf32> to vector<1xf32>
        %squeeze3A = vector.extract %slice3A[0] : f32 from vector<1xf32>
        %broadcast_in_dim3A = vector.broadcast %squeeze3A : f32 to vector<16xf32>
        %get3A_31 = arith.index_cast %add3A_30 : i32 to index
        %get3A_32 = arith.constant 0 : index
        %get3A_33 = tpu.vector_load %arg8[%get3A_31, %get3A_32] {strides = array<i32>} : memref<128x256xf32, #tpu.memory_space<vmem>>, vector<1x16xf32>,
        %get3A_34 = vector.shape_cast %get3A_33 : vector<1x16xf32> to vector<16xf32>
        %get3A_35 = arith.index_cast %add3A_30 : i32 to index
        %get3A_36 = arith.constant 128 : index
        %get3A_37 = tpu.vector_load %arg8[%get3A_35, %get3A_36] {strides = array<i32>} : memref<128x256xf32, #tpu.memory_space<vmem>>, vector<1x16xf32>,
        %get3A_38 = vector.shape_cast %get3A_37 : vector<1x16xf32> to vector<16xf32>
        %mul3A_39 = arith.mulf %broadcast_in_dim3A, %get3A_38 : vector<16xf32>
        %add3A_40 = arith.addf %get3A_34, %mul3A_39 : vector<16xf32>
        %swap3A = arith.index_cast %add3A_30 : i32 to index
        %swap3A_41 = arith.constant 0 : index
        %swap3A_42 = tpu.vector_load %arg9[%swap3A, %swap3A_41] {strides = array<i32>} : memref<128x128xf32, #tpu.memory_space<vmem>>, vector<1x16xf32>,
        %swap3A_43 = vector.shape_cast %swap3A_42 : vector<1x16xf32> to vector<16xf32>
        %swap3A_44 = vector.shape_cast %add3A_40 : vector<16xf32> to vector<1x16xf32>
        tpu.vector_store %arg9[%swap3A, %swap3A_41], %swap3A_44 {strides = array<i32>} : memref<128x128xf32, #tpu.memory_space<vmem>>, vector<1x16xf32>,
        %get3A_45 = arith.index_cast %add3A_30 : i32 to index
        %get3A_46 = arith.constant 16 : index
        %get3A_47 = tpu.vector_load %arg8[%get3A_45, %get3A_46] {strides = array<i32>} : memref<128x256xf32, #tpu.memory_space<vmem>>, vector<1x16xf32>,
        %get3A_48 = vector.shape_cast %get3A_47 : vector<1x16xf32> to vector<16xf32>
        %get3A_49 = arith.index_cast %add3A_30 : i32 to index
        %get3A_50 = arith.constant 144 : index
        %get3A_51 = tpu.vector_load %arg8[%get3A_49, %get3A_50] {strides = array<i32>} : memref<128x256xf32, #tpu.memory_space<vmem>>, vector<1x16xf32>,
        %get3A_52 = vector.shape_cast %get3A_51 : vector<1x16xf32> to vector<16xf32>
        %mul3A_53 = arith.mulf %broadcast_in_dim3A, %get3A_52 : vector<16xf32>
        %add3A_54 = arith.addf %get3A_48, %mul3A_53 : vector<16xf32>
        %swap3A_55 = arith.index_cast %add3A_30 : i32 to index
        %swap3A_56 = arith.constant 16 : index
        %swap3A_57 = tpu.vector_load %arg9[%swap3A_55, %swap3A_56] {strides = array<i32>} : memref<128x128xf32, #tpu.memory_space<vmem>>, vector<1x16xf32>,
        %swap3A_58 = vector.shape_cast %swap3A_57 : vector<1x16xf32> to vector<16xf32>
        %swap3A_59 = vector.shape_cast %add3A_54 : vector<16xf32> to vector<1x16xf32>
        tpu.vector_store %arg9[%swap3A_55, %swap3A_56], %swap3A_59 {strides = array<i32>} : memref<128x128xf32, #tpu.memory_space<vmem>>, vector<1x16xf32>,
        %get3A_60 = arith.index_cast %add3A_30 : i32 to index
        %get3A_61 = arith.constant 32 : index
        %get3A_62 = tpu.vector_load %arg8[%get3A_60, %get3A_61] {strides = array<i32>} : memref<128x256xf32, #tpu.memory_space<vmem>>, vector<1x16xf32>,
        %get3A_63 = vector.shape_cast %get3A_62 : vector<1x16xf32> to vector<16xf32>
        %get3A_64 = arith.index_cast %add3A_30 : i32 to index
        %get3A_65 = arith.constant 160 : index
        %get3A_66 = tpu.vector_load %arg8[%get3A_64, %get3A_65] {strides = array<i32>} : memref<128x256xf32, #tpu.memory_space<vmem>>, vector<1x16xf32>,
        %get3A_67 = vector.shape_cast %get3A_66 : vector<1x16xf32> to vector<16xf32>
        %mul3A_68 = arith.mulf %broadcast_in_dim3A, %get3A_67 : vector<16xf32>
        %add3A_69 = arith.addf %get3A_63, %mul3A_68 : vector<16xf32>
        %swap3A_70 = arith.index_cast %add3A_30 : i32 to index
        %swap3A_71 = arith.constant 32 : index
        %swap3A_72 = tpu.vector_load %arg9[%swap3A_70, %swap3A_71] {strides = array<i32>} : memref<128x128xf32, #tpu.memory_space<vmem>>, vector<1x16xf32>,
        %swap3A_73 = vector.shape_cast %swap3A_72 : vector<1x16xf32> to vector<16xf32>
        %swap3A_74 = vector.shape_cast %add3A_69 : vector<16xf32> to vector<1x16xf32>
        tpu.vector_store %arg9[%swap3A_70, %swap3A_71], %swap3A_74 {strides = array<i32>} : memref<128x128xf32, #tpu.memory_space<vmem>>, vector<1x16xf32>,
        %get3A_75 = arith.index_cast %add3A_30 : i32 to index
        %get3A_76 = arith.constant 48 : index
        %get3A_77 = tpu.vector_load %arg8[%get3A_75, %get3A_76] {strides = array<i32>} : memref<128x256xf32, #tpu.memory_space<vmem>>, vector<1x16xf32>,
        %get3A_78 = vector.shape_cast %get3A_77 : vector<1x16xf32> to vector<16xf32>
        %get3A_79 = arith.index_cast %add3A_30 : i32 to index
        %get3A_80 = arith.constant 176 : index
        %get3A_81 = tpu.vector_load %arg8[%get3A_79, %get3A_80] {strides = array<i32>} : memref<128x256xf32, #tpu.memory_space<vmem>>, vector<1x16xf32>,
        %get3A_82 = vector.shape_cast %get3A_81 : vector<1x16xf32> to vector<16xf32>
        %mul3A_83 = arith.mulf %broadcast_in_dim3A, %get3A_82 : vector<16xf32>
        %add3A_84 = arith.addf %get3A_78, %mul3A_83 : vector<16xf32>
        %swap3A_85 = arith.index_cast %add3A_30 : i32 to index
        %swap3A_86 = arith.constant 48 : index
        %swap3A_87 = tpu.vector_load %arg9[%swap3A_85, %swap3A_86] {strides = array<i32>} : memref<128x128xf32, #tpu.memory_space<vmem>>, vector<1x16xf32>,
        %swap3A_88 = vector.shape_cast %swap3A_87 : vector<1x16xf32> to vector<16xf32>
        %swap3A_89 = vector.shape_cast %add3A_84 : vector<16xf32> to vector<1x16xf32>
        tpu.vector_store %arg9[%swap3A_85, %swap3A_86], %swap3A_89 {strides = array<i32>} : memref<128x128xf32, #tpu.memory_space<vmem>>, vector<1x16xf32>,
        %get3A_90 = arith.index_cast %add3A_30 : i32 to index
        %get3A_91 = arith.constant 64 : index
        %get3A_92 = tpu.vector_load %arg8[%get3A_90, %get3A_91] {strides = array<i32>} : memref<128x256xf32, #tpu.memory_space<vmem>>, vector<1x16xf32>,
        %get3A_93 = vector.shape_cast %get3A_92 : vector<1x16xf32> to vector<16xf32>
        %get3A_94 = arith.index_cast %add3A_30 : i32 to index
        %get3A_95 = arith.constant 192 : index
        %get3A_96 = tpu.vector_load %arg8[%get3A_94, %get3A_95] {strides = array<i32>} : memref<128x256xf32, #tpu.memory_space<vmem>>, vector<1x16xf32>,
        %get3A_97 = vector.shape_cast %get3A_96 : vector<1x16xf32> to vector<16xf32>
        %mul3A_98 = arith.mulf %broadcast_in_dim3A, %get3A_97 : vector<16xf32>
        %add3A_99 = arith.addf %get3A_93, %mul3A_98 : vector<16xf32>
        %swap3A_100 = arith.index_cast %add3A_30 : i32 to index
        %swap3A_101 = arith.constant 64 : index
        %swap3A_102 = tpu.vector_load %arg9[%swap3A_100, %swap3A_101] {strides = array<i32>} : memref<128x128xf32, #tpu.memory_space<vmem>>, vector<1x16xf32>,
        %swap3A_103 = vector.shape_cast %swap3A_102 : vector<1x16xf32> to vector<16xf32>
        %swap3A_104 = vector.shape_cast %add3A_99 : vector<16xf32> to vector<1x16xf32>
        tpu.vector_store %arg9[%swap3A_100, %swap3A_101], %swap3A_104 {strides = array<i32>} : memref<128x128xf32, #tpu.memory_space<vmem>>, vector<1x16xf32>,
        %get3A_105 = arith.index_cast %add3A_30 : i32 to index
        %get3A_106 = arith.constant 80 : index
        %get3A_107 = tpu.vector_load %arg8[%get3A_105, %get3A_106] {strides = array<i32>} : memref<128x256xf32, #tpu.memory_space<vmem>>, vector<1x16xf32>,
        %get3A_108 = vector.shape_cast %get3A_107 : vector<1x16xf32> to vector<16xf32>
        %get3A_109 = arith.index_cast %add3A_30 : i32 to index
        %get3A_110 = arith.constant 208 : index
        %get3A_111 = tpu.vector_load %arg8[%get3A_109, %get3A_110] {strides = array<i32>} : memref<128x256xf32, #tpu.memory_space<vmem>>, vector<1x16xf32>,
        %get3A_112 = vector.shape_cast %get3A_111 : vector<1x16xf32> to vector<16xf32>
        %mul3A_113 = arith.mulf %broadcast_in_dim3A, %get3A_112 : vector<16xf32>
        %add3A_114 = arith.addf %get3A_108, %mul3A_113 : vector<16xf32>
        %swap3A_115 = arith.index_cast %add3A_30 : i32 to index
        %swap3A_116 = arith.constant 80 : index
        %swap3A_117 = tpu.vector_load %arg9[%swap3A_115, %swap3A_116] {strides = array<i32>} : memref<128x128xf32, #tpu.memory_space<vmem>>, vector<1x16xf32>,
        %swap3A_118 = vector.shape_cast %swap3A_117 : vector<1x16xf32> to vector<16xf32>
        %swap3A_119 = vector.shape_cast %add3A_114 : vector<16xf32> to vector<1x16xf32>
        tpu.vector_store %arg9[%swap3A_115, %swap3A_116], %swap3A_119 {strides = array<i32>} : memref<128x128xf32, #tpu.memory_space<vmem>>, vector<1x16xf32>,
        %get3A_120 = arith.index_cast %add3A_30 : i32 to index
        %get3A_121 = arith.constant 96 : index
        %get3A_122 = tpu.vector_load %arg8[%get3A_120, %get3A_121] {strides = array<i32>} : memref<128x256xf32, #tpu.memory_space<vmem>>, vector<1x16xf32>,
        %get3A_123 = vector.shape_cast %get3A_122 : vector<1x16xf32> to vector<16xf32>
        %get3A_124 = arith.index_cast %add3A_30 : i32 to index
        %get3A_125 = arith.constant 224 : index
        %get3A_126 = tpu.vector_load %arg8[%get3A_124, %get3A_125] {strides = array<i32>} : memref<128x256xf32, #tpu.memory_space<vmem>>, vector<1x16xf32>,
        %get3A_127 = vector.shape_cast %get3A_126 : vector<1x16xf32> to vector<16xf32>
        %mul3A_128 = arith.mulf %broadcast_in_dim3A, %get3A_127 : vector<16xf32>
        %add3A_129 = arith.addf %get3A_123, %mul3A_128 : vector<16xf32>
        %swap3A_130 = arith.index_cast %add3A_30 : i32 to index
        %swap3A_131 = arith.constant 96 : index
        %swap3A_132 = tpu.vector_load %arg9[%swap3A_130, %swap3A_131] {strides = array<i32>} : memref<128x128xf32, #tpu.memory_space<vmem>>, vector<1x16xf32>,
        %swap3A_133 = vector.shape_cast %swap3A_132 : vector<1x16xf32> to vector<16xf32>
        %swap3A_134 = vector.shape_cast %add3A_129 : vector<16xf32> to vector<1x16xf32>
        tpu.vector_store %arg9[%swap3A_130, %swap3A_131], %swap3A_134 {strides = array<i32>} : memref<128x128xf32, #tpu.memory_space<vmem>>, vector<1x16xf32>,
        %get3A_135 = arith.index_cast %add3A_30 : i32 to index
        %get3A_136 = arith.constant 112 : index
        %get3A_137 = tpu.vector_load %arg8[%get3A_135, %get3A_136] {strides = array<i32>} : memref<128x256xf32, #tpu.memory_space<vmem>>, vector<1x16xf32>,
        %get3A_138 = vector.shape_cast %get3A_137 : vector<1x16xf32> to vector<16xf32>
        %get3A_139 = arith.index_cast %add3A_30 : i32 to index
        %get3A_140 = arith.constant 240 : index
        %get3A_141 = tpu.vector_load %arg8[%get3A_139, %get3A_140] {strides = array<i32>} : memref<128x256xf32, #tpu.memory_space<vmem>>, vector<1x16xf32>,
        %get3A_142 = vector.shape_cast %get3A_141 : vector<1x16xf32> to vector<16xf32>
        %mul3A_143 = arith.mulf %broadcast_in_dim3A, %get3A_142 : vector<16xf32>
        %add3A_144 = arith.addf %get3A_138, %mul3A_143 : vector<16xf32>
        %swap3A_145 = arith.index_cast %add3A_30 : i32 to index
        %swap3A_146 = arith.constant 112 : index
        %swap3A_147 = tpu.vector_load %arg9[%swap3A_145, %swap3A_146] {strides = array<i32>} : memref<128x128xf32, #tpu.memory_space<vmem>>, vector<1x16xf32>,
        %swap3A_148 = vector.shape_cast %swap3A_147 : vector<1x16xf32> to vector<16xf32>
        %swap3A_149 = vector.shape_cast %add3A_144 : vector<16xf32> to vector<1x16xf32>
        tpu.vector_store %arg9[%swap3A_145, %swap3A_146], %swap3A_149 {strides = array<i32>} : memref<128x128xf32, #tpu.memory_space<vmem>>, vector<1x16xf32>,
        %mul3A_150 = arith.constant 16 : i32
        %mul3A_151 = arith.muli %mul3A_150, %scan3A_22 : i32
        %add3A_152 = arith.constant 1 : i32
        %add3A_153 = arith.addi %mul3A_151, %add3A_152 : i32
        %slice3A_154 = vector.extract_strided_slice %get3A_26 {offsets = [1], sizes = [1], strides = [1]} : vector<16xf32> to vector<1xf32>
        %squeeze3A_155 = vector.extract %slice3A_154[0] : f32 from vector<1xf32>
        %broadcast_in_dim3A_156 = vector.broadcast %squeeze3A_155 : f32 to vector<16xf32>
        %get3A_157 = arith.index_cast %add3A_153 : i32 to index
        %get3A_158 = arith.constant 0 : index
        %get3A_159 = tpu.vector_load %arg8[%get3A_157, %get3A_158] {strides = array<i32>} : memref<128x256xf32, #tpu.memory_space<vmem>>, vector<1x16xf32>,
        %get3A_160 = vector.shape_cast %get3A_159 : vector<1x16xf32> to vector<16xf32>
        %get3A_161 = arith.index_cast %add3A_153 : i32 to index
        %get3A_162 = arith.constant 128 : index
        %get3A_163 = tpu.vector_load %arg8[%get3A_161, %get3A_162] {strides = array<i32>} : memref<128x256xf32, #tpu.memory_space<vmem>>, vector<1x16xf32>,
        %get3A_164 = vector.shape_cast %get3A_163 : vector<1x16xf32> to vector<16xf32>
        %mul3A_165 = arith.mulf %broadcast_in_dim3A_156, %get3A_164 : vector<16xf32>
        %add3A_166 = arith.addf %get3A_160, %mul3A_165 : vector<16xf32>
        %swap3A_167 = arith.index_cast %add3A_153 : i32 to index
        %swap3A_168 = arith.constant 0 : index
        %swap3A_169 = tpu.vector_load %arg9[%swap3A_167, %swap3A_168] {strides = array<i32>} : memref<128x128xf32, #tpu.memory_space<vmem>>, vector<1x16xf32>,
        %swap3A_170 = vector.shape_cast %swap3A_169 : vector<1x16xf32> to vector<16xf32>
        %swap3A_171 = vector.shape_cast %add3A_166 : vector<16xf32> to vector<1x16xf32>
        tpu.vector_store %arg9[%swap3A_167, %swap3A_168], %swap3A_171 {strides = array<i32>} : memref<128x128xf32, #tpu.memory_space<vmem>>, vector<1x16xf32>,
        %get3A_172 = arith.index_cast %add3A_153 : i32 to index
        %get3A_173 = arith.constant 16 : index
        %get3A_174 = tpu.vector_load %arg8[%get3A_172, %get3A_173] {strides = array<i32>} : memref<128x256xf32, #tpu.memory_space<vmem>>, vector<1x16xf32>,
        %get3A_175 = vector.shape_cast %get3A_174 : vector<1x16xf32> to vector<16xf32>
        %get3A_176 = arith.index_cast %add3A_153 : i32 to index
        %get3A_177 = arith.constant 144 : index
        %get3A_178 = tpu.vector_load %arg8[%get3A_176, %get3A_177] {strides = array<i32>} : memref<128x256xf32, #tpu.memory_space<vmem>>, vector<1x16xf32>,
        %get3A_179 = vector.shape_cast %get3A_178 : vector<1x16xf32> to vector<16xf32>
        %mul3A_180 = arith.mulf %broadcast_in_dim3A_156, %get3A_179 : vector<16xf32>
        %add3A_181 = arith.addf %get3A_175, %mul3A_180 : vector<16xf32>
        %swap3A_182 = arith.index_cast %add3A_153 : i32 to index
        %swap3A_183 = arith.constant 16 : index
        %swap3A_184 = tpu.vector_load %arg9[%swap3A_182, %swap3A_183] {strides = array<i32>} : memref<128x128xf32, #tpu.memory_space<vmem>>, vector<1x16xf32>,
        %swap3A_185 = vector.shape_cast %swap3A_184 : vector<1x16xf32> to vector<16xf32>
        %swap3A_186 = vector.shape_cast %add3A_181 : vector<16xf32> to vector<1x16xf32>
        tpu.vector_store %arg9[%swap3A_182, %swap3A_183], %swap3A_186 {strides = array<i32>} : memref<128x128xf32, #tpu.memory_space<vmem>>, vector<1x16xf32>,
        %get3A_187 = arith.index_cast %add3A_153 : i32 to index
        %get3A_188 = arith.constant 32 : index
        %get3A_189 = tpu.vector_load %arg8[%get3A_187, %get3A_188] {strides = array<i32>} : memref<128x256xf32, #tpu.memory_space<vmem>>, vector<1x16xf32>,
        %get3A_190 = vector.shape_cast %get3A_189 : vector<1x16xf32> to vector<16xf32>
        %get3A_191 = arith.index_cast %add3A_153 : i32 to index
        %get3A_192 = arith.constant 160 : index
        %get3A_193 = tpu.vector_load %arg8[%get3A_191, %get3A_192] {strides = array<i32>} : memref<128x256xf32, #tpu.memory_space<vmem>>, vector<1x16xf32>,
        %get3A_194 = vector.shape_cast %get3A_193 : vector<1x16xf32> to vector<16xf32>
        %mul3A_195 = arith.mulf %broadcast_in_dim3A_156, %get3A_194 : vector<16xf32>
        %add3A_196 = arith.addf %get3A_190, %mul3A_195 : vector<16xf32>
        %swap3A_197 = arith.index_cast %add3A_153 : i32 to index
        %swap3A_198 = arith.constant 32 : index
        %swap3A_199 = tpu.vector_load %arg9[%swap3A_197, %swap3A_198] {strides = array<i32>} : memref<128x128xf32, #tpu.memory_space<vmem>>, vector<1x16xf32>,
        %swap3A_200 = vector.shape_cast %swap3A_199 : vector<1x16xf32> to vector<16xf32>
        %swap3A_201 = vector.shape_cast %add3A_196 : vector<16xf32> to vector<1x16xf32>
        tpu.vector_store %arg9[%swap3A_197, %swap3A_198], %swap3A_201 {strides = array<i32>} : memref<128x128xf32, #tpu.memory_space<vmem>>, vector<1x16xf32>,
        %get3A_202 = arith.index_cast %add3A_153 : i32 to index
        %get3A_203 = arith.constant 48 : index
        %get3A_204 = tpu.vector_load %arg8[%get3A_202, %get3A_203] {strides = array<i32>} : memref<128x256xf32, #tpu.memory_space<vmem>>, vector<1x16xf32>,
        %get3A_205 = vector.shape_cast %get3A_204 : vector<1x16xf32> to vector<16xf32>
        %get3A_206 = arith.index_cast %add3A_153 : i32 to index
        %get3A_207 = arith.constant 176 : index
        %get3A_208 = tpu.vector_load %arg8[%get3A_206, %get3A_207] {strides = array<i32>} : memref<128x256xf32, #tpu.memory_space<vmem>>, vector<1x16xf32>,
        %get3A_209 = vector.shape_cast %get3A_208 : vector<1x16xf32> to vector<16xf32>
        %mul3A_210 = arith.mulf %broadcast_in_dim3A_156, %get3A_209 : vector<16xf32>
        %add3A_211 = arith.addf %get3A_205, %mul3A_210 : vector<16xf32>
        %swap3A_212 = arith.index_cast %add3A_153 : i32 to index
        %swap3A_213 = arith.constant 48 : index
        %swap3A_214 = tpu.vector_load %arg9[%swap3A_212, %swap3A_213] {strides = array<i32>} : memref<128x128xf32, #tpu.memory_space<vmem>>, vector<1x16xf32>,
        %swap3A_215 = vector.shape_cast %swap3A_214 : vector<1x16xf32> to vector<16xf32>
        %swap3A_216 = vector.shape_cast %add3A_211 : vector<16xf32> to vector<1x16xf32>
        tpu.vector_store %arg9[%swap3A_212, %swap3A_213], %swap3A_216 {strides = array<i32>} : memref<128x128xf32, #tpu.memory_space<vmem>>, vector<1x16xf32>,
        %get3A_217 = arith.index_cast %add3A_153 : i32 to index
        %get3A_218 = arith.constant 64 : index
        %get3A_219 = tpu.vector_load %arg8[%get3A_217, %get3A_218] {strides = array<i32>} : memref<128x256xf32, #tpu.memory_space<vmem>>, vector<1x16xf32>,
        %get3A_220 = vector.shape_cast %get3A_219 : vector<1x16xf32> to vector<16xf32>
        %get3A_221 = arith.index_cast %add3A_153 : i32 to index
        %get3A_222 = arith.constant 192 : index
        %get3A_223 = tpu.vector_load %arg8[%get3A_221, %get3A_222] {strides = array<i32>} : memref<128x256xf32, #tpu.memory_space<vmem>>, vector<1x16xf32>,
        %get3A_224 = vector.shape_cast %get3A_223 : vector<1x16xf32> to vector<16xf32>
        %mul3A_225 = arith.mulf %broadcast_in_dim3A_156, %get3A_224 : vector<16xf32>
        %add3A_226 = arith.addf %get3A_220, %mul3A_225 : vector<16xf32>
        %swap3A_227 = arith.index_cast %add3A_153 : i32 to index
        %swap3A_228 = arith.constant 64 : index
        %swap3A_229 = tpu.vector_load %arg9[%swap3A_227, %swap3A_228] {strides = array<i32>} : memref<128x128xf32, #tpu.memory_space<vmem>>, vector<1x16xf32>,
        %swap3A_230 = vector.shape_cast %swap3A_229 : vector<1x16xf32> to vector<16xf32>
        %swap3A_231 = vector.shape_cast %add3A_226 : vector<16xf32> to vector<1x16xf32>
        tpu.vector_store %arg9[%swap3A_227, %swap3A_228], %swap3A_231 {strides = array<i32>} : memref<128x128xf32, #tpu.memory_space<vmem>>, vector<1x16xf32>,
        %get3A_232 = arith.index_cast %add3A_153 : i32 to index
        %get3A_233 = arith.constant 80 : index
        %get3A_234 = tpu.vector_load %arg8[%get3A_232, %get3A_233] {strides = array<i32>} : memref<128x256xf32, #tpu.memory_space<vmem>>, vector<1x16xf32>,
        %get3A_235 = vector.shape_cast %get3A_234 : vector<1x16xf32> to vector<16xf32>
        %get3A_236 = arith.index_cast %add3A_153 : i32 to index
        %get3A_237 = arith.constant 208 : index
        %get3A_238 = tpu.vector_load %arg8[%get3A_236, %get3A_237] {strides = array<i32>} : memref<128x256xf32, #tpu.memory_space<vmem>>, vector<1x16xf32>,
        %get3A_239 = vector.shape_cast %get3A_238 : vector<1x16xf32> to vector<16xf32>
        %mul3A_240 = arith.mulf %broadcast_in_dim3A_156, %get3A_239 : vector<16xf32>
        %add3A_241 = arith.addf %get3A_235, %mul3A_240 : vector<16xf32>
        %swap3A_242 = arith.index_cast %add3A_153 : i32 to index
        %swap3A_243 = arith.constant 80 : index
        %swap3A_244 = tpu.vector_load %arg9[%swap3A_242, %swap3A_243] {strides = array<i32>} : memref<128x128xf32, #tpu.memory_space<vmem>>, vector<1x16xf32>,
        %swap3A_245 = vector.shape_cast %swap3A_244 : vector<1x16xf32> to vector<16xf32>
        %swap3A_246 = vector.shape_cast %add3A_241 : vector<16xf32> to vector<1x16xf32>
        tpu.vector_store %arg9[%swap3A_242, %swap3A_243], %swap3A_246 {strides = array<i32>} : memref<128x128xf32, #tpu.memory_space<vmem>>, vector<1x16xf32>,
        %get3A_247 = arith.index_cast %add3A_153 : i32 to index
        %get3A_248 = arith.constant 96 : index
        %get3A_249 = tpu.vector_load %arg8[%get3A_247, %get3A_248] {strides = array<i32>} : memref<128x256xf32, #tpu.memory_space<vmem>>, vector<1x16xf32>,
        %get3A_250 = vector.shape_cast %get3A_249 : vector<1x16xf32> to vector<16xf32>
        %get3A_251 = arith.index_cast %add3A_153 : i32 to index
        %get3A_252 = arith.constant 224 : index
        %get3A_253 = tpu.vector_load %arg8[%get3A_251, %get3A_252] {strides = array<i32>} : memref<128x256xf32, #tpu.memory_space<vmem>>, vector<1x16xf32>,
        %get3A_254 = vector.shape_cast %get3A_253 : vector<1x16xf32> to vector<16xf32>
        %mul3A_255 = arith.mulf %broadcast_in_dim3A_156, %get3A_254 : vector<16xf32>
        %add3A_256 = arith.addf %get3A_250, %mul3A_255 : vector<16xf32>
        %swap3A_257 = arith.index_cast %add3A_153 : i32 to index
        %swap3A_258 = arith.constant 96 : index
        %swap3A_259 = tpu.vector_load %arg9[%swap3A_257, %swap3A_258] {strides = array<i32>} : memref<128x128xf32, #tpu.memory_space<vmem>>, vector<1x16xf32>,
        %swap3A_260 = vector.shape_cast %swap3A_259 : vector<1x16xf32> to vector<16xf32>
        %swap3A_261 = vector.shape_cast %add3A_256 : vector<16xf32> to vector<1x16xf32>
        tpu.vector_store %arg9[%swap3A_257, %swap3A_258], %swap3A_261 {strides = array<i32>} : memref<128x128xf32, #tpu.memory_space<vmem>>, vector<1x16xf32>,
        %get3A_262 = arith.index_cast %add3A_153 : i32 to index
        %get3A_263 = arith.constant 112 : index
        %get3A_264 = tpu.vector_load %arg8[%get3A_262, %get3A_263] {strides = array<i32>} : memref<128x256xf32, #tpu.memory_space<vmem>>, vector<1x16xf32>,
        %get3A_265 = vector.shape_cast %get3A_264 : vector<1x16xf32> to vector<16xf32>
        %get3A_266 = arith.index_cast %add3A_153 : i32 to index
        %get3A_267 = arith.constant 240 : index
        %get3A_268 = tpu.vector_load %arg8[%get3A_266, %get3A_267] {strides = array<i32>} : memref<128x256xf32, #tpu.memory_space<vmem>>, vector<1x16xf32>,
        %get3A_269 = vector.shape_cast %get3A_268 : vector<1x16xf32> to vector<16xf32>
        %mul3A_270 = arith.mulf %broadcast_in_dim3A_156, %get3A_269 : vector<16xf32>
        %add3A_271 = arith.addf %get3A_265, %mul3A_270 : vector<16xf32>
        %swap3A_272 = arith.index_cast %add3A_153 : i32 to index
        %swap3A_273 = arith.constant 112 : index
        %swap3A_274 = tpu.vector_load %arg9[%swap3A_272, %swap3A_273] {strides = array<i32>} : memref<128x128xf32, #tpu.memory_space<vmem>>, vector<1x16xf32>,
        %swap3A_275 = vector.shape_cast %swap3A_274 : vector<1x16xf32> to vector<16xf32>
        %swap3A_276 = vector.shape_cast %add3A_271 : vector<16xf32> to vector<1x16xf32>
        tpu.vector_store %arg9[%swap3A_272, %swap3A_273], %swap3A_276 {strides = array<i32>} : memref<128x128xf32, #tpu.memory_space<vmem>>, vector<1x16xf32>,
        %mul3A_277 = arith.constant 16 : i32
        %mul3A_278 = arith.muli %mul3A_277, %scan3A_22 : i32
        %add3A_279 = arith.constant 2 : i32
        %add3A_280 = arith.addi %mul3A_278, %add3A_279 : i32
        %slice3A_281 = vector.extract_strided_slice %get3A_26 {offsets = [2], sizes = [1], strides = [1]} : vector<16xf32> to vector<1xf32>
        %squeeze3A_282 = vector.extract %slice3A_281[0] : f32 from vector<1xf32>
        %broadcast_in_dim3A_283 = vector.broadcast %squeeze3A_282 : f32 to vector<16xf32>
        %get3A_284 = arith.index_cast %add3A_280 : i32 to index
        %get3A_285 = arith.constant 0 : index
        %get3A_286 = tpu.vector_load %arg8[%get3A_284, %get3A_285] {strides = array<i32>} : memref<128x256xf32, #tpu.memory_space<vmem>>, vector<1x16xf32>,
        %get3A_287 = vector.shape_cast %get3A_286 : vector<1x16xf32> to vector<16xf32>
        %get3A_288 = arith.index_cast %add3A_280 : i32 to index
        %get3A_289 = arith.constant 128 : index
        %get3A_290 = tpu.vector_load %arg8[%get3A_288, %get3A_289] {strides = array<i32>} : memref<128x256xf32, #tpu.memory_space<vmem>>, vector<1x16xf32>,
        %get3A_291 = vector.shape_cast %get3A_290 : vector<1x16xf32> to vector<16xf32>
        %mul3A_292 = arith.mulf %broadcast_in_dim3A_283, %get3A_291 : vector<16xf32>
        %add3A_293 = arith.addf %get3A_287, %mul3A_292 : vector<16xf32>
        %swap3A_294 = arith.index_cast %add3A_280 : i32 to index
        %swap3A_295 = arith.constant 0 : index
        %swap3A_296 = tpu.vector_load %arg9[%swap3A_294, %swap3A_295] {strides = array<i32>} : memref<128x128xf32, #tpu.memory_space<vmem>>, vector<1x16xf32>,
        %swap3A_297 = vector.shape_cast %swap3A_296 : vector<1x16xf32> to vector<16xf32>
        %swap3A_298 = vector.shape_cast %add3A_293 : vector<16xf32> to vector<1x16xf32>
        tpu.vector_store %arg9[%swap3A_294, %swap3A_295], %swap3A_298 {strides = array<i32>} : memref<128x128xf32, #tpu.memory_space<vmem>>, vector<1x16xf32>,
        %get3A_299 = arith.index_cast %add3A_280 : i32 to index
        %get3A_300 = arith.constant 16 : index
        %get3A_301 = tpu.vector_load %arg8[%get3A_299, %get3A_300] {strides = array<i32>} : memref<128x256xf32, #tpu.memory_space<vmem>>, vector<1x16xf32>,
        %get3A_302 = vector.shape_cast %get3A_301 : vector<1x16xf32> to vector<16xf32>
        %get3A_303 = arith.index_cast %add3A_280 : i32 to index
        %get3A_304 = arith.constant 144 : index
        %get3A_305 = tpu.vector_load %arg8[%get3A_303, %get3A_304] {strides = array<i32>} : memref<128x256xf32, #tpu.memory_space<vmem>>, vector<1x16xf32>,
        %get3A_306 = vector.shape_cast %get3A_305 : vector<1x16xf32> to vector<16xf32>
        %mul3A_307 = arith.mulf %broadcast_in_dim3A_283, %get3A_306 : vector<16xf32>
        %add3A_308 = arith.addf %get3A_302, %mul3A_307 : vector<16xf32>
        %swap3A_309 = arith.index_cast %add3A_280 : i32 to index
        %swap3A_310 = arith.constant 16 : index
        %swap3A_311 = tpu.vector_load %arg9[%swap3A_309, %swap3A_310] {strides = array<i32>} : memref<128x128xf32, #tpu.memory_space<vmem>>, vector<1x16xf32>,
        %swap3A_312 = vector.shape_cast %swap3A_311 : vector<1x16xf32> to vector<16xf32>
        %swap3A_313 = vector.shape_cast %add3A_308 : vector<16xf32> to vector<1x16xf32>
        tpu.vector_store %arg9[%swap3A_309, %swap3A_310], %swap3A_313 {strides = array<i32>} : memref<128x128xf32, #tpu.memory_space<vmem>>, vector<1x16xf32>,
        %get3A_314 = arith.index_cast %add3A_280 : i32 to index
        %get3A_315 = arith.constant 32 : index
        %get3A_316 = tpu.vector_load %arg8[%get3A_314, %get3A_315] {strides = array<i32>} : memref<128x256xf32, #tpu.memory_space<vmem>>, vector<1x16xf32>,
        %get3A_317 = vector.shape_cast %get3A_316 : vector<1x16xf32> to vector<16xf32>
        %get3A_318 = arith.index_cast %add3A_280 : i32 to index
        %get3A_319 = arith.constant 160 : index
        %get3A_320 = tpu.vector_load %arg8[%get3A_318, %get3A_319] {strides = array<i32>} : memref<128x256xf32, #tpu.memory_space<vmem>>, vector<1x16xf32>,
        %get3A_321 = vector.shape_cast %get3A_320 : vector<1x16xf32> to vector<16xf32>
        %mul3A_322 = arith.mulf %broadcast_in_dim3A_283, %get3A_321 : vector<16xf32>
        %add3A_323 = arith.addf %get3A_317, %mul3A_322 : vector<16xf32>
        %swap3A_324 = arith.index_cast %add3A_280 : i32 to index
        %swap3A_325 = arith.constant 32 : index
        %swap3A_326 = tpu.vector_load %arg9[%swap3A_324, %swap3A_325] {strides = array<i32>} : memref<128x128xf32, #tpu.memory_space<vmem>>, vector<1x16xf32>,
        %swap3A_327 = vector.shape_cast %swap3A_326 : vector<1x16xf32> to vector<16xf32>
        %swap3A_328 = vector.shape_cast %add3A_323 : vector<16xf32> to vector<1x16xf32>
        tpu.vector_store %arg9[%swap3A_324, %swap3A_325], %swap3A_328 {strides = array<i32>} : memref<128x128xf32, #tpu.memory_space<vmem>>, vector<1x16xf32>,
        %get3A_329 = arith.index_cast %add3A_280 : i32 to index
        %get3A_330 = arith.constant 48 : index
        %get3A_331 = tpu.vector_load %arg8[%get3A_329, %get3A_330] {strides = array<i32>} : memref<128x256xf32, #tpu.memory_space<vmem>>, vector<1x16xf32>,
        %get3A_332 = vector.shape_cast %get3A_331 : vector<1x16xf32> to vector<16xf32>
        %get3A_333 = arith.index_cast %add3A_280 : i32 to index
        %get3A_334 = arith.constant 176 : index
        %get3A_335 = tpu.vector_load %arg8[%get3A_333, %get3A_334] {strides = array<i32>} : memref<128x256xf32, #tpu.memory_space<vmem>>, vector<1x16xf32>,
        %get3A_336 = vector.shape_cast %get3A_335 : vector<1x16xf32> to vector<16xf32>
        %mul3A_337 = arith.mulf %broadcast_in_dim3A_283, %get3A_336 : vector<16xf32>
        %add3A_338 = arith.addf %get3A_332, %mul3A_337 : vector<16xf32>
        %swap3A_339 = arith.index_cast %add3A_280 : i32 to index
        %swap3A_340 = arith.constant 48 : index
        %swap3A_341 = tpu.vector_load %arg9[%swap3A_339, %swap3A_340] {strides = array<i32>} : memref<128x128xf32, #tpu.memory_space<vmem>>, vector<1x16xf32>,
        %swap3A_342 = vector.shape_cast %swap3A_341 : vector<1x16xf32> to vector<16xf32>
        %swap3A_343 = vector.shape_cast %add3A_338 : vector<16xf32> to vector<1x16xf32>
        tpu.vector_store %arg9[%swap3A_339, %swap3A_340], %swap3A_343 {strides = array<i32>} : memref<128x128xf32, #tpu.memory_space<vmem>>, vector<1x16xf32>,
        %get3A_344 = arith.index_cast %add3A_280 : i32 to index
        %get3A_345 = arith.constant 64 : index
        %get3A_346 = tpu.vector_load %arg8[%get3A_344, %get3A_345] {strides = array<i32>} : memref<128x256xf32, #tpu.memory_space<vmem>>, vector<1x16xf32>,
        %get3A_347 = vector.shape_cast %get3A_346 : vector<1x16xf32> to vector<16xf32>
        %get3A_348 = arith.index_cast %add3A_280 : i32 to index
        %get3A_349 = arith.constant 192 : index
        %get3A_350 = tpu.vector_load %arg8[%get3A_348, %get3A_349] {strides = array<i32>} : memref<128x256xf32, #tpu.memory_space<vmem>>, vector<1x16xf32>,
        %get3A_351 = vector.shape_cast %get3A_350 : vector<1x16xf32> to vector<16xf32>
        %mul3A_352 = arith.mulf %broadcast_in_dim3A_283, %get3A_351 : vector<16xf32>
        %add3A_353 = arith.addf %get3A_347, %mul3A_352 : vector<16xf32>
        %swap3A_354 = arith.index_cast %add3A_280 : i32 to index
        %swap3A_355 = arith.constant 64 : index
        %swap3A_356 = tpu.vector_load %arg9[%swap3A_354, %swap3A_355] {strides = array<i32>} : memref<128x128xf32, #tpu.memory_space<vmem>>, vector<1x16xf32>,
        %swap3A_357 = vector.shape_cast %swap3A_356 : vector<1x16xf32> to vector<16xf32>
        %swap3A_358 = vector.shape_cast %add3A_353 : vector<16xf32> to vector<1x16xf32>
        tpu.vector_store %arg9[%swap3A_354, %swap3A_355], %swap3A_358 {strides = array<i32>} : memref<128x128xf32, #tpu.memory_space<vmem>>, vector<1x16xf32>,
        %get3A_359 = arith.index_cast %add3A_280 : i32 to index
        %get3A_360 = arith.constant 80 : index
        %get3A_361 = tpu.vector_load %arg8[%get3A_359, %get3A_360] {strides = array<i32>} : memref<128x256xf32, #tpu.memory_space<vmem>>, vector<1x16xf32>,
        %get3A_362 = vector.shape_cast %get3A_361 : vector<1x16xf32> to vector<16xf32>
        %get3A_363 = arith.index_cast %add3A_280 : i32 to index
        %get3A_364 = arith.constant 208 : index
        %get3A_365 = tpu.vector_load %arg8[%get3A_363, %get3A_364] {strides = array<i32>} : memref<128x256xf32, #tpu.memory_space<vmem>>, vector<1x16xf32>,
        %get3A_366 = vector.shape_cast %get3A_365 : vector<1x16xf32> to vector<16xf32>
        %mul3A_367 = arith.mulf %broadcast_in_dim3A_283, %get3A_366 : vector<16xf32>
        %add3A_368 = arith.addf %get3A_362, %mul3A_367 : vector<16xf32>
        %swap3A_369 = arith.index_cast %add3A_280 : i32 to index
        %swap3A_370 = arith.constant 80 : index
        %swap3A_371 = tpu.vector_load %arg9[%swap3A_369, %swap3A_370] {strides = array<i32>} : memref<128x128xf32, #tpu.memory_space<vmem>>, vector<1x16xf32>,
        %swap3A_372 = vector.shape_cast %swap3A_371 : vector<1x16xf32> to vector<16xf32>
        %swap3A_373 = vector.shape_cast %add3A_368 : vector<16xf32> to vector<1x16xf32>
        tpu.vector_store %arg9[%swap3A_369, %swap3A_370], %swap3A_373 {strides = array<i32>} : memref<128x128xf32, #tpu.memory_space<vmem>>, vector<1x16xf32>,
        %get3A_374 = arith.index_cast %add3A_280 : i32 to index
        %get3A_375 = arith.constant 96 : index
        %get3A_376 = tpu.vector_load %arg8[%get3A_374, %get3A_375] {strides = array<i32>} : memref<128x256xf32, #tpu.memory_space<vmem>>, vector<1x16xf32>,
        %get3A_377 = vector.shape_cast %get3A_376 : vector<1x16xf32> to vector<16xf32>
        %get3A_378 = arith.index_cast %add3A_280 : i32 to index
        %get3A_379 = arith.constant 224 : index
        %get3A_380 = tpu.vector_load %arg8[%get3A_378, %get3A_379] {strides = array<i32>} : memref<128x256xf32, #tpu.memory_space<vmem>>, vector<1x16xf32>,
        %get3A_381 = vector.shape_cast %get3A_380 : vector<1x16xf32> to vector<16xf32>
        %mul3A_382 = arith.mulf %broadcast_in_dim3A_283, %get3A_381 : vector<16xf32>
        %add3A_383 = arith.addf %get3A_377, %mul3A_382 : vector<16xf32>
        %swap3A_384 = arith.index_cast %add3A_280 : i32 to index
        %swap3A_385 = arith.constant 96 : index
        %swap3A_386 = tpu.vector_load %arg9[%swap3A_384, %swap3A_385] {strides = array<i32>} : memref<128x128xf32, #tpu.memory_space<vmem>>, vector<1x16xf32>,
        %swap3A_387 = vector.shape_cast %swap3A_386 : vector<1x16xf32> to vector<16xf32>
        %swap3A_388 = vector.shape_cast %add3A_383 : vector<16xf32> to vector<1x16xf32>
        tpu.vector_store %arg9[%swap3A_384, %swap3A_385], %swap3A_388 {strides = array<i32>} : memref<128x128xf32, #tpu.memory_space<vmem>>, vector<1x16xf32>,
        %get3A_389 = arith.index_cast %add3A_280 : i32 to index
        %get3A_390 = arith.constant 112 : index
        %get3A_391 = tpu.vector_load %arg8[%get3A_389, %get3A_390] {strides = array<i32>} : memref<128x256xf32, #tpu.memory_space<vmem>>, vector<1x16xf32>,
        %get3A_392 = vector.shape_cast %get3A_391 : vector<1x16xf32> to vector<16xf32>
        %get3A_393 = arith.index_cast %add3A_280 : i32 to index
        %get3A_394 = arith.constant 240 : index
        %get3A_395 = tpu.vector_load %arg8[%get3A_393, %get3A_394] {strides = array<i32>} : memref<128x256xf32, #tpu.memory_space<vmem>>, vector<1x16xf32>,
        %get3A_396 = vector.shape_cast %get3A_395 : vector<1x16xf32> to vector<16xf32>
        %mul3A_397 = arith.mulf %broadcast_in_dim3A_283, %get3A_396 : vector<16xf32>
        %add3A_398 = arith.addf %get3A_392, %mul3A_397 : vector<16xf32>
        %swap3A_399 = arith.index_cast %add3A_280 : i32 to index
        %swap3A_400 = arith.constant 112 : index
        %swap3A_401 = tpu.vector_load %arg9[%swap3A_399, %swap3A_400] {strides = array<i32>} : memref<128x128xf32, #tpu.memory_space<vmem>>, vector<1x16xf32>,
        %swap3A_402 = vector.shape_cast %swap3A_401 : vector<1x16xf32> to vector<16xf32>
        %swap3A_403 = vector.shape_cast %add3A_398 : vector<16xf32> to vector<1x16xf32>
        tpu.vector_store %arg9[%swap3A_399, %swap3A_400], %swap3A_403 {strides = array<i32>} : memref<128x128xf32, #tpu.memory_space<vmem>>, vector<1x16xf32>,
        %mul3A_404 = arith.constant 16 : i32
        %mul3A_405 = arith.muli %mul3A_404, %scan3A_22 : i32
        %add3A_406 = arith.constant 3 : i32
        %add3A_407 = arith.addi %mul3A_405, %add3A_406 : i32
        %slice3A_408 = vector.extract_strided_slice %get3A_26 {offsets = [3], sizes = [1], strides = [1]} : vector<16xf32> to vector<1xf32>
        %squeeze3A_409 = vector.extract %slice3A_408[0] : f32 from vector<1xf32>
        %broadcast_in_dim3A_410 = vector.broadcast %squeeze3A_409 : f32 to vector<16xf32>
        %get3A_411 = arith.index_cast %add3A_407 : i32 to index
        %get3A_412 = arith.constant 0 : index
        %get3A_413 = tpu.vector_load %arg8[%get3A_411, %get3A_412] {strides = array<i32>} : memref<128x256xf32, #tpu.memory_space<vmem>>, vector<1x16xf32>,
        %get3A_414 = vector.shape_cast %get3A_413 : vector<1x16xf32> to vector<16xf32>
        %get3A_415 = arith.index_cast %add3A_407 : i32 to index
        %get3A_416 = arith.constant 128 : index
        %get3A_417 = tpu.vector_load %arg8[%get3A_415, %get3A_416] {strides = array<i32>} : memref<128x256xf32, #tpu.memory_space<vmem>>, vector<1x16xf32>,
        %get3A_418 = vector.shape_cast %get3A_417 : vector<1x16xf32> to vector<16xf32>
        %mul3A_419 = arith.mulf %broadcast_in_dim3A_410, %get3A_418 : vector<16xf32>
        %add3A_420 = arith.addf %get3A_414, %mul3A_419 : vector<16xf32>
        %swap3A_421 = arith.index_cast %add3A_407 : i32 to index
        %swap3A_422 = arith.constant 0 : index
        %swap3A_423 = tpu.vector_load %arg9[%swap3A_421, %swap3A_422] {strides = array<i32>} : memref<128x128xf32, #tpu.memory_space<vmem>>, vector<1x16xf32>,
        %swap3A_424 = vector.shape_cast %swap3A_423 : vector<1x16xf32> to vector<16xf32>
        %swap3A_425 = vector.shape_cast %add3A_420 : vector<16xf32> to vector<1x16xf32>
        tpu.vector_store %arg9[%swap3A_421, %swap3A_422], %swap3A_425 {strides = array<i32>} : memref<128x128xf32, #tpu.memory_space<vmem>>, vector<1x16xf32>,
        %get3A_426 = arith.index_cast %add3A_407 : i32 to index
        %get3A_427 = arith.constant 16 : index
        %get3A_428 = tpu.vector_load %arg8[%get3A_426, %get3A_427] {strides = array<i32>} : memref<128x256xf32, #tpu.memory_space<vmem>>, vector<1x16xf32>,
        %get3A_429 = vector.shape_cast %get3A_428 : vector<1x16xf32> to vector<16xf32>
        %get3A_430 = arith.index_cast %add3A_407 : i32 to index
        %get3A_431 = arith.constant 144 : index
        %get3A_432 = tpu.vector_load %arg8[%get3A_430, %get3A_431] {strides = array<i32>} : memref<128x256xf32, #tpu.memory_space<vmem>>, vector<1x16xf32>,
        %get3A_433 = vector.shape_cast %get3A_432 : vector<1x16xf32> to vector<16xf32>
        %mul3A_434 = arith.mulf %broadcast_in_dim3A_410, %get3A_433 : vector<16xf32>
        %add3A_435 = arith.addf %get3A_429, %mul3A_434 : vector<16xf32>
        %swap3A_436 = arith.index_cast %add3A_407 : i32 to index
        %swap3A_437 = arith.constant 16 : index
        %swap3A_438 = tpu.vector_load %arg9[%swap3A_436, %swap3A_437] {strides = array<i32>} : memref<128x128xf32, #tpu.memory_space<vmem>>, vector<1x16xf32>,
        %swap3A_439 = vector.shape_cast %swap3A_438 : vector<1x16xf32> to vector<16xf32>
        %swap3A_440 = vector.shape_cast %add3A_435 : vector<16xf32> to vector<1x16xf32>
        tpu.vector_store %arg9[%swap3A_436, %swap3A_437], %swap3A_440 {strides = array<i32>} : memref<128x128xf32, #tpu.memory_space<vmem>>, vector<1x16xf32>,
        %get3A_441 = arith.index_cast %add3A_407 : i32 to index
        %get3A_442 = arith.constant 32 : index
        %get3A_443 = tpu.vector_load %arg8[%get3A_441, %get3A_442] {strides = array<i32>} : memref<128x256xf32, #tpu.memory_space<vmem>>, vector<1x16xf32>,
        %get3A_444 = vector.shape_cast %get3A_443 : vector<1x16xf32> to vector<16xf32>
        %get3A_445 = arith.index_cast %add3A_407 : i32 to index
        %get3A_446 = arith.constant 160 : index
        %get3A_447 = tpu.vector_load %arg8[%get3A_445, %get3A_446] {strides = array<i32>} : memref<128x256xf32, #tpu.memory_space<vmem>>, vector<1x16xf32>,
        %get3A_448 = vector.shape_cast %get3A_447 : vector<1x16xf32> to vector<16xf32>
        %mul3A_449 = arith.mulf %broadcast_in_dim3A_410, %get3A_448 : vector<16xf32>
        %add3A_450 = arith.addf %get3A_444, %mul3A_449 : vector<16xf32>
        %swap3A_451 = arith.index_cast %add3A_407 : i32 to index
        %swap3A_452 = arith.constant 32 : index
        %swap3A_453 = tpu.vector_load %arg9[%swap3A_451, %swap3A_452] {strides = array<i32>} : memref<128x128xf32, #tpu.memory_space<vmem>>, vector<1x16xf32>,
        %swap3A_454 = vector.shape_cast %swap3A_453 : vector<1x16xf32> to vector<16xf32>
        %swap3A_455 = vector.shape_cast %add3A_450 : vector<16xf32> to vector<1x16xf32>
        tpu.vector_store %arg9[%swap3A_451, %swap3A_452], %swap3A_455 {strides = array<i32>} : memref<128x128xf32, #tpu.memory_space<vmem>>, vector<1x16xf32>,
        %get3A_456 = arith.index_cast %add3A_407 : i32 to index
        %get3A_457 = arith.constant 48 : index
        %get3A_458 = tpu.vector_load %arg8[%get3A_456, %get3A_457] {strides = array<i32>} : memref<128x256xf32, #tpu.memory_space<vmem>>, vector<1x16xf32>,
        %get3A_459 = vector.shape_cast %get3A_458 : vector<1x16xf32> to vector<16xf32>
        %get3A_460 = arith.index_cast %add3A_407 : i32 to index
        %get3A_461 = arith.constant 176 : index
        %get3A_462 = tpu.vector_load %arg8[%get3A_460, %get3A_461] {strides = array<i32>} : memref<128x256xf32, #tpu.memory_space<vmem>>, vector<1x16xf32>,
        %get3A_463 = vector.shape_cast %get3A_462 : vector<1x16xf32> to vector<16xf32>
        %mul3A_464 = arith.mulf %broadcast_in_dim3A_410, %get3A_463 : vector<16xf32>
        %add3A_465 = arith.addf %get3A_459, %mul3A_464 : vector<16xf32>
        %swap3A_466 = arith.index_cast %add3A_407 : i32 to index
        %swap3A_467 = arith.constant 48 : index
        %swap3A_468 = tpu.vector_load %arg9[%swap3A_466, %swap3A_467] {strides = array<i32>} : memref<128x128xf32, #tpu.memory_space<vmem>>, vector<1x16xf32>,
        %swap3A_469 = vector.shape_cast %swap3A_468 : vector<1x16xf32> to vector<16xf32>
        %swap3A_470 = vector.shape_cast %add3A_465 : vector<16xf32> to vector<1x16xf32>
        tpu.vector_store %arg9[%swap3A_466, %swap3A_467], %swap3A_470 {strides = array<i32>} : memref<128x128xf32, #tpu.memory_space<vmem>>, vector<1x16xf32>,
        %get3A_471 = arith.index_cast %add3A_407 : i32 to index
        %get3A_472 = arith.constant 64 : index
        %get3A_473 = tpu.vector_load %arg8[%get3A_471, %get3A_472] {strides = array<i32>} : memref<128x256xf32, #tpu.memory_space<vmem>>, vector<1x16xf32>,
        %get3A_474 = vector.shape_cast %get3A_473 : vector<1x16xf32> to vector<16xf32>
        %get3A_475 = arith.index_cast %add3A_407 : i32 to index
        %get3A_476 = arith.constant 192 : index
        %get3A_477 = tpu.vector_load %arg8[%get3A_475, %get3A_476] {strides = array<i32>} : memref<128x256xf32, #tpu.memory_space<vmem>>, vector<1x16xf32>,
        %get3A_478 = vector.shape_cast %get3A_477 : vector<1x16xf32> to vector<16xf32>
        %mul3A_479 = arith.mulf %broadcast_in_dim3A_410, %get3A_478 : vector<16xf32>
        %add3A_480 = arith.addf %get3A_474, %mul3A_479 : vector<16xf32>
        %swap3A_481 = arith.index_cast %add3A_407 : i32 to index
        %swap3A_482 = arith.constant 64 : index
        %swap3A_483 = tpu.vector_load %arg9[%swap3A_481, %swap3A_482] {strides = array<i32>} : memref<128x128xf32, #tpu.memory_space<vmem>>, vector<1x16xf32>,
        %swap3A_484 = vector.shape_cast %swap3A_483 : vector<1x16xf32> to vector<16xf32>
        %swap3A_485 = vector.shape_cast %add3A_480 : vector<16xf32> to vector<1x16xf32>
        tpu.vector_store %arg9[%swap3A_481, %swap3A_482], %swap3A_485 {strides = array<i32>} : memref<128x128xf32, #tpu.memory_space<vmem>>, vector<1x16xf32>,
        %get3A_486 = arith.index_cast %add3A_407 : i32 to index
        %get3A_487 = arith.constant 80 : index
        %get3A_488 = tpu.vector_load %arg8[%get3A_486, %get3A_487] {strides = array<i32>} : memref<128x256xf32, #tpu.memory_space<vmem>>, vector<1x16xf32>,
        %get3A_489 = vector.shape_cast %get3A_488 : vector<1x16xf32> to vector<16xf32>
        %get3A_490 = arith.index_cast %add3A_407 : i32 to index
        %get3A_491 = arith.constant 208 : index
        %get3A_492 = tpu.vector_load %arg8[%get3A_490, %get3A_491] {strides = array<i32>} : memref<128x256xf32, #tpu.memory_space<vmem>>, vector<1x16xf32>,
        %get3A_493 = vector.shape_cast %get3A_492 : vector<1x16xf32> to vector<16xf32>
        %mul3A_494 = arith.mulf %broadcast_in_dim3A_410, %get3A_493 : vector<16xf32>
        %add3A_495 = arith.addf %get3A_489, %mul3A_494 : vector<16xf32>
        %swap3A_496 = arith.index_cast %add3A_407 : i32 to index
        %swap3A_497 = arith.constant 80 : index
        %swap3A_498 = tpu.vector_load %arg9[%swap3A_496, %swap3A_497] {strides = array<i32>} : memref<128x128xf32, #tpu.memory_space<vmem>>, vector<1x16xf32>,
        %swap3A_499 = vector.shape_cast %swap3A_498 : vector<1x16xf32> to vector<16xf32>
        %swap3A_500 = vector.shape_cast %add3A_495 : vector<16xf32> to vector<1x16xf32>
        tpu.vector_store %arg9[%swap3A_496, %swap3A_497], %swap3A_500 {strides = array<i32>} : memref<128x128xf32, #tpu.memory_space<vmem>>, vector<1x16xf32>,
        %get3A_501 = arith.index_cast %add3A_407 : i32 to index
        %get3A_502 = arith.constant 96 : index
        %get3A_503 = tpu.vector_load %arg8[%get3A_501, %get3A_502] {strides = array<i32>} : memref<128x256xf32, #tpu.memory_space<vmem>>, vector<1x16xf32>,
        %get3A_504 = vector.shape_cast %get3A_503 : vector<1x16xf32> to vector<16xf32>
        %get3A_505 = arith.index_cast %add3A_407 : i32 to index
        %get3A_506 = arith.constant 224 : index
        %get3A_507 = tpu.vector_load %arg8[%get3A_505, %get3A_506] {strides = array<i32>} : memref<128x256xf32, #tpu.memory_space<vmem>>, vector<1x16xf32>,
        %get3A_508 = vector.shape_cast %get3A_507 : vector<1x16xf32> to vector<16xf32>
        %mul3A_509 = arith.mulf %broadcast_in_dim3A_410, %get3A_508 : vector<16xf32>
        %add3A_510 = arith.addf %get3A_504, %mul3A_509 : vector<16xf32>
        %swap3A_511 = arith.index_cast %add3A_407 : i32 to index
        %swap3A_512 = arith.constant 96 : index
        %swap3A_513 = tpu.vector_load %arg9[%swap3A_511, %swap3A_512] {strides = array<i32>} : memref<128x128xf32, #tpu.memory_space<vmem>>, vector<1x16xf32>,
        %swap3A_514 = vector.shape_cast %swap3A_513 : vector<1x16xf32> to vector<16xf32>
        %swap3A_515 = vector.shape_cast %add3A_510 : vector<16xf32> to vector<1x16xf32>
        tpu.vector_store %arg9[%swap3A_511, %swap3A_512], %swap3A_515 {strides = array<i32>} : memref<128x128xf32, #tpu.memory_space<vmem>>, vector<1x16xf32>,
        %get3A_516 = arith.index_cast %add3A_407 : i32 to index
        %get3A_517 = arith.constant 112 : index
        %get3A_518 = tpu.vector_load %arg8[%get3A_516, %get3A_517] {strides = array<i32>} : memref<128x256xf32, #tpu.memory_space<vmem>>, vector<1x16xf32>,
        %get3A_519 = vector.shape_cast %get3A_518 : vector<1x16xf32> to vector<16xf32>
        %get3A_520 = arith.index_cast %add3A_407 : i32 to index
        %get3A_521 = arith.constant 240 : index
        %get3A_522 = tpu.vector_load %arg8[%get3A_520, %get3A_521] {strides = array<i32>} : memref<128x256xf32, #tpu.memory_space<vmem>>, vector<1x16xf32>,
        %get3A_523 = vector.shape_cast %get3A_522 : vector<1x16xf32> to vector<16xf32>
        %mul3A_524 = arith.mulf %broadcast_in_dim3A_410, %get3A_523 : vector<16xf32>
        %add3A_525 = arith.addf %get3A_519, %mul3A_524 : vector<16xf32>
        %swap3A_526 = arith.index_cast %add3A_407 : i32 to index
        %swap3A_527 = arith.constant 112 : index
        %swap3A_528 = tpu.vector_load %arg9[%swap3A_526, %swap3A_527] {strides = array<i32>} : memref<128x128xf32, #tpu.memory_space<vmem>>, vector<1x16xf32>,
        %swap3A_529 = vector.shape_cast %swap3A_528 : vector<1x16xf32> to vector<16xf32>
        %swap3A_530 = vector.shape_cast %add3A_525 : vector<16xf32> to vector<1x16xf32>
        tpu.vector_store %arg9[%swap3A_526, %swap3A_527], %swap3A_530 {strides = array<i32>} : memref<128x128xf32, #tpu.memory_space<vmem>>, vector<1x16xf32>,
        %mul3A_531 = arith.constant 16 : i32
        %mul3A_532 = arith.muli %mul3A_531, %scan3A_22 : i32
        %add3A_533 = arith.constant 4 : i32
        %add3A_534 = arith.addi %mul3A_532, %add3A_533 : i32
        %slice3A_535 = vector.extract_strided_slice %get3A_26 {offsets = [4], sizes = [1], strides = [1]} : vector<16xf32> to vector<1xf32>
        %squeeze3A_536 = vector.extract %slice3A_535[0] : f32 from vector<1xf32>
        %broadcast_in_dim3A_537 = vector.broadcast %squeeze3A_536 : f32 to vector<16xf32>
        %get3A_538 = arith.index_cast %add3A_534 : i32 to index
        %get3A_539 = arith.constant 0 : index
        %get3A_540 = tpu.vector_load %arg8[%get3A_538, %get3A_539] {strides = array<i32>} : memref<128x256xf32, #tpu.memory_space<vmem>>, vector<1x16xf32>,
        %get3A_541 = vector.shape_cast %get3A_540 : vector<1x16xf32> to vector<16xf32>
        %get3A_542 = arith.index_cast %add3A_534 : i32 to index
        %get3A_543 = arith.constant 128 : index
        %get3A_544 = tpu.vector_load %arg8[%get3A_542, %get3A_543] {strides = array<i32>} : memref<128x256xf32, #tpu.memory_space<vmem>>, vector<1x16xf32>,
        %get3A_545 = vector.shape_cast %get3A_544 : vector<1x16xf32> to vector<16xf32>
        %mul3A_546 = arith.mulf %broadcast_in_dim3A_537, %get3A_545 : vector<16xf32>
        %add3A_547 = arith.addf %get3A_541, %mul3A_546 : vector<16xf32>
        %swap3A_548 = arith.index_cast %add3A_534 : i32 to index
        %swap3A_549 = arith.constant 0 : index
        %swap3A_550 = tpu.vector_load %arg9[%swap3A_548, %swap3A_549] {strides = array<i32>} : memref<128x128xf32, #tpu.memory_space<vmem>>, vector<1x16xf32>,
        %swap3A_551 = vector.shape_cast %swap3A_550 : vector<1x16xf32> to vector<16xf32>
        %swap3A_552 = vector.shape_cast %add3A_547 : vector<16xf32> to vector<1x16xf32>
        tpu.vector_store %arg9[%swap3A_548, %swap3A_549], %swap3A_552 {strides = array<i32>} : memref<128x128xf32, #tpu.memory_space<vmem>>, vector<1x16xf32>,
        %get3A_553 = arith.index_cast %add3A_534 : i32 to index
        %get3A_554 = arith.constant 16 : index
        %get3A_555 = tpu.vector_load %arg8[%get3A_553, %get3A_554] {strides = array<i32>} : memref<128x256xf32, #tpu.memory_space<vmem>>, vector<1x16xf32>,
        %get3A_556 = vector.shape_cast %get3A_555 : vector<1x16xf32> to vector<16xf32>
        %get3A_557 = arith.index_cast %add3A_534 : i32 to index
        %get3A_558 = arith.constant 144 : index
        %get3A_559 = tpu.vector_load %arg8[%get3A_557, %get3A_558] {strides = array<i32>} : memref<128x256xf32, #tpu.memory_space<vmem>>, vector<1x16xf32>,
        %get3A_560 = vector.shape_cast %get3A_559 : vector<1x16xf32> to vector<16xf32>
        %mul3A_561 = arith.mulf %broadcast_in_dim3A_537, %get3A_560 : vector<16xf32>
        %add3A_562 = arith.addf %get3A_556, %mul3A_561 : vector<16xf32>
        %swap3A_563 = arith.index_cast %add3A_534 : i32 to index
        %swap3A_564 = arith.constant 16 : index
        %swap3A_565 = tpu.vector_load %arg9[%swap3A_563, %swap3A_564] {strides = array<i32>} : memref<128x128xf32, #tpu.memory_space<vmem>>, vector<1x16xf32>,
        %swap3A_566 = vector.shape_cast %swap3A_565 : vector<1x16xf32> to vector<16xf32>
        %swap3A_567 = vector.shape_cast %add3A_562 : vector<16xf32> to vector<1x16xf32>
        tpu.vector_store %arg9[%swap3A_563, %swap3A_564], %swap3A_567 {strides = array<i32>} : memref<128x128xf32, #tpu.memory_space<vmem>>, vector<1x16xf32>,
        %get3A_568 = arith.index_cast %add3A_534 : i32 to index
        %get3A_569 = arith.constant 32 : index
        %get3A_570 = tpu.vector_load %arg8[%get3A_568, %get3A_569] {strides = array<i32>} : memref<128x256xf32, #tpu.memory_space<vmem>>, vector<1x16xf32>,
        %get3A_571 = vector.shape_cast %get3A_570 : vector<1x16xf32> to vector<16xf32>
        %get3A_572 = arith.index_cast %add3A_534 : i32 to index
        %get3A_573 = arith.constant 160 : index
        %get3A_574 = tpu.vector_load %arg8[%get3A_572, %get3A_573] {strides = array<i32>} : memref<128x256xf32, #tpu.memory_space<vmem>>, vector<1x16xf32>,
        %get3A_575 = vector.shape_cast %get3A_574 : vector<1x16xf32> to vector<16xf32>
        %mul3A_576 = arith.mulf %broadcast_in_dim3A_537, %get3A_575 : vector<16xf32>
        %add3A_577 = arith.addf %get3A_571, %mul3A_576 : vector<16xf32>
        %swap3A_578 = arith.index_cast %add3A_534 : i32 to index
        %swap3A_579 = arith.constant 32 : index
        %swap3A_580 = tpu.vector_load %arg9[%swap3A_578, %swap3A_579] {strides = array<i32>} : memref<128x128xf32, #tpu.memory_space<vmem>>, vector<1x16xf32>,
        %swap3A_581 = vector.shape_cast %swap3A_580 : vector<1x16xf32> to vector<16xf32>
        %swap3A_582 = vector.shape_cast %add3A_577 : vector<16xf32> to vector<1x16xf32>
        tpu.vector_store %arg9[%swap3A_578, %swap3A_579], %swap3A_582 {strides = array<i32>} : memref<128x128xf32, #tpu.memory_space<vmem>>, vector<1x16xf32>,
        %get3A_583 = arith.index_cast %add3A_534 : i32 to index
        %get3A_584 = arith.constant 48 : index
        %get3A_585 = tpu.vector_load %arg8[%get3A_583, %get3A_584] {strides = array<i32>} : memref<128x256xf32, #tpu.memory_space<vmem>>, vector<1x16xf32>,
        %get3A_586 = vector.shape_cast %get3A_585 : vector<1x16xf32> to vector<16xf32>
        %get3A_587 = arith.index_cast %add3A_534 : i32 to index
        %get3A_588 = arith.constant 176 : index
        %get3A_589 = tpu.vector_load %arg8[%get3A_587, %get3A_588] {strides = array<i32>} : memref<128x256xf32, #tpu.memory_space<vmem>>, vector<1x16xf32>,
        %get3A_590 = vector.shape_cast %get3A_589 : vector<1x16xf32> to vector<16xf32>
        %mul3A_591 = arith.mulf %broadcast_in_dim3A_537, %get3A_590 : vector<16xf32>
        %add3A_592 = arith.addf %get3A_586, %mul3A_591 : vector<16xf32>
        %swap3A_593 = arith.index_cast %add3A_534 : i32 to index
        %swap3A_594 = arith.constant 48 : index
        %swap3A_595 = tpu.vector_load %arg9[%swap3A_593, %swap3A_594] {strides = array<i32>} : memref<128x128xf32, #tpu.memory_space<vmem>>, vector<1x16xf32>,
        %swap3A_596 = vector.shape_cast %swap3A_595 : vector<1x16xf32> to vector<16xf32>
        %swap3A_597 = vector.shape_cast %add3A_592 : vector<16xf32> to vector<1x16xf32>
        tpu.vector_store %arg9[%swap3A_593, %swap3A_594], %swap3A_597 {strides = array<i32>} : memref<128x128xf32, #tpu.memory_space<vmem>>, vector<1x16xf32>,
        %get3A_598 = arith.index_cast %add3A_534 : i32 to index
        %get3A_599 = arith.constant 64 : index
        %get3A_600 = tpu.vector_load %arg8[%get3A_598, %get3A_599] {strides = array<i32>} : memref<128x256xf32, #tpu.memory_space<vmem>>, vector<1x16xf32>,
        %get3A_601 = vector.shape_cast %get3A_600 : vector<1x16xf32> to vector<16xf32>
        %get3A_602 = arith.index_cast %add3A_534 : i32 to index
        %get3A_603 = arith.constant 192 : index
        %get3A_604 = tpu.vector_load %arg8[%get3A_602, %get3A_603] {strides = array<i32>} : memref<128x256xf32, #tpu.memory_space<vmem>>, vector<1x16xf32>,
        %get3A_605 = vector.shape_cast %get3A_604 : vector<1x16xf32> to vector<16xf32>
        %mul3A_606 = arith.mulf %broadcast_in_dim3A_537, %get3A_605 : vector<16xf32>
        %add3A_607 = arith.addf %get3A_601, %mul3A_606 : vector<16xf32>
        %swap3A_608 = arith.index_cast %add3A_534 : i32 to index
        %swap3A_609 = arith.constant 64 : index
        %swap3A_610 = tpu.vector_load %arg9[%swap3A_608, %swap3A_609] {strides = array<i32>} : memref<128x128xf32, #tpu.memory_space<vmem>>, vector<1x16xf32>,
        %swap3A_611 = vector.shape_cast %swap3A_610 : vector<1x16xf32> to vector<16xf32>
        %swap3A_612 = vector.shape_cast %add3A_607 : vector<16xf32> to vector<1x16xf32>
        tpu.vector_store %arg9[%swap3A_608, %swap3A_609], %swap3A_612 {strides = array<i32>} : memref<128x128xf32, #tpu.memory_space<vmem>>, vector<1x16xf32>,
        %get3A_613 = arith.index_cast %add3A_534 : i32 to index
        %get3A_614 = arith.constant 80 : index
        %get3A_615 = tpu.vector_load %arg8[%get3A_613, %get3A_614] {strides = array<i32>} : memref<128x256xf32, #tpu.memory_space<vmem>>, vector<1x16xf32>,
        %get3A_616 = vector.shape_cast %get3A_615 : vector<1x16xf32> to vector<16xf32>
        %get3A_617 = arith.index_cast %add3A_534 : i32 to index
        %get3A_618 = arith.constant 208 : index
        %get3A_619 = tpu.vector_load %arg8[%get3A_617, %get3A_618] {strides = array<i32>} : memref<128x256xf32, #tpu.memory_space<vmem>>, vector<1x16xf32>,
        %get3A_620 = vector.shape_cast %get3A_619 : vector<1x16xf32> to vector<16xf32>
        %mul3A_621 = arith.mulf %broadcast_in_dim3A_537, %get3A_620 : vector<16xf32>
        %add3A_622 = arith.addf %get3A_616, %mul3A_621 : vector<16xf32>
        %swap3A_623 = arith.index_cast %add3A_534 : i32 to index
        %swap3A_624 = arith.constant 80 : index
        %swap3A_625 = tpu.vector_load %arg9[%swap3A_623, %swap3A_624] {strides = array<i32>} : memref<128x128xf32, #tpu.memory_space<vmem>>, vector<1x16xf32>,
        %swap3A_626 = vector.shape_cast %swap3A_625 : vector<1x16xf32> to vector<16xf32>
        %swap3A_627 = vector.shape_cast %add3A_622 : vector<16xf32> to vector<1x16xf32>
        tpu.vector_store %arg9[%swap3A_623, %swap3A_624], %swap3A_627 {strides = array<i32>} : memref<128x128xf32, #tpu.memory_space<vmem>>, vector<1x16xf32>,
        %get3A_628 = arith.index_cast %add3A_534 : i32 to index
        %get3A_629 = arith.constant 96 : index
        %get3A_630 = tpu.vector_load %arg8[%get3A_628, %get3A_629] {strides = array<i32>} : memref<128x256xf32, #tpu.memory_space<vmem>>, vector<1x16xf32>,
        %get3A_631 = vector.shape_cast %get3A_630 : vector<1x16xf32> to vector<16xf32>
        %get3A_632 = arith.index_cast %add3A_534 : i32 to index
        %get3A_633 = arith.constant 224 : index
        %get3A_634 = tpu.vector_load %arg8[%get3A_632, %get3A_633] {strides = array<i32>} : memref<128x256xf32, #tpu.memory_space<vmem>>, vector<1x16xf32>,
        %get3A_635 = vector.shape_cast %get3A_634 : vector<1x16xf32> to vector<16xf32>
        %mul3A_636 = arith.mulf %broadcast_in_dim3A_537, %get3A_635 : vector<16xf32>
        %add3A_637 = arith.addf %get3A_631, %mul3A_636 : vector<16xf32>
        %swap3A_638 = arith.index_cast %add3A_534 : i32 to index
        %swap3A_639 = arith.constant 96 : index
        %swap3A_640 = tpu.vector_load %arg9[%swap3A_638, %swap3A_639] {strides = array<i32>} : memref<128x128xf32, #tpu.memory_space<vmem>>, vector<1x16xf32>,
        %swap3A_641 = vector.shape_cast %swap3A_640 : vector<1x16xf32> to vector<16xf32>
        %swap3A_642 = vector.shape_cast %add3A_637 : vector<16xf32> to vector<1x16xf32>
        tpu.vector_store %arg9[%swap3A_638, %swap3A_639], %swap3A_642 {strides = array<i32>} : memref<128x128xf32, #tpu.memory_space<vmem>>, vector<1x16xf32>,
        %get3A_643 = arith.index_cast %add3A_534 : i32 to index
        %get3A_644 = arith.constant 112 : index
        %get3A_645 = tpu.vector_load %arg8[%get3A_643, %get3A_644] {strides = array<i32>} : memref<128x256xf32, #tpu.memory_space<vmem>>, vector<1x16xf32>,
        %get3A_646 = vector.shape_cast %get3A_645 : vector<1x16xf32> to vector<16xf32>
        %get3A_647 = arith.index_cast %add3A_534 : i32 to index
        %get3A_648 = arith.constant 240 : index
        %get3A_649 = tpu.vector_load %arg8[%get3A_647, %get3A_648] {strides = array<i32>} : memref<128x256xf32, #tpu.memory_space<vmem>>, vector<1x16xf32>,
        %get3A_650 = vector.shape_cast %get3A_649 : vector<1x16xf32> to vector<16xf32>
        %mul3A_651 = arith.mulf %broadcast_in_dim3A_537, %get3A_650 : vector<16xf32>
        %add3A_652 = arith.addf %get3A_646, %mul3A_651 : vector<16xf32>
        %swap3A_653 = arith.index_cast %add3A_534 : i32 to index
        %swap3A_654 = arith.constant 112 : index
        %swap3A_655 = tpu.vector_load %arg9[%swap3A_653, %swap3A_654] {strides = array<i32>} : memref<128x128xf32, #tpu.memory_space<vmem>>, vector<1x16xf32>,
        %swap3A_656 = vector.shape_cast %swap3A_655 : vector<1x16xf32> to vector<16xf32>
        %swap3A_657 = vector.shape_cast %add3A_652 : vector<16xf32> to vector<1x16xf32>
        tpu.vector_store %arg9[%swap3A_653, %swap3A_654], %swap3A_657 {strides = array<i32>} : memref<128x128xf32, #tpu.memory_space<vmem>>, vector<1x16xf32>,
        %mul3A_658 = arith.constant 16 : i32
        %mul3A_659 = arith.muli %mul3A_658, %scan3A_22 : i32
        %add3A_660 = arith.constant 5 : i32
        %add3A_661 = arith.addi %mul3A_659, %add3A_660 : i32
        %slice3A_662 = vector.extract_strided_slice %get3A_26 {offsets = [5], sizes = [1], strides = [1]} : vector<16xf32> to vector<1xf32>
        %squeeze3A_663 = vector.extract %slice3A_662[0] : f32 from vector<1xf32>
        %broadcast_in_dim3A_664 = vector.broadcast %squeeze3A_663 : f32 to vector<16xf32>
        %get3A_665 = arith.index_cast %add3A_661 : i32 to index
        %get3A_666 = arith.constant 0 : index
        %get3A_667 = tpu.vector_load %arg8[%get3A_665, %get3A_666] {strides = array<i32>} : memref<128x256xf32, #tpu.memory_space<vmem>>, vector<1x16xf32>,
        %get3A_668 = vector.shape_cast %get3A_667 : vector<1x16xf32> to vector<16xf32>
        %get3A_669 = arith.index_cast %add3A_661 : i32 to index
        %get3A_670 = arith.constant 128 : index
        %get3A_671 = tpu.vector_load %arg8[%get3A_669, %get3A_670] {strides = array<i32>} : memref<128x256xf32, #tpu.memory_space<vmem>>, vector<1x16xf32>,
        %get3A_672 = vector.shape_cast %get3A_671 : vector<1x16xf32> to vector<16xf32>
        %mul3A_673 = arith.mulf %broadcast_in_dim3A_664, %get3A_672 : vector<16xf32>
        %add3A_674 = arith.addf %get3A_668, %mul3A_673 : vector<16xf32>
        %swap3A_675 = arith.index_cast %add3A_661 : i32 to index
        %swap3A_676 = arith.constant 0 : index
        %swap3A_677 = tpu.vector_load %arg9[%swap3A_675, %swap3A_676] {strides = array<i32>} : memref<128x128xf32, #tpu.memory_space<vmem>>, vector<1x16xf32>,
        %swap3A_678 = vector.shape_cast %swap3A_677 : vector<1x16xf32> to vector<16xf32>
        %swap3A_679 = vector.shape_cast %add3A_674 : vector<16xf32> to vector<1x16xf32>
        tpu.vector_store %arg9[%swap3A_675, %swap3A_676], %swap3A_679 {strides = array<i32>} : memref<128x128xf32, #tpu.memory_space<vmem>>, vector<1x16xf32>,
        %get3A_680 = arith.index_cast %add3A_661 : i32 to index
        %get3A_681 = arith.constant 16 : index
        %get3A_682 = tpu.vector_load %arg8[%get3A_680, %get3A_681] {strides = array<i32>} : memref<128x256xf32, #tpu.memory_space<vmem>>, vector<1x16xf32>,
        %get3A_683 = vector.shape_cast %get3A_682 : vector<1x16xf32> to vector<16xf32>
        %get3A_684 = arith.index_cast %add3A_661 : i32 to index
        %get3A_685 = arith.constant 144 : index
        %get3A_686 = tpu.vector_load %arg8[%get3A_684, %get3A_685] {strides = array<i32>} : memref<128x256xf32, #tpu.memory_space<vmem>>, vector<1x16xf32>,
        %get3A_687 = vector.shape_cast %get3A_686 : vector<1x16xf32> to vector<16xf32>
        %mul3A_688 = arith.mulf %broadcast_in_dim3A_664, %get3A_687 : vector<16xf32>
        %add3A_689 = arith.addf %get3A_683, %mul3A_688 : vector<16xf32>
        %swap3A_690 = arith.index_cast %add3A_661 : i32 to index
        %swap3A_691 = arith.constant 16 : index
        %swap3A_692 = tpu.vector_load %arg9[%swap3A_690, %swap3A_691] {strides = array<i32>} : memref<128x128xf32, #tpu.memory_space<vmem>>, vector<1x16xf32>,
        %swap3A_693 = vector.shape_cast %swap3A_692 : vector<1x16xf32> to vector<16xf32>
        %swap3A_694 = vector.shape_cast %add3A_689 : vector<16xf32> to vector<1x16xf32>
        tpu.vector_store %arg9[%swap3A_690, %swap3A_691], %swap3A_694 {strides = array<i32>} : memref<128x128xf32, #tpu.memory_space<vmem>>, vector<1x16xf32>,
        %get3A_695 = arith.index_cast %add3A_661 : i32 to index
        %get3A_696 = arith.constant 32 : index
        %get3A_697 = tpu.vector_load %arg8[%get3A_695, %get3A_696] {strides = array<i32>} : memref<128x256xf32, #tpu.memory_space<vmem>>, vector<1x16xf32>,
        %get3A_698 = vector.shape_cast %get3A_697 : vector<1x16xf32> to vector<16xf32>
        %get3A_699 = arith.index_cast %add3A_661 : i32 to index
        %get3A_700 = arith.constant 160 : index
        %get3A_701 = tpu.vector_load %arg8[%get3A_699, %get3A_700] {strides = array<i32>} : memref<128x256xf32, #tpu.memory_space<vmem>>, vector<1x16xf32>,
        %get3A_702 = vector.shape_cast %get3A_701 : vector<1x16xf32> to vector<16xf32>
        %mul3A_703 = arith.mulf %broadcast_in_dim3A_664, %get3A_702 : vector<16xf32>
        %add3A_704 = arith.addf %get3A_698, %mul3A_703 : vector<16xf32>
        %swap3A_705 = arith.index_cast %add3A_661 : i32 to index
        %swap3A_706 = arith.constant 32 : index
        %swap3A_707 = tpu.vector_load %arg9[%swap3A_705, %swap3A_706] {strides = array<i32>} : memref<128x128xf32, #tpu.memory_space<vmem>>, vector<1x16xf32>,
        %swap3A_708 = vector.shape_cast %swap3A_707 : vector<1x16xf32> to vector<16xf32>
        %swap3A_709 = vector.shape_cast %add3A_704 : vector<16xf32> to vector<1x16xf32>
        tpu.vector_store %arg9[%swap3A_705, %swap3A_706], %swap3A_709 {strides = array<i32>} : memref<128x128xf32, #tpu.memory_space<vmem>>, vector<1x16xf32>,
        %get3A_710 = arith.index_cast %add3A_661 : i32 to index
        %get3A_711 = arith.constant 48 : index
        %get3A_712 = tpu.vector_load %arg8[%get3A_710, %get3A_711] {strides = array<i32>} : memref<128x256xf32, #tpu.memory_space<vmem>>, vector<1x16xf32>,
        %get3A_713 = vector.shape_cast %get3A_712 : vector<1x16xf32> to vector<16xf32>
        %get3A_714 = arith.index_cast %add3A_661 : i32 to index
        %get3A_715 = arith.constant 176 : index
        %get3A_716 = tpu.vector_load %arg8[%get3A_714, %get3A_715] {strides = array<i32>} : memref<128x256xf32, #tpu.memory_space<vmem>>, vector<1x16xf32>,
        %get3A_717 = vector.shape_cast %get3A_716 : vector<1x16xf32> to vector<16xf32>
        %mul3A_718 = arith.mulf %broadcast_in_dim3A_664, %get3A_717 : vector<16xf32>
        %add3A_719 = arith.addf %get3A_713, %mul3A_718 : vector<16xf32>
        %swap3A_720 = arith.index_cast %add3A_661 : i32 to index
        %swap3A_721 = arith.constant 48 : index
        %swap3A_722 = tpu.vector_load %arg9[%swap3A_720, %swap3A_721] {strides = array<i32>} : memref<128x128xf32, #tpu.memory_space<vmem>>, vector<1x16xf32>,
        %swap3A_723 = vector.shape_cast %swap3A_722 : vector<1x16xf32> to vector<16xf32>
        %swap3A_724 = vector.shape_cast %add3A_719 : vector<16xf32> to vector<1x16xf32>
        tpu.vector_store %arg9[%swap3A_720, %swap3A_721], %swap3A_724 {strides = array<i32>} : memref<128x128xf32, #tpu.memory_space<vmem>>, vector<1x16xf32>,
        %get3A_725 = arith.index_cast %add3A_661 : i32 to index
        %get3A_726 = arith.constant 64 : index
        %get3A_727 = tpu.vector_load %arg8[%get3A_725, %get3A_726] {strides = array<i32>} : memref<128x256xf32, #tpu.memory_space<vmem>>, vector<1x16xf32>,
        %get3A_728 = vector.shape_cast %get3A_727 : vector<1x16xf32> to vector<16xf32>
        %get3A_729 = arith.index_cast %add3A_661 : i32 to index
        %get3A_730 = arith.constant 192 : index
        %get3A_731 = tpu.vector_load %arg8[%get3A_729, %get3A_730] {strides = array<i32>} : memref<128x256xf32, #tpu.memory_space<vmem>>, vector<1x16xf32>,
        %get3A_732 = vector.shape_cast %get3A_731 : vector<1x16xf32> to vector<16xf32>
        %mul3A_733 = arith.mulf %broadcast_in_dim3A_664, %get3A_732 : vector<16xf32>
        %add3A_734 = arith.addf %get3A_728, %mul3A_733 : vector<16xf32>
        %swap3A_735 = arith.index_cast %add3A_661 : i32 to index
        %swap3A_736 = arith.constant 64 : index
        %swap3A_737 = tpu.vector_load %arg9[%swap3A_735, %swap3A_736] {strides = array<i32>} : memref<128x128xf32, #tpu.memory_space<vmem>>, vector<1x16xf32>,
        %swap3A_738 = vector.shape_cast %swap3A_737 : vector<1x16xf32> to vector<16xf32>
        %swap3A_739 = vector.shape_cast %add3A_734 : vector<16xf32> to vector<1x16xf32>
        tpu.vector_store %arg9[%swap3A_735, %swap3A_736], %swap3A_739 {strides = array<i32>} : memref<128x128xf32, #tpu.memory_space<vmem>>, vector<1x16xf32>,
        %get3A_740 = arith.index_cast %add3A_661 : i32 to index
        %get3A_741 = arith.constant 80 : index
        %get3A_742 = tpu.vector_load %arg8[%get3A_740, %get3A_741] {strides = array<i32>} : memref<128x256xf32, #tpu.memory_space<vmem>>, vector<1x16xf32>,
        %get3A_743 = vector.shape_cast %get3A_742 : vector<1x16xf32> to vector<16xf32>
        %get3A_744 = arith.index_cast %add3A_661 : i32 to index
        %get3A_745 = arith.constant 208 : index
        %get3A_746 = tpu.vector_load %arg8[%get3A_744, %get3A_745] {strides = array<i32>} : memref<128x256xf32, #tpu.memory_space<vmem>>, vector<1x16xf32>,
        %get3A_747 = vector.shape_cast %get3A_746 : vector<1x16xf32> to vector<16xf32>
        %mul3A_748 = arith.mulf %broadcast_in_dim3A_664, %get3A_747 : vector<16xf32>
        %add3A_749 = arith.addf %get3A_743, %mul3A_748 : vector<16xf32>
        %swap3A_750 = arith.index_cast %add3A_661 : i32 to index
        %swap3A_751 = arith.constant 80 : index
        %swap3A_752 = tpu.vector_load %arg9[%swap3A_750, %swap3A_751] {strides = array<i32>} : memref<128x128xf32, #tpu.memory_space<vmem>>, vector<1x16xf32>,
        %swap3A_753 = vector.shape_cast %swap3A_752 : vector<1x16xf32> to vector<16xf32>
        %swap3A_754 = vector.shape_cast %add3A_749 : vector<16xf32> to vector<1x16xf32>
        tpu.vector_store %arg9[%swap3A_750, %swap3A_751], %swap3A_754 {strides = array<i32>} : memref<128x128xf32, #tpu.memory_space<vmem>>, vector<1x16xf32>,
        %get3A_755 = arith.index_cast %add3A_661 : i32 to index
        %get3A_756 = arith.constant 96 : index
        %get3A_757 = tpu.vector_load %arg8[%get3A_755, %get3A_756] {strides = array<i32>} : memref<128x256xf32, #tpu.memory_space<vmem>>, vector<1x16xf32>,
        %get3A_758 = vector.shape_cast %get3A_757 : vector<1x16xf32> to vector<16xf32>
        %get3A_759 = arith.index_cast %add3A_661 : i32 to index
        %get3A_760 = arith.constant 224 : index
        %get3A_761 = tpu.vector_load %arg8[%get3A_759, %get3A_760] {strides = array<i32>} : memref<128x256xf32, #tpu.memory_space<vmem>>, vector<1x16xf32>,
        %get3A_762 = vector.shape_cast %get3A_761 : vector<1x16xf32> to vector<16xf32>
        %mul3A_763 = arith.mulf %broadcast_in_dim3A_664, %get3A_762 : vector<16xf32>
        %add3A_764 = arith.addf %get3A_758, %mul3A_763 : vector<16xf32>
        %swap3A_765 = arith.index_cast %add3A_661 : i32 to index
        %swap3A_766 = arith.constant 96 : index
        %swap3A_767 = tpu.vector_load %arg9[%swap3A_765, %swap3A_766] {strides = array<i32>} : memref<128x128xf32, #tpu.memory_space<vmem>>, vector<1x16xf32>,
        %swap3A_768 = vector.shape_cast %swap3A_767 : vector<1x16xf32> to vector<16xf32>
        %swap3A_769 = vector.shape_cast %add3A_764 : vector<16xf32> to vector<1x16xf32>
        tpu.vector_store %arg9[%swap3A_765, %swap3A_766], %swap3A_769 {strides = array<i32>} : memref<128x128xf32, #tpu.memory_space<vmem>>, vector<1x16xf32>,
        %get3A_770 = arith.index_cast %add3A_661 : i32 to index
        %get3A_771 = arith.constant 112 : index
        %get3A_772 = tpu.vector_load %arg8[%get3A_770, %get3A_771] {strides = array<i32>} : memref<128x256xf32, #tpu.memory_space<vmem>>, vector<1x16xf32>,
        %get3A_773 = vector.shape_cast %get3A_772 : vector<1x16xf32> to vector<16xf32>
        %get3A_774 = arith.index_cast %add3A_661 : i32 to index
        %get3A_775 = arith.constant 240 : index
        %get3A_776 = tpu.vector_load %arg8[%get3A_774, %get3A_775] {strides = array<i32>} : memref<128x256xf32, #tpu.memory_space<vmem>>, vector<1x16xf32>,
        %get3A_777 = vector.shape_cast %get3A_776 : vector<1x16xf32> to vector<16xf32>
        %mul3A_778 = arith.mulf %broadcast_in_dim3A_664, %get3A_777 : vector<16xf32>
        %add3A_779 = arith.addf %get3A_773, %mul3A_778 : vector<16xf32>
        %swap3A_780 = arith.index_cast %add3A_661 : i32 to index
        %swap3A_781 = arith.constant 112 : index
        %swap3A_782 = tpu.vector_load %arg9[%swap3A_780, %swap3A_781] {strides = array<i32>} : memref<128x128xf32, #tpu.memory_space<vmem>>, vector<1x16xf32>,
        %swap3A_783 = vector.shape_cast %swap3A_782 : vector<1x16xf32> to vector<16xf32>
        %swap3A_784 = vector.shape_cast %add3A_779 : vector<16xf32> to vector<1x16xf32>
        tpu.vector_store %arg9[%swap3A_780, %swap3A_781], %swap3A_784 {strides = array<i32>} : memref<128x128xf32, #tpu.memory_space<vmem>>, vector<1x16xf32>,
        %mul3A_785 = arith.constant 16 : i32
        %mul3A_786 = arith.muli %mul3A_785, %scan3A_22 : i32
        %add3A_787 = arith.constant 6 : i32
        %add3A_788 = arith.addi %mul3A_786, %add3A_787 : i32
        %slice3A_789 = vector.extract_strided_slice %get3A_26 {offsets = [6], sizes = [1], strides = [1]} : vector<16xf32> to vector<1xf32>
        %squeeze3A_790 = vector.extract %slice3A_789[0] : f32 from vector<1xf32>
        %broadcast_in_dim3A_791 = vector.broadcast %squeeze3A_790 : f32 to vector<16xf32>
        %get3A_792 = arith.index_cast %add3A_788 : i32 to index
        %get3A_793 = arith.constant 0 : index
        %get3A_794 = tpu.vector_load %arg8[%get3A_792, %get3A_793] {strides = array<i32>} : memref<128x256xf32, #tpu.memory_space<vmem>>, vector<1x16xf32>,
        %get3A_795 = vector.shape_cast %get3A_794 : vector<1x16xf32> to vector<16xf32>
        %get3A_796 = arith.index_cast %add3A_788 : i32 to index
        %get3A_797 = arith.constant 128 : index
        %get3A_798 = tpu.vector_load %arg8[%get3A_796, %get3A_797] {strides = array<i32>} : memref<128x256xf32, #tpu.memory_space<vmem>>, vector<1x16xf32>,
        %get3A_799 = vector.shape_cast %get3A_798 : vector<1x16xf32> to vector<16xf32>
        %mul3A_800 = arith.mulf %broadcast_in_dim3A_791, %get3A_799 : vector<16xf32>
        %add3A_801 = arith.addf %get3A_795, %mul3A_800 : vector<16xf32>
        %swap3A_802 = arith.index_cast %add3A_788 : i32 to index
        %swap3A_803 = arith.constant 0 : index
        %swap3A_804 = tpu.vector_load %arg9[%swap3A_802, %swap3A_803] {strides = array<i32>} : memref<128x128xf32, #tpu.memory_space<vmem>>, vector<1x16xf32>,
        %swap3A_805 = vector.shape_cast %swap3A_804 : vector<1x16xf32> to vector<16xf32>
        %swap3A_806 = vector.shape_cast %add3A_801 : vector<16xf32> to vector<1x16xf32>
        tpu.vector_store %arg9[%swap3A_802, %swap3A_803], %swap3A_806 {strides = array<i32>} : memref<128x128xf32, #tpu.memory_space<vmem>>, vector<1x16xf32>,
        %get3A_807 = arith.index_cast %add3A_788 : i32 to index
        %get3A_808 = arith.constant 16 : index
        %get3A_809 = tpu.vector_load %arg8[%get3A_807, %get3A_808] {strides = array<i32>} : memref<128x256xf32, #tpu.memory_space<vmem>>, vector<1x16xf32>,
        %get3A_810 = vector.shape_cast %get3A_809 : vector<1x16xf32> to vector<16xf32>
        %get3A_811 = arith.index_cast %add3A_788 : i32 to index
        %get3A_812 = arith.constant 144 : index
        %get3A_813 = tpu.vector_load %arg8[%get3A_811, %get3A_812] {strides = array<i32>} : memref<128x256xf32, #tpu.memory_space<vmem>>, vector<1x16xf32>,
        %get3A_814 = vector.shape_cast %get3A_813 : vector<1x16xf32> to vector<16xf32>
        %mul3A_815 = arith.mulf %broadcast_in_dim3A_791, %get3A_814 : vector<16xf32>
        %add3A_816 = arith.addf %get3A_810, %mul3A_815 : vector<16xf32>
        %swap3A_817 = arith.index_cast %add3A_788 : i32 to index
        %swap3A_818 = arith.constant 16 : index
        %swap3A_819 = tpu.vector_load %arg9[%swap3A_817, %swap3A_818] {strides = array<i32>} : memref<128x128xf32, #tpu.memory_space<vmem>>, vector<1x16xf32>,
        %swap3A_820 = vector.shape_cast %swap3A_819 : vector<1x16xf32> to vector<16xf32>
        %swap3A_821 = vector.shape_cast %add3A_816 : vector<16xf32> to vector<1x16xf32>
        tpu.vector_store %arg9[%swap3A_817, %swap3A_818], %swap3A_821 {strides = array<i32>} : memref<128x128xf32, #tpu.memory_space<vmem>>, vector<1x16xf32>,
        %get3A_822 = arith.index_cast %add3A_788 : i32 to index
        %get3A_823 = arith.constant 32 : index
        %get3A_824 = tpu.vector_load %arg8[%get3A_822, %get3A_823] {strides = array<i32>} : memref<128x256xf32, #tpu.memory_space<vmem>>, vector<1x16xf32>,
        %get3A_825 = vector.shape_cast %get3A_824 : vector<1x16xf32> to vector<16xf32>
        %get3A_826 = arith.index_cast %add3A_788 : i32 to index
        %get3A_827 = arith.constant 160 : index
        %get3A_828 = tpu.vector_load %arg8[%get3A_826, %get3A_827] {strides = array<i32>} : memref<128x256xf32, #tpu.memory_space<vmem>>, vector<1x16xf32>,
        %get3A_829 = vector.shape_cast %get3A_828 : vector<1x16xf32> to vector<16xf32>
        %mul3A_830 = arith.mulf %broadcast_in_dim3A_791, %get3A_829 : vector<16xf32>
        %add3A_831 = arith.addf %get3A_825, %mul3A_830 : vector<16xf32>
        %swap3A_832 = arith.index_cast %add3A_788 : i32 to index
        %swap3A_833 = arith.constant 32 : index
        %swap3A_834 = tpu.vector_load %arg9[%swap3A_832, %swap3A_833] {strides = array<i32>} : memref<128x128xf32, #tpu.memory_space<vmem>>, vector<1x16xf32>,
        %swap3A_835 = vector.shape_cast %swap3A_834 : vector<1x16xf32> to vector<16xf32>
        %swap3A_836 = vector.shape_cast %add3A_831 : vector<16xf32> to vector<1x16xf32>
        tpu.vector_store %arg9[%swap3A_832, %swap3A_833], %swap3A_836 {strides = array<i32>} : memref<128x128xf32, #tpu.memory_space<vmem>>, vector<1x16xf32>,
        %get3A_837 = arith.index_cast %add3A_788 : i32 to index
        %get3A_838 = arith.constant 48 : index
        %get3A_839 = tpu.vector_load %arg8[%get3A_837, %get3A_838] {strides = array<i32>} : memref<128x256xf32, #tpu.memory_space<vmem>>, vector<1x16xf32>,
        %get3A_840 = vector.shape_cast %get3A_839 : vector<1x16xf32> to vector<16xf32>
        %get3A_841 = arith.index_cast %add3A_788 : i32 to index
        %get3A_842 = arith.constant 176 : index
        %get3A_843 = tpu.vector_load %arg8[%get3A_841, %get3A_842] {strides = array<i32>} : memref<128x256xf32, #tpu.memory_space<vmem>>, vector<1x16xf32>,
        %get3A_844 = vector.shape_cast %get3A_843 : vector<1x16xf32> to vector<16xf32>
        %mul3A_845 = arith.mulf %broadcast_in_dim3A_791, %get3A_844 : vector<16xf32>
        %add3A_846 = arith.addf %get3A_840, %mul3A_845 : vector<16xf32>
        %swap3A_847 = arith.index_cast %add3A_788 : i32 to index
        %swap3A_848 = arith.constant 48 : index
        %swap3A_849 = tpu.vector_load %arg9[%swap3A_847, %swap3A_848] {strides = array<i32>} : memref<128x128xf32, #tpu.memory_space<vmem>>, vector<1x16xf32>,
        %swap3A_850 = vector.shape_cast %swap3A_849 : vector<1x16xf32> to vector<16xf32>
        %swap3A_851 = vector.shape_cast %add3A_846 : vector<16xf32> to vector<1x16xf32>
        tpu.vector_store %arg9[%swap3A_847, %swap3A_848], %swap3A_851 {strides = array<i32>} : memref<128x128xf32, #tpu.memory_space<vmem>>, vector<1x16xf32>,
        %get3A_852 = arith.index_cast %add3A_788 : i32 to index
        %get3A_853 = arith.constant 64 : index
        %get3A_854 = tpu.vector_load %arg8[%get3A_852, %get3A_853] {strides = array<i32>} : memref<128x256xf32, #tpu.memory_space<vmem>>, vector<1x16xf32>,
        %get3A_855 = vector.shape_cast %get3A_854 : vector<1x16xf32> to vector<16xf32>
        %get3A_856 = arith.index_cast %add3A_788 : i32 to index
        %get3A_857 = arith.constant 192 : index
        %get3A_858 = tpu.vector_load %arg8[%get3A_856, %get3A_857] {strides = array<i32>} : memref<128x256xf32, #tpu.memory_space<vmem>>, vector<1x16xf32>,
        %get3A_859 = vector.shape_cast %get3A_858 : vector<1x16xf32> to vector<16xf32>
        %mul3A_860 = arith.mulf %broadcast_in_dim3A_791, %get3A_859 : vector<16xf32>
        %add3A_861 = arith.addf %get3A_855, %mul3A_860 : vector<16xf32>
        %swap3A_862 = arith.index_cast %add3A_788 : i32 to index
        %swap3A_863 = arith.constant 64 : index
        %swap3A_864 = tpu.vector_load %arg9[%swap3A_862, %swap3A_863] {strides = array<i32>} : memref<128x128xf32, #tpu.memory_space<vmem>>, vector<1x16xf32>,
        %swap3A_865 = vector.shape_cast %swap3A_864 : vector<1x16xf32> to vector<16xf32>
        %swap3A_866 = vector.shape_cast %add3A_861 : vector<16xf32> to vector<1x16xf32>
        tpu.vector_store %arg9[%swap3A_862, %swap3A_863], %swap3A_866 {strides = array<i32>} : memref<128x128xf32, #tpu.memory_space<vmem>>, vector<1x16xf32>,
        %get3A_867 = arith.index_cast %add3A_788 : i32 to index
        %get3A_868 = arith.constant 80 : index
        %get3A_869 = tpu.vector_load %arg8[%get3A_867, %get3A_868] {strides = array<i32>} : memref<128x256xf32, #tpu.memory_space<vmem>>, vector<1x16xf32>,
        %get3A_870 = vector.shape_cast %get3A_869 : vector<1x16xf32> to vector<16xf32>
        %get3A_871 = arith.index_cast %add3A_788 : i32 to index
        %get3A_872 = arith.constant 208 : index
        %get3A_873 = tpu.vector_load %arg8[%get3A_871, %get3A_872] {strides = array<i32>} : memref<128x256xf32, #tpu.memory_space<vmem>>, vector<1x16xf32>,
        %get3A_874 = vector.shape_cast %get3A_873 : vector<1x16xf32> to vector<16xf32>
        %mul3A_875 = arith.mulf %broadcast_in_dim3A_791, %get3A_874 : vector<16xf32>
        %add3A_876 = arith.addf %get3A_870, %mul3A_875 : vector<16xf32>
        %swap3A_877 = arith.index_cast %add3A_788 : i32 to index
        %swap3A_878 = arith.constant 80 : index
        %swap3A_879 = tpu.vector_load %arg9[%swap3A_877, %swap3A_878] {strides = array<i32>} : memref<128x128xf32, #tpu.memory_space<vmem>>, vector<1x16xf32>,
        %swap3A_880 = vector.shape_cast %swap3A_879 : vector<1x16xf32> to vector<16xf32>
        %swap3A_881 = vector.shape_cast %add3A_876 : vector<16xf32> to vector<1x16xf32>
        tpu.vector_store %arg9[%swap3A_877, %swap3A_878], %swap3A_881 {strides = array<i32>} : memref<128x128xf32, #tpu.memory_space<vmem>>, vector<1x16xf32>,
        %get3A_882 = arith.index_cast %add3A_788 : i32 to index
        %get3A_883 = arith.constant 96 : index
        %get3A_884 = tpu.vector_load %arg8[%get3A_882, %get3A_883] {strides = array<i32>} : memref<128x256xf32, #tpu.memory_space<vmem>>, vector<1x16xf32>,
        %get3A_885 = vector.shape_cast %get3A_884 : vector<1x16xf32> to vector<16xf32>
        %get3A_886 = arith.index_cast %add3A_788 : i32 to index
        %get3A_887 = arith.constant 224 : index
        %get3A_888 = tpu.vector_load %arg8[%get3A_886, %get3A_887] {strides = array<i32>} : memref<128x256xf32, #tpu.memory_space<vmem>>, vector<1x16xf32>,
        %get3A_889 = vector.shape_cast %get3A_888 : vector<1x16xf32> to vector<16xf32>
        %mul3A_890 = arith.mulf %broadcast_in_dim3A_791, %get3A_889 : vector<16xf32>
        %add3A_891 = arith.addf %get3A_885, %mul3A_890 : vector<16xf32>
        %swap3A_892 = arith.index_cast %add3A_788 : i32 to index
        %swap3A_893 = arith.constant 96 : index
        %swap3A_894 = tpu.vector_load %arg9[%swap3A_892, %swap3A_893] {strides = array<i32>} : memref<128x128xf32, #tpu.memory_space<vmem>>, vector<1x16xf32>,
        %swap3A_895 = vector.shape_cast %swap3A_894 : vector<1x16xf32> to vector<16xf32>
        %swap3A_896 = vector.shape_cast %add3A_891 : vector<16xf32> to vector<1x16xf32>
        tpu.vector_store %arg9[%swap3A_892, %swap3A_893], %swap3A_896 {strides = array<i32>} : memref<128x128xf32, #tpu.memory_space<vmem>>, vector<1x16xf32>,
        %get3A_897 = arith.index_cast %add3A_788 : i32 to index
        %get3A_898 = arith.constant 112 : index
        %get3A_899 = tpu.vector_load %arg8[%get3A_897, %get3A_898] {strides = array<i32>} : memref<128x256xf32, #tpu.memory_space<vmem>>, vector<1x16xf32>,
        %get3A_900 = vector.shape_cast %get3A_899 : vector<1x16xf32> to vector<16xf32>
        %get3A_901 = arith.index_cast %add3A_788 : i32 to index
        %get3A_902 = arith.constant 240 : index
        %get3A_903 = tpu.vector_load %arg8[%get3A_901, %get3A_902] {strides = array<i32>} : memref<128x256xf32, #tpu.memory_space<vmem>>, vector<1x16xf32>,
        %get3A_904 = vector.shape_cast %get3A_903 : vector<1x16xf32> to vector<16xf32>
        %mul3A_905 = arith.mulf %broadcast_in_dim3A_791, %get3A_904 : vector<16xf32>
        %add3A_906 = arith.addf %get3A_900, %mul3A_905 : vector<16xf32>
        %swap3A_907 = arith.index_cast %add3A_788 : i32 to index
        %swap3A_908 = arith.constant 112 : index
        %swap3A_909 = tpu.vector_load %arg9[%swap3A_907, %swap3A_908] {strides = array<i32>} : memref<128x128xf32, #tpu.memory_space<vmem>>, vector<1x16xf32>,
        %swap3A_910 = vector.shape_cast %swap3A_909 : vector<1x16xf32> to vector<16xf32>
        %swap3A_911 = vector.shape_cast %add3A_906 : vector<16xf32> to vector<1x16xf32>
        tpu.vector_store %arg9[%swap3A_907, %swap3A_908], %swap3A_911 {strides = array<i32>} : memref<128x128xf32, #tpu.memory_space<vmem>>, vector<1x16xf32>,
        %mul3A_912 = arith.constant 16 : i32
        %mul3A_913 = arith.muli %mul3A_912, %scan3A_22 : i32
        %add3A_914 = arith.constant 7 : i32
        %add3A_915 = arith.addi %mul3A_913, %add3A_914 : i32
        %slice3A_916 = vector.extract_strided_slice %get3A_26 {offsets = [7], sizes = [1], strides = [1]} : vector<16xf32> to vector<1xf32>
        %squeeze3A_917 = vector.extract %slice3A_916[0] : f32 from vector<1xf32>
        %broadcast_in_dim3A_918 = vector.broadcast %squeeze3A_917 : f32 to vector<16xf32>
        %get3A_919 = arith.index_cast %add3A_915 : i32 to index
        %get3A_920 = arith.constant 0 : index
        %get3A_921 = tpu.vector_load %arg8[%get3A_919, %get3A_920] {strides = array<i32>} : memref<128x256xf32, #tpu.memory_space<vmem>>, vector<1x16xf32>,
        %get3A_922 = vector.shape_cast %get3A_921 : vector<1x16xf32> to vector<16xf32>
        %get3A_923 = arith.index_cast %add3A_915 : i32 to index
        %get3A_924 = arith.constant 128 : index
        %get3A_925 = tpu.vector_load %arg8[%get3A_923, %get3A_924] {strides = array<i32>} : memref<128x256xf32, #tpu.memory_space<vmem>>, vector<1x16xf32>,
        %get3A_926 = vector.shape_cast %get3A_925 : vector<1x16xf32> to vector<16xf32>
        %mul3A_927 = arith.mulf %broadcast_in_dim3A_918, %get3A_926 : vector<16xf32>
        %add3A_928 = arith.addf %get3A_922, %mul3A_927 : vector<16xf32>
        %swap3A_929 = arith.index_cast %add3A_915 : i32 to index
        %swap3A_930 = arith.constant 0 : index
        %swap3A_931 = tpu.vector_load %arg9[%swap3A_929, %swap3A_930] {strides = array<i32>} : memref<128x128xf32, #tpu.memory_space<vmem>>, vector<1x16xf32>,
        %swap3A_932 = vector.shape_cast %swap3A_931 : vector<1x16xf32> to vector<16xf32>
        %swap3A_933 = vector.shape_cast %add3A_928 : vector<16xf32> to vector<1x16xf32>
        tpu.vector_store %arg9[%swap3A_929, %swap3A_930], %swap3A_933 {strides = array<i32>} : memref<128x128xf32, #tpu.memory_space<vmem>>, vector<1x16xf32>,
        %get3A_934 = arith.index_cast %add3A_915 : i32 to index
        %get3A_935 = arith.constant 16 : index
        %get3A_936 = tpu.vector_load %arg8[%get3A_934, %get3A_935] {strides = array<i32>} : memref<128x256xf32, #tpu.memory_space<vmem>>, vector<1x16xf32>,
        %get3A_937 = vector.shape_cast %get3A_936 : vector<1x16xf32> to vector<16xf32>
        %get3A_938 = arith.index_cast %add3A_915 : i32 to index
        %get3A_939 = arith.constant 144 : index
        %get3A_940 = tpu.vector_load %arg8[%get3A_938, %get3A_939] {strides = array<i32>} : memref<128x256xf32, #tpu.memory_space<vmem>>, vector<1x16xf32>,
        %get3A_941 = vector.shape_cast %get3A_940 : vector<1x16xf32> to vector<16xf32>
        %mul3A_942 = arith.mulf %broadcast_in_dim3A_918, %get3A_941 : vector<16xf32>
        %add3A_943 = arith.addf %get3A_937, %mul3A_942 : vector<16xf32>
        %swap3A_944 = arith.index_cast %add3A_915 : i32 to index
        %swap3A_945 = arith.constant 16 : index
        %swap3A_946 = tpu.vector_load %arg9[%swap3A_944, %swap3A_945] {strides = array<i32>} : memref<128x128xf32, #tpu.memory_space<vmem>>, vector<1x16xf32>,
        %swap3A_947 = vector.shape_cast %swap3A_946 : vector<1x16xf32> to vector<16xf32>
        %swap3A_948 = vector.shape_cast %add3A_943 : vector<16xf32> to vector<1x16xf32>
        tpu.vector_store %arg9[%swap3A_944, %swap3A_945], %swap3A_948 {strides = array<i32>} : memref<128x128xf32, #tpu.memory_space<vmem>>, vector<1x16xf32>,
        %get3A_949 = arith.index_cast %add3A_915 : i32 to index
        %get3A_950 = arith.constant 32 : index
        %get3A_951 = tpu.vector_load %arg8[%get3A_949, %get3A_950] {strides = array<i32>} : memref<128x256xf32, #tpu.memory_space<vmem>>, vector<1x16xf32>,
        %get3A_952 = vector.shape_cast %get3A_951 : vector<1x16xf32> to vector<16xf32>
        %get3A_953 = arith.index_cast %add3A_915 : i32 to index
        %get3A_954 = arith.constant 160 : index
        %get3A_955 = tpu.vector_load %arg8[%get3A_953, %get3A_954] {strides = array<i32>} : memref<128x256xf32, #tpu.memory_space<vmem>>, vector<1x16xf32>,
        %get3A_956 = vector.shape_cast %get3A_955 : vector<1x16xf32> to vector<16xf32>
        %mul3A_957 = arith.mulf %broadcast_in_dim3A_918, %get3A_956 : vector<16xf32>
        %add3A_958 = arith.addf %get3A_952, %mul3A_957 : vector<16xf32>
        %swap3A_959 = arith.index_cast %add3A_915 : i32 to index
        %swap3A_960 = arith.constant 32 : index
        %swap3A_961 = tpu.vector_load %arg9[%swap3A_959, %swap3A_960] {strides = array<i32>} : memref<128x128xf32, #tpu.memory_space<vmem>>, vector<1x16xf32>,
        %swap3A_962 = vector.shape_cast %swap3A_961 : vector<1x16xf32> to vector<16xf32>
        %swap3A_963 = vector.shape_cast %add3A_958 : vector<16xf32> to vector<1x16xf32>
        tpu.vector_store %arg9[%swap3A_959, %swap3A_960], %swap3A_963 {strides = array<i32>} : memref<128x128xf32, #tpu.memory_space<vmem>>, vector<1x16xf32>,
        %get3A_964 = arith.index_cast %add3A_915 : i32 to index
        %get3A_965 = arith.constant 48 : index
        %get3A_966 = tpu.vector_load %arg8[%get3A_964, %get3A_965] {strides = array<i32>} : memref<128x256xf32, #tpu.memory_space<vmem>>, vector<1x16xf32>,
        %get3A_967 = vector.shape_cast %get3A_966 : vector<1x16xf32> to vector<16xf32>
        %get3A_968 = arith.index_cast %add3A_915 : i32 to index
        %get3A_969 = arith.constant 176 : index
        %get3A_970 = tpu.vector_load %arg8[%get3A_968, %get3A_969] {strides = array<i32>} : memref<128x256xf32, #tpu.memory_space<vmem>>, vector<1x16xf32>,
        %get3A_971 = vector.shape_cast %get3A_970 : vector<1x16xf32> to vector<16xf32>
        %mul3A_972 = arith.mulf %broadcast_in_dim3A_918, %get3A_971 : vector<16xf32>
        %add3A_973 = arith.addf %get3A_967, %mul3A_972 : vector<16xf32>
        %swap3A_974 = arith.index_cast %add3A_915 : i32 to index
        %swap3A_975 = arith.constant 48 : index
        %swap3A_976 = tpu.vector_load %arg9[%swap3A_974, %swap3A_975] {strides = array<i32>} : memref<128x128xf32, #tpu.memory_space<vmem>>, vector<1x16xf32>,
        %swap3A_977 = vector.shape_cast %swap3A_976 : vector<1x16xf32> to vector<16xf32>
        %swap3A_978 = vector.shape_cast %add3A_973 : vector<16xf32> to vector<1x16xf32>
        tpu.vector_store %arg9[%swap3A_974, %swap3A_975], %swap3A_978 {strides = array<i32>} : memref<128x128xf32, #tpu.memory_space<vmem>>, vector<1x16xf32>,
        %get3A_979 = arith.index_cast %add3A_915 : i32 to index
        %get3A_980 = arith.constant 64 : index
        %get3A_981 = tpu.vector_load %arg8[%get3A_979, %get3A_980] {strides = array<i32>} : memref<128x256xf32, #tpu.memory_space<vmem>>, vector<1x16xf32>,
        %get3A_982 = vector.shape_cast %get3A_981 : vector<1x16xf32> to vector<16xf32>
        %get3A_983 = arith.index_cast %add3A_915 : i32 to index
        %get3A_984 = arith.constant 192 : index
        %get3A_985 = tpu.vector_load %arg8[%get3A_983, %get3A_984] {strides = array<i32>} : memref<128x256xf32, #tpu.memory_space<vmem>>, vector<1x16xf32>,
        %get3A_986 = vector.shape_cast %get3A_985 : vector<1x16xf32> to vector<16xf32>
        %mul3A_987 = arith.mulf %broadcast_in_dim3A_918, %get3A_986 : vector<16xf32>
        %add3A_988 = arith.addf %get3A_982, %mul3A_987 : vector<16xf32>
        %swap3A_989 = arith.index_cast %add3A_915 : i32 to index
        %swap3A_990 = arith.constant 64 : index
        %swap3A_991 = tpu.vector_load %arg9[%swap3A_989, %swap3A_990] {strides = array<i32>} : memref<128x128xf32, #tpu.memory_space<vmem>>, vector<1x16xf32>,
        %swap3A_992 = vector.shape_cast %swap3A_991 : vector<1x16xf32> to vector<16xf32>
        %swap3A_993 = vector.shape_cast %add3A_988 : vector<16xf32> to vector<1x16xf32>
        tpu.vector_store %arg9[%swap3A_989, %swap3A_990], %swap3A_993 {strides = array<i32>} : memref<128x128xf32, #tpu.memory_space<vmem>>, vector<1x16xf32>,
        %get3A_994 = arith.index_cast %add3A_915 : i32 to index
        %get3A_995 = arith.constant 80 : index
        %get3A_996 = tpu.vector_load %arg8[%get3A_994, %get3A_995] {strides = array<i32>} : memref<128x256xf32, #tpu.memory_space<vmem>>, vector<1x16xf32>,
        %get3A_997 = vector.shape_cast %get3A_996 : vector<1x16xf32> to vector<16xf32>
        %get3A_998 = arith.index_cast %add3A_915 : i32 to index
        %get3A_999 = arith.constant 208 : index
        %get3A_1000 = tpu.vector_load %arg8[%get3A_998, %get3A_999] {strides = array<i32>} : memref<128x256xf32, #tpu.memory_space<vmem>>, vector<1x16xf32>,
        %get3A_1001 = vector.shape_cast %get3A_1000 : vector<1x16xf32> to vector<16xf32>
        %mul3A_1002 = arith.mulf %broadcast_in_dim3A_918, %get3A_1001 : vector<16xf32>
        %add3A_1003 = arith.addf %get3A_997, %mul3A_1002 : vector<16xf32>
        %swap3A_1004 = arith.index_cast %add3A_915 : i32 to index
        %swap3A_1005 = arith.constant 80 : index
        %swap3A_1006 = tpu.vector_load %arg9[%swap3A_1004, %swap3A_1005] {strides = array<i32>} : memref<128x128xf32, #tpu.memory_space<vmem>>, vector<1x16xf32>,
        %swap3A_1007 = vector.shape_cast %swap3A_1006 : vector<1x16xf32> to vector<16xf32>
        %swap3A_1008 = vector.shape_cast %add3A_1003 : vector<16xf32> to vector<1x16xf32>
        tpu.vector_store %arg9[%swap3A_1004, %swap3A_1005], %swap3A_1008 {strides = array<i32>} : memref<128x128xf32, #tpu.memory_space<vmem>>, vector<1x16xf32>,
        %get3A_1009 = arith.index_cast %add3A_915 : i32 to index
        %get3A_1010 = arith.constant 96 : index
        %get3A_1011 = tpu.vector_load %arg8[%get3A_1009, %get3A_1010] {strides = array<i32>} : memref<128x256xf32, #tpu.memory_space<vmem>>, vector<1x16xf32>,
        %get3A_1012 = vector.shape_cast %get3A_1011 : vector<1x16xf32> to vector<16xf32>
        %get3A_1013 = arith.index_cast %add3A_915 : i32 to index
        %get3A_1014 = arith.constant 224 : index
        %get3A_1015 = tpu.vector_load %arg8[%get3A_1013, %get3A_1014] {strides = array<i32>} : memref<128x256xf32, #tpu.memory_space<vmem>>, vector<1x16xf32>,
        %get3A_1016 = vector.shape_cast %get3A_1015 : vector<1x16xf32> to vector<16xf32>
        %mul3A_1017 = arith.mulf %broadcast_in_dim3A_918, %get3A_1016 : vector<16xf32>
        %add3A_1018 = arith.addf %get3A_1012, %mul3A_1017 : vector<16xf32>
        %swap3A_1019 = arith.index_cast %add3A_915 : i32 to index
        %swap3A_1020 = arith.constant 96 : index
        %swap3A_1021 = tpu.vector_load %arg9[%swap3A_1019, %swap3A_1020] {strides = array<i32>} : memref<128x128xf32, #tpu.memory_space<vmem>>, vector<1x16xf32>,
        %swap3A_1022 = vector.shape_cast %swap3A_1021 : vector<1x16xf32> to vector<16xf32>
        %swap3A_1023 = vector.shape_cast %add3A_1018 : vector<16xf32> to vector<1x16xf32>
        tpu.vector_store %arg9[%swap3A_1019, %swap3A_1020], %swap3A_1023 {strides = array<i32>} : memref<128x128xf32, #tpu.memory_space<vmem>>, vector<1x16xf32>,
        %get3A_1024 = arith.index_cast %add3A_915 : i32 to index
        %get3A_1025 = arith.constant 112 : index
        %get3A_1026 = tpu.vector_load %arg8[%get3A_1024, %get3A_1025] {strides = array<i32>} : memref<128x256xf32, #tpu.memory_space<vmem>>, vector<1x16xf32>,
        %get3A_1027 = vector.shape_cast %get3A_1026 : vector<1x16xf32> to vector<16xf32>
        %get3A_1028 = arith.index_cast %add3A_915 : i32 to index
        %get3A_1029 = arith.constant 240 : index
        %get3A_1030 = tpu.vector_load %arg8[%get3A_1028, %get3A_1029] {strides = array<i32>} : memref<128x256xf32, #tpu.memory_space<vmem>>, vector<1x16xf32>,
        %get3A_1031 = vector.shape_cast %get3A_1030 : vector<1x16xf32> to vector<16xf32>
        %mul3A_1032 = arith.mulf %broadcast_in_dim3A_918, %get3A_1031 : vector<16xf32>
        %add3A_1033 = arith.addf %get3A_1027, %mul3A_1032 : vector<16xf32>
        %swap3A_1034 = arith.index_cast %add3A_915 : i32 to index
        %swap3A_1035 = arith.constant 112 : index
        %swap3A_1036 = tpu.vector_load %arg9[%swap3A_1034, %swap3A_1035] {strides = array<i32>} : memref<128x128xf32, #tpu.memory_space<vmem>>, vector<1x16xf32>,
        %swap3A_1037 = vector.shape_cast %swap3A_1036 : vector<1x16xf32> to vector<16xf32>
        %swap3A_1038 = vector.shape_cast %add3A_1033 : vector<16xf32> to vector<1x16xf32>
        tpu.vector_store %arg9[%swap3A_1034, %swap3A_1035], %swap3A_1038 {strides = array<i32>} : memref<128x128xf32, #tpu.memory_space<vmem>>, vector<1x16xf32>,
        %mul3A_1039 = arith.constant 16 : i32
        %mul3A_1040 = arith.muli %mul3A_1039, %scan3A_22 : i32
        %add3A_1041 = arith.constant 8 : i32
        %add3A_1042 = arith.addi %mul3A_1040, %add3A_1041 : i32
        %slice3A_1043 = vector.extract_strided_slice %get3A_26 {offsets = [8], sizes = [1], strides = [1]} : vector<16xf32> to vector<1xf32>
        %squeeze3A_1044 = vector.extract %slice3A_1043[0] : f32 from vector<1xf32>
        %broadcast_in_dim3A_1045 = vector.broadcast %squeeze3A_1044 : f32 to vector<16xf32>
        %get3A_1046 = arith.index_cast %add3A_1042 : i32 to index
        %get3A_1047 = arith.constant 0 : index
        %get3A_1048 = tpu.vector_load %arg8[%get3A_1046, %get3A_1047] {strides = array<i32>} : memref<128x256xf32, #tpu.memory_space<vmem>>, vector<1x16xf32>,
        %get3A_1049 = vector.shape_cast %get3A_1048 : vector<1x16xf32> to vector<16xf32>
        %get3A_1050 = arith.index_cast %add3A_1042 : i32 to index
        %get3A_1051 = arith.constant 128 : index
        %get3A_1052 = tpu.vector_load %arg8[%get3A_1050, %get3A_1051] {strides = array<i32>} : memref<128x256xf32, #tpu.memory_space<vmem>>, vector<1x16xf32>,
        %get3A_1053 = vector.shape_cast %get3A_1052 : vector<1x16xf32> to vector<16xf32>
        %mul3A_1054 = arith.mulf %broadcast_in_dim3A_1045, %get3A_1053 : vector<16xf32>
        %add3A_1055 = arith.addf %get3A_1049, %mul3A_1054 : vector<16xf32>
        %swap3A_1056 = arith.index_cast %add3A_1042 : i32 to index
        %swap3A_1057 = arith.constant 0 : index
        %swap3A_1058 = tpu.vector_load %arg9[%swap3A_1056, %swap3A_1057] {strides = array<i32>} : memref<128x128xf32, #tpu.memory_space<vmem>>, vector<1x16xf32>,
        %swap3A_1059 = vector.shape_cast %swap3A_1058 : vector<1x16xf32> to vector<16xf32>
        %swap3A_1060 = vector.shape_cast %add3A_1055 : vector<16xf32> to vector<1x16xf32>
        tpu.vector_store %arg9[%swap3A_1056, %swap3A_1057], %swap3A_1060 {strides = array<i32>} : memref<128x128xf32, #tpu.memory_space<vmem>>, vector<1x16xf32>,
        %get3A_1061 = arith.index_cast %add3A_1042 : i32 to index
        %get3A_1062 = arith.constant 16 : index
        %get3A_1063 = tpu.vector_load %arg8[%get3A_1061, %get3A_1062] {strides = array<i32>} : memref<128x256xf32, #tpu.memory_space<vmem>>, vector<1x16xf32>,
        %get3A_1064 = vector.shape_cast %get3A_1063 : vector<1x16xf32> to vector<16xf32>
        %get3A_1065 = arith.index_cast %add3A_1042 : i32 to index
        %get3A_1066 = arith.constant 144 : index
        %get3A_1067 = tpu.vector_load %arg8[%get3A_1065, %get3A_1066] {strides = array<i32>} : memref<128x256xf32, #tpu.memory_space<vmem>>, vector<1x16xf32>,
        %get3A_1068 = vector.shape_cast %get3A_1067 : vector<1x16xf32> to vector<16xf32>
        %mul3A_1069 = arith.mulf %broadcast_in_dim3A_1045, %get3A_1068 : vector<16xf32>
        %add3A_1070 = arith.addf %get3A_1064, %mul3A_1069 : vector<16xf32>
        %swap3A_1071 = arith.index_cast %add3A_1042 : i32 to index
        %swap3A_1072 = arith.constant 16 : index
        %swap3A_1073 = tpu.vector_load %arg9[%swap3A_1071, %swap3A_1072] {strides = array<i32>} : memref<128x128xf32, #tpu.memory_space<vmem>>, vector<1x16xf32>,
        %swap3A_1074 = vector.shape_cast %swap3A_1073 : vector<1x16xf32> to vector<16xf32>
        %swap3A_1075 = vector.shape_cast %add3A_1070 : vector<16xf32> to vector<1x16xf32>
        tpu.vector_store %arg9[%swap3A_1071, %swap3A_1072], %swap3A_1075 {strides = array<i32>} : memref<128x128xf32, #tpu.memory_space<vmem>>, vector<1x16xf32>,
        %get3A_1076 = arith.index_cast %add3A_1042 : i32 to index
        %get3A_1077 = arith.constant 32 : index
        %get3A_1078 = tpu.vector_load %arg8[%get3A_1076, %get3A_1077] {strides = array<i32>} : memref<128x256xf32, #tpu.memory_space<vmem>>, vector<1x16xf32>,
        %get3A_1079 = vector.shape_cast %get3A_1078 : vector<1x16xf32> to vector<16xf32>
        %get3A_1080 = arith.index_cast %add3A_1042 : i32 to index
        %get3A_1081 = arith.constant 160 : index
        %get3A_1082 = tpu.vector_load %arg8[%get3A_1080, %get3A_1081] {strides = array<i32>} : memref<128x256xf32, #tpu.memory_space<vmem>>, vector<1x16xf32>,
        %get3A_1083 = vector.shape_cast %get3A_1082 : vector<1x16xf32> to vector<16xf32>
        %mul3A_1084 = arith.mulf %broadcast_in_dim3A_1045, %get3A_1083 : vector<16xf32>
        %add3A_1085 = arith.addf %get3A_1079, %mul3A_1084 : vector<16xf32>
        %swap3A_1086 = arith.index_cast %add3A_1042 : i32 to index
        %swap3A_1087 = arith.constant 32 : index
        %swap3A_1088 = tpu.vector_load %arg9[%swap3A_1086, %swap3A_1087] {strides = array<i32>} : memref<128x128xf32, #tpu.memory_space<vmem>>, vector<1x16xf32>,
        %swap3A_1089 = vector.shape_cast %swap3A_1088 : vector<1x16xf32> to vector<16xf32>
        %swap3A_1090 = vector.shape_cast %add3A_1085 : vector<16xf32> to vector<1x16xf32>
        tpu.vector_store %arg9[%swap3A_1086, %swap3A_1087], %swap3A_1090 {strides = array<i32>} : memref<128x128xf32, #tpu.memory_space<vmem>>, vector<1x16xf32>,
        %get3A_1091 = arith.index_cast %add3A_1042 : i32 to index
        %get3A_1092 = arith.constant 48 : index
        %get3A_1093 = tpu.vector_load %arg8[%get3A_1091, %get3A_1092] {strides = array<i32>} : memref<128x256xf32, #tpu.memory_space<vmem>>, vector<1x16xf32>,
        %get3A_1094 = vector.shape_cast %get3A_1093 : vector<1x16xf32> to vector<16xf32>
        %get3A_1095 = arith.index_cast %add3A_1042 : i32 to index
        %get3A_1096 = arith.constant 176 : index
        %get3A_1097 = tpu.vector_load %arg8[%get3A_1095, %get3A_1096] {strides = array<i32>} : memref<128x256xf32, #tpu.memory_space<vmem>>, vector<1x16xf32>,
        %get3A_1098 = vector.shape_cast %get3A_1097 : vector<1x16xf32> to vector<16xf32>
        %mul3A_1099 = arith.mulf %broadcast_in_dim3A_1045, %get3A_1098 : vector<16xf32>
        %add3A_1100 = arith.addf %get3A_1094, %mul3A_1099 : vector<16xf32>
        %swap3A_1101 = arith.index_cast %add3A_1042 : i32 to index
        %swap3A_1102 = arith.constant 48 : index
        %swap3A_1103 = tpu.vector_load %arg9[%swap3A_1101, %swap3A_1102] {strides = array<i32>} : memref<128x128xf32, #tpu.memory_space<vmem>>, vector<1x16xf32>,
        %swap3A_1104 = vector.shape_cast %swap3A_1103 : vector<1x16xf32> to vector<16xf32>
        %swap3A_1105 = vector.shape_cast %add3A_1100 : vector<16xf32> to vector<1x16xf32>
        tpu.vector_store %arg9[%swap3A_1101, %swap3A_1102], %swap3A_1105 {strides = array<i32>} : memref<128x128xf32, #tpu.memory_space<vmem>>, vector<1x16xf32>,
        %get3A_1106 = arith.index_cast %add3A_1042 : i32 to index
        %get3A_1107 = arith.constant 64 : index
        %get3A_1108 = tpu.vector_load %arg8[%get3A_1106, %get3A_1107] {strides = array<i32>} : memref<128x256xf32, #tpu.memory_space<vmem>>, vector<1x16xf32>,
        %get3A_1109 = vector.shape_cast %get3A_1108 : vector<1x16xf32> to vector<16xf32>
        %get3A_1110 = arith.index_cast %add3A_1042 : i32 to index
        %get3A_1111 = arith.constant 192 : index
        %get3A_1112 = tpu.vector_load %arg8[%get3A_1110, %get3A_1111] {strides = array<i32>} : memref<128x256xf32, #tpu.memory_space<vmem>>, vector<1x16xf32>,
        %get3A_1113 = vector.shape_cast %get3A_1112 : vector<1x16xf32> to vector<16xf32>
        %mul3A_1114 = arith.mulf %broadcast_in_dim3A_1045, %get3A_1113 : vector<16xf32>
        %add3A_1115 = arith.addf %get3A_1109, %mul3A_1114 : vector<16xf32>
        %swap3A_1116 = arith.index_cast %add3A_1042 : i32 to index
        %swap3A_1117 = arith.constant 64 : index
        %swap3A_1118 = tpu.vector_load %arg9[%swap3A_1116, %swap3A_1117] {strides = array<i32>} : memref<128x128xf32, #tpu.memory_space<vmem>>, vector<1x16xf32>,
        %swap3A_1119 = vector.shape_cast %swap3A_1118 : vector<1x16xf32> to vector<16xf32>
        %swap3A_1120 = vector.shape_cast %add3A_1115 : vector<16xf32> to vector<1x16xf32>
        tpu.vector_store %arg9[%swap3A_1116, %swap3A_1117], %swap3A_1120 {strides = array<i32>} : memref<128x128xf32, #tpu.memory_space<vmem>>, vector<1x16xf32>,
        %get3A_1121 = arith.index_cast %add3A_1042 : i32 to index
        %get3A_1122 = arith.constant 80 : index
        %get3A_1123 = tpu.vector_load %arg8[%get3A_1121, %get3A_1122] {strides = array<i32>} : memref<128x256xf32, #tpu.memory_space<vmem>>, vector<1x16xf32>,
        %get3A_1124 = vector.shape_cast %get3A_1123 : vector<1x16xf32> to vector<16xf32>
        %get3A_1125 = arith.index_cast %add3A_1042 : i32 to index
        %get3A_1126 = arith.constant 208 : index
        %get3A_1127 = tpu.vector_load %arg8[%get3A_1125, %get3A_1126] {strides = array<i32>} : memref<128x256xf32, #tpu.memory_space<vmem>>, vector<1x16xf32>,
        %get3A_1128 = vector.shape_cast %get3A_1127 : vector<1x16xf32> to vector<16xf32>
        %mul3A_1129 = arith.mulf %broadcast_in_dim3A_1045, %get3A_1128 : vector<16xf32>
        %add3A_1130 = arith.addf %get3A_1124, %mul3A_1129 : vector<16xf32>
        %swap3A_1131 = arith.index_cast %add3A_1042 : i32 to index
        %swap3A_1132 = arith.constant 80 : index
        %swap3A_1133 = tpu.vector_load %arg9[%swap3A_1131, %swap3A_1132] {strides = array<i32>} : memref<128x128xf32, #tpu.memory_space<vmem>>, vector<1x16xf32>,
        %swap3A_1134 = vector.shape_cast %swap3A_1133 : vector<1x16xf32> to vector<16xf32>
        %swap3A_1135 = vector.shape_cast %add3A_1130 : vector<16xf32> to vector<1x16xf32>
        tpu.vector_store %arg9[%swap3A_1131, %swap3A_1132], %swap3A_1135 {strides = array<i32>} : memref<128x128xf32, #tpu.memory_space<vmem>>, vector<1x16xf32>,
        %get3A_1136 = arith.index_cast %add3A_1042 : i32 to index
        %get3A_1137 = arith.constant 96 : index
        %get3A_1138 = tpu.vector_load %arg8[%get3A_1136, %get3A_1137] {strides = array<i32>} : memref<128x256xf32, #tpu.memory_space<vmem>>, vector<1x16xf32>,
        %get3A_1139 = vector.shape_cast %get3A_1138 : vector<1x16xf32> to vector<16xf32>
        %get3A_1140 = arith.index_cast %add3A_1042 : i32 to index
        %get3A_1141 = arith.constant 224 : index
        %get3A_1142 = tpu.vector_load %arg8[%get3A_1140, %get3A_1141] {strides = array<i32>} : memref<128x256xf32, #tpu.memory_space<vmem>>, vector<1x16xf32>,
        %get3A_1143 = vector.shape_cast %get3A_1142 : vector<1x16xf32> to vector<16xf32>
        %mul3A_1144 = arith.mulf %broadcast_in_dim3A_1045, %get3A_1143 : vector<16xf32>
        %add3A_1145 = arith.addf %get3A_1139, %mul3A_1144 : vector<16xf32>
        %swap3A_1146 = arith.index_cast %add3A_1042 : i32 to index
        %swap3A_1147 = arith.constant 96 : index
        %swap3A_1148 = tpu.vector_load %arg9[%swap3A_1146, %swap3A_1147] {strides = array<i32>} : memref<128x128xf32, #tpu.memory_space<vmem>>, vector<1x16xf32>,
        %swap3A_1149 = vector.shape_cast %swap3A_1148 : vector<1x16xf32> to vector<16xf32>
        %swap3A_1150 = vector.shape_cast %add3A_1145 : vector<16xf32> to vector<1x16xf32>
        tpu.vector_store %arg9[%swap3A_1146, %swap3A_1147], %swap3A_1150 {strides = array<i32>} : memref<128x128xf32, #tpu.memory_space<vmem>>, vector<1x16xf32>,
        %get3A_1151 = arith.index_cast %add3A_1042 : i32 to index
        %get3A_1152 = arith.constant 112 : index
        %get3A_1153 = tpu.vector_load %arg8[%get3A_1151, %get3A_1152] {strides = array<i32>} : memref<128x256xf32, #tpu.memory_space<vmem>>, vector<1x16xf32>,
        %get3A_1154 = vector.shape_cast %get3A_1153 : vector<1x16xf32> to vector<16xf32>
        %get3A_1155 = arith.index_cast %add3A_1042 : i32 to index
        %get3A_1156 = arith.constant 240 : index
        %get3A_1157 = tpu.vector_load %arg8[%get3A_1155, %get3A_1156] {strides = array<i32>} : memref<128x256xf32, #tpu.memory_space<vmem>>, vector<1x16xf32>,
        %get3A_1158 = vector.shape_cast %get3A_1157 : vector<1x16xf32> to vector<16xf32>
        %mul3A_1159 = arith.mulf %broadcast_in_dim3A_1045, %get3A_1158 : vector<16xf32>
        %add3A_1160 = arith.addf %get3A_1154, %mul3A_1159 : vector<16xf32>
        %swap3A_1161 = arith.index_cast %add3A_1042 : i32 to index
        %swap3A_1162 = arith.constant 112 : index
        %swap3A_1163 = tpu.vector_load %arg9[%swap3A_1161, %swap3A_1162] {strides = array<i32>} : memref<128x128xf32, #tpu.memory_space<vmem>>, vector<1x16xf32>,
        %swap3A_1164 = vector.shape_cast %swap3A_1163 : vector<1x16xf32> to vector<16xf32>
        %swap3A_1165 = vector.shape_cast %add3A_1160 : vector<16xf32> to vector<1x16xf32>
        tpu.vector_store %arg9[%swap3A_1161, %swap3A_1162], %swap3A_1165 {strides = array<i32>} : memref<128x128xf32, #tpu.memory_space<vmem>>, vector<1x16xf32>,
        %mul3A_1166 = arith.constant 16 : i32
        %mul3A_1167 = arith.muli %mul3A_1166, %scan3A_22 : i32
        %add3A_1168 = arith.constant 9 : i32
        %add3A_1169 = arith.addi %mul3A_1167, %add3A_1168 : i32
        %slice3A_1170 = vector.extract_strided_slice %get3A_26 {offsets = [9], sizes = [1], strides = [1]} : vector<16xf32> to vector<1xf32>
        %squeeze3A_1171 = vector.extract %slice3A_1170[0] : f32 from vector<1xf32>
        %broadcast_in_dim3A_1172 = vector.broadcast %squeeze3A_1171 : f32 to vector<16xf32>
        %get3A_1173 = arith.index_cast %add3A_1169 : i32 to index
        %get3A_1174 = arith.constant 0 : index
        %get3A_1175 = tpu.vector_load %arg8[%get3A_1173, %get3A_1174] {strides = array<i32>} : memref<128x256xf32, #tpu.memory_space<vmem>>, vector<1x16xf32>,
        %get3A_1176 = vector.shape_cast %get3A_1175 : vector<1x16xf32> to vector<16xf32>
        %get3A_1177 = arith.index_cast %add3A_1169 : i32 to index
        %get3A_1178 = arith.constant 128 : index
        %get3A_1179 = tpu.vector_load %arg8[%get3A_1177, %get3A_1178] {strides = array<i32>} : memref<128x256xf32, #tpu.memory_space<vmem>>, vector<1x16xf32>,
        %get3A_1180 = vector.shape_cast %get3A_1179 : vector<1x16xf32> to vector<16xf32>
        %mul3A_1181 = arith.mulf %broadcast_in_dim3A_1172, %get3A_1180 : vector<16xf32>
        %add3A_1182 = arith.addf %get3A_1176, %mul3A_1181 : vector<16xf32>
        %swap3A_1183 = arith.index_cast %add3A_1169 : i32 to index
        %swap3A_1184 = arith.constant 0 : index
        %swap3A_1185 = tpu.vector_load %arg9[%swap3A_1183, %swap3A_1184] {strides = array<i32>} : memref<128x128xf32, #tpu.memory_space<vmem>>, vector<1x16xf32>,
        %swap3A_1186 = vector.shape_cast %swap3A_1185 : vector<1x16xf32> to vector<16xf32>
        %swap3A_1187 = vector.shape_cast %add3A_1182 : vector<16xf32> to vector<1x16xf32>
        tpu.vector_store %arg9[%swap3A_1183, %swap3A_1184], %swap3A_1187 {strides = array<i32>} : memref<128x128xf32, #tpu.memory_space<vmem>>, vector<1x16xf32>,
        %get3A_1188 = arith.index_cast %add3A_1169 : i32 to index
        %get3A_1189 = arith.constant 16 : index
        %get3A_1190 = tpu.vector_load %arg8[%get3A_1188, %get3A_1189] {strides = array<i32>} : memref<128x256xf32, #tpu.memory_space<vmem>>, vector<1x16xf32>,
        %get3A_1191 = vector.shape_cast %get3A_1190 : vector<1x16xf32> to vector<16xf32>
        %get3A_1192 = arith.index_cast %add3A_1169 : i32 to index
        %get3A_1193 = arith.constant 144 : index
        %get3A_1194 = tpu.vector_load %arg8[%get3A_1192, %get3A_1193] {strides = array<i32>} : memref<128x256xf32, #tpu.memory_space<vmem>>, vector<1x16xf32>,
        %get3A_1195 = vector.shape_cast %get3A_1194 : vector<1x16xf32> to vector<16xf32>
        %mul3A_1196 = arith.mulf %broadcast_in_dim3A_1172, %get3A_1195 : vector<16xf32>
        %add3A_1197 = arith.addf %get3A_1191, %mul3A_1196 : vector<16xf32>
        %swap3A_1198 = arith.index_cast %add3A_1169 : i32 to index
        %swap3A_1199 = arith.constant 16 : index
        %swap3A_1200 = tpu.vector_load %arg9[%swap3A_1198, %swap3A_1199] {strides = array<i32>} : memref<128x128xf32, #tpu.memory_space<vmem>>, vector<1x16xf32>,
        %swap3A_1201 = vector.shape_cast %swap3A_1200 : vector<1x16xf32> to vector<16xf32>
        %swap3A_1202 = vector.shape_cast %add3A_1197 : vector<16xf32> to vector<1x16xf32>
        tpu.vector_store %arg9[%swap3A_1198, %swap3A_1199], %swap3A_1202 {strides = array<i32>} : memref<128x128xf32, #tpu.memory_space<vmem>>, vector<1x16xf32>,
        %get3A_1203 = arith.index_cast %add3A_1169 : i32 to index
        %get3A_1204 = arith.constant 32 : index
        %get3A_1205 = tpu.vector_load %arg8[%get3A_1203, %get3A_1204] {strides = array<i32>} : memref<128x256xf32, #tpu.memory_space<vmem>>, vector<1x16xf32>,
        %get3A_1206 = vector.shape_cast %get3A_1205 : vector<1x16xf32> to vector<16xf32>
        %get3A_1207 = arith.index_cast %add3A_1169 : i32 to index
        %get3A_1208 = arith.constant 160 : index
        %get3A_1209 = tpu.vector_load %arg8[%get3A_1207, %get3A_1208] {strides = array<i32>} : memref<128x256xf32, #tpu.memory_space<vmem>>, vector<1x16xf32>,
        %get3A_1210 = vector.shape_cast %get3A_1209 : vector<1x16xf32> to vector<16xf32>
        %mul3A_1211 = arith.mulf %broadcast_in_dim3A_1172, %get3A_1210 : vector<16xf32>
        %add3A_1212 = arith.addf %get3A_1206, %mul3A_1211 : vector<16xf32>
        %swap3A_1213 = arith.index_cast %add3A_1169 : i32 to index
        %swap3A_1214 = arith.constant 32 : index
        %swap3A_1215 = tpu.vector_load %arg9[%swap3A_1213, %swap3A_1214] {strides = array<i32>} : memref<128x128xf32, #tpu.memory_space<vmem>>, vector<1x16xf32>,
        %swap3A_1216 = vector.shape_cast %swap3A_1215 : vector<1x16xf32> to vector<16xf32>
        %swap3A_1217 = vector.shape_cast %add3A_1212 : vector<16xf32> to vector<1x16xf32>
        tpu.vector_store %arg9[%swap3A_1213, %swap3A_1214], %swap3A_1217 {strides = array<i32>} : memref<128x128xf32, #tpu.memory_space<vmem>>, vector<1x16xf32>,
        %get3A_1218 = arith.index_cast %add3A_1169 : i32 to index
        %get3A_1219 = arith.constant 48 : index
        %get3A_1220 = tpu.vector_load %arg8[%get3A_1218, %get3A_1219] {strides = array<i32>} : memref<128x256xf32, #tpu.memory_space<vmem>>, vector<1x16xf32>,
        %get3A_1221 = vector.shape_cast %get3A_1220 : vector<1x16xf32> to vector<16xf32>
        %get3A_1222 = arith.index_cast %add3A_1169 : i32 to index
        %get3A_1223 = arith.constant 176 : index
        %get3A_1224 = tpu.vector_load %arg8[%get3A_1222, %get3A_1223] {strides = array<i32>} : memref<128x256xf32, #tpu.memory_space<vmem>>, vector<1x16xf32>,
        %get3A_1225 = vector.shape_cast %get3A_1224 : vector<1x16xf32> to vector<16xf32>
        %mul3A_1226 = arith.mulf %broadcast_in_dim3A_1172, %get3A_1225 : vector<16xf32>
        %add3A_1227 = arith.addf %get3A_1221, %mul3A_1226 : vector<16xf32>
        %swap3A_1228 = arith.index_cast %add3A_1169 : i32 to index
        %swap3A_1229 = arith.constant 48 : index
        %swap3A_1230 = tpu.vector_load %arg9[%swap3A_1228, %swap3A_1229] {strides = array<i32>} : memref<128x128xf32, #tpu.memory_space<vmem>>, vector<1x16xf32>,
        %swap3A_1231 = vector.shape_cast %swap3A_1230 : vector<1x16xf32> to vector<16xf32>
        %swap3A_1232 = vector.shape_cast %add3A_1227 : vector<16xf32> to vector<1x16xf32>
        tpu.vector_store %arg9[%swap3A_1228, %swap3A_1229], %swap3A_1232 {strides = array<i32>} : memref<128x128xf32, #tpu.memory_space<vmem>>, vector<1x16xf32>,
        %get3A_1233 = arith.index_cast %add3A_1169 : i32 to index
        %get3A_1234 = arith.constant 64 : index
        %get3A_1235 = tpu.vector_load %arg8[%get3A_1233, %get3A_1234] {strides = array<i32>} : memref<128x256xf32, #tpu.memory_space<vmem>>, vector<1x16xf32>,
        %get3A_1236 = vector.shape_cast %get3A_1235 : vector<1x16xf32> to vector<16xf32>
        %get3A_1237 = arith.index_cast %add3A_1169 : i32 to index
        %get3A_1238 = arith.constant 192 : index
        %get3A_1239 = tpu.vector_load %arg8[%get3A_1237, %get3A_1238] {strides = array<i32>} : memref<128x256xf32, #tpu.memory_space<vmem>>, vector<1x16xf32>,
        %get3A_1240 = vector.shape_cast %get3A_1239 : vector<1x16xf32> to vector<16xf32>
        %mul3A_1241 = arith.mulf %broadcast_in_dim3A_1172, %get3A_1240 : vector<16xf32>
        %add3A_1242 = arith.addf %get3A_1236, %mul3A_1241 : vector<16xf32>
        %swap3A_1243 = arith.index_cast %add3A_1169 : i32 to index
        %swap3A_1244 = arith.constant 64 : index
        %swap3A_1245 = tpu.vector_load %arg9[%swap3A_1243, %swap3A_1244] {strides = array<i32>} : memref<128x128xf32, #tpu.memory_space<vmem>>, vector<1x16xf32>,
        %swap3A_1246 = vector.shape_cast %swap3A_1245 : vector<1x16xf32> to vector<16xf32>
        %swap3A_1247 = vector.shape_cast %add3A_1242 : vector<16xf32> to vector<1x16xf32>
        tpu.vector_store %arg9[%swap3A_1243, %swap3A_1244], %swap3A_1247 {strides = array<i32>} : memref<128x128xf32, #tpu.memory_space<vmem>>, vector<1x16xf32>,
        %get3A_1248 = arith.index_cast %add3A_1169 : i32 to index
        %get3A_1249 = arith.constant 80 : index
        %get3A_1250 = tpu.vector_load %arg8[%get3A_1248, %get3A_1249] {strides = array<i32>} : memref<128x256xf32, #tpu.memory_space<vmem>>, vector<1x16xf32>,
        %get3A_1251 = vector.shape_cast %get3A_1250 : vector<1x16xf32> to vector<16xf32>
        %get3A_1252 = arith.index_cast %add3A_1169 : i32 to index
        %get3A_1253 = arith.constant 208 : index
        %get3A_1254 = tpu.vector_load %arg8[%get3A_1252, %get3A_1253] {strides = array<i32>} : memref<128x256xf32, #tpu.memory_space<vmem>>, vector<1x16xf32>,
        %get3A_1255 = vector.shape_cast %get3A_1254 : vector<1x16xf32> to vector<16xf32>
        %mul3A_1256 = arith.mulf %broadcast_in_dim3A_1172, %get3A_1255 : vector<16xf32>
        %add3A_1257 = arith.addf %get3A_1251, %mul3A_1256 : vector<16xf32>
        %swap3A_1258 = arith.index_cast %add3A_1169 : i32 to index
        %swap3A_1259 = arith.constant 80 : index
        %swap3A_1260 = tpu.vector_load %arg9[%swap3A_1258, %swap3A_1259] {strides = array<i32>} : memref<128x128xf32, #tpu.memory_space<vmem>>, vector<1x16xf32>,
        %swap3A_1261 = vector.shape_cast %swap3A_1260 : vector<1x16xf32> to vector<16xf32>
        %swap3A_1262 = vector.shape_cast %add3A_1257 : vector<16xf32> to vector<1x16xf32>
        tpu.vector_store %arg9[%swap3A_1258, %swap3A_1259], %swap3A_1262 {strides = array<i32>} : memref<128x128xf32, #tpu.memory_space<vmem>>, vector<1x16xf32>,
        %get3A_1263 = arith.index_cast %add3A_1169 : i32 to index
        %get3A_1264 = arith.constant 96 : index
        %get3A_1265 = tpu.vector_load %arg8[%get3A_1263, %get3A_1264] {strides = array<i32>} : memref<128x256xf32, #tpu.memory_space<vmem>>, vector<1x16xf32>,
        %get3A_1266 = vector.shape_cast %get3A_1265 : vector<1x16xf32> to vector<16xf32>
        %get3A_1267 = arith.index_cast %add3A_1169 : i32 to index
        %get3A_1268 = arith.constant 224 : index
        %get3A_1269 = tpu.vector_load %arg8[%get3A_1267, %get3A_1268] {strides = array<i32>} : memref<128x256xf32, #tpu.memory_space<vmem>>, vector<1x16xf32>,
        %get3A_1270 = vector.shape_cast %get3A_1269 : vector<1x16xf32> to vector<16xf32>
        %mul3A_1271 = arith.mulf %broadcast_in_dim3A_1172, %get3A_1270 : vector<16xf32>
        %add3A_1272 = arith.addf %get3A_1266, %mul3A_1271 : vector<16xf32>
        %swap3A_1273 = arith.index_cast %add3A_1169 : i32 to index
        %swap3A_1274 = arith.constant 96 : index
        %swap3A_1275 = tpu.vector_load %arg9[%swap3A_1273, %swap3A_1274] {strides = array<i32>} : memref<128x128xf32, #tpu.memory_space<vmem>>, vector<1x16xf32>,
        %swap3A_1276 = vector.shape_cast %swap3A_1275 : vector<1x16xf32> to vector<16xf32>
        %swap3A_1277 = vector.shape_cast %add3A_1272 : vector<16xf32> to vector<1x16xf32>
        tpu.vector_store %arg9[%swap3A_1273, %swap3A_1274], %swap3A_1277 {strides = array<i32>} : memref<128x128xf32, #tpu.memory_space<vmem>>, vector<1x16xf32>,
        %get3A_1278 = arith.index_cast %add3A_1169 : i32 to index
        %get3A_1279 = arith.constant 112 : index
        %get3A_1280 = tpu.vector_load %arg8[%get3A_1278, %get3A_1279] {strides = array<i32>} : memref<128x256xf32, #tpu.memory_space<vmem>>, vector<1x16xf32>,
        %get3A_1281 = vector.shape_cast %get3A_1280 : vector<1x16xf32> to vector<16xf32>
        %get3A_1282 = arith.index_cast %add3A_1169 : i32 to index
        %get3A_1283 = arith.constant 240 : index
        %get3A_1284 = tpu.vector_load %arg8[%get3A_1282, %get3A_1283] {strides = array<i32>} : memref<128x256xf32, #tpu.memory_space<vmem>>, vector<1x16xf32>,
        %get3A_1285 = vector.shape_cast %get3A_1284 : vector<1x16xf32> to vector<16xf32>
        %mul3A_1286 = arith.mulf %broadcast_in_dim3A_1172, %get3A_1285 : vector<16xf32>
        %add3A_1287 = arith.addf %get3A_1281, %mul3A_1286 : vector<16xf32>
        %swap3A_1288 = arith.index_cast %add3A_1169 : i32 to index
        %swap3A_1289 = arith.constant 112 : index
        %swap3A_1290 = tpu.vector_load %arg9[%swap3A_1288, %swap3A_1289] {strides = array<i32>} : memref<128x128xf32, #tpu.memory_space<vmem>>, vector<1x16xf32>,
        %swap3A_1291 = vector.shape_cast %swap3A_1290 : vector<1x16xf32> to vector<16xf32>
        %swap3A_1292 = vector.shape_cast %add3A_1287 : vector<16xf32> to vector<1x16xf32>
        tpu.vector_store %arg9[%swap3A_1288, %swap3A_1289], %swap3A_1292 {strides = array<i32>} : memref<128x128xf32, #tpu.memory_space<vmem>>, vector<1x16xf32>,
        %mul3A_1293 = arith.constant 16 : i32
        %mul3A_1294 = arith.muli %mul3A_1293, %scan3A_22 : i32
        %add3A_1295 = arith.constant 10 : i32
        %add3A_1296 = arith.addi %mul3A_1294, %add3A_1295 : i32
        %slice3A_1297 = vector.extract_strided_slice %get3A_26 {offsets = [10], sizes = [1], strides = [1]} : vector<16xf32> to vector<1xf32>
        %squeeze3A_1298 = vector.extract %slice3A_1297[0] : f32 from vector<1xf32>
        %broadcast_in_dim3A_1299 = vector.broadcast %squeeze3A_1298 : f32 to vector<16xf32>
        %get3A_1300 = arith.index_cast %add3A_1296 : i32 to index
        %get3A_1301 = arith.constant 0 : index
        %get3A_1302 = tpu.vector_load %arg8[%get3A_1300, %get3A_1301] {strides = array<i32>} : memref<128x256xf32, #tpu.memory_space<vmem>>, vector<1x16xf32>,
        %get3A_1303 = vector.shape_cast %get3A_1302 : vector<1x16xf32> to vector<16xf32>
        %get3A_1304 = arith.index_cast %add3A_1296 : i32 to index
        %get3A_1305 = arith.constant 128 : index
        %get3A_1306 = tpu.vector_load %arg8[%get3A_1304, %get3A_1305] {strides = array<i32>} : memref<128x256xf32, #tpu.memory_space<vmem>>, vector<1x16xf32>,
        %get3A_1307 = vector.shape_cast %get3A_1306 : vector<1x16xf32> to vector<16xf32>
        %mul3A_1308 = arith.mulf %broadcast_in_dim3A_1299, %get3A_1307 : vector<16xf32>
        %add3A_1309 = arith.addf %get3A_1303, %mul3A_1308 : vector<16xf32>
        %swap3A_1310 = arith.index_cast %add3A_1296 : i32 to index
        %swap3A_1311 = arith.constant 0 : index
        %swap3A_1312 = tpu.vector_load %arg9[%swap3A_1310, %swap3A_1311] {strides = array<i32>} : memref<128x128xf32, #tpu.memory_space<vmem>>, vector<1x16xf32>,
        %swap3A_1313 = vector.shape_cast %swap3A_1312 : vector<1x16xf32> to vector<16xf32>
        %swap3A_1314 = vector.shape_cast %add3A_1309 : vector<16xf32> to vector<1x16xf32>
        tpu.vector_store %arg9[%swap3A_1310, %swap3A_1311], %swap3A_1314 {strides = array<i32>} : memref<128x128xf32, #tpu.memory_space<vmem>>, vector<1x16xf32>,
        %get3A_1315 = arith.index_cast %add3A_1296 : i32 to index
        %get3A_1316 = arith.constant 16 : index
        %get3A_1317 = tpu.vector_load %arg8[%get3A_1315, %get3A_1316] {strides = array<i32>} : memref<128x256xf32, #tpu.memory_space<vmem>>, vector<1x16xf32>,
        %get3A_1318 = vector.shape_cast %get3A_1317 : vector<1x16xf32> to vector<16xf32>
        %get3A_1319 = arith.index_cast %add3A_1296 : i32 to index
        %get3A_1320 = arith.constant 144 : index
        %get3A_1321 = tpu.vector_load %arg8[%get3A_1319, %get3A_1320] {strides = array<i32>} : memref<128x256xf32, #tpu.memory_space<vmem>>, vector<1x16xf32>,
        %get3A_1322 = vector.shape_cast %get3A_1321 : vector<1x16xf32> to vector<16xf32>
        %mul3A_1323 = arith.mulf %broadcast_in_dim3A_1299, %get3A_1322 : vector<16xf32>
        %add3A_1324 = arith.addf %get3A_1318, %mul3A_1323 : vector<16xf32>
        %swap3A_1325 = arith.index_cast %add3A_1296 : i32 to index
        %swap3A_1326 = arith.constant 16 : index
        %swap3A_1327 = tpu.vector_load %arg9[%swap3A_1325, %swap3A_1326] {strides = array<i32>} : memref<128x128xf32, #tpu.memory_space<vmem>>, vector<1x16xf32>,
        %swap3A_1328 = vector.shape_cast %swap3A_1327 : vector<1x16xf32> to vector<16xf32>
        %swap3A_1329 = vector.shape_cast %add3A_1324 : vector<16xf32> to vector<1x16xf32>
        tpu.vector_store %arg9[%swap3A_1325, %swap3A_1326], %swap3A_1329 {strides = array<i32>} : memref<128x128xf32, #tpu.memory_space<vmem>>, vector<1x16xf32>,
        %get3A_1330 = arith.index_cast %add3A_1296 : i32 to index
        %get3A_1331 = arith.constant 32 : index
        %get3A_1332 = tpu.vector_load %arg8[%get3A_1330, %get3A_1331] {strides = array<i32>} : memref<128x256xf32, #tpu.memory_space<vmem>>, vector<1x16xf32>,
        %get3A_1333 = vector.shape_cast %get3A_1332 : vector<1x16xf32> to vector<16xf32>
        %get3A_1334 = arith.index_cast %add3A_1296 : i32 to index
        %get3A_1335 = arith.constant 160 : index
        %get3A_1336 = tpu.vector_load %arg8[%get3A_1334, %get3A_1335] {strides = array<i32>} : memref<128x256xf32, #tpu.memory_space<vmem>>, vector<1x16xf32>,
        %get3A_1337 = vector.shape_cast %get3A_1336 : vector<1x16xf32> to vector<16xf32>
        %mul3A_1338 = arith.mulf %broadcast_in_dim3A_1299, %get3A_1337 : vector<16xf32>
        %add3A_1339 = arith.addf %get3A_1333, %mul3A_1338 : vector<16xf32>
        %swap3A_1340 = arith.index_cast %add3A_1296 : i32 to index
        %swap3A_1341 = arith.constant 32 : index
        %swap3A_1342 = tpu.vector_load %arg9[%swap3A_1340, %swap3A_1341] {strides = array<i32>} : memref<128x128xf32, #tpu.memory_space<vmem>>, vector<1x16xf32>,
        %swap3A_1343 = vector.shape_cast %swap3A_1342 : vector<1x16xf32> to vector<16xf32>
        %swap3A_1344 = vector.shape_cast %add3A_1339 : vector<16xf32> to vector<1x16xf32>
        tpu.vector_store %arg9[%swap3A_1340, %swap3A_1341], %swap3A_1344 {strides = array<i32>} : memref<128x128xf32, #tpu.memory_space<vmem>>, vector<1x16xf32>,
        %get3A_1345 = arith.index_cast %add3A_1296 : i32 to index
        %get3A_1346 = arith.constant 48 : index
        %get3A_1347 = tpu.vector_load %arg8[%get3A_1345, %get3A_1346] {strides = array<i32>} : memref<128x256xf32, #tpu.memory_space<vmem>>, vector<1x16xf32>,
        %get3A_1348 = vector.shape_cast %get3A_1347 : vector<1x16xf32> to vector<16xf32>
        %get3A_1349 = arith.index_cast %add3A_1296 : i32 to index
        %get3A_1350 = arith.constant 176 : index
        %get3A_1351 = tpu.vector_load %arg8[%get3A_1349, %get3A_1350] {strides = array<i32>} : memref<128x256xf32, #tpu.memory_space<vmem>>, vector<1x16xf32>,
        %get3A_1352 = vector.shape_cast %get3A_1351 : vector<1x16xf32> to vector<16xf32>
        %mul3A_1353 = arith.mulf %broadcast_in_dim3A_1299, %get3A_1352 : vector<16xf32>
        %add3A_1354 = arith.addf %get3A_1348, %mul3A_1353 : vector<16xf32>
        %swap3A_1355 = arith.index_cast %add3A_1296 : i32 to index
        %swap3A_1356 = arith.constant 48 : index
        %swap3A_1357 = tpu.vector_load %arg9[%swap3A_1355, %swap3A_1356] {strides = array<i32>} : memref<128x128xf32, #tpu.memory_space<vmem>>, vector<1x16xf32>,
        %swap3A_1358 = vector.shape_cast %swap3A_1357 : vector<1x16xf32> to vector<16xf32>
        %swap3A_1359 = vector.shape_cast %add3A_1354 : vector<16xf32> to vector<1x16xf32>
        tpu.vector_store %arg9[%swap3A_1355, %swap3A_1356], %swap3A_1359 {strides = array<i32>} : memref<128x128xf32, #tpu.memory_space<vmem>>, vector<1x16xf32>,
        %get3A_1360 = arith.index_cast %add3A_1296 : i32 to index
        %get3A_1361 = arith.constant 64 : index
        %get3A_1362 = tpu.vector_load %arg8[%get3A_1360, %get3A_1361] {strides = array<i32>} : memref<128x256xf32, #tpu.memory_space<vmem>>, vector<1x16xf32>,
        %get3A_1363 = vector.shape_cast %get3A_1362 : vector<1x16xf32> to vector<16xf32>
        %get3A_1364 = arith.index_cast %add3A_1296 : i32 to index
        %get3A_1365 = arith.constant 192 : index
        %get3A_1366 = tpu.vector_load %arg8[%get3A_1364, %get3A_1365] {strides = array<i32>} : memref<128x256xf32, #tpu.memory_space<vmem>>, vector<1x16xf32>,
        %get3A_1367 = vector.shape_cast %get3A_1366 : vector<1x16xf32> to vector<16xf32>
        %mul3A_1368 = arith.mulf %broadcast_in_dim3A_1299, %get3A_1367 : vector<16xf32>
        %add3A_1369 = arith.addf %get3A_1363, %mul3A_1368 : vector<16xf32>
        %swap3A_1370 = arith.index_cast %add3A_1296 : i32 to index
        %swap3A_1371 = arith.constant 64 : index
        %swap3A_1372 = tpu.vector_load %arg9[%swap3A_1370, %swap3A_1371] {strides = array<i32>} : memref<128x128xf32, #tpu.memory_space<vmem>>, vector<1x16xf32>,
        %swap3A_1373 = vector.shape_cast %swap3A_1372 : vector<1x16xf32> to vector<16xf32>
        %swap3A_1374 = vector.shape_cast %add3A_1369 : vector<16xf32> to vector<1x16xf32>
        tpu.vector_store %arg9[%swap3A_1370, %swap3A_1371], %swap3A_1374 {strides = array<i32>} : memref<128x128xf32, #tpu.memory_space<vmem>>, vector<1x16xf32>,
        %get3A_1375 = arith.index_cast %add3A_1296 : i32 to index
        %get3A_1376 = arith.constant 80 : index
        %get3A_1377 = tpu.vector_load %arg8[%get3A_1375, %get3A_1376] {strides = array<i32>} : memref<128x256xf32, #tpu.memory_space<vmem>>, vector<1x16xf32>,
        %get3A_1378 = vector.shape_cast %get3A_1377 : vector<1x16xf32> to vector<16xf32>
        %get3A_1379 = arith.index_cast %add3A_1296 : i32 to index
        %get3A_1380 = arith.constant 208 : index
        %get3A_1381 = tpu.vector_load %arg8[%get3A_1379, %get3A_1380] {strides = array<i32>} : memref<128x256xf32, #tpu.memory_space<vmem>>, vector<1x16xf32>,
        %get3A_1382 = vector.shape_cast %get3A_1381 : vector<1x16xf32> to vector<16xf32>
        %mul3A_1383 = arith.mulf %broadcast_in_dim3A_1299, %get3A_1382 : vector<16xf32>
        %add3A_1384 = arith.addf %get3A_1378, %mul3A_1383 : vector<16xf32>
        %swap3A_1385 = arith.index_cast %add3A_1296 : i32 to index
        %swap3A_1386 = arith.constant 80 : index
        %swap3A_1387 = tpu.vector_load %arg9[%swap3A_1385, %swap3A_1386] {strides = array<i32>} : memref<128x128xf32, #tpu.memory_space<vmem>>, vector<1x16xf32>,
        %swap3A_1388 = vector.shape_cast %swap3A_1387 : vector<1x16xf32> to vector<16xf32>
        %swap3A_1389 = vector.shape_cast %add3A_1384 : vector<16xf32> to vector<1x16xf32>
        tpu.vector_store %arg9[%swap3A_1385, %swap3A_1386], %swap3A_1389 {strides = array<i32>} : memref<128x128xf32, #tpu.memory_space<vmem>>, vector<1x16xf32>,
        %get3A_1390 = arith.index_cast %add3A_1296 : i32 to index
        %get3A_1391 = arith.constant 96 : index
        %get3A_1392 = tpu.vector_load %arg8[%get3A_1390, %get3A_1391] {strides = array<i32>} : memref<128x256xf32, #tpu.memory_space<vmem>>, vector<1x16xf32>,
        %get3A_1393 = vector.shape_cast %get3A_1392 : vector<1x16xf32> to vector<16xf32>
        %get3A_1394 = arith.index_cast %add3A_1296 : i32 to index
        %get3A_1395 = arith.constant 224 : index
        %get3A_1396 = tpu.vector_load %arg8[%get3A_1394, %get3A_1395] {strides = array<i32>} : memref<128x256xf32, #tpu.memory_space<vmem>>, vector<1x16xf32>,
        %get3A_1397 = vector.shape_cast %get3A_1396 : vector<1x16xf32> to vector<16xf32>
        %mul3A_1398 = arith.mulf %broadcast_in_dim3A_1299, %get3A_1397 : vector<16xf32>
        %add3A_1399 = arith.addf %get3A_1393, %mul3A_1398 : vector<16xf32>
        %swap3A_1400 = arith.index_cast %add3A_1296 : i32 to index
        %swap3A_1401 = arith.constant 96 : index
        %swap3A_1402 = tpu.vector_load %arg9[%swap3A_1400, %swap3A_1401] {strides = array<i32>} : memref<128x128xf32, #tpu.memory_space<vmem>>, vector<1x16xf32>,
        %swap3A_1403 = vector.shape_cast %swap3A_1402 : vector<1x16xf32> to vector<16xf32>
        %swap3A_1404 = vector.shape_cast %add3A_1399 : vector<16xf32> to vector<1x16xf32>
        tpu.vector_store %arg9[%swap3A_1400, %swap3A_1401], %swap3A_1404 {strides = array<i32>} : memref<128x128xf32, #tpu.memory_space<vmem>>, vector<1x16xf32>,
        %get3A_1405 = arith.index_cast %add3A_1296 : i32 to index
        %get3A_1406 = arith.constant 112 : index
        %get3A_1407 = tpu.vector_load %arg8[%get3A_1405, %get3A_1406] {strides = array<i32>} : memref<128x256xf32, #tpu.memory_space<vmem>>, vector<1x16xf32>,
        %get3A_1408 = vector.shape_cast %get3A_1407 : vector<1x16xf32> to vector<16xf32>
        %get3A_1409 = arith.index_cast %add3A_1296 : i32 to index
        %get3A_1410 = arith.constant 240 : index
        %get3A_1411 = tpu.vector_load %arg8[%get3A_1409, %get3A_1410] {strides = array<i32>} : memref<128x256xf32, #tpu.memory_space<vmem>>, vector<1x16xf32>,
        %get3A_1412 = vector.shape_cast %get3A_1411 : vector<1x16xf32> to vector<16xf32>
        %mul3A_1413 = arith.mulf %broadcast_in_dim3A_1299, %get3A_1412 : vector<16xf32>
        %add3A_1414 = arith.addf %get3A_1408, %mul3A_1413 : vector<16xf32>
        %swap3A_1415 = arith.index_cast %add3A_1296 : i32 to index
        %swap3A_1416 = arith.constant 112 : index
        %swap3A_1417 = tpu.vector_load %arg9[%swap3A_1415, %swap3A_1416] {strides = array<i32>} : memref<128x128xf32, #tpu.memory_space<vmem>>, vector<1x16xf32>,
        %swap3A_1418 = vector.shape_cast %swap3A_1417 : vector<1x16xf32> to vector<16xf32>
        %swap3A_1419 = vector.shape_cast %add3A_1414 : vector<16xf32> to vector<1x16xf32>
        tpu.vector_store %arg9[%swap3A_1415, %swap3A_1416], %swap3A_1419 {strides = array<i32>} : memref<128x128xf32, #tpu.memory_space<vmem>>, vector<1x16xf32>,
        %mul3A_1420 = arith.constant 16 : i32
        %mul3A_1421 = arith.muli %mul3A_1420, %scan3A_22 : i32
        %add3A_1422 = arith.constant 11 : i32
        %add3A_1423 = arith.addi %mul3A_1421, %add3A_1422 : i32
        %slice3A_1424 = vector.extract_strided_slice %get3A_26 {offsets = [11], sizes = [1], strides = [1]} : vector<16xf32> to vector<1xf32>
        %squeeze3A_1425 = vector.extract %slice3A_1424[0] : f32 from vector<1xf32>
        %broadcast_in_dim3A_1426 = vector.broadcast %squeeze3A_1425 : f32 to vector<16xf32>
        %get3A_1427 = arith.index_cast %add3A_1423 : i32 to index
        %get3A_1428 = arith.constant 0 : index
        %get3A_1429 = tpu.vector_load %arg8[%get3A_1427, %get3A_1428] {strides = array<i32>} : memref<128x256xf32, #tpu.memory_space<vmem>>, vector<1x16xf32>,
        %get3A_1430 = vector.shape_cast %get3A_1429 : vector<1x16xf32> to vector<16xf32>
        %get3A_1431 = arith.index_cast %add3A_1423 : i32 to index
        %get3A_1432 = arith.constant 128 : index
        %get3A_1433 = tpu.vector_load %arg8[%get3A_1431, %get3A_1432] {strides = array<i32>} : memref<128x256xf32, #tpu.memory_space<vmem>>, vector<1x16xf32>,
        %get3A_1434 = vector.shape_cast %get3A_1433 : vector<1x16xf32> to vector<16xf32>
        %mul3A_1435 = arith.mulf %broadcast_in_dim3A_1426, %get3A_1434 : vector<16xf32>
        %add3A_1436 = arith.addf %get3A_1430, %mul3A_1435 : vector<16xf32>
        %swap3A_1437 = arith.index_cast %add3A_1423 : i32 to index
        %swap3A_1438 = arith.constant 0 : index
        %swap3A_1439 = tpu.vector_load %arg9[%swap3A_1437, %swap3A_1438] {strides = array<i32>} : memref<128x128xf32, #tpu.memory_space<vmem>>, vector<1x16xf32>,
        %swap3A_1440 = vector.shape_cast %swap3A_1439 : vector<1x16xf32> to vector<16xf32>
        %swap3A_1441 = vector.shape_cast %add3A_1436 : vector<16xf32> to vector<1x16xf32>
        tpu.vector_store %arg9[%swap3A_1437, %swap3A_1438], %swap3A_1441 {strides = array<i32>} : memref<128x128xf32, #tpu.memory_space<vmem>>, vector<1x16xf32>,
        %get3A_1442 = arith.index_cast %add3A_1423 : i32 to index
        %get3A_1443 = arith.constant 16 : index
        %get3A_1444 = tpu.vector_load %arg8[%get3A_1442, %get3A_1443] {strides = array<i32>} : memref<128x256xf32, #tpu.memory_space<vmem>>, vector<1x16xf32>,
        %get3A_1445 = vector.shape_cast %get3A_1444 : vector<1x16xf32> to vector<16xf32>
        %get3A_1446 = arith.index_cast %add3A_1423 : i32 to index
        %get3A_1447 = arith.constant 144 : index
        %get3A_1448 = tpu.vector_load %arg8[%get3A_1446, %get3A_1447] {strides = array<i32>} : memref<128x256xf32, #tpu.memory_space<vmem>>, vector<1x16xf32>,
        %get3A_1449 = vector.shape_cast %get3A_1448 : vector<1x16xf32> to vector<16xf32>
        %mul3A_1450 = arith.mulf %broadcast_in_dim3A_1426, %get3A_1449 : vector<16xf32>
        %add3A_1451 = arith.addf %get3A_1445, %mul3A_1450 : vector<16xf32>
        %swap3A_1452 = arith.index_cast %add3A_1423 : i32 to index
        %swap3A_1453 = arith.constant 16 : index
        %swap3A_1454 = tpu.vector_load %arg9[%swap3A_1452, %swap3A_1453] {strides = array<i32>} : memref<128x128xf32, #tpu.memory_space<vmem>>, vector<1x16xf32>,
        %swap3A_1455 = vector.shape_cast %swap3A_1454 : vector<1x16xf32> to vector<16xf32>
        %swap3A_1456 = vector.shape_cast %add3A_1451 : vector<16xf32> to vector<1x16xf32>
        tpu.vector_store %arg9[%swap3A_1452, %swap3A_1453], %swap3A_1456 {strides = array<i32>} : memref<128x128xf32, #tpu.memory_space<vmem>>, vector<1x16xf32>,
        %get3A_1457 = arith.index_cast %add3A_1423 : i32 to index
        %get3A_1458 = arith.constant 32 : index
        %get3A_1459 = tpu.vector_load %arg8[%get3A_1457, %get3A_1458] {strides = array<i32>} : memref<128x256xf32, #tpu.memory_space<vmem>>, vector<1x16xf32>,
        %get3A_1460 = vector.shape_cast %get3A_1459 : vector<1x16xf32> to vector<16xf32>
        %get3A_1461 = arith.index_cast %add3A_1423 : i32 to index
        %get3A_1462 = arith.constant 160 : index
        %get3A_1463 = tpu.vector_load %arg8[%get3A_1461, %get3A_1462] {strides = array<i32>} : memref<128x256xf32, #tpu.memory_space<vmem>>, vector<1x16xf32>,
        %get3A_1464 = vector.shape_cast %get3A_1463 : vector<1x16xf32> to vector<16xf32>
        %mul3A_1465 = arith.mulf %broadcast_in_dim3A_1426, %get3A_1464 : vector<16xf32>
        %add3A_1466 = arith.addf %get3A_1460, %mul3A_1465 : vector<16xf32>
        %swap3A_1467 = arith.index_cast %add3A_1423 : i32 to index
        %swap3A_1468 = arith.constant 32 : index
        %swap3A_1469 = tpu.vector_load %arg9[%swap3A_1467, %swap3A_1468] {strides = array<i32>} : memref<128x128xf32, #tpu.memory_space<vmem>>, vector<1x16xf32>,
        %swap3A_1470 = vector.shape_cast %swap3A_1469 : vector<1x16xf32> to vector<16xf32>
        %swap3A_1471 = vector.shape_cast %add3A_1466 : vector<16xf32> to vector<1x16xf32>
        tpu.vector_store %arg9[%swap3A_1467, %swap3A_1468], %swap3A_1471 {strides = array<i32>} : memref<128x128xf32, #tpu.memory_space<vmem>>, vector<1x16xf32>,
        %get3A_1472 = arith.index_cast %add3A_1423 : i32 to index
        %get3A_1473 = arith.constant 48 : index
        %get3A_1474 = tpu.vector_load %arg8[%get3A_1472, %get3A_1473] {strides = array<i32>} : memref<128x256xf32, #tpu.memory_space<vmem>>, vector<1x16xf32>,
        %get3A_1475 = vector.shape_cast %get3A_1474 : vector<1x16xf32> to vector<16xf32>
        %get3A_1476 = arith.index_cast %add3A_1423 : i32 to index
        %get3A_1477 = arith.constant 176 : index
        %get3A_1478 = tpu.vector_load %arg8[%get3A_1476, %get3A_1477] {strides = array<i32>} : memref<128x256xf32, #tpu.memory_space<vmem>>, vector<1x16xf32>,
        %get3A_1479 = vector.shape_cast %get3A_1478 : vector<1x16xf32> to vector<16xf32>
        %mul3A_1480 = arith.mulf %broadcast_in_dim3A_1426, %get3A_1479 : vector<16xf32>
        %add3A_1481 = arith.addf %get3A_1475, %mul3A_1480 : vector<16xf32>
        %swap3A_1482 = arith.index_cast %add3A_1423 : i32 to index
        %swap3A_1483 = arith.constant 48 : index
        %swap3A_1484 = tpu.vector_load %arg9[%swap3A_1482, %swap3A_1483] {strides = array<i32>} : memref<128x128xf32, #tpu.memory_space<vmem>>, vector<1x16xf32>,
        %swap3A_1485 = vector.shape_cast %swap3A_1484 : vector<1x16xf32> to vector<16xf32>
        %swap3A_1486 = vector.shape_cast %add3A_1481 : vector<16xf32> to vector<1x16xf32>
        tpu.vector_store %arg9[%swap3A_1482, %swap3A_1483], %swap3A_1486 {strides = array<i32>} : memref<128x128xf32, #tpu.memory_space<vmem>>, vector<1x16xf32>,
        %get3A_1487 = arith.index_cast %add3A_1423 : i32 to index
        %get3A_1488 = arith.constant 64 : index
        %get3A_1489 = tpu.vector_load %arg8[%get3A_1487, %get3A_1488] {strides = array<i32>} : memref<128x256xf32, #tpu.memory_space<vmem>>, vector<1x16xf32>,
        %get3A_1490 = vector.shape_cast %get3A_1489 : vector<1x16xf32> to vector<16xf32>
        %get3A_1491 = arith.index_cast %add3A_1423 : i32 to index
        %get3A_1492 = arith.constant 192 : index
        %get3A_1493 = tpu.vector_load %arg8[%get3A_1491, %get3A_1492] {strides = array<i32>} : memref<128x256xf32, #tpu.memory_space<vmem>>, vector<1x16xf32>,
        %get3A_1494 = vector.shape_cast %get3A_1493 : vector<1x16xf32> to vector<16xf32>
        %mul3A_1495 = arith.mulf %broadcast_in_dim3A_1426, %get3A_1494 : vector<16xf32>
        %add3A_1496 = arith.addf %get3A_1490, %mul3A_1495 : vector<16xf32>
        %swap3A_1497 = arith.index_cast %add3A_1423 : i32 to index
        %swap3A_1498 = arith.constant 64 : index
        %swap3A_1499 = tpu.vector_load %arg9[%swap3A_1497, %swap3A_1498] {strides = array<i32>} : memref<128x128xf32, #tpu.memory_space<vmem>>, vector<1x16xf32>,
        %swap3A_1500 = vector.shape_cast %swap3A_1499 : vector<1x16xf32> to vector<16xf32>
        %swap3A_1501 = vector.shape_cast %add3A_1496 : vector<16xf32> to vector<1x16xf32>
        tpu.vector_store %arg9[%swap3A_1497, %swap3A_1498], %swap3A_1501 {strides = array<i32>} : memref<128x128xf32, #tpu.memory_space<vmem>>, vector<1x16xf32>,
        %get3A_1502 = arith.index_cast %add3A_1423 : i32 to index
        %get3A_1503 = arith.constant 80 : index
        %get3A_1504 = tpu.vector_load %arg8[%get3A_1502, %get3A_1503] {strides = array<i32>} : memref<128x256xf32, #tpu.memory_space<vmem>>, vector<1x16xf32>,
        %get3A_1505 = vector.shape_cast %get3A_1504 : vector<1x16xf32> to vector<16xf32>
        %get3A_1506 = arith.index_cast %add3A_1423 : i32 to index
        %get3A_1507 = arith.constant 208 : index
        %get3A_1508 = tpu.vector_load %arg8[%get3A_1506, %get3A_1507] {strides = array<i32>} : memref<128x256xf32, #tpu.memory_space<vmem>>, vector<1x16xf32>,
        %get3A_1509 = vector.shape_cast %get3A_1508 : vector<1x16xf32> to vector<16xf32>
        %mul3A_1510 = arith.mulf %broadcast_in_dim3A_1426, %get3A_1509 : vector<16xf32>
        %add3A_1511 = arith.addf %get3A_1505, %mul3A_1510 : vector<16xf32>
        %swap3A_1512 = arith.index_cast %add3A_1423 : i32 to index
        %swap3A_1513 = arith.constant 80 : index
        %swap3A_1514 = tpu.vector_load %arg9[%swap3A_1512, %swap3A_1513] {strides = array<i32>} : memref<128x128xf32, #tpu.memory_space<vmem>>, vector<1x16xf32>,
        %swap3A_1515 = vector.shape_cast %swap3A_1514 : vector<1x16xf32> to vector<16xf32>
        %swap3A_1516 = vector.shape_cast %add3A_1511 : vector<16xf32> to vector<1x16xf32>
        tpu.vector_store %arg9[%swap3A_1512, %swap3A_1513], %swap3A_1516 {strides = array<i32>} : memref<128x128xf32, #tpu.memory_space<vmem>>, vector<1x16xf32>,
        %get3A_1517 = arith.index_cast %add3A_1423 : i32 to index
        %get3A_1518 = arith.constant 96 : index
        %get3A_1519 = tpu.vector_load %arg8[%get3A_1517, %get3A_1518] {strides = array<i32>} : memref<128x256xf32, #tpu.memory_space<vmem>>, vector<1x16xf32>,
        %get3A_1520 = vector.shape_cast %get3A_1519 : vector<1x16xf32> to vector<16xf32>
        %get3A_1521 = arith.index_cast %add3A_1423 : i32 to index
        %get3A_1522 = arith.constant 224 : index
        %get3A_1523 = tpu.vector_load %arg8[%get3A_1521, %get3A_1522] {strides = array<i32>} : memref<128x256xf32, #tpu.memory_space<vmem>>, vector<1x16xf32>,
        %get3A_1524 = vector.shape_cast %get3A_1523 : vector<1x16xf32> to vector<16xf32>
        %mul3A_1525 = arith.mulf %broadcast_in_dim3A_1426, %get3A_1524 : vector<16xf32>
        %add3A_1526 = arith.addf %get3A_1520, %mul3A_1525 : vector<16xf32>
        %swap3A_1527 = arith.index_cast %add3A_1423 : i32 to index
        %swap3A_1528 = arith.constant 96 : index
        %swap3A_1529 = tpu.vector_load %arg9[%swap3A_1527, %swap3A_1528] {strides = array<i32>} : memref<128x128xf32, #tpu.memory_space<vmem>>, vector<1x16xf32>,
        %swap3A_1530 = vector.shape_cast %swap3A_1529 : vector<1x16xf32> to vector<16xf32>
        %swap3A_1531 = vector.shape_cast %add3A_1526 : vector<16xf32> to vector<1x16xf32>
        tpu.vector_store %arg9[%swap3A_1527, %swap3A_1528], %swap3A_1531 {strides = array<i32>} : memref<128x128xf32, #tpu.memory_space<vmem>>, vector<1x16xf32>,
        %get3A_1532 = arith.index_cast %add3A_1423 : i32 to index
        %get3A_1533 = arith.constant 112 : index
        %get3A_1534 = tpu.vector_load %arg8[%get3A_1532, %get3A_1533] {strides = array<i32>} : memref<128x256xf32, #tpu.memory_space<vmem>>, vector<1x16xf32>,
        %get3A_1535 = vector.shape_cast %get3A_1534 : vector<1x16xf32> to vector<16xf32>
        %get3A_1536 = arith.index_cast %add3A_1423 : i32 to index
        %get3A_1537 = arith.constant 240 : index
        %get3A_1538 = tpu.vector_load %arg8[%get3A_1536, %get3A_1537] {strides = array<i32>} : memref<128x256xf32, #tpu.memory_space<vmem>>, vector<1x16xf32>,
        %get3A_1539 = vector.shape_cast %get3A_1538 : vector<1x16xf32> to vector<16xf32>
        %mul3A_1540 = arith.mulf %broadcast_in_dim3A_1426, %get3A_1539 : vector<16xf32>
        %add3A_1541 = arith.addf %get3A_1535, %mul3A_1540 : vector<16xf32>
        %swap3A_1542 = arith.index_cast %add3A_1423 : i32 to index
        %swap3A_1543 = arith.constant 112 : index
        %swap3A_1544 = tpu.vector_load %arg9[%swap3A_1542, %swap3A_1543] {strides = array<i32>} : memref<128x128xf32, #tpu.memory_space<vmem>>, vector<1x16xf32>,
        %swap3A_1545 = vector.shape_cast %swap3A_1544 : vector<1x16xf32> to vector<16xf32>
        %swap3A_1546 = vector.shape_cast %add3A_1541 : vector<16xf32> to vector<1x16xf32>
        tpu.vector_store %arg9[%swap3A_1542, %swap3A_1543], %swap3A_1546 {strides = array<i32>} : memref<128x128xf32, #tpu.memory_space<vmem>>, vector<1x16xf32>,
        %mul3A_1547 = arith.constant 16 : i32
        %mul3A_1548 = arith.muli %mul3A_1547, %scan3A_22 : i32
        %add3A_1549 = arith.constant 12 : i32
        %add3A_1550 = arith.addi %mul3A_1548, %add3A_1549 : i32
        %slice3A_1551 = vector.extract_strided_slice %get3A_26 {offsets = [12], sizes = [1], strides = [1]} : vector<16xf32> to vector<1xf32>
        %squeeze3A_1552 = vector.extract %slice3A_1551[0] : f32 from vector<1xf32>
        %broadcast_in_dim3A_1553 = vector.broadcast %squeeze3A_1552 : f32 to vector<16xf32>
        %get3A_1554 = arith.index_cast %add3A_1550 : i32 to index
        %get3A_1555 = arith.constant 0 : index
        %get3A_1556 = tpu.vector_load %arg8[%get3A_1554, %get3A_1555] {strides = array<i32>} : memref<128x256xf32, #tpu.memory_space<vmem>>, vector<1x16xf32>,
        %get3A_1557 = vector.shape_cast %get3A_1556 : vector<1x16xf32> to vector<16xf32>
        %get3A_1558 = arith.index_cast %add3A_1550 : i32 to index
        %get3A_1559 = arith.constant 128 : index
        %get3A_1560 = tpu.vector_load %arg8[%get3A_1558, %get3A_1559] {strides = array<i32>} : memref<128x256xf32, #tpu.memory_space<vmem>>, vector<1x16xf32>,
        %get3A_1561 = vector.shape_cast %get3A_1560 : vector<1x16xf32> to vector<16xf32>
        %mul3A_1562 = arith.mulf %broadcast_in_dim3A_1553, %get3A_1561 : vector<16xf32>
        %add3A_1563 = arith.addf %get3A_1557, %mul3A_1562 : vector<16xf32>
        %swap3A_1564 = arith.index_cast %add3A_1550 : i32 to index
        %swap3A_1565 = arith.constant 0 : index
        %swap3A_1566 = tpu.vector_load %arg9[%swap3A_1564, %swap3A_1565] {strides = array<i32>} : memref<128x128xf32, #tpu.memory_space<vmem>>, vector<1x16xf32>,
        %swap3A_1567 = vector.shape_cast %swap3A_1566 : vector<1x16xf32> to vector<16xf32>
        %swap3A_1568 = vector.shape_cast %add3A_1563 : vector<16xf32> to vector<1x16xf32>
        tpu.vector_store %arg9[%swap3A_1564, %swap3A_1565], %swap3A_1568 {strides = array<i32>} : memref<128x128xf32, #tpu.memory_space<vmem>>, vector<1x16xf32>,
        %get3A_1569 = arith.index_cast %add3A_1550 : i32 to index
        %get3A_1570 = arith.constant 16 : index
        %get3A_1571 = tpu.vector_load %arg8[%get3A_1569, %get3A_1570] {strides = array<i32>} : memref<128x256xf32, #tpu.memory_space<vmem>>, vector<1x16xf32>,
        %get3A_1572 = vector.shape_cast %get3A_1571 : vector<1x16xf32> to vector<16xf32>
        %get3A_1573 = arith.index_cast %add3A_1550 : i32 to index
        %get3A_1574 = arith.constant 144 : index
        %get3A_1575 = tpu.vector_load %arg8[%get3A_1573, %get3A_1574] {strides = array<i32>} : memref<128x256xf32, #tpu.memory_space<vmem>>, vector<1x16xf32>,
        %get3A_1576 = vector.shape_cast %get3A_1575 : vector<1x16xf32> to vector<16xf32>
        %mul3A_1577 = arith.mulf %broadcast_in_dim3A_1553, %get3A_1576 : vector<16xf32>
        %add3A_1578 = arith.addf %get3A_1572, %mul3A_1577 : vector<16xf32>
        %swap3A_1579 = arith.index_cast %add3A_1550 : i32 to index
        %swap3A_1580 = arith.constant 16 : index
        %swap3A_1581 = tpu.vector_load %arg9[%swap3A_1579, %swap3A_1580] {strides = array<i32>} : memref<128x128xf32, #tpu.memory_space<vmem>>, vector<1x16xf32>,
        %swap3A_1582 = vector.shape_cast %swap3A_1581 : vector<1x16xf32> to vector<16xf32>
        %swap3A_1583 = vector.shape_cast %add3A_1578 : vector<16xf32> to vector<1x16xf32>
        tpu.vector_store %arg9[%swap3A_1579, %swap3A_1580], %swap3A_1583 {strides = array<i32>} : memref<128x128xf32, #tpu.memory_space<vmem>>, vector<1x16xf32>,
        %get3A_1584 = arith.index_cast %add3A_1550 : i32 to index
        %get3A_1585 = arith.constant 32 : index
        %get3A_1586 = tpu.vector_load %arg8[%get3A_1584, %get3A_1585] {strides = array<i32>} : memref<128x256xf32, #tpu.memory_space<vmem>>, vector<1x16xf32>,
        %get3A_1587 = vector.shape_cast %get3A_1586 : vector<1x16xf32> to vector<16xf32>
        %get3A_1588 = arith.index_cast %add3A_1550 : i32 to index
        %get3A_1589 = arith.constant 160 : index
        %get3A_1590 = tpu.vector_load %arg8[%get3A_1588, %get3A_1589] {strides = array<i32>} : memref<128x256xf32, #tpu.memory_space<vmem>>, vector<1x16xf32>,
        %get3A_1591 = vector.shape_cast %get3A_1590 : vector<1x16xf32> to vector<16xf32>
        %mul3A_1592 = arith.mulf %broadcast_in_dim3A_1553, %get3A_1591 : vector<16xf32>
        %add3A_1593 = arith.addf %get3A_1587, %mul3A_1592 : vector<16xf32>
        %swap3A_1594 = arith.index_cast %add3A_1550 : i32 to index
        %swap3A_1595 = arith.constant 32 : index
        %swap3A_1596 = tpu.vector_load %arg9[%swap3A_1594, %swap3A_1595] {strides = array<i32>} : memref<128x128xf32, #tpu.memory_space<vmem>>, vector<1x16xf32>,
        %swap3A_1597 = vector.shape_cast %swap3A_1596 : vector<1x16xf32> to vector<16xf32>
        %swap3A_1598 = vector.shape_cast %add3A_1593 : vector<16xf32> to vector<1x16xf32>
        tpu.vector_store %arg9[%swap3A_1594, %swap3A_1595], %swap3A_1598 {strides = array<i32>} : memref<128x128xf32, #tpu.memory_space<vmem>>, vector<1x16xf32>,
        %get3A_1599 = arith.index_cast %add3A_1550 : i32 to index
        %get3A_1600 = arith.constant 48 : index
        %get3A_1601 = tpu.vector_load %arg8[%get3A_1599, %get3A_1600] {strides = array<i32>} : memref<128x256xf32, #tpu.memory_space<vmem>>, vector<1x16xf32>,
        %get3A_1602 = vector.shape_cast %get3A_1601 : vector<1x16xf32> to vector<16xf32>
        %get3A_1603 = arith.index_cast %add3A_1550 : i32 to index
        %get3A_1604 = arith.constant 176 : index
        %get3A_1605 = tpu.vector_load %arg8[%get3A_1603, %get3A_1604] {strides = array<i32>} : memref<128x256xf32, #tpu.memory_space<vmem>>, vector<1x16xf32>,
        %get3A_1606 = vector.shape_cast %get3A_1605 : vector<1x16xf32> to vector<16xf32>
        %mul3A_1607 = arith.mulf %broadcast_in_dim3A_1553, %get3A_1606 : vector<16xf32>
        %add3A_1608 = arith.addf %get3A_1602, %mul3A_1607 : vector<16xf32>
        %swap3A_1609 = arith.index_cast %add3A_1550 : i32 to index
        %swap3A_1610 = arith.constant 48 : index
        %swap3A_1611 = tpu.vector_load %arg9[%swap3A_1609, %swap3A_1610] {strides = array<i32>} : memref<128x128xf32, #tpu.memory_space<vmem>>, vector<1x16xf32>,
        %swap3A_1612 = vector.shape_cast %swap3A_1611 : vector<1x16xf32> to vector<16xf32>
        %swap3A_1613 = vector.shape_cast %add3A_1608 : vector<16xf32> to vector<1x16xf32>
        tpu.vector_store %arg9[%swap3A_1609, %swap3A_1610], %swap3A_1613 {strides = array<i32>} : memref<128x128xf32, #tpu.memory_space<vmem>>, vector<1x16xf32>,
        %get3A_1614 = arith.index_cast %add3A_1550 : i32 to index
        %get3A_1615 = arith.constant 64 : index
        %get3A_1616 = tpu.vector_load %arg8[%get3A_1614, %get3A_1615] {strides = array<i32>} : memref<128x256xf32, #tpu.memory_space<vmem>>, vector<1x16xf32>,
        %get3A_1617 = vector.shape_cast %get3A_1616 : vector<1x16xf32> to vector<16xf32>
        %get3A_1618 = arith.index_cast %add3A_1550 : i32 to index
        %get3A_1619 = arith.constant 192 : index
        %get3A_1620 = tpu.vector_load %arg8[%get3A_1618, %get3A_1619] {strides = array<i32>} : memref<128x256xf32, #tpu.memory_space<vmem>>, vector<1x16xf32>,
        %get3A_1621 = vector.shape_cast %get3A_1620 : vector<1x16xf32> to vector<16xf32>
        %mul3A_1622 = arith.mulf %broadcast_in_dim3A_1553, %get3A_1621 : vector<16xf32>
        %add3A_1623 = arith.addf %get3A_1617, %mul3A_1622 : vector<16xf32>
        %swap3A_1624 = arith.index_cast %add3A_1550 : i32 to index
        %swap3A_1625 = arith.constant 64 : index
        %swap3A_1626 = tpu.vector_load %arg9[%swap3A_1624, %swap3A_1625] {strides = array<i32>} : memref<128x128xf32, #tpu.memory_space<vmem>>, vector<1x16xf32>,
        %swap3A_1627 = vector.shape_cast %swap3A_1626 : vector<1x16xf32> to vector<16xf32>
        %swap3A_1628 = vector.shape_cast %add3A_1623 : vector<16xf32> to vector<1x16xf32>
        tpu.vector_store %arg9[%swap3A_1624, %swap3A_1625], %swap3A_1628 {strides = array<i32>} : memref<128x128xf32, #tpu.memory_space<vmem>>, vector<1x16xf32>,
        %get3A_1629 = arith.index_cast %add3A_1550 : i32 to index
        %get3A_1630 = arith.constant 80 : index
        %get3A_1631 = tpu.vector_load %arg8[%get3A_1629, %get3A_1630] {strides = array<i32>} : memref<128x256xf32, #tpu.memory_space<vmem>>, vector<1x16xf32>,
        %get3A_1632 = vector.shape_cast %get3A_1631 : vector<1x16xf32> to vector<16xf32>
        %get3A_1633 = arith.index_cast %add3A_1550 : i32 to index
        %get3A_1634 = arith.constant 208 : index
        %get3A_1635 = tpu.vector_load %arg8[%get3A_1633, %get3A_1634] {strides = array<i32>} : memref<128x256xf32, #tpu.memory_space<vmem>>, vector<1x16xf32>,
        %get3A_1636 = vector.shape_cast %get3A_1635 : vector<1x16xf32> to vector<16xf32>
        %mul3A_1637 = arith.mulf %broadcast_in_dim3A_1553, %get3A_1636 : vector<16xf32>
        %add3A_1638 = arith.addf %get3A_1632, %mul3A_1637 : vector<16xf32>
        %swap3A_1639 = arith.index_cast %add3A_1550 : i32 to index
        %swap3A_1640 = arith.constant 80 : index
        %swap3A_1641 = tpu.vector_load %arg9[%swap3A_1639, %swap3A_1640] {strides = array<i32>} : memref<128x128xf32, #tpu.memory_space<vmem>>, vector<1x16xf32>,
        %swap3A_1642 = vector.shape_cast %swap3A_1641 : vector<1x16xf32> to vector<16xf32>
        %swap3A_1643 = vector.shape_cast %add3A_1638 : vector<16xf32> to vector<1x16xf32>
        tpu.vector_store %arg9[%swap3A_1639, %swap3A_1640], %swap3A_1643 {strides = array<i32>} : memref<128x128xf32, #tpu.memory_space<vmem>>, vector<1x16xf32>,
        %get3A_1644 = arith.index_cast %add3A_1550 : i32 to index
        %get3A_1645 = arith.constant 96 : index
        %get3A_1646 = tpu.vector_load %arg8[%get3A_1644, %get3A_1645] {strides = array<i32>} : memref<128x256xf32, #tpu.memory_space<vmem>>, vector<1x16xf32>,
        %get3A_1647 = vector.shape_cast %get3A_1646 : vector<1x16xf32> to vector<16xf32>
        %get3A_1648 = arith.index_cast %add3A_1550 : i32 to index
        %get3A_1649 = arith.constant 224 : index
        %get3A_1650 = tpu.vector_load %arg8[%get3A_1648, %get3A_1649] {strides = array<i32>} : memref<128x256xf32, #tpu.memory_space<vmem>>, vector<1x16xf32>,
        %get3A_1651 = vector.shape_cast %get3A_1650 : vector<1x16xf32> to vector<16xf32>
        %mul3A_1652 = arith.mulf %broadcast_in_dim3A_1553, %get3A_1651 : vector<16xf32>
        %add3A_1653 = arith.addf %get3A_1647, %mul3A_1652 : vector<16xf32>
        %swap3A_1654 = arith.index_cast %add3A_1550 : i32 to index
        %swap3A_1655 = arith.constant 96 : index
        %swap3A_1656 = tpu.vector_load %arg9[%swap3A_1654, %swap3A_1655] {strides = array<i32>} : memref<128x128xf32, #tpu.memory_space<vmem>>, vector<1x16xf32>,
        %swap3A_1657 = vector.shape_cast %swap3A_1656 : vector<1x16xf32> to vector<16xf32>
        %swap3A_1658 = vector.shape_cast %add3A_1653 : vector<16xf32> to vector<1x16xf32>
        tpu.vector_store %arg9[%swap3A_1654, %swap3A_1655], %swap3A_1658 {strides = array<i32>} : memref<128x128xf32, #tpu.memory_space<vmem>>, vector<1x16xf32>,
        %get3A_1659 = arith.index_cast %add3A_1550 : i32 to index
        %get3A_1660 = arith.constant 112 : index
        %get3A_1661 = tpu.vector_load %arg8[%get3A_1659, %get3A_1660] {strides = array<i32>} : memref<128x256xf32, #tpu.memory_space<vmem>>, vector<1x16xf32>,
        %get3A_1662 = vector.shape_cast %get3A_1661 : vector<1x16xf32> to vector<16xf32>
        %get3A_1663 = arith.index_cast %add3A_1550 : i32 to index
        %get3A_1664 = arith.constant 240 : index
        %get3A_1665 = tpu.vector_load %arg8[%get3A_1663, %get3A_1664] {strides = array<i32>} : memref<128x256xf32, #tpu.memory_space<vmem>>, vector<1x16xf32>,
        %get3A_1666 = vector.shape_cast %get3A_1665 : vector<1x16xf32> to vector<16xf32>
        %mul3A_1667 = arith.mulf %broadcast_in_dim3A_1553, %get3A_1666 : vector<16xf32>
        %add3A_1668 = arith.addf %get3A_1662, %mul3A_1667 : vector<16xf32>
        %swap3A_1669 = arith.index_cast %add3A_1550 : i32 to index
        %swap3A_1670 = arith.constant 112 : index
        %swap3A_1671 = tpu.vector_load %arg9[%swap3A_1669, %swap3A_1670] {strides = array<i32>} : memref<128x128xf32, #tpu.memory_space<vmem>>, vector<1x16xf32>,
        %swap3A_1672 = vector.shape_cast %swap3A_1671 : vector<1x16xf32> to vector<16xf32>
        %swap3A_1673 = vector.shape_cast %add3A_1668 : vector<16xf32> to vector<1x16xf32>
        tpu.vector_store %arg9[%swap3A_1669, %swap3A_1670], %swap3A_1673 {strides = array<i32>} : memref<128x128xf32, #tpu.memory_space<vmem>>, vector<1x16xf32>,
        %mul3A_1674 = arith.constant 16 : i32
        %mul3A_1675 = arith.muli %mul3A_1674, %scan3A_22 : i32
        %add3A_1676 = arith.constant 13 : i32
        %add3A_1677 = arith.addi %mul3A_1675, %add3A_1676 : i32
        %slice3A_1678 = vector.extract_strided_slice %get3A_26 {offsets = [13], sizes = [1], strides = [1]} : vector<16xf32> to vector<1xf32>
        %squeeze3A_1679 = vector.extract %slice3A_1678[0] : f32 from vector<1xf32>
        %broadcast_in_dim3A_1680 = vector.broadcast %squeeze3A_1679 : f32 to vector<16xf32>
        %get3A_1681 = arith.index_cast %add3A_1677 : i32 to index
        %get3A_1682 = arith.constant 0 : index
        %get3A_1683 = tpu.vector_load %arg8[%get3A_1681, %get3A_1682] {strides = array<i32>} : memref<128x256xf32, #tpu.memory_space<vmem>>, vector<1x16xf32>,
        %get3A_1684 = vector.shape_cast %get3A_1683 : vector<1x16xf32> to vector<16xf32>
        %get3A_1685 = arith.index_cast %add3A_1677 : i32 to index
        %get3A_1686 = arith.constant 128 : index
        %get3A_1687 = tpu.vector_load %arg8[%get3A_1685, %get3A_1686] {strides = array<i32>} : memref<128x256xf32, #tpu.memory_space<vmem>>, vector<1x16xf32>,
        %get3A_1688 = vector.shape_cast %get3A_1687 : vector<1x16xf32> to vector<16xf32>
        %mul3A_1689 = arith.mulf %broadcast_in_dim3A_1680, %get3A_1688 : vector<16xf32>
        %add3A_1690 = arith.addf %get3A_1684, %mul3A_1689 : vector<16xf32>
        %swap3A_1691 = arith.index_cast %add3A_1677 : i32 to index
        %swap3A_1692 = arith.constant 0 : index
        %swap3A_1693 = tpu.vector_load %arg9[%swap3A_1691, %swap3A_1692] {strides = array<i32>} : memref<128x128xf32, #tpu.memory_space<vmem>>, vector<1x16xf32>,
        %swap3A_1694 = vector.shape_cast %swap3A_1693 : vector<1x16xf32> to vector<16xf32>
        %swap3A_1695 = vector.shape_cast %add3A_1690 : vector<16xf32> to vector<1x16xf32>
        tpu.vector_store %arg9[%swap3A_1691, %swap3A_1692], %swap3A_1695 {strides = array<i32>} : memref<128x128xf32, #tpu.memory_space<vmem>>, vector<1x16xf32>,
        %get3A_1696 = arith.index_cast %add3A_1677 : i32 to index
        %get3A_1697 = arith.constant 16 : index
        %get3A_1698 = tpu.vector_load %arg8[%get3A_1696, %get3A_1697] {strides = array<i32>} : memref<128x256xf32, #tpu.memory_space<vmem>>, vector<1x16xf32>,
        %get3A_1699 = vector.shape_cast %get3A_1698 : vector<1x16xf32> to vector<16xf32>
        %get3A_1700 = arith.index_cast %add3A_1677 : i32 to index
        %get3A_1701 = arith.constant 144 : index
        %get3A_1702 = tpu.vector_load %arg8[%get3A_1700, %get3A_1701] {strides = array<i32>} : memref<128x256xf32, #tpu.memory_space<vmem>>, vector<1x16xf32>,
        %get3A_1703 = vector.shape_cast %get3A_1702 : vector<1x16xf32> to vector<16xf32>
        %mul3A_1704 = arith.mulf %broadcast_in_dim3A_1680, %get3A_1703 : vector<16xf32>
        %add3A_1705 = arith.addf %get3A_1699, %mul3A_1704 : vector<16xf32>
        %swap3A_1706 = arith.index_cast %add3A_1677 : i32 to index
        %swap3A_1707 = arith.constant 16 : index
        %swap3A_1708 = tpu.vector_load %arg9[%swap3A_1706, %swap3A_1707] {strides = array<i32>} : memref<128x128xf32, #tpu.memory_space<vmem>>, vector<1x16xf32>,
        %swap3A_1709 = vector.shape_cast %swap3A_1708 : vector<1x16xf32> to vector<16xf32>
        %swap3A_1710 = vector.shape_cast %add3A_1705 : vector<16xf32> to vector<1x16xf32>
        tpu.vector_store %arg9[%swap3A_1706, %swap3A_1707], %swap3A_1710 {strides = array<i32>} : memref<128x128xf32, #tpu.memory_space<vmem>>, vector<1x16xf32>,
        %get3A_1711 = arith.index_cast %add3A_1677 : i32 to index
        %get3A_1712 = arith.constant 32 : index
        %get3A_1713 = tpu.vector_load %arg8[%get3A_1711, %get3A_1712] {strides = array<i32>} : memref<128x256xf32, #tpu.memory_space<vmem>>, vector<1x16xf32>,
        %get3A_1714 = vector.shape_cast %get3A_1713 : vector<1x16xf32> to vector<16xf32>
        %get3A_1715 = arith.index_cast %add3A_1677 : i32 to index
        %get3A_1716 = arith.constant 160 : index
        %get3A_1717 = tpu.vector_load %arg8[%get3A_1715, %get3A_1716] {strides = array<i32>} : memref<128x256xf32, #tpu.memory_space<vmem>>, vector<1x16xf32>,
        %get3A_1718 = vector.shape_cast %get3A_1717 : vector<1x16xf32> to vector<16xf32>
        %mul3A_1719 = arith.mulf %broadcast_in_dim3A_1680, %get3A_1718 : vector<16xf32>
        %add3A_1720 = arith.addf %get3A_1714, %mul3A_1719 : vector<16xf32>
        %swap3A_1721 = arith.index_cast %add3A_1677 : i32 to index
        %swap3A_1722 = arith.constant 32 : index
        %swap3A_1723 = tpu.vector_load %arg9[%swap3A_1721, %swap3A_1722] {strides = array<i32>} : memref<128x128xf32, #tpu.memory_space<vmem>>, vector<1x16xf32>,
        %swap3A_1724 = vector.shape_cast %swap3A_1723 : vector<1x16xf32> to vector<16xf32>
        %swap3A_1725 = vector.shape_cast %add3A_1720 : vector<16xf32> to vector<1x16xf32>
        tpu.vector_store %arg9[%swap3A_1721, %swap3A_1722], %swap3A_1725 {strides = array<i32>} : memref<128x128xf32, #tpu.memory_space<vmem>>, vector<1x16xf32>,
        %get3A_1726 = arith.index_cast %add3A_1677 : i32 to index
        %get3A_1727 = arith.constant 48 : index
        %get3A_1728 = tpu.vector_load %arg8[%get3A_1726, %get3A_1727] {strides = array<i32>} : memref<128x256xf32, #tpu.memory_space<vmem>>, vector<1x16xf32>,
        %get3A_1729 = vector.shape_cast %get3A_1728 : vector<1x16xf32> to vector<16xf32>
        %get3A_1730 = arith.index_cast %add3A_1677 : i32 to index
        %get3A_1731 = arith.constant 176 : index
        %get3A_1732 = tpu.vector_load %arg8[%get3A_1730, %get3A_1731] {strides = array<i32>} : memref<128x256xf32, #tpu.memory_space<vmem>>, vector<1x16xf32>,
        %get3A_1733 = vector.shape_cast %get3A_1732 : vector<1x16xf32> to vector<16xf32>
        %mul3A_1734 = arith.mulf %broadcast_in_dim3A_1680, %get3A_1733 : vector<16xf32>
        %add3A_1735 = arith.addf %get3A_1729, %mul3A_1734 : vector<16xf32>
        %swap3A_1736 = arith.index_cast %add3A_1677 : i32 to index
        %swap3A_1737 = arith.constant 48 : index
        %swap3A_1738 = tpu.vector_load %arg9[%swap3A_1736, %swap3A_1737] {strides = array<i32>} : memref<128x128xf32, #tpu.memory_space<vmem>>, vector<1x16xf32>,
        %swap3A_1739 = vector.shape_cast %swap3A_1738 : vector<1x16xf32> to vector<16xf32>
        %swap3A_1740 = vector.shape_cast %add3A_1735 : vector<16xf32> to vector<1x16xf32>
        tpu.vector_store %arg9[%swap3A_1736, %swap3A_1737], %swap3A_1740 {strides = array<i32>} : memref<128x128xf32, #tpu.memory_space<vmem>>, vector<1x16xf32>,
        %get3A_1741 = arith.index_cast %add3A_1677 : i32 to index
        %get3A_1742 = arith.constant 64 : index
        %get3A_1743 = tpu.vector_load %arg8[%get3A_1741, %get3A_1742] {strides = array<i32>} : memref<128x256xf32, #tpu.memory_space<vmem>>, vector<1x16xf32>,
        %get3A_1744 = vector.shape_cast %get3A_1743 : vector<1x16xf32> to vector<16xf32>
        %get3A_1745 = arith.index_cast %add3A_1677 : i32 to index
        %get3A_1746 = arith.constant 192 : index
        %get3A_1747 = tpu.vector_load %arg8[%get3A_1745, %get3A_1746] {strides = array<i32>} : memref<128x256xf32, #tpu.memory_space<vmem>>, vector<1x16xf32>,
        %get3A_1748 = vector.shape_cast %get3A_1747 : vector<1x16xf32> to vector<16xf32>
        %mul3A_1749 = arith.mulf %broadcast_in_dim3A_1680, %get3A_1748 : vector<16xf32>
        %add3A_1750 = arith.addf %get3A_1744, %mul3A_1749 : vector<16xf32>
        %swap3A_1751 = arith.index_cast %add3A_1677 : i32 to index
        %swap3A_1752 = arith.constant 64 : index
        %swap3A_1753 = tpu.vector_load %arg9[%swap3A_1751, %swap3A_1752] {strides = array<i32>} : memref<128x128xf32, #tpu.memory_space<vmem>>, vector<1x16xf32>,
        %swap3A_1754 = vector.shape_cast %swap3A_1753 : vector<1x16xf32> to vector<16xf32>
        %swap3A_1755 = vector.shape_cast %add3A_1750 : vector<16xf32> to vector<1x16xf32>
        tpu.vector_store %arg9[%swap3A_1751, %swap3A_1752], %swap3A_1755 {strides = array<i32>} : memref<128x128xf32, #tpu.memory_space<vmem>>, vector<1x16xf32>,
        %get3A_1756 = arith.index_cast %add3A_1677 : i32 to index
        %get3A_1757 = arith.constant 80 : index
        %get3A_1758 = tpu.vector_load %arg8[%get3A_1756, %get3A_1757] {strides = array<i32>} : memref<128x256xf32, #tpu.memory_space<vmem>>, vector<1x16xf32>,
        %get3A_1759 = vector.shape_cast %get3A_1758 : vector<1x16xf32> to vector<16xf32>
        %get3A_1760 = arith.index_cast %add3A_1677 : i32 to index
        %get3A_1761 = arith.constant 208 : index
        %get3A_1762 = tpu.vector_load %arg8[%get3A_1760, %get3A_1761] {strides = array<i32>} : memref<128x256xf32, #tpu.memory_space<vmem>>, vector<1x16xf32>,
        %get3A_1763 = vector.shape_cast %get3A_1762 : vector<1x16xf32> to vector<16xf32>
        %mul3A_1764 = arith.mulf %broadcast_in_dim3A_1680, %get3A_1763 : vector<16xf32>
        %add3A_1765 = arith.addf %get3A_1759, %mul3A_1764 : vector<16xf32>
        %swap3A_1766 = arith.index_cast %add3A_1677 : i32 to index
        %swap3A_1767 = arith.constant 80 : index
        %swap3A_1768 = tpu.vector_load %arg9[%swap3A_1766, %swap3A_1767] {strides = array<i32>} : memref<128x128xf32, #tpu.memory_space<vmem>>, vector<1x16xf32>,
        %swap3A_1769 = vector.shape_cast %swap3A_1768 : vector<1x16xf32> to vector<16xf32>
        %swap3A_1770 = vector.shape_cast %add3A_1765 : vector<16xf32> to vector<1x16xf32>
        tpu.vector_store %arg9[%swap3A_1766, %swap3A_1767], %swap3A_1770 {strides = array<i32>} : memref<128x128xf32, #tpu.memory_space<vmem>>, vector<1x16xf32>,
        %get3A_1771 = arith.index_cast %add3A_1677 : i32 to index
        %get3A_1772 = arith.constant 96 : index
        %get3A_1773 = tpu.vector_load %arg8[%get3A_1771, %get3A_1772] {strides = array<i32>} : memref<128x256xf32, #tpu.memory_space<vmem>>, vector<1x16xf32>,
        %get3A_1774 = vector.shape_cast %get3A_1773 : vector<1x16xf32> to vector<16xf32>
        %get3A_1775 = arith.index_cast %add3A_1677 : i32 to index
        %get3A_1776 = arith.constant 224 : index
        %get3A_1777 = tpu.vector_load %arg8[%get3A_1775, %get3A_1776] {strides = array<i32>} : memref<128x256xf32, #tpu.memory_space<vmem>>, vector<1x16xf32>,
        %get3A_1778 = vector.shape_cast %get3A_1777 : vector<1x16xf32> to vector<16xf32>
        %mul3A_1779 = arith.mulf %broadcast_in_dim3A_1680, %get3A_1778 : vector<16xf32>
        %add3A_1780 = arith.addf %get3A_1774, %mul3A_1779 : vector<16xf32>
        %swap3A_1781 = arith.index_cast %add3A_1677 : i32 to index
        %swap3A_1782 = arith.constant 96 : index
        %swap3A_1783 = tpu.vector_load %arg9[%swap3A_1781, %swap3A_1782] {strides = array<i32>} : memref<128x128xf32, #tpu.memory_space<vmem>>, vector<1x16xf32>,
        %swap3A_1784 = vector.shape_cast %swap3A_1783 : vector<1x16xf32> to vector<16xf32>
        %swap3A_1785 = vector.shape_cast %add3A_1780 : vector<16xf32> to vector<1x16xf32>
        tpu.vector_store %arg9[%swap3A_1781, %swap3A_1782], %swap3A_1785 {strides = array<i32>} : memref<128x128xf32, #tpu.memory_space<vmem>>, vector<1x16xf32>,
        %get3A_1786 = arith.index_cast %add3A_1677 : i32 to index
        %get3A_1787 = arith.constant 112 : index
        %get3A_1788 = tpu.vector_load %arg8[%get3A_1786, %get3A_1787] {strides = array<i32>} : memref<128x256xf32, #tpu.memory_space<vmem>>, vector<1x16xf32>,
        %get3A_1789 = vector.shape_cast %get3A_1788 : vector<1x16xf32> to vector<16xf32>
        %get3A_1790 = arith.index_cast %add3A_1677 : i32 to index
        %get3A_1791 = arith.constant 240 : index
        %get3A_1792 = tpu.vector_load %arg8[%get3A_1790, %get3A_1791] {strides = array<i32>} : memref<128x256xf32, #tpu.memory_space<vmem>>, vector<1x16xf32>,
        %get3A_1793 = vector.shape_cast %get3A_1792 : vector<1x16xf32> to vector<16xf32>
        %mul3A_1794 = arith.mulf %broadcast_in_dim3A_1680, %get3A_1793 : vector<16xf32>
        %add3A_1795 = arith.addf %get3A_1789, %mul3A_1794 : vector<16xf32>
        %swap3A_1796 = arith.index_cast %add3A_1677 : i32 to index
        %swap3A_1797 = arith.constant 112 : index
        %swap3A_1798 = tpu.vector_load %arg9[%swap3A_1796, %swap3A_1797] {strides = array<i32>} : memref<128x128xf32, #tpu.memory_space<vmem>>, vector<1x16xf32>,
        %swap3A_1799 = vector.shape_cast %swap3A_1798 : vector<1x16xf32> to vector<16xf32>
        %swap3A_1800 = vector.shape_cast %add3A_1795 : vector<16xf32> to vector<1x16xf32>
        tpu.vector_store %arg9[%swap3A_1796, %swap3A_1797], %swap3A_1800 {strides = array<i32>} : memref<128x128xf32, #tpu.memory_space<vmem>>, vector<1x16xf32>,
        %mul3A_1801 = arith.constant 16 : i32
        %mul3A_1802 = arith.muli %mul3A_1801, %scan3A_22 : i32
        %add3A_1803 = arith.constant 14 : i32
        %add3A_1804 = arith.addi %mul3A_1802, %add3A_1803 : i32
        %slice3A_1805 = vector.extract_strided_slice %get3A_26 {offsets = [14], sizes = [1], strides = [1]} : vector<16xf32> to vector<1xf32>
        %squeeze3A_1806 = vector.extract %slice3A_1805[0] : f32 from vector<1xf32>
        %broadcast_in_dim3A_1807 = vector.broadcast %squeeze3A_1806 : f32 to vector<16xf32>
        %get3A_1808 = arith.index_cast %add3A_1804 : i32 to index
        %get3A_1809 = arith.constant 0 : index
        %get3A_1810 = tpu.vector_load %arg8[%get3A_1808, %get3A_1809] {strides = array<i32>} : memref<128x256xf32, #tpu.memory_space<vmem>>, vector<1x16xf32>,
        %get3A_1811 = vector.shape_cast %get3A_1810 : vector<1x16xf32> to vector<16xf32>
        %get3A_1812 = arith.index_cast %add3A_1804 : i32 to index
        %get3A_1813 = arith.constant 128 : index
        %get3A_1814 = tpu.vector_load %arg8[%get3A_1812, %get3A_1813] {strides = array<i32>} : memref<128x256xf32, #tpu.memory_space<vmem>>, vector<1x16xf32>,
        %get3A_1815 = vector.shape_cast %get3A_1814 : vector<1x16xf32> to vector<16xf32>
        %mul3A_1816 = arith.mulf %broadcast_in_dim3A_1807, %get3A_1815 : vector<16xf32>
        %add3A_1817 = arith.addf %get3A_1811, %mul3A_1816 : vector<16xf32>
        %swap3A_1818 = arith.index_cast %add3A_1804 : i32 to index
        %swap3A_1819 = arith.constant 0 : index
        %swap3A_1820 = tpu.vector_load %arg9[%swap3A_1818, %swap3A_1819] {strides = array<i32>} : memref<128x128xf32, #tpu.memory_space<vmem>>, vector<1x16xf32>,
        %swap3A_1821 = vector.shape_cast %swap3A_1820 : vector<1x16xf32> to vector<16xf32>
        %swap3A_1822 = vector.shape_cast %add3A_1817 : vector<16xf32> to vector<1x16xf32>
        tpu.vector_store %arg9[%swap3A_1818, %swap3A_1819], %swap3A_1822 {strides = array<i32>} : memref<128x128xf32, #tpu.memory_space<vmem>>, vector<1x16xf32>,
        %get3A_1823 = arith.index_cast %add3A_1804 : i32 to index
        %get3A_1824 = arith.constant 16 : index
        %get3A_1825 = tpu.vector_load %arg8[%get3A_1823, %get3A_1824] {strides = array<i32>} : memref<128x256xf32, #tpu.memory_space<vmem>>, vector<1x16xf32>,
        %get3A_1826 = vector.shape_cast %get3A_1825 : vector<1x16xf32> to vector<16xf32>
        %get3A_1827 = arith.index_cast %add3A_1804 : i32 to index
        %get3A_1828 = arith.constant 144 : index
        %get3A_1829 = tpu.vector_load %arg8[%get3A_1827, %get3A_1828] {strides = array<i32>} : memref<128x256xf32, #tpu.memory_space<vmem>>, vector<1x16xf32>,
        %get3A_1830 = vector.shape_cast %get3A_1829 : vector<1x16xf32> to vector<16xf32>
        %mul3A_1831 = arith.mulf %broadcast_in_dim3A_1807, %get3A_1830 : vector<16xf32>
        %add3A_1832 = arith.addf %get3A_1826, %mul3A_1831 : vector<16xf32>
        %swap3A_1833 = arith.index_cast %add3A_1804 : i32 to index
        %swap3A_1834 = arith.constant 16 : index
        %swap3A_1835 = tpu.vector_load %arg9[%swap3A_1833, %swap3A_1834] {strides = array<i32>} : memref<128x128xf32, #tpu.memory_space<vmem>>, vector<1x16xf32>,
        %swap3A_1836 = vector.shape_cast %swap3A_1835 : vector<1x16xf32> to vector<16xf32>
        %swap3A_1837 = vector.shape_cast %add3A_1832 : vector<16xf32> to vector<1x16xf32>
        tpu.vector_store %arg9[%swap3A_1833, %swap3A_1834], %swap3A_1837 {strides = array<i32>} : memref<128x128xf32, #tpu.memory_space<vmem>>, vector<1x16xf32>,
        %get3A_1838 = arith.index_cast %add3A_1804 : i32 to index
        %get3A_1839 = arith.constant 32 : index
        %get3A_1840 = tpu.vector_load %arg8[%get3A_1838, %get3A_1839] {strides = array<i32>} : memref<128x256xf32, #tpu.memory_space<vmem>>, vector<1x16xf32>,
        %get3A_1841 = vector.shape_cast %get3A_1840 : vector<1x16xf32> to vector<16xf32>
        %get3A_1842 = arith.index_cast %add3A_1804 : i32 to index
        %get3A_1843 = arith.constant 160 : index
        %get3A_1844 = tpu.vector_load %arg8[%get3A_1842, %get3A_1843] {strides = array<i32>} : memref<128x256xf32, #tpu.memory_space<vmem>>, vector<1x16xf32>,
        %get3A_1845 = vector.shape_cast %get3A_1844 : vector<1x16xf32> to vector<16xf32>
        %mul3A_1846 = arith.mulf %broadcast_in_dim3A_1807, %get3A_1845 : vector<16xf32>
        %add3A_1847 = arith.addf %get3A_1841, %mul3A_1846 : vector<16xf32>
        %swap3A_1848 = arith.index_cast %add3A_1804 : i32 to index
        %swap3A_1849 = arith.constant 32 : index
        %swap3A_1850 = tpu.vector_load %arg9[%swap3A_1848, %swap3A_1849] {strides = array<i32>} : memref<128x128xf32, #tpu.memory_space<vmem>>, vector<1x16xf32>,
        %swap3A_1851 = vector.shape_cast %swap3A_1850 : vector<1x16xf32> to vector<16xf32>
        %swap3A_1852 = vector.shape_cast %add3A_1847 : vector<16xf32> to vector<1x16xf32>
        tpu.vector_store %arg9[%swap3A_1848, %swap3A_1849], %swap3A_1852 {strides = array<i32>} : memref<128x128xf32, #tpu.memory_space<vmem>>, vector<1x16xf32>,
        %get3A_1853 = arith.index_cast %add3A_1804 : i32 to index
        %get3A_1854 = arith.constant 48 : index
        %get3A_1855 = tpu.vector_load %arg8[%get3A_1853, %get3A_1854] {strides = array<i32>} : memref<128x256xf32, #tpu.memory_space<vmem>>, vector<1x16xf32>,
        %get3A_1856 = vector.shape_cast %get3A_1855 : vector<1x16xf32> to vector<16xf32>
        %get3A_1857 = arith.index_cast %add3A_1804 : i32 to index
        %get3A_1858 = arith.constant 176 : index
        %get3A_1859 = tpu.vector_load %arg8[%get3A_1857, %get3A_1858] {strides = array<i32>} : memref<128x256xf32, #tpu.memory_space<vmem>>, vector<1x16xf32>,
        %get3A_1860 = vector.shape_cast %get3A_1859 : vector<1x16xf32> to vector<16xf32>
        %mul3A_1861 = arith.mulf %broadcast_in_dim3A_1807, %get3A_1860 : vector<16xf32>
        %add3A_1862 = arith.addf %get3A_1856, %mul3A_1861 : vector<16xf32>
        %swap3A_1863 = arith.index_cast %add3A_1804 : i32 to index
        %swap3A_1864 = arith.constant 48 : index
        %swap3A_1865 = tpu.vector_load %arg9[%swap3A_1863, %swap3A_1864] {strides = array<i32>} : memref<128x128xf32, #tpu.memory_space<vmem>>, vector<1x16xf32>,
        %swap3A_1866 = vector.shape_cast %swap3A_1865 : vector<1x16xf32> to vector<16xf32>
        %swap3A_1867 = vector.shape_cast %add3A_1862 : vector<16xf32> to vector<1x16xf32>
        tpu.vector_store %arg9[%swap3A_1863, %swap3A_1864], %swap3A_1867 {strides = array<i32>} : memref<128x128xf32, #tpu.memory_space<vmem>>, vector<1x16xf32>,
        %get3A_1868 = arith.index_cast %add3A_1804 : i32 to index
        %get3A_1869 = arith.constant 64 : index
        %get3A_1870 = tpu.vector_load %arg8[%get3A_1868, %get3A_1869] {strides = array<i32>} : memref<128x256xf32, #tpu.memory_space<vmem>>, vector<1x16xf32>,
        %get3A_1871 = vector.shape_cast %get3A_1870 : vector<1x16xf32> to vector<16xf32>
        %get3A_1872 = arith.index_cast %add3A_1804 : i32 to index
        %get3A_1873 = arith.constant 192 : index
        %get3A_1874 = tpu.vector_load %arg8[%get3A_1872, %get3A_1873] {strides = array<i32>} : memref<128x256xf32, #tpu.memory_space<vmem>>, vector<1x16xf32>,
        %get3A_1875 = vector.shape_cast %get3A_1874 : vector<1x16xf32> to vector<16xf32>
        %mul3A_1876 = arith.mulf %broadcast_in_dim3A_1807, %get3A_1875 : vector<16xf32>
        %add3A_1877 = arith.addf %get3A_1871, %mul3A_1876 : vector<16xf32>
        %swap3A_1878 = arith.index_cast %add3A_1804 : i32 to index
        %swap3A_1879 = arith.constant 64 : index
        %swap3A_1880 = tpu.vector_load %arg9[%swap3A_1878, %swap3A_1879] {strides = array<i32>} : memref<128x128xf32, #tpu.memory_space<vmem>>, vector<1x16xf32>,
        %swap3A_1881 = vector.shape_cast %swap3A_1880 : vector<1x16xf32> to vector<16xf32>
        %swap3A_1882 = vector.shape_cast %add3A_1877 : vector<16xf32> to vector<1x16xf32>
        tpu.vector_store %arg9[%swap3A_1878, %swap3A_1879], %swap3A_1882 {strides = array<i32>} : memref<128x128xf32, #tpu.memory_space<vmem>>, vector<1x16xf32>,
        %get3A_1883 = arith.index_cast %add3A_1804 : i32 to index
        %get3A_1884 = arith.constant 80 : index
        %get3A_1885 = tpu.vector_load %arg8[%get3A_1883, %get3A_1884] {strides = array<i32>} : memref<128x256xf32, #tpu.memory_space<vmem>>, vector<1x16xf32>,
        %get3A_1886 = vector.shape_cast %get3A_1885 : vector<1x16xf32> to vector<16xf32>
        %get3A_1887 = arith.index_cast %add3A_1804 : i32 to index
        %get3A_1888 = arith.constant 208 : index
        %get3A_1889 = tpu.vector_load %arg8[%get3A_1887, %get3A_1888] {strides = array<i32>} : memref<128x256xf32, #tpu.memory_space<vmem>>, vector<1x16xf32>,
        %get3A_1890 = vector.shape_cast %get3A_1889 : vector<1x16xf32> to vector<16xf32>
        %mul3A_1891 = arith.mulf %broadcast_in_dim3A_1807, %get3A_1890 : vector<16xf32>
        %add3A_1892 = arith.addf %get3A_1886, %mul3A_1891 : vector<16xf32>
        %swap3A_1893 = arith.index_cast %add3A_1804 : i32 to index
        %swap3A_1894 = arith.constant 80 : index
        %swap3A_1895 = tpu.vector_load %arg9[%swap3A_1893, %swap3A_1894] {strides = array<i32>} : memref<128x128xf32, #tpu.memory_space<vmem>>, vector<1x16xf32>,
        %swap3A_1896 = vector.shape_cast %swap3A_1895 : vector<1x16xf32> to vector<16xf32>
        %swap3A_1897 = vector.shape_cast %add3A_1892 : vector<16xf32> to vector<1x16xf32>
        tpu.vector_store %arg9[%swap3A_1893, %swap3A_1894], %swap3A_1897 {strides = array<i32>} : memref<128x128xf32, #tpu.memory_space<vmem>>, vector<1x16xf32>,
        %get3A_1898 = arith.index_cast %add3A_1804 : i32 to index
        %get3A_1899 = arith.constant 96 : index
        %get3A_1900 = tpu.vector_load %arg8[%get3A_1898, %get3A_1899] {strides = array<i32>} : memref<128x256xf32, #tpu.memory_space<vmem>>, vector<1x16xf32>,
        %get3A_1901 = vector.shape_cast %get3A_1900 : vector<1x16xf32> to vector<16xf32>
        %get3A_1902 = arith.index_cast %add3A_1804 : i32 to index
        %get3A_1903 = arith.constant 224 : index
        %get3A_1904 = tpu.vector_load %arg8[%get3A_1902, %get3A_1903] {strides = array<i32>} : memref<128x256xf32, #tpu.memory_space<vmem>>, vector<1x16xf32>,
        %get3A_1905 = vector.shape_cast %get3A_1904 : vector<1x16xf32> to vector<16xf32>
        %mul3A_1906 = arith.mulf %broadcast_in_dim3A_1807, %get3A_1905 : vector<16xf32>
        %add3A_1907 = arith.addf %get3A_1901, %mul3A_1906 : vector<16xf32>
        %swap3A_1908 = arith.index_cast %add3A_1804 : i32 to index
        %swap3A_1909 = arith.constant 96 : index
        %swap3A_1910 = tpu.vector_load %arg9[%swap3A_1908, %swap3A_1909] {strides = array<i32>} : memref<128x128xf32, #tpu.memory_space<vmem>>, vector<1x16xf32>,
        %swap3A_1911 = vector.shape_cast %swap3A_1910 : vector<1x16xf32> to vector<16xf32>
        %swap3A_1912 = vector.shape_cast %add3A_1907 : vector<16xf32> to vector<1x16xf32>
        tpu.vector_store %arg9[%swap3A_1908, %swap3A_1909], %swap3A_1912 {strides = array<i32>} : memref<128x128xf32, #tpu.memory_space<vmem>>, vector<1x16xf32>,
        %get3A_1913 = arith.index_cast %add3A_1804 : i32 to index
        %get3A_1914 = arith.constant 112 : index
        %get3A_1915 = tpu.vector_load %arg8[%get3A_1913, %get3A_1914] {strides = array<i32>} : memref<128x256xf32, #tpu.memory_space<vmem>>, vector<1x16xf32>,
        %get3A_1916 = vector.shape_cast %get3A_1915 : vector<1x16xf32> to vector<16xf32>
        %get3A_1917 = arith.index_cast %add3A_1804 : i32 to index
        %get3A_1918 = arith.constant 240 : index
        %get3A_1919 = tpu.vector_load %arg8[%get3A_1917, %get3A_1918] {strides = array<i32>} : memref<128x256xf32, #tpu.memory_space<vmem>>, vector<1x16xf32>,
        %get3A_1920 = vector.shape_cast %get3A_1919 : vector<1x16xf32> to vector<16xf32>
        %mul3A_1921 = arith.mulf %broadcast_in_dim3A_1807, %get3A_1920 : vector<16xf32>
        %add3A_1922 = arith.addf %get3A_1916, %mul3A_1921 : vector<16xf32>
        %swap3A_1923 = arith.index_cast %add3A_1804 : i32 to index
        %swap3A_1924 = arith.constant 112 : index
        %swap3A_1925 = tpu.vector_load %arg9[%swap3A_1923, %swap3A_1924] {strides = array<i32>} : memref<128x128xf32, #tpu.memory_space<vmem>>, vector<1x16xf32>,
        %swap3A_1926 = vector.shape_cast %swap3A_1925 : vector<1x16xf32> to vector<16xf32>
        %swap3A_1927 = vector.shape_cast %add3A_1922 : vector<16xf32> to vector<1x16xf32>
        tpu.vector_store %arg9[%swap3A_1923, %swap3A_1924], %swap3A_1927 {strides = array<i32>} : memref<128x128xf32, #tpu.memory_space<vmem>>, vector<1x16xf32>,
        %mul3A_1928 = arith.constant 16 : i32
        %mul3A_1929 = arith.muli %mul3A_1928, %scan3A_22 : i32
        %add3A_1930 = arith.constant 15 : i32
        %add3A_1931 = arith.addi %mul3A_1929, %add3A_1930 : i32
        %slice3A_1932 = vector.extract_strided_slice %get3A_26 {offsets = [15], sizes = [1], strides = [1]} : vector<16xf32> to vector<1xf32>
        %squeeze3A_1933 = vector.extract %slice3A_1932[0] : f32 from vector<1xf32>
        %broadcast_in_dim3A_1934 = vector.broadcast %squeeze3A_1933 : f32 to vector<16xf32>
        %get3A_1935 = arith.index_cast %add3A_1931 : i32 to index
        %get3A_1936 = arith.constant 0 : index
        %get3A_1937 = tpu.vector_load %arg8[%get3A_1935, %get3A_1936] {strides = array<i32>} : memref<128x256xf32, #tpu.memory_space<vmem>>, vector<1x16xf32>,
        %get3A_1938 = vector.shape_cast %get3A_1937 : vector<1x16xf32> to vector<16xf32>
        %get3A_1939 = arith.index_cast %add3A_1931 : i32 to index
        %get3A_1940 = arith.constant 128 : index
        %get3A_1941 = tpu.vector_load %arg8[%get3A_1939, %get3A_1940] {strides = array<i32>} : memref<128x256xf32, #tpu.memory_space<vmem>>, vector<1x16xf32>,
        %get3A_1942 = vector.shape_cast %get3A_1941 : vector<1x16xf32> to vector<16xf32>
        %mul3A_1943 = arith.mulf %broadcast_in_dim3A_1934, %get3A_1942 : vector<16xf32>
        %add3A_1944 = arith.addf %get3A_1938, %mul3A_1943 : vector<16xf32>
        %swap3A_1945 = arith.index_cast %add3A_1931 : i32 to index
        %swap3A_1946 = arith.constant 0 : index
        %swap3A_1947 = tpu.vector_load %arg9[%swap3A_1945, %swap3A_1946] {strides = array<i32>} : memref<128x128xf32, #tpu.memory_space<vmem>>, vector<1x16xf32>,
        %swap3A_1948 = vector.shape_cast %swap3A_1947 : vector<1x16xf32> to vector<16xf32>
        %swap3A_1949 = vector.shape_cast %add3A_1944 : vector<16xf32> to vector<1x16xf32>
        tpu.vector_store %arg9[%swap3A_1945, %swap3A_1946], %swap3A_1949 {strides = array<i32>} : memref<128x128xf32, #tpu.memory_space<vmem>>, vector<1x16xf32>,
        %get3A_1950 = arith.index_cast %add3A_1931 : i32 to index
        %get3A_1951 = arith.constant 16 : index
        %get3A_1952 = tpu.vector_load %arg8[%get3A_1950, %get3A_1951] {strides = array<i32>} : memref<128x256xf32, #tpu.memory_space<vmem>>, vector<1x16xf32>,
        %get3A_1953 = vector.shape_cast %get3A_1952 : vector<1x16xf32> to vector<16xf32>
        %get3A_1954 = arith.index_cast %add3A_1931 : i32 to index
        %get3A_1955 = arith.constant 144 : index
        %get3A_1956 = tpu.vector_load %arg8[%get3A_1954, %get3A_1955] {strides = array<i32>} : memref<128x256xf32, #tpu.memory_space<vmem>>, vector<1x16xf32>,
        %get3A_1957 = vector.shape_cast %get3A_1956 : vector<1x16xf32> to vector<16xf32>
        %mul3A_1958 = arith.mulf %broadcast_in_dim3A_1934, %get3A_1957 : vector<16xf32>
        %add3A_1959 = arith.addf %get3A_1953, %mul3A_1958 : vector<16xf32>
        %swap3A_1960 = arith.index_cast %add3A_1931 : i32 to index
        %swap3A_1961 = arith.constant 16 : index
        %swap3A_1962 = tpu.vector_load %arg9[%swap3A_1960, %swap3A_1961] {strides = array<i32>} : memref<128x128xf32, #tpu.memory_space<vmem>>, vector<1x16xf32>,
        %swap3A_1963 = vector.shape_cast %swap3A_1962 : vector<1x16xf32> to vector<16xf32>
        %swap3A_1964 = vector.shape_cast %add3A_1959 : vector<16xf32> to vector<1x16xf32>
        tpu.vector_store %arg9[%swap3A_1960, %swap3A_1961], %swap3A_1964 {strides = array<i32>} : memref<128x128xf32, #tpu.memory_space<vmem>>, vector<1x16xf32>,
        %get3A_1965 = arith.index_cast %add3A_1931 : i32 to index
        %get3A_1966 = arith.constant 32 : index
        %get3A_1967 = tpu.vector_load %arg8[%get3A_1965, %get3A_1966] {strides = array<i32>} : memref<128x256xf32, #tpu.memory_space<vmem>>, vector<1x16xf32>,
        %get3A_1968 = vector.shape_cast %get3A_1967 : vector<1x16xf32> to vector<16xf32>
        %get3A_1969 = arith.index_cast %add3A_1931 : i32 to index
        %get3A_1970 = arith.constant 160 : index
        %get3A_1971 = tpu.vector_load %arg8[%get3A_1969, %get3A_1970] {strides = array<i32>} : memref<128x256xf32, #tpu.memory_space<vmem>>, vector<1x16xf32>,
        %get3A_1972 = vector.shape_cast %get3A_1971 : vector<1x16xf32> to vector<16xf32>
        %mul3A_1973 = arith.mulf %broadcast_in_dim3A_1934, %get3A_1972 : vector<16xf32>
        %add3A_1974 = arith.addf %get3A_1968, %mul3A_1973 : vector<16xf32>
        %swap3A_1975 = arith.index_cast %add3A_1931 : i32 to index
        %swap3A_1976 = arith.constant 32 : index
        %swap3A_1977 = tpu.vector_load %arg9[%swap3A_1975, %swap3A_1976] {strides = array<i32>} : memref<128x128xf32, #tpu.memory_space<vmem>>, vector<1x16xf32>,
        %swap3A_1978 = vector.shape_cast %swap3A_1977 : vector<1x16xf32> to vector<16xf32>
        %swap3A_1979 = vector.shape_cast %add3A_1974 : vector<16xf32> to vector<1x16xf32>
        tpu.vector_store %arg9[%swap3A_1975, %swap3A_1976], %swap3A_1979 {strides = array<i32>} : memref<128x128xf32, #tpu.memory_space<vmem>>, vector<1x16xf32>,
        %get3A_1980 = arith.index_cast %add3A_1931 : i32 to index
        %get3A_1981 = arith.constant 48 : index
        %get3A_1982 = tpu.vector_load %arg8[%get3A_1980, %get3A_1981] {strides = array<i32>} : memref<128x256xf32, #tpu.memory_space<vmem>>, vector<1x16xf32>,
        %get3A_1983 = vector.shape_cast %get3A_1982 : vector<1x16xf32> to vector<16xf32>
        %get3A_1984 = arith.index_cast %add3A_1931 : i32 to index
        %get3A_1985 = arith.constant 176 : index
        %get3A_1986 = tpu.vector_load %arg8[%get3A_1984, %get3A_1985] {strides = array<i32>} : memref<128x256xf32, #tpu.memory_space<vmem>>, vector<1x16xf32>,
        %get3A_1987 = vector.shape_cast %get3A_1986 : vector<1x16xf32> to vector<16xf32>
        %mul3A_1988 = arith.mulf %broadcast_in_dim3A_1934, %get3A_1987 : vector<16xf32>
        %add3A_1989 = arith.addf %get3A_1983, %mul3A_1988 : vector<16xf32>
        %swap3A_1990 = arith.index_cast %add3A_1931 : i32 to index
        %swap3A_1991 = arith.constant 48 : index
        %swap3A_1992 = tpu.vector_load %arg9[%swap3A_1990, %swap3A_1991] {strides = array<i32>} : memref<128x128xf32, #tpu.memory_space<vmem>>, vector<1x16xf32>,
        %swap3A_1993 = vector.shape_cast %swap3A_1992 : vector<1x16xf32> to vector<16xf32>
        %swap3A_1994 = vector.shape_cast %add3A_1989 : vector<16xf32> to vector<1x16xf32>
        tpu.vector_store %arg9[%swap3A_1990, %swap3A_1991], %swap3A_1994 {strides = array<i32>} : memref<128x128xf32, #tpu.memory_space<vmem>>, vector<1x16xf32>,
        %get3A_1995 = arith.index_cast %add3A_1931 : i32 to index
        %get3A_1996 = arith.constant 64 : index
        %get3A_1997 = tpu.vector_load %arg8[%get3A_1995, %get3A_1996] {strides = array<i32>} : memref<128x256xf32, #tpu.memory_space<vmem>>, vector<1x16xf32>,
        %get3A_1998 = vector.shape_cast %get3A_1997 : vector<1x16xf32> to vector<16xf32>
        %get3A_1999 = arith.index_cast %add3A_1931 : i32 to index
        %get3A_2000 = arith.constant 192 : index
        %get3A_2001 = tpu.vector_load %arg8[%get3A_1999, %get3A_2000] {strides = array<i32>} : memref<128x256xf32, #tpu.memory_space<vmem>>, vector<1x16xf32>,
        %get3A_2002 = vector.shape_cast %get3A_2001 : vector<1x16xf32> to vector<16xf32>
        %mul3A_2003 = arith.mulf %broadcast_in_dim3A_1934, %get3A_2002 : vector<16xf32>
        %add3A_2004 = arith.addf %get3A_1998, %mul3A_2003 : vector<16xf32>
        %swap3A_2005 = arith.index_cast %add3A_1931 : i32 to index
        %swap3A_2006 = arith.constant 64 : index
        %swap3A_2007 = tpu.vector_load %arg9[%swap3A_2005, %swap3A_2006] {strides = array<i32>} : memref<128x128xf32, #tpu.memory_space<vmem>>, vector<1x16xf32>,
        %swap3A_2008 = vector.shape_cast %swap3A_2007 : vector<1x16xf32> to vector<16xf32>
        %swap3A_2009 = vector.shape_cast %add3A_2004 : vector<16xf32> to vector<1x16xf32>
        tpu.vector_store %arg9[%swap3A_2005, %swap3A_2006], %swap3A_2009 {strides = array<i32>} : memref<128x128xf32, #tpu.memory_space<vmem>>, vector<1x16xf32>,
        %get3A_2010 = arith.index_cast %add3A_1931 : i32 to index
        %get3A_2011 = arith.constant 80 : index
        %get3A_2012 = tpu.vector_load %arg8[%get3A_2010, %get3A_2011] {strides = array<i32>} : memref<128x256xf32, #tpu.memory_space<vmem>>, vector<1x16xf32>,
        %get3A_2013 = vector.shape_cast %get3A_2012 : vector<1x16xf32> to vector<16xf32>
        %get3A_2014 = arith.index_cast %add3A_1931 : i32 to index
        %get3A_2015 = arith.constant 208 : index
        %get3A_2016 = tpu.vector_load %arg8[%get3A_2014, %get3A_2015] {strides = array<i32>} : memref<128x256xf32, #tpu.memory_space<vmem>>, vector<1x16xf32>,
        %get3A_2017 = vector.shape_cast %get3A_2016 : vector<1x16xf32> to vector<16xf32>
        %mul3A_2018 = arith.mulf %broadcast_in_dim3A_1934, %get3A_2017 : vector<16xf32>
        %add3A_2019 = arith.addf %get3A_2013, %mul3A_2018 : vector<16xf32>
        %swap3A_2020 = arith.index_cast %add3A_1931 : i32 to index
        %swap3A_2021 = arith.constant 80 : index
        %swap3A_2022 = tpu.vector_load %arg9[%swap3A_2020, %swap3A_2021] {strides = array<i32>} : memref<128x128xf32, #tpu.memory_space<vmem>>, vector<1x16xf32>,
        %swap3A_2023 = vector.shape_cast %swap3A_2022 : vector<1x16xf32> to vector<16xf32>
        %swap3A_2024 = vector.shape_cast %add3A_2019 : vector<16xf32> to vector<1x16xf32>
        tpu.vector_store %arg9[%swap3A_2020, %swap3A_2021], %swap3A_2024 {strides = array<i32>} : memref<128x128xf32, #tpu.memory_space<vmem>>, vector<1x16xf32>,
        %get3A_2025 = arith.index_cast %add3A_1931 : i32 to index
        %get3A_2026 = arith.constant 96 : index
        %get3A_2027 = tpu.vector_load %arg8[%get3A_2025, %get3A_2026] {strides = array<i32>} : memref<128x256xf32, #tpu.memory_space<vmem>>, vector<1x16xf32>,
        %get3A_2028 = vector.shape_cast %get3A_2027 : vector<1x16xf32> to vector<16xf32>
        %get3A_2029 = arith.index_cast %add3A_1931 : i32 to index
        %get3A_2030 = arith.constant 224 : index
        %get3A_2031 = tpu.vector_load %arg8[%get3A_2029, %get3A_2030] {strides = array<i32>} : memref<128x256xf32, #tpu.memory_space<vmem>>, vector<1x16xf32>,
        %get3A_2032 = vector.shape_cast %get3A_2031 : vector<1x16xf32> to vector<16xf32>
        %mul3A_2033 = arith.mulf %broadcast_in_dim3A_1934, %get3A_2032 : vector<16xf32>
        %add3A_2034 = arith.addf %get3A_2028, %mul3A_2033 : vector<16xf32>
        %swap3A_2035 = arith.index_cast %add3A_1931 : i32 to index
        %swap3A_2036 = arith.constant 96 : index
        %swap3A_2037 = tpu.vector_load %arg9[%swap3A_2035, %swap3A_2036] {strides = array<i32>} : memref<128x128xf32, #tpu.memory_space<vmem>>, vector<1x16xf32>,
        %swap3A_2038 = vector.shape_cast %swap3A_2037 : vector<1x16xf32> to vector<16xf32>
        %swap3A_2039 = vector.shape_cast %add3A_2034 : vector<16xf32> to vector<1x16xf32>
        tpu.vector_store %arg9[%swap3A_2035, %swap3A_2036], %swap3A_2039 {strides = array<i32>} : memref<128x128xf32, #tpu.memory_space<vmem>>, vector<1x16xf32>,
        %get3A_2040 = arith.index_cast %add3A_1931 : i32 to index
        %get3A_2041 = arith.constant 112 : index
        %get3A_2042 = tpu.vector_load %arg8[%get3A_2040, %get3A_2041] {strides = array<i32>} : memref<128x256xf32, #tpu.memory_space<vmem>>, vector<1x16xf32>,
        %get3A_2043 = vector.shape_cast %get3A_2042 : vector<1x16xf32> to vector<16xf32>
        %get3A_2044 = arith.index_cast %add3A_1931 : i32 to index
        %get3A_2045 = arith.constant 240 : index
        %get3A_2046 = tpu.vector_load %arg8[%get3A_2044, %get3A_2045] {strides = array<i32>} : memref<128x256xf32, #tpu.memory_space<vmem>>, vector<1x16xf32>,
        %get3A_2047 = vector.shape_cast %get3A_2046 : vector<1x16xf32> to vector<16xf32>
        %mul3A_2048 = arith.mulf %broadcast_in_dim3A_1934, %get3A_2047 : vector<16xf32>
        %add3A_2049 = arith.addf %get3A_2043, %mul3A_2048 : vector<16xf32>
        %swap3A_2050 = arith.index_cast %add3A_1931 : i32 to index
        %swap3A_2051 = arith.constant 112 : index
        %swap3A_2052 = tpu.vector_load %arg9[%swap3A_2050, %swap3A_2051] {strides = array<i32>} : memref<128x128xf32, #tpu.memory_space<vmem>>, vector<1x16xf32>,
        %swap3A_2053 = vector.shape_cast %swap3A_2052 : vector<1x16xf32> to vector<16xf32>
        %swap3A_2054 = vector.shape_cast %add3A_2049 : vector<16xf32> to vector<1x16xf32>
        tpu.vector_store %arg9[%swap3A_2050, %swap3A_2051], %swap3A_2054 {strides = array<i32>} : memref<128x128xf32, #tpu.memory_space<vmem>>, vector<1x16xf32>,
      }
      %scan3A_21 = arith.constant 8 : i32
      "tpu.region"() ({
        %run_scoped3A = tpu.sem_alloc : memref<!tpu.dma_semaphore, #tpu.memory_space<semaphore_mem>>
        %dma_start3A_22 = arith.constant 0 : i32
        %dma_start3A_23 = tpu.memref_slice %arg5[%add3A_11, %dma_start3A_22] : memref<327680x128xf32, #tpu.memory_space<hbm>> -> memref<128x128xf32, #tpu.memory_space<hbm>>
        %dma_start3A_24 = arith.constant 0 : i32
        %dma_start3A_25 = tpu.memref_slice %arg5[%add3A_11, %dma_start3A_24] : memref<327680x128xf32, #tpu.memory_space<hbm>> -> memref<128x128xf32, #tpu.memory_space<hbm>>
        tpu.enqueue_dma source(%arg9 : memref<128x128xf32, #tpu.memory_space<vmem>>) target(%dma_start3A_25 : memref<128x128xf32, #tpu.memory_space<hbm>>) target_semaphore(%run_scoped3A : memref<!tpu.dma_semaphore, #tpu.memory_space<semaphore_mem>>)
        %dma_wait3A_26 = arith.constant 0 : i32
        %dma_wait3A_27 = tpu.memref_slice %arg5[%add3A_11, %dma_wait3A_26] : memref<327680x128xf32, #tpu.memory_space<hbm>> -> memref<128x128xf32, #tpu.memory_space<hbm>>
        %dma_wait3A_28 = arith.constant 0 : i32
        %dma_wait3A_29 = tpu.memref_slice %arg5[%add3A_11, %dma_wait3A_28] : memref<327680x128xf32, #tpu.memory_space<hbm>> -> memref<128x128xf32, #tpu.memory_space<hbm>>
        tpu.wait_dma2 semaphore(%run_scoped3A : memref<!tpu.dma_semaphore, #tpu.memory_space<semaphore_mem>>) src(%arg9 : memref<128x128xf32, #tpu.memory_space<vmem>>) dst(%dma_wait3A_29 : memref<128x128xf32, #tpu.memory_space<hbm>>)
        tpu.yield
      }) : () -> ()
    }
    %scan3A_7 = arith.constant 80 : i32
    return
  }
}

module attributes {stable_mosaic.version = 14 : i64} {
  func.func @body(%arg0: i32, %arg1: memref<2000x128xf32, #tpu.memory_space<vmem>>, %arg2: memref<128x256xf32, #tpu.memory_space<vmem>>, %arg3: memref<2000x256xf32, #tpu.memory_space<vmem>>) attributes {dimension_semantics = [#tpu.dimension_semantics<arbitrary>], iteration_bounds = array<i64: 5>, scalar_prefetch = 0 : i64, scratch_operands = 0 : i64, tpu.core_type = #tpu.core_type<tc>, window_params = [{transform_indices = @transform_0, window_bounds = array<i64: 2000, 128>}, {pipeline_mode = #tpu.pipeline_mode<synchronous>, transform_indices = @transform_1, window_bounds = array<i64: 128, 256>}, {transform_indices = @transform_2, window_bounds = array<i64: 2000, 256>}]} {
    %get3A = arith.constant 0 : index
    %get3A_0 = arith.constant 0 : index
    %get3A_1 = vector.load %arg1[%get3A, %get3A_0] : memref<2000x128xf32, #tpu.memory_space<vmem>>, vector<2000x128xf32>
    %get3A_2 = arith.constant 0 : index
    %get3A_3 = arith.constant 0 : index
    %get3A_4 = vector.load %arg2[%get3A_2, %get3A_3] : memref<128x256xf32, #tpu.memory_space<vmem>>, vector<128x256xf32>
    %dot_general3A = arith.constant dense<0.000000e+00> : vector<2000x256xf32>
    %dot_general3A_5 = tpu.matmul %get3A_1, %get3A_4, %dot_general3A {dimension_numbers = #tpu.dot_dimension_numbers<[1], [0], [0], [1], [0, 0, 1, 1], [], []>, transpose_lhs_hint = false} : vector<2000x128xf32>, vector<128x256xf32>, vector<2000x256xf32> -> vector<2000x256xf32>
    %swap3A = arith.constant 0 : index
    %swap3A_6 = arith.constant 0 : index
    %swap3A_7 = vector.load %arg3[%swap3A, %swap3A_6] : memref<2000x256xf32, #tpu.memory_space<vmem>>, vector<2000x256xf32>
    tpu.vector_store %arg3[%swap3A, %swap3A_6], %dot_general3A_5 {strides = array<i32>} : memref<2000x256xf32, #tpu.memory_space<vmem>>, vector<2000x256xf32>,
    return
  }
  func.func @transform_0(%arg0: i32) -> (i32, i32) {
    %c0_i32 = arith.constant 0 : i32
    %c0_i32_0 = arith.constant 0 : i32
    return %arg0, %c0_i32 : i32, i32
  }
  func.func @transform_1(%arg0: i32) -> (i32, i32) {
    %c0_i32 = arith.constant 0 : i32
    %c0_i32_0 = arith.constant 0 : i32
    %c0_i32_1 = arith.constant 0 : i32
    return %c0_i32, %c0_i32_0 : i32, i32
  }
  func.func @transform_2(%arg0: i32) -> (i32, i32) {
    %c0_i32 = arith.constant 0 : i32
    %c0_i32_0 = arith.constant 0 : i32
    return %arg0, %c0_i32 : i32, i32
  }
}

module attributes {stable_mosaic.version = 14 : i64} {
  func.func @body(%arg0: i32, %arg1: memref<2000x128xf32, #tpu.memory_space<vmem>>, %arg2: memref<2000x8xf32, #tpu.memory_space<vmem>>, %arg3: memref<1x128xf32, #tpu.memory_space<vmem>>, %arg4: memref<2000x128xf32, #tpu.memory_space<vmem>>, %arg5: memref<8x128xf32, #tpu.memory_space<vmem>>) attributes {dimension_semantics = [#tpu.dimension_semantics<arbitrary>], iteration_bounds = array<i64: 5>, scalar_prefetch = 0 : i64, scratch_operands = 0 : i64, tpu.core_type = #tpu.core_type<tc>, window_params = [{transform_indices = @transform_0, window_bounds = array<i64: 2000, 128>}, {transform_indices = @transform_1, window_bounds = array<i64: 2000, 8>}, {pipeline_mode = #tpu.pipeline_mode<synchronous>, transform_indices = @transform_2, window_bounds = array<i64: 1, 128>}, {transform_indices = @transform_3, window_bounds = array<i64: 2000, 128>}, {pipeline_mode = #tpu.pipeline_mode<synchronous>, transform_indices = @transform_4, window_bounds = array<i64: 8, 128>}]} {
    %get3A = arith.constant 0 : index
    %get3A_0 = arith.constant 0 : index
    %get3A_1 = vector.load %arg2[%get3A, %get3A_0] : memref<2000x8xf32, #tpu.memory_space<vmem>>, vector<2000x8xf32>
    %slice3A = vector.extract_strided_slice %get3A_1 {offsets = [0, 0], sizes = [2000, 1], strides = [1, 1]} : vector<2000x8xf32> to vector<2000x1xf32>
    %max3A = arith.constant 1.000000e+00 : f32
    %max3A_2 = vector.broadcast %max3A : f32 to vector<2000x1xf32>
    %max3A_3 = arith.maximumf %slice3A, %max3A_2 : vector<2000x1xf32>
    %get3A_4 = arith.constant 0 : index
    %get3A_5 = arith.constant 0 : index
    %get3A_6 = vector.load %arg1[%get3A_4, %get3A_5] : memref<2000x128xf32, #tpu.memory_space<vmem>>, vector<2000x128xf32>
    %div3A = vector.broadcast %max3A_3 : vector<2000x1xf32> to vector<2000x128xf32>
    %div3A_7 = arith.divf %get3A_6, %div3A : vector<2000x128xf32>
    %get3A_8 = arith.constant 0 : index
    %get3A_9 = arith.constant 0 : index
    %get3A_10 = vector.load %arg3[%get3A_8, %get3A_9] : memref<1x128xf32, #tpu.memory_space<vmem>>, vector<1x128xf32>
    %add3A = vector.broadcast %get3A_10 : vector<1x128xf32> to vector<2000x128xf32>
    %add3A_11 = arith.addf %div3A_7, %add3A : vector<2000x128xf32>
    %max3A_12 = arith.constant 0.000000e+00 : f32
    %max3A_13 = vector.broadcast %max3A_12 : f32 to vector<2000x128xf32>
    %max3A_14 = arith.maximumf %add3A_11, %max3A_13 : vector<2000x128xf32>
    %swap3A = arith.constant 0 : index
    %swap3A_15 = arith.constant 0 : index
    %swap3A_16 = vector.load %arg4[%swap3A, %swap3A_15] : memref<2000x128xf32, #tpu.memory_space<vmem>>, vector<2000x128xf32>
    tpu.vector_store %arg4[%swap3A, %swap3A_15], %max3A_14 {strides = array<i32>} : memref<2000x128xf32, #tpu.memory_space<vmem>>, vector<2000x128xf32>,
    %eq3A = arith.constant 0 : i32
    %eq3A_17 = arith.cmpi eq, %arg0, %eq3A : i32
    %convert_element_type3A = arith.extui %eq3A_17 : i1 to i32
    %cond3A = arith.constant 0 : i32
    %cond3A_18 = arith.cmpi ne, %convert_element_type3A, %cond3A : i32
    scf.if %cond3A_18 {
      %broadcast_in_dim3A_32 = arith.constant 0.000000e+00 : f32
      %broadcast_in_dim3A_33 = vector.broadcast %broadcast_in_dim3A_32 : f32 to vector<8x128xf32>
      %swap3A_34 = arith.constant 0 : index
      %swap3A_35 = arith.constant 0 : index
      %swap3A_36 = vector.load %arg5[%swap3A_34, %swap3A_35] : memref<8x128xf32, #tpu.memory_space<vmem>>, vector<8x128xf32>
      tpu.vector_store %arg5[%swap3A_34, %swap3A_35], %broadcast_in_dim3A_33 {strides = array<i32>} : memref<8x128xf32, #tpu.memory_space<vmem>>, vector<8x128xf32>,
    } else {
    }
    %reduce_sum3A = arith.constant dense<0.000000e+00> : vector<128xf32>
    %reduce_sum3A_19 = vector.multi_reduction <add>, %max3A_14, %reduce_sum3A [0] : vector<2000x128xf32> to vector<128xf32>
    %broadcast_in_dim3A = vector.shape_cast %reduce_sum3A_19 : vector<128xf32> to vector<1x128xf32>
    %mul3A = arith.mulf %max3A_14, %max3A_14 : vector<2000x128xf32>
    %reduce_sum3A_20 = arith.constant dense<0.000000e+00> : vector<128xf32>
    %reduce_sum3A_21 = vector.multi_reduction <add>, %mul3A, %reduce_sum3A_20 [0] : vector<2000x128xf32> to vector<128xf32>
    %broadcast_in_dim3A_22 = vector.shape_cast %reduce_sum3A_21 : vector<128xf32> to vector<1x128xf32>
    %broadcast_in_dim3A_23 = arith.constant 0.000000e+00 : f32
    %broadcast_in_dim3A_24 = vector.broadcast %broadcast_in_dim3A_23 : f32 to vector<6x128xf32>
    %get3A_25 = arith.constant 0 : index
    %get3A_26 = arith.constant 0 : index
    %get3A_27 = vector.load %arg5[%get3A_25, %get3A_26] : memref<8x128xf32, #tpu.memory_space<vmem>>, vector<8x128xf32>
    %concatenate3A = tpu.concatenate %broadcast_in_dim3A, %broadcast_in_dim3A_22, %broadcast_in_dim3A_24 in 0 : vector<1x128xf32>, vector<1x128xf32>, vector<6x128xf32> -> vector<8x128xf32>
    %add3A_28 = arith.addf %get3A_27, %concatenate3A : vector<8x128xf32>
    %swap3A_29 = arith.constant 0 : index
    %swap3A_30 = arith.constant 0 : index
    %swap3A_31 = vector.load %arg5[%swap3A_29, %swap3A_30] : memref<8x128xf32, #tpu.memory_space<vmem>>, vector<8x128xf32>
    tpu.vector_store %arg5[%swap3A_29, %swap3A_30], %add3A_28 {strides = array<i32>} : memref<8x128xf32, #tpu.memory_space<vmem>>, vector<8x128xf32>,
    return
  }
  func.func @transform_0(%arg0: i32) -> (i32, i32) {
    %c0_i32 = arith.constant 0 : i32
    %c0_i32_0 = arith.constant 0 : i32
    return %arg0, %c0_i32 : i32, i32
  }
  func.func @transform_1(%arg0: i32) -> (i32, i32) {
    %c0_i32 = arith.constant 0 : i32
    %c0_i32_0 = arith.constant 0 : i32
    return %arg0, %c0_i32 : i32, i32
  }
  func.func @transform_2(%arg0: i32) -> (i32, i32) {
    %c0_i32 = arith.constant 0 : i32
    %c0_i32_0 = arith.constant 0 : i32
    %c0_i32_1 = arith.constant 0 : i32
    return %c0_i32, %c0_i32_0 : i32, i32
  }
  func.func @transform_3(%arg0: i32) -> (i32, i32) {
    %c0_i32 = arith.constant 0 : i32
    %c0_i32_0 = arith.constant 0 : i32
    return %arg0, %c0_i32 : i32, i32
  }
  func.func @transform_4(%arg0: i32) -> (i32, i32) {
    %c0_i32 = arith.constant 0 : i32
    %c0_i32_0 = arith.constant 0 : i32
    %c0_i32_1 = arith.constant 0 : i32
    return %c0_i32, %c0_i32_0 : i32, i32
  }
}

module attributes {stable_mosaic.version = 14 : i64} {
  func.func @body(%arg0: i32, %arg1: memref<2000x128xf32, #tpu.memory_space<vmem>>, %arg2: memref<8x128xf32, #tpu.memory_space<vmem>>, %arg3: memref<1x128xf32, #tpu.memory_space<vmem>>, %arg4: memref<1x128xf32, #tpu.memory_space<vmem>>, %arg5: memref<128x128xf32, #tpu.memory_space<vmem>>, %arg6: memref<1x128xf32, #tpu.memory_space<vmem>>, %arg7: memref<2000x128xf32, #tpu.memory_space<vmem>>) attributes {dimension_semantics = [#tpu.dimension_semantics<arbitrary>], iteration_bounds = array<i64: 5>, scalar_prefetch = 0 : i64, scratch_operands = 0 : i64, tpu.core_type = #tpu.core_type<tc>, window_params = [{transform_indices = @transform_0, window_bounds = array<i64: 2000, 128>}, {pipeline_mode = #tpu.pipeline_mode<synchronous>, transform_indices = @transform_1, window_bounds = array<i64: 8, 128>}, {pipeline_mode = #tpu.pipeline_mode<synchronous>, transform_indices = @transform_2, window_bounds = array<i64: 1, 128>}, {pipeline_mode = #tpu.pipeline_mode<synchronous>, transform_indices = @transform_3, window_bounds = array<i64: 1, 128>}, {pipeline_mode = #tpu.pipeline_mode<synchronous>, transform_indices = @transform_4, window_bounds = array<i64: 128, 128>}, {pipeline_mode = #tpu.pipeline_mode<synchronous>, transform_indices = @transform_5, window_bounds = array<i64: 1, 128>}, {transform_indices = @transform_6, window_bounds = array<i64: 2000, 128>}]} {
    %get3A = arith.constant 0 : index
    %get3A_0 = arith.constant 0 : index
    %get3A_1 = vector.load %arg1[%get3A, %get3A_0] : memref<2000x128xf32, #tpu.memory_space<vmem>>, vector<2000x128xf32>
    %get3A_2 = arith.constant 0 : index
    %get3A_3 = arith.constant 0 : index
    %get3A_4 = vector.load %arg2[%get3A_2, %get3A_3] : memref<8x128xf32, #tpu.memory_space<vmem>>, vector<8x128xf32>
    %slice3A = vector.extract_strided_slice %get3A_4 {offsets = [0, 0], sizes = [1, 128], strides = [1, 1]} : vector<8x128xf32> to vector<1x128xf32>
    %mul3A = arith.constant 9.99999974E-5 : f32
    %mul3A_5 = vector.broadcast %mul3A : f32 to vector<1x128xf32>
    %mul3A_6 = arith.mulf %slice3A, %mul3A_5 : vector<1x128xf32>
    %slice3A_7 = vector.extract_strided_slice %get3A_4 {offsets = [1, 0], sizes = [1, 128], strides = [1, 1]} : vector<8x128xf32> to vector<1x128xf32>
    %mul3A_8 = arith.constant 9.99999974E-5 : f32
    %mul3A_9 = vector.broadcast %mul3A_8 : f32 to vector<1x128xf32>
    %mul3A_10 = arith.mulf %slice3A_7, %mul3A_9 : vector<1x128xf32>
    %mul3A_11 = arith.mulf %mul3A_6, %mul3A_6 : vector<1x128xf32>
    %sub3A = arith.subf %mul3A_10, %mul3A_11 : vector<1x128xf32>
    %add3A = arith.constant 9.99999974E-6 : f32
    %add3A_12 = vector.broadcast %add3A : f32 to vector<1x128xf32>
    %add3A_13 = arith.addf %sub3A, %add3A_12 : vector<1x128xf32>
    %rsqrt3A = math.rsqrt %add3A_13 : vector<1x128xf32>
    %get3A_14 = arith.constant 0 : index
    %get3A_15 = arith.constant 0 : index
    %get3A_16 = vector.load %arg3[%get3A_14, %get3A_15] : memref<1x128xf32, #tpu.memory_space<vmem>>, vector<1x128xf32>
    %mul3A_17 = arith.mulf %rsqrt3A, %get3A_16 : vector<1x128xf32>
    %get3A_18 = arith.constant 0 : index
    %get3A_19 = arith.constant 0 : index
    %get3A_20 = vector.load %arg4[%get3A_18, %get3A_19] : memref<1x128xf32, #tpu.memory_space<vmem>>, vector<1x128xf32>
    %mul3A_21 = arith.mulf %mul3A_6, %mul3A_17 : vector<1x128xf32>
    %sub3A_22 = arith.subf %get3A_20, %mul3A_21 : vector<1x128xf32>
    %mul3A_23 = vector.broadcast %mul3A_17 : vector<1x128xf32> to vector<2000x128xf32>
    %mul3A_24 = arith.mulf %get3A_1, %mul3A_23 : vector<2000x128xf32>
    %add3A_25 = vector.broadcast %sub3A_22 : vector<1x128xf32> to vector<2000x128xf32>
    %add3A_26 = arith.addf %mul3A_24, %add3A_25 : vector<2000x128xf32>
    %get3A_27 = arith.constant 0 : index
    %get3A_28 = arith.constant 0 : index
    %get3A_29 = vector.load %arg5[%get3A_27, %get3A_28] : memref<128x128xf32, #tpu.memory_space<vmem>>, vector<128x128xf32>
    %dot_general3A = arith.constant dense<0.000000e+00> : vector<2000x128xf32>
    %dot_general3A_30 = tpu.matmul %add3A_26, %get3A_29, %dot_general3A {dimension_numbers = #tpu.dot_dimension_numbers<[1], [0], [0], [1], [0, 0, 1, 1], [], []>, transpose_lhs_hint = false} : vector<2000x128xf32>, vector<128x128xf32>, vector<2000x128xf32> -> vector<2000x128xf32>
    %get3A_31 = arith.constant 0 : index
    %get3A_32 = arith.constant 0 : index
    %get3A_33 = vector.load %arg6[%get3A_31, %get3A_32] : memref<1x128xf32, #tpu.memory_space<vmem>>, vector<1x128xf32>
    %add3A_34 = vector.broadcast %get3A_33 : vector<1x128xf32> to vector<2000x128xf32>
    %add3A_35 = arith.addf %dot_general3A_30, %add3A_34 : vector<2000x128xf32>
    %swap3A = arith.constant 0 : index
    %swap3A_36 = arith.constant 0 : index
    %swap3A_37 = vector.load %arg7[%swap3A, %swap3A_36] : memref<2000x128xf32, #tpu.memory_space<vmem>>, vector<2000x128xf32>
    tpu.vector_store %arg7[%swap3A, %swap3A_36], %add3A_35 {strides = array<i32>} : memref<2000x128xf32, #tpu.memory_space<vmem>>, vector<2000x128xf32>,
    return
  }
  func.func @transform_0(%arg0: i32) -> (i32, i32) {
    %c0_i32 = arith.constant 0 : i32
    %c0_i32_0 = arith.constant 0 : i32
    return %arg0, %c0_i32 : i32, i32
  }
  func.func @transform_1(%arg0: i32) -> (i32, i32) {
    %c0_i32 = arith.constant 0 : i32
    %c0_i32_0 = arith.constant 0 : i32
    %c0_i32_1 = arith.constant 0 : i32
    return %c0_i32, %c0_i32_0 : i32, i32
  }
  func.func @transform_2(%arg0: i32) -> (i32, i32) {
    %c0_i32 = arith.constant 0 : i32
    %c0_i32_0 = arith.constant 0 : i32
    %c0_i32_1 = arith.constant 0 : i32
    return %c0_i32, %c0_i32_0 : i32, i32
  }
  func.func @transform_3(%arg0: i32) -> (i32, i32) {
    %c0_i32 = arith.constant 0 : i32
    %c0_i32_0 = arith.constant 0 : i32
    %c0_i32_1 = arith.constant 0 : i32
    return %c0_i32, %c0_i32_0 : i32, i32
  }
  func.func @transform_4(%arg0: i32) -> (i32, i32) {
    %c0_i32 = arith.constant 0 : i32
    %c0_i32_0 = arith.constant 0 : i32
    %c0_i32_1 = arith.constant 0 : i32
    return %c0_i32, %c0_i32_0 : i32, i32
  }
  func.func @transform_5(%arg0: i32) -> (i32, i32) {
    %c0_i32 = arith.constant 0 : i32
    %c0_i32_0 = arith.constant 0 : i32
    %c0_i32_1 = arith.constant 0 : i32
    return %c0_i32, %c0_i32_0 : i32, i32
  }
  func.func @transform_6(%arg0: i32) -> (i32, i32) {
    %c0_i32 = arith.constant 0 : i32
    %c0_i32_0 = arith.constant 0 : i32
    return %arg0, %c0_i32 : i32, i32
  }
}

</mosaic_0001>

<sc_bundles>
// kernel: kernel.6.cloned.1.call-start
scs
__scs_entry_jumppad:
0x0: {  	(pc) =	sbr.rel $0x88, $3  }
0x1: {  	(tag) =	ssettag $0x0;
	lr =	simm.s32 $0x1  }
0x2: {  	[smem:$0x3F98] =	sst lr;
	_ =	strace $0xD0000000  }
0x3: {  	_ = 	snop  }
0x4: {  	_ = 	snop  }
0x5: {  	_ = 	snop  }
0x6: {  	_ = 	snop  }
0x7: {  	_ = 	snop  }
__scs_overlays_trampoline_lowered:
0x8: {  	[smem:$0x3FA7] =	sst s0  }
0x9: {  	[smem:$0x3FA8] =	sst s1  }
0xa: {  	[smem:$0x3FA9] =	sst s2  }
0xb: {  	[smem:$0x3FAA] =	sst s3  }
0xc: {  	[smem:$0x3FAB] =	sst s4  }
0xd: {  	[smem:$0x3FAC] =	sst s5  }
0xe: {  	[smem:$0x3FAD] =	sst s6  }
0xf: {  	[smem:$0x3FAE] =	sst s7  }
0x10: {  	[smem:$0x3FAF] =	sst s8  }
0x11: {  	[smem:$0x3FB0] =	sst s9;
	s0 =	simm.s32 @!p0 $0x0  }
0x12: {  	s1 =	sld [smem:$0x3F96];
	s0 =	simm.s32 @p0 $0x1  }
0x13: {  	[smem:$0x3FB1] =	sst s0;
	s0 =	simm.s32 @!p1 $0x0  }
0x14: {  	s2 =	sld [smem:$0x3F95];
	s0 =	simm.s32 @p1 $0x1  }
0x15: {  	[smem:$0x3FB2] =	sst s0;
	s0 =	simm.s32 @!p2 $0x0  }
0x16: {  	s3 =	sld [smem:$0x3FDB];
	s0 =	simm.s32 @p2 $0x1  }
0x17: {  	s4 =	simm.s32 $0x1BF5;
	[smem:$0x3FB4] =	sst s0  }
0x18: {  	s0 =	sld [smem:$0x3F97];
	_ =	swait.ge [sflag:s4], $0x0  }
0x19: {  	s7 =	sld [smem:$0x3F98]  }
0x1a: {  	s8 =	sadd.s32 $0xFFFFE003, lr  }
0x1b: {  	s9 =	sadd.s32 $0xFFFFFEF7, lr;
	s5 =	simm.s32 $0xFFFFFFFF;
	p2 =	slt.u32 s8, $0xFFFFF086  }
0x1c: {  	p1 =	slt.u32 s9, $0xF7A;
	s5 =	simm.s32 @!p2 $0x0  }
0x1d: {  	s5 =	simm.s32 @p1 $0x1;
	p0 =	seq.s32 s7, s2  }
0x1e: {  	s7 =	smul.u32 @!p0 $0xF7A, s2;
	p2 =	seq.s32 @!p0 s5, $0x0  }
0x1f: {  	s9 =	smul.u32 $0xF7A, s1;
	s8 =	simm.s32 @!p0 $0x1BF5;
	p2 =	por !p2, p0  }
0x20: {  	[sflag:s8] =	ssyncset.s32 @!p0 $0xFFFFF086;
	s6 =	sadd.s32 @!p0 s3, s7;
	s7 =	simm.s32 @!p0 $0x108  }
0x21: {  	s3 =	sadd.s32 s3, s9;
	s6 =	sadd.s32 @!p0 $0x88, s6;
	s7 =	simm.s32 @p2 $0x1082  }
0x22: {  	[simem:s7], [sflag:s8] =	dma.local @!p0 [hbm:s6], $0xF7A  }
0x23: {  	s9 =	sor.u32 $0xD0000000, s2;
	s6 =	simm.s32 $0x108;
	_ =	swait.ge @!p0 [sflag:s8], $0x0  }
0x24: {  	s3 =	sadd.s32 $0x88, s3;
	s6 =	simm.s32 @!p1 $0x1082;
	[sflag:s4] =	ssyncset.s32 $0xFFFFF086  }
0x25: {  	[simem:s6], [sflag:s4] =	dma.local [hbm:s3], $0xF7A  }
0x26: {  	[smem:$0x3F98] =	sst s1;
	(tag) =	ssettag s2;
	_ =	strace s9  }
0x27: {  	s1 =	sld [smem:$0x3FA8]  }
0x28: {  	s2 =	sld [smem:$0x3FA9]  }
0x29: {  	s4 =	sld [smem:$0x3FAB]  }
0x2a: {  	p0 =	seq.s32 s5, $0x0;
	s5 =	sld [smem:$0x3FAC]  }
0x2b: {  	s6 =	sld [smem:$0x3FAD]  }
0x2c: {  	s7 =	sld [smem:$0x3FAE]  }
0x2d: {  	s3 =	simm.s32 $0x108;
	s8 =	sld [smem:$0x3FAF]  }
0x2e: {  	s3 =	simm.s32 @!p0 $0x1082;
	s9 =	sld [smem:$0x3FB0]  }
0x2f: {  	lr =	sadd.s32 s0, s3;
	s0 =	sld [smem:$0x3FA7]  }
0x30: {  	s3 =	sld [smem:$0x3FAA]  }
0x31: {  	[smem:$0x3FB3] =	sst s10  }
0x32: {  	s10 =	sld [smem:$0x3FB1];
	_ =	sdelay $0x3  }
0x33: {  	p0 =	seq.s32 s10, $0x1;
	s10 =	sld [smem:$0x3FB3];
	_ =	sdelay $0x3  }
0x34: {  	[smem:$0x3FB3] =	sst s10  }
0x35: {  	s10 =	sld [smem:$0x3FB2];
	_ =	sdelay $0x3  }
0x36: {  	p1 =	seq.s32 s10, $0x1;
	s10 =	sld [smem:$0x3FB3];
	_ =	sdelay $0x3  }
0x37: {  	[smem:$0x3FB3] =	sst s10  }
0x38: {  	s10 =	sld [smem:$0x3FB4]  }
0x39: {  	_ = 	snop;
	(pc) =	sbr.ind lr, $3  }
0x3a: {  	_ = 	snop  }
0x3b: {  	_ = 	snop  }
0x3c: {  	p2 =	seq.s32 s10, $0x1;
	s10 =	sld [smem:$0x3FB3]  }
0x3d: {  	_ =	shalt  }
0x3e: {  	_ =	shalt  }
0x3f: {  	_ =	shalt  }
0x40: {  	_ =	shalt  }
0x41: {  	_ =	shalt  }
0x42: {  	_ =	shalt  }
0x43: {  	_ =	shalt  }
0x44: {  	_ =	shalt  }
0x45: {  	_ =	shalt  }
0x46: {  	_ =	shalt  }
0x47: {  	_ =	shalt  }
0x48: {  	_ =	shalt  }
0x49: {  	_ =	shalt  }
0x4a: {  	_ =	shalt  }
0x4b: {  	_ =	shalt  }
0x4c: {  	_ =	shalt  }
0x4d: {  	_ =	shalt  }
0x4e: {  	_ =	shalt  }
0x4f: {  	_ =	shalt  }
0x50: {  	_ =	shalt  }
0x51: {  	_ =	shalt  }
0x52: {  	_ =	shalt  }
0x53: {  	_ =	shalt  }
0x54: {  	_ =	shalt  }
0x55: {  	_ =	shalt  }
0x56: {  	_ =	shalt  }
0x57: {  	_ =	shalt  }
0x58: {  	_ =	shalt  }
0x59: {  	_ =	shalt  }
0x5a: {  	_ =	shalt  }
0x5b: {  	_ =	shalt  }
0x5c: {  	_ =	shalt  }
0x5d: {  	_ =	shalt  }
0x5e: {  	_ =	shalt  }
0x5f: {  	_ =	shalt  }
0x60: {  	_ =	shalt  }
0x61: {  	_ =	shalt  }
0x62: {  	_ =	shalt  }
0x63: {  	_ =	shalt  }
0x64: {  	_ =	shalt  }
0x65: {  	_ =	shalt  }
0x66: {  	_ =	shalt  }
0x67: {  	_ =	shalt  }
0x68: {  	_ =	shalt  }
0x69: {  	_ =	shalt  }
0x6a: {  	_ =	shalt  }
0x6b: {  	_ =	shalt  }
0x6c: {  	_ =	shalt  }
0x6d: {  	_ =	shalt  }
0x6e: {  	_ =	shalt  }
0x6f: {  	_ =	shalt  }
0x70: {  	_ =	shalt  }
0x71: {  	_ =	shalt  }
0x72: {  	_ =	shalt  }
0x73: {  	_ =	shalt  }
0x74: {  	_ =	shalt  }
0x75: {  	_ =	shalt  }
0x76: {  	_ =	shalt  }
0x77: {  	_ =	shalt  }
0x78: {  	_ =	shalt  }
0x79: {  	_ =	shalt  }
0x7a: {  	_ =	shalt  }
0x7b: {  	_ =	shalt  }
0x7c: {  	_ =	shalt  }
0x7d: {  	_ =	shalt  }
0x7e: {  	_ =	shalt  }
0x7f: {  	_ =	shalt  }
0x80: {  	_ =	shalt  }
0x81: {  	_ =	shalt  }
0x82: {  	_ =	shalt  }
0x83: {  	_ =	shalt  }
0x84: {  	_ =	shalt  }
0x85: {  	_ =	shalt  }
0x86: {  	_ =	shalt  }
0x87: {  	_ =	shalt  }
.Lfunc_end0:
.L_simem_size_0:
called_computation.2_lowered:
.L_overlay_start_0:
0x88: {  	s2 =	sld [smem:$0x3FD9]  }
0x89: {  	s3 =	sld [smem:$0x3FFE];
	_ =	sdelay $0x1  }
0x8a: {  	s1 =	srdreg.scid  }
0x8b: {  	s0 =	sand.u32 $0x1, s1  }
0x8c: {  	s17 =	sshll.u32 s0, $0xA;
	s2 =	sadd.s32 s3, s2  }
0x8d: {  	s2 =	sadd.s32 s2, s17  }
0x8e: {  	[smem:$0x3FBF] =	sst s2  }
0x8f: {  	_ = 	snop  }
0x90: {  	s2 =	sld [smem:$0x3FD0];
	(tm) =	ssettm $0x1  }
0x91: {  	s18 =	sld [smem:$0x3FFB];
	_ =	sdelay $0x3  }
0x92: {  	_ =	strace s18  }
0x93: {  	s3 =	sld [smem:$0x3FFC];
	_ =	sdelay $0x3  }
0x94: {  	_ =	strace s3  }
0x95: {  	s3 =	sld [smem:$0x3FFD];
	_ =	sdelay $0x3  }
0x96: {  	_ =	strace s3  }
0x97: {  	_ =	strace $0x8FFFFFFF  }
0x98: {  	s19 =	sld [smem:$0x3FDB];
	_ =	sdelay $0x1  }
0x99: {  	s4 =	simm.s32 $_scs_section_size  }
0x9a: {  	s5 =	simm.s32 $_size__tile_overlayer_lowered;
	s6 =	simm.s32 $_tile_overlayer_lowered  }
0x9b: {  	s22 =	simm.s32 $0x1BFF;
	s21 =	sshll.u32 s6, $0x1;
	s3 =	sadd.s32 s4, s19  }
0x9c: {  	s7 =	simm.s32 $0x0;
	s20 =	sshll.u32 s5, $0x1;
	s5 =	sadd.s32 s21, s3  }
0x9d: {  	[timem:s7], [sflag:s22] =	dma.local [hbm:s5], s20  }
0x9e: {  	_ =	swait.ge [sflag:s22], s20  }
0x9f: {  	s4 =	ssub.s32 $0x0, s20;
	[sflag:s22] =	ssyncset.done $0x0  }
0xa0: {  	[sflag:s22] =	ssyncadd.s32 s4;
	_ =	sdelay $0x1  }
0xa1: {  	s23 =	simm.s32 $0x1B8B  }
0xa2: {  	_ =	swait.ge [sflag:s23], $0x1  }
0xa3: {  	[sflag:s23] =	ssyncset.done $0x0  }
0xa4: {  	s25 =	simm.s32 $0x1B8E;
	s24 =	sld [smem:$0x3FFE];
	[sflag:s23] =	ssyncadd.s32 $0xFFFFFFFF  }
0xa5: {  	s26 =	simm.s32 $execute0_lowered;
	[smem:$0x3FD2] =	sst s25  }
0xa6: {  	s5 =	sshll.u32 s26, $0x1;
	_ =	strace $0x80000046;
	[dreg:$0x1] =	wrdreg $0xFFFFFFFF  }
0xa7: {  	s28 =	simm.s32 $_size_execute0_lowered;
	s3 =	sadd.s32 s3, s5;
	[dreg:$0x0] =	wrdreg $0x0  }
0xa8: {  	s5 =	sshll.u32 s28, $0x1;
	[dreg:$0x2] =	wrdreg s3  }
0xa9: {  	[dreg:$0x3] =	wrdreg s5  }
0xaa: {  	[dreg:$0x4] =	wrdreg $0xC0  }
0xab: {  	_ =	task [dreg:s7], $0x5FFFF  }
0xac: {  	[dreg:$0x1] =	wrdreg $0xFFFFFFFF  }
0xad: {  	[dreg:$0x0] =	wrdreg $0x60  }
0xae: {  	[dreg:$0x2] =	wrdreg s24  }
0xaf: {  	[dreg:$0x3] =	wrdreg s2  }
0xb0: {  	[dreg:$0x4] =	wrdreg $0x9  }
0xb1: {  	_ =	task.clear_ibuf [dreg:s7], $0x5FFFF;
	_ =	strace $0x90000046  }
0xb2: {  	s29 =	simm.s32 $0x9;
	_ =	strace $0x80000048  }
0xb3: {  	_ =	swait.ge [sflag:s29], $0x1  }
0xb4: {  	[sflag:s29] =	ssyncadd.s32 $0xFFFFFFFF  }
0xb5: {  	_ =	strace $0x90000048  }
0xb6: {  	_ =	sfence  }
0xb7: {  	s30 =	sld [smem:$0x0];
	_ =	sdelay $0x2  }
0xb8: {  	s31 =	sshll.u32 s1, $0xD;
	s1 =	sshrl.u32 s1, $0x2  }
0xb9: {  	s3 =	sand.u32 $0x4000, s31;
	s1 =	sadd.s32 s1, s30  }
0xba: {  	s0 =	sor.u32 s3, s0;
	s1 =	sshll.u32 s1, $0x11  }
0xbb: {  	s0 =	sor.u32 s1, s0  }
0xbc: {  	s0 =	sadd.s32 $0x8F2B, s0  }
0xbd: {  	[sflag:s0] =	ssyncadd.remote.s32 $0x1  }
0xbe: {  	_ =	sfence.sel $0xFFFF  }
0xbf: {  	[dreg:$0x0] =	wrdreg $0xFFFFFFFF;
	(pc) =	sbr.abs _section_cstart, $3  }
0xc0: {  	[dreg:$0x1] =	wrdreg $0xFFFFFFFF  }
0xc1: {  	_ =	task.clear_ibuf [dreg:s7], $0x2FFFF;
	_ =	strace $0x9FFFFFFF  }
0xc2: {  	(tm) =	ssettm $0x7FFFFFFF  }
0xc3: {  	_ =	shalt  }
tec
execute0_lowered:
.L_overlay_start_1:
0x0: {  	(tag) =	ssettag $0x1  }
0x1: {  	s0 =	rddreg [dreg:$0x0];
	s2 =	simm.s32 $0x0;
	s1 =	srdreg.scid  }
0x2: {  	s30 =	stileid.u32;
	s9 =	simm.s32 $0x2;
	s10 =	simm.s32 $0x80  }
0x3: {  	s11 =	simm.s32 $0x100;
	s12 =	simm.s32 $0x900;
	s13 =	simm.s32 $0x1100  }
0x4: {  	s14 =	simm.s32 $0x1900;
	s15 =	simm.s32 $0x2100;
	s16 =	simm.s32 $0x2900  }
0x5: {  	s17 =	simm.s32 $0x3100;
	s18 =	simm.s32 $0x3900;
	s19 =	simm.s32 $0x4100  }
0x6: {  	s20 =	simm.s32 $0x4900;
	s21 =	simm.s32 $0x5100;
	s22 =	simm.s32 $0x5900  }
0x7: {  	s23 =	simm.s32 $0x6100;
	s24 =	simm.s32 $0x6900;
	s25 =	simm.s32 $0x7100  }
0x8: {  	s26 =	simm.s32 $0x7900;
	s28 =	simm.s32 $0x1;
	s1 =	sand.u32 $0x1, s1  }
0x9: {  	s29 =	simm.s32 $0x8100;
	[smem:$0x7FF] =	sst s2;
	s3 =	ssub.s32 $0x2, s1  }
0xa: {  	s4 =	sadd.s32 $0x9E00, s0;
	s5 =	sadd.s32 $0x58000, s0;
	s6 =	sshrl.u32 s3, $0x1  }
0xb: {  	v2 =	vlaneseq.u32;
	_ =	strace $0x80000047;
	s1 =	sshll.u32 s1, $0x4;
	s3 =	ssub.s32 s3, s6  }
0xc: {  	vm0 =	vmmov $0xffff;
	v1 =	vshrl.u32 v2, $0x3;
	s1 =	sor.u32 s30, s1;
	s6 =	sadd.s32 $0x62000, s0;
	s31 =	smax.u32 s3, $0x1  }
0xd: {  	v0 =	vand.u32 $0x7, v2;
	v2 =	vor.u32 $0x8, v2;
	v1 =	vmul.u32 $0x8, v1;
	s7 =	smul.u32 $0x2800, s1;
	s1 =	simm.s32 $0x0;
	[dreg:$0x3] =	wrdreg s31  }
.LBB2_1:
0xe: {  	[dreg:$0x4] =	wrdreg s1;
	s31 =	simm.s32 $0x0  }
.LBB2_2:
0xf: {  	s0 =	sshll.u32 s31, $0x7  }
0x10: {  	s0 =	sadd.s32 s7, s0  }
0x11: {  	s2 =	rddreg [dreg:$0x1];
	s1 =	sshrl.u32 s0, $0x3  }
0x12: {  	s3 =	simm.s32 $0x0;
	s8 =	sadd.s32 s2, s1  }
0x13: {  	[tilespmem:s3], [sflag:$0x2] =	stream.linear.gather [hbm4b:s8+s3], $0x80, $0x38;
	[tilespmem:$0xC100] =	vst v63  }
0x14: {  	_ =	swait.ge [sflag:s9], $0x80  }
0x15: {  	[sflag:s9] =	ssyncset.done $0x0  }
0x16: {  	s1 =	sadd.s32 s5, s1;
	[sflag:s9] =	ssyncadd.s32 $0xFFFFFF80  }
0x17: {  	[tilespmem:s10], [sflag:$0x2] =	stream.linear.gather [hbm4b:s1+s3], $0x80, $0x38;
	[tilespmem:$0xC100] =	vst v63  }
0x18: {  	_ =	swait.ge [sflag:s9], $0x80  }
0x19: {  	[sflag:s9] =	ssyncset.done $0x0  }
0x1a: {  	[sflag:s9] =	ssyncadd.s32 $0xFFFFFF80  }
0x1b: {  	v3 =	vld [tilespmem:$0x0];
	_ =	sdelay $0x4  }
0x1c: {  	v4 =	vshll.u32 v3, $0x1  }
0x1d: {  	v3 =	vand.u32 $0x7, v3;
	v4 =	vand.u32 $0xFFFFFFF0, v4  }
0x1e: {  	v3 =	vor.u32 v3, v4  }
0x1f: {  	v4 =	vperm.xlane v3, v0;
	_ =	sdelay $0x1  }
0x20: {  	v3 =	vperm.xlane v3, v2;
	v4 =	vadd.s32 v1, v4;
	_ =	sdelay $0x1  }
0x21: {  	v3 =	vadd.s32 v1, v3;
	_ =	sdelay $0x2  }
0x22: {  	[tilespmem:s11], [sflag:$0x1] =	stream.indirect_vreg.gather [hbm4b:s4+s3], $0x80, v4, vm0, $0xb8;
	[tilespmem:$0xC100] =	vst v63  }
0x23: {  	_ = 	snop  }
0x24: {  	[tilespmem:s12], [sflag:$0x1] =	stream.indirect_vreg.gather [hbm4b:s4+s3], $0x80, v3, vm0, $0xb8;
	[tilespmem:$0xC100] =	vst v63  }
0x25: {  	v3 =	vld [tilespmem:$0x10];
	_ =	sdelay $0x4  }
0x26: {  	v57 =	vshll.u32 v3, $0x1  }
0x27: {  	v3 =	vand.u32 $0x7, v3;
	v4 =	vand.u32 $0xFFFFFFF0, v57  }
0x28: {  	v3 =	vor.u32 v3, v4  }
0x29: {  	v4 =	vperm.xlane v3, v0;
	_ =	sdelay $0x1  }
0x2a: {  	v3 =	vperm.xlane v3, v2;
	v4 =	vadd.s32 v1, v4;
	_ =	sdelay $0x1  }
0x2b: {  	v3 =	vadd.s32 v1, v3;
	_ =	sdelay $0x2  }
0x2c: {  	[tilespmem:s13], [sflag:$0x1] =	stream.indirect_vreg.gather [hbm4b:s4+s3], $0x80, v4, vm0, $0xb8;
	[tilespmem:$0xC100] =	vst v63  }
0x2d: {  	_ = 	snop  }
0x2e: {  	[tilespmem:s14], [sflag:$0x1] =	stream.indirect_vreg.gather [hbm4b:s4+s3], $0x80, v3, vm0, $0xb8;
	[tilespmem:$0xC100] =	vst v63  }
0x2f: {  	v3 =	vld [tilespmem:$0x20];
	_ =	sdelay $0x4  }
0x30: {  	v58 =	vshll.u32 v3, $0x1  }
0x31: {  	v3 =	vand.u32 $0x7, v3;
	v4 =	vand.u32 $0xFFFFFFF0, v58  }
0x32: {  	v3 =	vor.u32 v3, v4  }
0x33: {  	v4 =	vperm.xlane v3, v0;
	_ =	sdelay $0x1  }
0x34: {  	v3 =	vperm.xlane v3, v2;
	v4 =	vadd.s32 v1, v4;
	_ =	sdelay $0x1  }
0x35: {  	v3 =	vadd.s32 v1, v3;
	_ =	sdelay $0x2  }
0x36: {  	[tilespmem:s15], [sflag:$0x1] =	stream.indirect_vreg.gather [hbm4b:s4+s3], $0x80, v4, vm0, $0xb8;
	[tilespmem:$0xC100] =	vst v63  }
0x37: {  	_ = 	snop  }
0x38: {  	[tilespmem:s16], [sflag:$0x1] =	stream.indirect_vreg.gather [hbm4b:s4+s3], $0x80, v3, vm0, $0xb8;
	[tilespmem:$0xC100] =	vst v63  }
0x39: {  	v3 =	vld [tilespmem:$0x30];
	_ =	sdelay $0x4  }
0x3a: {  	v59 =	vshll.u32 v3, $0x1  }
0x3b: {  	v3 =	vand.u32 $0x7, v3;
	v4 =	vand.u32 $0xFFFFFFF0, v59  }
0x3c: {  	v3 =	vor.u32 v3, v4  }
0x3d: {  	v4 =	vperm.xlane v3, v0;
	_ =	sdelay $0x1  }
0x3e: {  	v3 =	vperm.xlane v3, v2;
	v4 =	vadd.s32 v1, v4;
	_ =	sdelay $0x1  }
0x3f: {  	v3 =	vadd.s32 v1, v3;
	_ =	sdelay $0x2  }
0x40: {  	[tilespmem:s17], [sflag:$0x1] =	stream.indirect_vreg.gather [hbm4b:s4+s3], $0x80, v4, vm0, $0xb8;
	[tilespmem:$0xC100] =	vst v63  }
0x41: {  	_ = 	snop  }
0x42: {  	[tilespmem:s18], [sflag:$0x1] =	stream.indirect_vreg.gather [hbm4b:s4+s3], $0x80, v3, vm0, $0xb8;
	[tilespmem:$0xC100] =	vst v63  }
0x43: {  	v3 =	vld [tilespmem:$0x40];
	_ =	sdelay $0x4  }
0x44: {  	v60 =	vshll.u32 v3, $0x1  }
0x45: {  	v3 =	vand.u32 $0x7, v3;
	v4 =	vand.u32 $0xFFFFFFF0, v60  }
0x46: {  	v3 =	vor.u32 v3, v4  }
0x47: {  	v4 =	vperm.xlane v3, v0;
	_ =	sdelay $0x1  }
0x48: {  	v3 =	vperm.xlane v3, v2;
	v4 =	vadd.s32 v1, v4;
	_ =	sdelay $0x1  }
0x49: {  	v3 =	vadd.s32 v1, v3;
	_ =	sdelay $0x2  }
0x4a: {  	[tilespmem:s19], [sflag:$0x1] =	stream.indirect_vreg.gather [hbm4b:s4+s3], $0x80, v4, vm0, $0xb8;
	[tilespmem:$0xC100] =	vst v63  }
0x4b: {  	_ = 	snop  }
0x4c: {  	[tilespmem:s20], [sflag:$0x1] =	stream.indirect_vreg.gather [hbm4b:s4+s3], $0x80, v3, vm0, $0xb8;
	[tilespmem:$0xC100] =	vst v63  }
0x4d: {  	v3 =	vld [tilespmem:$0x50];
	_ =	sdelay $0x4  }
0x4e: {  	v61 =	vshll.u32 v3, $0x1  }
0x4f: {  	v3 =	vand.u32 $0x7, v3;
	v4 =	vand.u32 $0xFFFFFFF0, v61  }
0x50: {  	v3 =	vor.u32 v3, v4  }
0x51: {  	v4 =	vperm.xlane v3, v0;
	_ =	sdelay $0x1  }
0x52: {  	v3 =	vperm.xlane v3, v2;
	v4 =	vadd.s32 v1, v4;
	_ =	sdelay $0x1  }
0x53: {  	v3 =	vadd.s32 v1, v3;
	_ =	sdelay $0x2  }
0x54: {  	[tilespmem:s21], [sflag:$0x1] =	stream.indirect_vreg.gather [hbm4b:s4+s3], $0x80, v4, vm0, $0xb8;
	[tilespmem:$0xC100] =	vst v63  }
0x55: {  	_ = 	snop  }
0x56: {  	[tilespmem:s22], [sflag:$0x1] =	stream.indirect_vreg.gather [hbm4b:s4+s3], $0x80, v3, vm0, $0xb8;
	[tilespmem:$0xC100] =	vst v63  }
0x57: {  	v3 =	vld [tilespmem:$0x60];
	_ =	sdelay $0x4  }
0x58: {  	v62 =	vshll.u32 v3, $0x1  }
0x59: {  	v3 =	vand.u32 $0x7, v3;
	v4 =	vand.u32 $0xFFFFFFF0, v62  }
0x5a: {  	v3 =	vor.u32 v3, v4  }
0x5b: {  	v4 =	vperm.xlane v3, v0;
	_ =	sdelay $0x1  }
0x5c: {  	v3 =	vperm.xlane v3, v2;
	v4 =	vadd.s32 v1, v4;
	_ =	sdelay $0x1  }
0x5d: {  	v3 =	vadd.s32 v1, v3;
	_ =	sdelay $0x2  }
0x5e: {  	[tilespmem:s23], [sflag:$0x1] =	stream.indirect_vreg.gather [hbm4b:s4+s3], $0x80, v4, vm0, $0xb8;
	[tilespmem:$0xC100] =	vst v63  }
0x5f: {  	_ = 	snop  }
0x60: {  	[tilespmem:s24], [sflag:$0x1] =	stream.indirect_vreg.gather [hbm4b:s4+s3], $0x80, v3, vm0, $0xb8;
	[tilespmem:$0xC100] =	vst v63  }
0x61: {  	v3 =	vld [tilespmem:$0x70];
	_ =	sdelay $0x4  }
0x62: {  	v63 =	vshll.u32 v3, $0x1  }
0x63: {  	v3 =	vand.u32 $0x7, v3;
	v4 =	vand.u32 $0xFFFFFFF0, v63  }
0x64: {  	v3 =	vor.u32 v3, v4  }
0x65: {  	v4 =	vperm.xlane v3, v0;
	_ =	sdelay $0x1  }
0x66: {  	v3 =	vperm.xlane v3, v2;
	v4 =	vadd.s32 v1, v4;
	_ =	sdelay $0x1  }
0x67: {  	v3 =	vadd.s32 v1, v3;
	_ =	sdelay $0x2  }
0x68: {  	[tilespmem:s25], [sflag:$0x1] =	stream.indirect_vreg.gather [hbm4b:s4+s3], $0x80, v4, vm0, $0xb8;
	[tilespmem:$0xC100] =	vst v63  }
0x69: {  	_ = 	snop  }
0x6a: {  	[tilespmem:s26], [sflag:$0x1] =	stream.indirect_vreg.gather [hbm4b:s4+s3], $0x80, v3, vm0, $0xb8;
	[tilespmem:$0xC100] =	vst v63  }
0x6b: {  	_ =	swait.ge [sflag:s28], $0x8000  }
0x6c: {  	[sflag:s28] =	ssyncset.done $0x0  }
0x6d: {  	[sflag:s28] =	ssyncadd.s32 $0xFFFF8000  }
.LBB2_3:
0x6e: {  	s8 =	sshll.u32 s3, $0x4  }
0x6f: {  	s1 =	sshll.u32 s3, $0xC;
	v3 =	vld [tilespmem:s8+$0x80]  }
0x70: {  	s30 =	sand.u32 $0x3FFFF000, s1  }
0x71: {  	v4 =	vld [tilespmem:s30+$0x500];
	_ =	sdelay $0x1  }
0x72: {  	v5 =	vld [tilespmem:s30+$0x100]  }
0x73: {  	v6 =	vbroadcast v3, $0x0;
	_ =	sdelay $0x1  }
0x74: {  	v4 =	vmul.f32 v4, v6;
	_ =	sdelay $0x1  }
0x75: {  	s2 =	sshll.u32 s3, $0xB;
	v4 =	vadd.f32 v4, v5  }
0x76: {  	s1 =	sand.u32 $0x3FFFF800, s2  }
0x77: {  	[tilespmem:s1+$0x8100] =	vst v4  }
0x78: {  	v4 =	vld [tilespmem:s30+$0x510];
	_ =	sdelay $0x1  }
0x79: {  	v35 =	vld [tilespmem:s30+$0x110];
	_ =	sdelay $0x2  }
0x7a: {  	v4 =	vmul.f32 v4, v6;
	_ =	sdelay $0x1  }
0x7b: {  	v4 =	vadd.f32 v4, v35;
	_ =	sdelay $0x1  }
0x7c: {  	[tilespmem:s1+$0x8110] =	vst v4  }
0x7d: {  	v4 =	vld [tilespmem:s30+$0x520];
	_ =	sdelay $0x1  }
0x7e: {  	v36 =	vld [tilespmem:s30+$0x120];
	_ =	sdelay $0x2  }
0x7f: {  	v4 =	vmul.f32 v4, v6;
	_ =	sdelay $0x1  }
0x80: {  	v4 =	vadd.f32 v4, v36;
	_ =	sdelay $0x1  }
0x81: {  	[tilespmem:s1+$0x8120] =	vst v4  }
0x82: {  	v4 =	vld [tilespmem:s30+$0x530];
	_ =	sdelay $0x1  }
0x83: {  	v37 =	vld [tilespmem:s30+$0x130];
	_ =	sdelay $0x2  }
0x84: {  	v4 =	vmul.f32 v4, v6;
	_ =	sdelay $0x1  }
0x85: {  	v4 =	vadd.f32 v4, v37;
	_ =	sdelay $0x1  }
0x86: {  	[tilespmem:s1+$0x8130] =	vst v4  }
0x87: {  	v4 =	vld [tilespmem:s30+$0x540];
	_ =	sdelay $0x1  }
0x88: {  	v38 =	vld [tilespmem:s30+$0x140];
	_ =	sdelay $0x2  }
0x89: {  	v4 =	vmul.f32 v4, v6;
	_ =	sdelay $0x1  }
0x8a: {  	v4 =	vadd.f32 v4, v38;
	_ =	sdelay $0x1  }
0x8b: {  	[tilespmem:s1+$0x8140] =	vst v4  }
0x8c: {  	v4 =	vld [tilespmem:s30+$0x550];
	_ =	sdelay $0x1  }
0x8d: {  	v39 =	vld [tilespmem:s30+$0x150];
	_ =	sdelay $0x2  }
0x8e: {  	v4 =	vmul.f32 v4, v6;
	_ =	sdelay $0x1  }
0x8f: {  	v4 =	vadd.f32 v4, v39;
	_ =	sdelay $0x1  }
0x90: {  	[tilespmem:s1+$0x8150] =	vst v4  }
0x91: {  	v4 =	vld [tilespmem:s30+$0x560];
	_ =	sdelay $0x1  }
0x92: {  	v40 =	vld [tilespmem:s30+$0x160];
	_ =	sdelay $0x2  }
0x93: {  	v4 =	vmul.f32 v4, v6;
	_ =	sdelay $0x1  }
0x94: {  	v4 =	vadd.f32 v4, v40;
	_ =	sdelay $0x1  }
0x95: {  	[tilespmem:s1+$0x8160] =	vst v4  }
0x96: {  	v4 =	vld [tilespmem:s30+$0x570];
	_ =	sdelay $0x1  }
0x97: {  	v41 =	vld [tilespmem:s30+$0x170];
	_ =	sdelay $0x2  }
0x98: {  	v4 =	vmul.f32 v4, v6;
	_ =	sdelay $0x1  }
0x99: {  	v4 =	vadd.f32 v4, v41;
	_ =	sdelay $0x1  }
0x9a: {  	[tilespmem:s1+$0x8170] =	vst v4  }
0x9b: {  	v4 =	vld [tilespmem:s30+$0x580];
	_ =	sdelay $0x1  }
0x9c: {  	v42 =	vld [tilespmem:s30+$0x180]  }
0x9d: {  	v43 =	vbroadcast v3, $0x1;
	_ =	sdelay $0x1  }
0x9e: {  	v4 =	vmul.f32 v4, v43;
	_ =	sdelay $0x1  }
0x9f: {  	v4 =	vadd.f32 v4, v42;
	_ =	sdelay $0x1  }
0xa0: {  	[tilespmem:s1+$0x8180] =	vst v4  }
0xa1: {  	v4 =	vld [tilespmem:s30+$0x590];
	_ =	sdelay $0x1  }
0xa2: {  	v44 =	vld [tilespmem:s30+$0x190];
	_ =	sdelay $0x2  }
0xa3: {  	v4 =	vmul.f32 v4, v43;
	_ =	sdelay $0x1  }
0xa4: {  	v4 =	vadd.f32 v4, v44;
	_ =	sdelay $0x1  }
0xa5: {  	[tilespmem:s1+$0x8190] =	vst v4  }
0xa6: {  	v4 =	vld [tilespmem:s30+$0x5A0];
	_ =	sdelay $0x1  }
0xa7: {  	v45 =	vld [tilespmem:s30+$0x1A0];
	_ =	sdelay $0x2  }
0xa8: {  	v4 =	vmul.f32 v4, v43;
	_ =	sdelay $0x1  }
0xa9: {  	v4 =	vadd.f32 v4, v45;
	_ =	sdelay $0x1  }
0xaa: {  	[tilespmem:s1+$0x81A0] =	vst v4  }
0xab: {  	v4 =	vld [tilespmem:s30+$0x5B0];
	_ =	sdelay $0x1  }
0xac: {  	v46 =	vld [tilespmem:s30+$0x1B0];
	_ =	sdelay $0x2  }
0xad: {  	v4 =	vmul.f32 v4, v43;
	_ =	sdelay $0x1  }
0xae: {  	v4 =	vadd.f32 v4, v46;
	_ =	sdelay $0x1  }
0xaf: {  	[tilespmem:s1+$0x81B0] =	vst v4  }
0xb0: {  	v4 =	vld [tilespmem:s30+$0x5C0];
	_ =	sdelay $0x1  }
0xb1: {  	v47 =	vld [tilespmem:s30+$0x1C0];
	_ =	sdelay $0x2  }
0xb2: {  	v4 =	vmul.f32 v4, v43;
	_ =	sdelay $0x1  }
0xb3: {  	v4 =	vadd.f32 v4, v47;
	_ =	sdelay $0x1  }
0xb4: {  	[tilespmem:s1+$0x81C0] =	vst v4  }
0xb5: {  	v4 =	vld [tilespmem:s30+$0x5D0];
	_ =	sdelay $0x1  }
0xb6: {  	v48 =	vld [tilespmem:s30+$0x1D0];
	_ =	sdelay $0x2  }
0xb7: {  	v4 =	vmul.f32 v4, v43;
	_ =	sdelay $0x1  }
0xb8: {  	v4 =	vadd.f32 v4, v48;
	_ =	sdelay $0x1  }
0xb9: {  	[tilespmem:s1+$0x81D0] =	vst v4  }
0xba: {  	v4 =	vld [tilespmem:s30+$0x5E0];
	_ =	sdelay $0x1  }
0xbb: {  	v49 =	vld [tilespmem:s30+$0x1E0];
	_ =	sdelay $0x2  }
0xbc: {  	v4 =	vmul.f32 v4, v43;
	_ =	sdelay $0x1  }
0xbd: {  	v4 =	vadd.f32 v4, v49;
	_ =	sdelay $0x1  }
0xbe: {  	[tilespmem:s1+$0x81E0] =	vst v4  }
0xbf: {  	v4 =	vld [tilespmem:s30+$0x5F0];
	_ =	sdelay $0x1  }
0xc0: {  	v50 =	vld [tilespmem:s30+$0x1F0];
	_ =	sdelay $0x2  }
0xc1: {  	v4 =	vmul.f32 v4, v43;
	_ =	sdelay $0x1  }
0xc2: {  	v4 =	vadd.f32 v4, v50;
	_ =	sdelay $0x1  }
0xc3: {  	[tilespmem:s1+$0x81F0] =	vst v4  }
0xc4: {  	v4 =	vld [tilespmem:s30+$0x600];
	_ =	sdelay $0x1  }
0xc5: {  	v51 =	vld [tilespmem:s30+$0x200]  }
0xc6: {  	v52 =	vbroadcast v3, $0x2;
	_ =	sdelay $0x1  }
0xc7: {  	v4 =	vmul.f32 v4, v52;
	_ =	sdelay $0x1  }
0xc8: {  	v4 =	vadd.f32 v4, v51;
	_ =	sdelay $0x1  }
0xc9: {  	[tilespmem:s1+$0x8200] =	vst v4  }
0xca: {  	v4 =	vld [tilespmem:s30+$0x610];
	_ =	sdelay $0x1  }
0xcb: {  	v53 =	vld [tilespmem:s30+$0x210];
	_ =	sdelay $0x2  }
0xcc: {  	v4 =	vmul.f32 v4, v52;
	_ =	sdelay $0x1  }
0xcd: {  	v4 =	vadd.f32 v4, v53;
	_ =	sdelay $0x1  }
0xce: {  	[tilespmem:s1+$0x8210] =	vst v4  }
0xcf: {  	v4 =	vld [tilespmem:s30+$0x620];
	_ =	sdelay $0x1  }
0xd0: {  	v54 =	vld [tilespmem:s30+$0x220];
	_ =	sdelay $0x2  }
0xd1: {  	v4 =	vmul.f32 v4, v52;
	_ =	sdelay $0x1  }
0xd2: {  	v4 =	vadd.f32 v4, v54;
	_ =	sdelay $0x1  }
0xd3: {  	[tilespmem:s1+$0x8220] =	vst v4  }
0xd4: {  	v4 =	vld [tilespmem:s30+$0x630];
	_ =	sdelay $0x1  }
0xd5: {  	v55 =	vld [tilespmem:s30+$0x230];
	_ =	sdelay $0x2  }
0xd6: {  	v4 =	vmul.f32 v4, v52;
	_ =	sdelay $0x1  }
0xd7: {  	v4 =	vadd.f32 v4, v55;
	_ =	sdelay $0x1  }
0xd8: {  	[tilespmem:s1+$0x8230] =	vst v4  }
0xd9: {  	v4 =	vld [tilespmem:s30+$0x640];
	_ =	sdelay $0x1  }
0xda: {  	v56 =	vld [tilespmem:s30+$0x240];
	_ =	sdelay $0x2  }
0xdb: {  	v4 =	vmul.f32 v4, v52;
	_ =	sdelay $0x1  }
0xdc: {  	v4 =	vadd.f32 v4, v56;
	_ =	sdelay $0x1  }
0xdd: {  	[tilespmem:s1+$0x8240] =	vst v4  }
0xde: {  	v4 =	vld [tilespmem:s30+$0x650];
	_ =	sdelay $0x1  }
0xdf: {  	v57 =	vld [tilespmem:s30+$0x250];
	_ =	sdelay $0x2  }
0xe0: {  	v4 =	vmul.f32 v4, v52;
	_ =	sdelay $0x1  }
0xe1: {  	v4 =	vadd.f32 v4, v57;
	_ =	sdelay $0x1  }
0xe2: {  	[tilespmem:s1+$0x8250] =	vst v4  }
0xe3: {  	v4 =	vld [tilespmem:s30+$0x660];
	_ =	sdelay $0x1  }
0xe4: {  	v58 =	vld [tilespmem:s30+$0x260];
	_ =	sdelay $0x2  }
0xe5: {  	v4 =	vmul.f32 v4, v52;
	_ =	sdelay $0x1  }
0xe6: {  	v4 =	vadd.f32 v4, v58;
	_ =	sdelay $0x1  }
0xe7: {  	[tilespmem:s1+$0x8260] =	vst v4  }
0xe8: {  	v4 =	vld [tilespmem:s30+$0x670];
	_ =	sdelay $0x1  }
0xe9: {  	v59 =	vld [tilespmem:s30+$0x270];
	_ =	sdelay $0x2  }
0xea: {  	v4 =	vmul.f32 v4, v52;
	_ =	sdelay $0x1  }
0xeb: {  	v4 =	vadd.f32 v4, v59;
	_ =	sdelay $0x1  }
0xec: {  	[tilespmem:s1+$0x8270] =	vst v4  }
0xed: {  	v4 =	vld [tilespmem:s30+$0x680];
	_ =	sdelay $0x1  }
0xee: {  	v60 =	vld [tilespmem:s30+$0x280]  }
0xef: {  	v61 =	vbroadcast v3, $0x3;
	_ =	sdelay $0x1  }
0xf0: {  	v4 =	vmul.f32 v4, v61;
	_ =	sdelay $0x1  }
0xf1: {  	v4 =	vadd.f32 v4, v60;
	_ =	sdelay $0x1  }
0xf2: {  	[tilespmem:s1+$0x8280] =	vst v4  }
0xf3: {  	v4 =	vld [tilespmem:s30+$0x690];
	_ =	sdelay $0x1  }
0xf4: {  	v62 =	vld [tilespmem:s30+$0x290];
	_ =	sdelay $0x2  }
0xf5: {  	v4 =	vmul.f32 v4, v61;
	_ =	sdelay $0x1  }
0xf6: {  	v4 =	vadd.f32 v4, v62;
	_ =	sdelay $0x1  }
0xf7: {  	[tilespmem:s1+$0x8290] =	vst v4  }
0xf8: {  	v4 =	vld [tilespmem:s30+$0x6A0];
	_ =	sdelay $0x1  }
0xf9: {  	v63 =	vld [tilespmem:s30+$0x2A0];
	_ =	sdelay $0x2  }
0xfa: {  	v4 =	vmul.f32 v4, v61;
	_ =	sdelay $0x1  }
0xfb: {  	v4 =	vadd.f32 v4, v63;
	_ =	sdelay $0x1  }
0xfc: {  	[tilespmem:s1+$0x82A0] =	vst v4  }
0xfd: {  	v4 =	vld [tilespmem:s30+$0x6B0];
	_ =	sdelay $0x1  }
0xfe: {  	v8 =	vld [tilespmem:s30+$0x2B0];
	_ =	sdelay $0x2  }
0xff: {  	v4 =	vmul.f32 v4, v61;
	_ =	sdelay $0x1  }
0x100: {  	v4 =	vadd.f32 v4, v8;
	_ =	sdelay $0x1  }
0x101: {  	[tilespmem:s1+$0x82B0] =	vst v4  }
0x102: {  	v4 =	vld [tilespmem:s30+$0x6C0];
	_ =	sdelay $0x1  }
0x103: {  	v9 =	vld [tilespmem:s30+$0x2C0];
	_ =	sdelay $0x2  }
0x104: {  	v4 =	vmul.f32 v4, v61;
	_ =	sdelay $0x1  }
0x105: {  	v4 =	vadd.f32 v4, v9;
	_ =	sdelay $0x1  }
0x106: {  	[tilespmem:s1+$0x82C0] =	vst v4  }
0x107: {  	v4 =	vld [tilespmem:s30+$0x6D0];
	_ =	sdelay $0x1  }
0x108: {  	v10 =	vld [tilespmem:s30+$0x2D0];
	_ =	sdelay $0x2  }
0x109: {  	v4 =	vmul.f32 v4, v61;
	_ =	sdelay $0x1  }
0x10a: {  	v4 =	vadd.f32 v4, v10;
	_ =	sdelay $0x1  }
0x10b: {  	[tilespmem:s1+$0x82D0] =	vst v4  }
0x10c: {  	v4 =	vld [tilespmem:s30+$0x6E0];
	_ =	sdelay $0x1  }
0x10d: {  	v11 =	vld [tilespmem:s30+$0x2E0];
	_ =	sdelay $0x2  }
0x10e: {  	v4 =	vmul.f32 v4, v61;
	_ =	sdelay $0x1  }
0x10f: {  	v4 =	vadd.f32 v4, v11;
	_ =	sdelay $0x1  }
0x110: {  	[tilespmem:s1+$0x82E0] =	vst v4  }
0x111: {  	v4 =	vld [tilespmem:s30+$0x6F0];
	_ =	sdelay $0x1  }
0x112: {  	v12 =	vld [tilespmem:s30+$0x2F0];
	_ =	sdelay $0x2  }
0x113: {  	v4 =	vmul.f32 v4, v61;
	_ =	sdelay $0x1  }
0x114: {  	v4 =	vadd.f32 v4, v12;
	_ =	sdelay $0x1  }
0x115: {  	[tilespmem:s1+$0x82F0] =	vst v4  }
0x116: {  	v4 =	vld [tilespmem:s30+$0x700];
	_ =	sdelay $0x1  }
0x117: {  	v13 =	vld [tilespmem:s30+$0x300]  }
0x118: {  	v14 =	vbroadcast v3, $0x4;
	_ =	sdelay $0x1  }
0x119: {  	v4 =	vmul.f32 v4, v14;
	_ =	sdelay $0x1  }
0x11a: {  	v4 =	vadd.f32 v4, v13;
	_ =	sdelay $0x1  }
0x11b: {  	[tilespmem:s1+$0x8300] =	vst v4  }
0x11c: {  	v4 =	vld [tilespmem:s30+$0x710];
	_ =	sdelay $0x1  }
0x11d: {  	v15 =	vld [tilespmem:s30+$0x310];
	_ =	sdelay $0x2  }
0x11e: {  	v4 =	vmul.f32 v4, v14;
	_ =	sdelay $0x1  }
0x11f: {  	v4 =	vadd.f32 v4, v15;
	_ =	sdelay $0x1  }
0x120: {  	[tilespmem:s1+$0x8310] =	vst v4  }
0x121: {  	v4 =	vld [tilespmem:s30+$0x720];
	_ =	sdelay $0x1  }
0x122: {  	v16 =	vld [tilespmem:s30+$0x320];
	_ =	sdelay $0x2  }
0x123: {  	v4 =	vmul.f32 v4, v14;
	_ =	sdelay $0x1  }
0x124: {  	v4 =	vadd.f32 v4, v16;
	_ =	sdelay $0x1  }
0x125: {  	[tilespmem:s1+$0x8320] =	vst v4  }
0x126: {  	v4 =	vld [tilespmem:s30+$0x730];
	_ =	sdelay $0x1  }
0x127: {  	v17 =	vld [tilespmem:s30+$0x330];
	_ =	sdelay $0x2  }
0x128: {  	v4 =	vmul.f32 v4, v14;
	_ =	sdelay $0x1  }
0x129: {  	v4 =	vadd.f32 v4, v17;
	_ =	sdelay $0x1  }
0x12a: {  	[tilespmem:s1+$0x8330] =	vst v4  }
0x12b: {  	v4 =	vld [tilespmem:s30+$0x740];
	_ =	sdelay $0x1  }
0x12c: {  	v18 =	vld [tilespmem:s30+$0x340];
	_ =	sdelay $0x2  }
0x12d: {  	v4 =	vmul.f32 v4, v14;
	_ =	sdelay $0x1  }
0x12e: {  	v4 =	vadd.f32 v4, v18;
	_ =	sdelay $0x1  }
0x12f: {  	[tilespmem:s1+$0x8340] =	vst v4  }
0x130: {  	v4 =	vld [tilespmem:s30+$0x750];
	_ =	sdelay $0x1  }
0x131: {  	v19 =	vld [tilespmem:s30+$0x350];
	_ =	sdelay $0x2  }
0x132: {  	v4 =	vmul.f32 v4, v14;
	_ =	sdelay $0x1  }
0x133: {  	v4 =	vadd.f32 v4, v19;
	_ =	sdelay $0x1  }
0x134: {  	[tilespmem:s1+$0x8350] =	vst v4  }
0x135: {  	v4 =	vld [tilespmem:s30+$0x760];
	_ =	sdelay $0x1  }
0x136: {  	v20 =	vld [tilespmem:s30+$0x360];
	_ =	sdelay $0x2  }
0x137: {  	v4 =	vmul.f32 v4, v14;
	_ =	sdelay $0x1  }
0x138: {  	v4 =	vadd.f32 v4, v20;
	_ =	sdelay $0x1  }
0x139: {  	[tilespmem:s1+$0x8360] =	vst v4  }
0x13a: {  	v4 =	vld [tilespmem:s30+$0x770];
	_ =	sdelay $0x1  }
0x13b: {  	v21 =	vld [tilespmem:s30+$0x370];
	_ =	sdelay $0x2  }
0x13c: {  	v4 =	vmul.f32 v4, v14;
	_ =	sdelay $0x1  }
0x13d: {  	v4 =	vadd.f32 v4, v21;
	_ =	sdelay $0x1  }
0x13e: {  	[tilespmem:s1+$0x8370] =	vst v4  }
0x13f: {  	v4 =	vld [tilespmem:s30+$0x780];
	_ =	sdelay $0x1  }
0x140: {  	v22 =	vld [tilespmem:s30+$0x380]  }
0x141: {  	v23 =	vbroadcast v3, $0x5;
	_ =	sdelay $0x1  }
0x142: {  	v4 =	vmul.f32 v4, v23;
	_ =	sdelay $0x1  }
0x143: {  	v4 =	vadd.f32 v4, v22;
	_ =	sdelay $0x1  }
0x144: {  	[tilespmem:s1+$0x8380] =	vst v4  }
0x145: {  	v4 =	vld [tilespmem:s30+$0x790];
	_ =	sdelay $0x1  }
0x146: {  	v24 =	vld [tilespmem:s30+$0x390];
	_ =	sdelay $0x2  }
0x147: {  	v4 =	vmul.f32 v4, v23;
	_ =	sdelay $0x1  }
0x148: {  	v4 =	vadd.f32 v4, v24;
	_ =	sdelay $0x1  }
0x149: {  	[tilespmem:s1+$0x8390] =	vst v4  }
0x14a: {  	v4 =	vld [tilespmem:s30+$0x7A0];
	_ =	sdelay $0x1  }
0x14b: {  	v25 =	vld [tilespmem:s30+$0x3A0];
	_ =	sdelay $0x2  }
0x14c: {  	v4 =	vmul.f32 v4, v23;
	_ =	sdelay $0x1  }
0x14d: {  	v4 =	vadd.f32 v4, v25;
	_ =	sdelay $0x1  }
0x14e: {  	[tilespmem:s1+$0x83A0] =	vst v4  }
0x14f: {  	v4 =	vld [tilespmem:s30+$0x7B0];
	_ =	sdelay $0x1  }
0x150: {  	v26 =	vld [tilespmem:s30+$0x3B0];
	_ =	sdelay $0x2  }
0x151: {  	v4 =	vmul.f32 v4, v23;
	_ =	sdelay $0x1  }
0x152: {  	v4 =	vadd.f32 v4, v26;
	_ =	sdelay $0x1  }
0x153: {  	[tilespmem:s1+$0x83B0] =	vst v4  }
0x154: {  	v4 =	vld [tilespmem:s30+$0x7C0];
	_ =	sdelay $0x1  }
0x155: {  	v27 =	vld [tilespmem:s30+$0x3C0];
	_ =	sdelay $0x2  }
0x156: {  	v4 =	vmul.f32 v4, v23;
	_ =	sdelay $0x1  }
0x157: {  	v4 =	vadd.f32 v4, v27;
	_ =	sdelay $0x1  }
0x158: {  	[tilespmem:s1+$0x83C0] =	vst v4  }
0x159: {  	v4 =	vld [tilespmem:s30+$0x7D0];
	_ =	sdelay $0x1  }
0x15a: {  	v28 =	vld [tilespmem:s30+$0x3D0];
	_ =	sdelay $0x2  }
0x15b: {  	v4 =	vmul.f32 v4, v23;
	_ =	sdelay $0x1  }
0x15c: {  	v4 =	vadd.f32 v4, v28;
	_ =	sdelay $0x1  }
0x15d: {  	[tilespmem:s1+$0x83D0] =	vst v4  }
0x15e: {  	v4 =	vld [tilespmem:s30+$0x7E0];
	_ =	sdelay $0x1  }
0x15f: {  	v29 =	vld [tilespmem:s30+$0x3E0];
	_ =	sdelay $0x2  }
0x160: {  	v4 =	vmul.f32 v4, v23;
	_ =	sdelay $0x1  }
0x161: {  	v4 =	vadd.f32 v4, v29;
	_ =	sdelay $0x1  }
0x162: {  	[tilespmem:s1+$0x83E0] =	vst v4  }
0x163: {  	v4 =	vld [tilespmem:s30+$0x7F0];
	_ =	sdelay $0x1  }
0x164: {  	v30 =	vld [tilespmem:s30+$0x3F0];
	_ =	sdelay $0x2  }
0x165: {  	v4 =	vmul.f32 v4, v23;
	_ =	sdelay $0x1  }
0x166: {  	v4 =	vadd.f32 v4, v30;
	_ =	sdelay $0x1  }
0x167: {  	[tilespmem:s1+$0x83F0] =	vst v4  }
0x168: {  	v4 =	vld [tilespmem:s30+$0x800];
	_ =	sdelay $0x1  }
0x169: {  	v31 =	vld [tilespmem:s30+$0x400]  }
0x16a: {  	v32 =	vbroadcast v3, $0x6;
	_ =	sdelay $0x1  }
0x16b: {  	v4 =	vmul.f32 v4, v32;
	_ =	sdelay $0x1  }
0x16c: {  	v4 =	vadd.f32 v4, v31;
	_ =	sdelay $0x1  }
0x16d: {  	[tilespmem:s1+$0x8400] =	vst v4  }
0x16e: {  	v4 =	vld [tilespmem:s30+$0x810];
	_ =	sdelay $0x1  }
0x16f: {  	v33 =	vld [tilespmem:s30+$0x410];
	_ =	sdelay $0x2  }
0x170: {  	v4 =	vmul.f32 v4, v32;
	_ =	sdelay $0x1  }
0x171: {  	v4 =	vadd.f32 v4, v33;
	_ =	sdelay $0x1  }
0x172: {  	[tilespmem:s1+$0x8410] =	vst v4  }
0x173: {  	v4 =	vld [tilespmem:s30+$0x820];
	_ =	sdelay $0x1  }
0x174: {  	v34 =	vld [tilespmem:s30+$0x420];
	_ =	sdelay $0x2  }
0x175: {  	v4 =	vmul.f32 v4, v32;
	_ =	sdelay $0x1  }
0x176: {  	v4 =	vadd.f32 v4, v34;
	_ =	sdelay $0x1  }
0x177: {  	[tilespmem:s1+$0x8420] =	vst v4  }
0x178: {  	v4 =	vld [tilespmem:s30+$0x830];
	_ =	sdelay $0x1  }
0x179: {  	v35 =	vld [tilespmem:s30+$0x430];
	_ =	sdelay $0x2  }
0x17a: {  	v4 =	vmul.f32 v4, v32;
	_ =	sdelay $0x1  }
0x17b: {  	v4 =	vadd.f32 v4, v35;
	_ =	sdelay $0x1  }
0x17c: {  	[tilespmem:s1+$0x8430] =	vst v4  }
0x17d: {  	v4 =	vld [tilespmem:s30+$0x840];
	_ =	sdelay $0x1  }
0x17e: {  	v36 =	vld [tilespmem:s30+$0x440];
	_ =	sdelay $0x2  }
0x17f: {  	v4 =	vmul.f32 v4, v32;
	_ =	sdelay $0x1  }
0x180: {  	v4 =	vadd.f32 v4, v36;
	_ =	sdelay $0x1  }
0x181: {  	[tilespmem:s1+$0x8440] =	vst v4  }
0x182: {  	v4 =	vld [tilespmem:s30+$0x850];
	_ =	sdelay $0x1  }
0x183: {  	v37 =	vld [tilespmem:s30+$0x450];
	_ =	sdelay $0x2  }
0x184: {  	v4 =	vmul.f32 v4, v32;
	_ =	sdelay $0x1  }
0x185: {  	v4 =	vadd.f32 v4, v37;
	_ =	sdelay $0x1  }
0x186: {  	[tilespmem:s1+$0x8450] =	vst v4  }
0x187: {  	v4 =	vld [tilespmem:s30+$0x860];
	_ =	sdelay $0x1  }
0x188: {  	v38 =	vld [tilespmem:s30+$0x460];
	_ =	sdelay $0x2  }
0x189: {  	v4 =	vmul.f32 v4, v32;
	_ =	sdelay $0x1  }
0x18a: {  	v4 =	vadd.f32 v4, v38;
	_ =	sdelay $0x1  }
0x18b: {  	[tilespmem:s1+$0x8460] =	vst v4  }
0x18c: {  	v4 =	vld [tilespmem:s30+$0x870];
	_ =	sdelay $0x1  }
0x18d: {  	v39 =	vld [tilespmem:s30+$0x470];
	_ =	sdelay $0x2  }
0x18e: {  	v4 =	vmul.f32 v4, v32;
	_ =	sdelay $0x1  }
0x18f: {  	v4 =	vadd.f32 v4, v39;
	_ =	sdelay $0x1  }
0x190: {  	[tilespmem:s1+$0x8470] =	vst v4  }
0x191: {  	v4 =	vld [tilespmem:s30+$0x880];
	_ =	sdelay $0x1  }
0x192: {  	v40 =	vld [tilespmem:s30+$0x480]  }
0x193: {  	v41 =	vbroadcast v3, $0x7;
	_ =	sdelay $0x1  }
0x194: {  	v4 =	vmul.f32 v4, v41;
	_ =	sdelay $0x1  }
0x195: {  	v4 =	vadd.f32 v4, v40;
	_ =	sdelay $0x1  }
0x196: {  	[tilespmem:s1+$0x8480] =	vst v4  }
0x197: {  	v4 =	vld [tilespmem:s30+$0x890];
	_ =	sdelay $0x1  }
0x198: {  	v42 =	vld [tilespmem:s30+$0x490];
	_ =	sdelay $0x2  }
0x199: {  	v4 =	vmul.f32 v4, v41;
	_ =	sdelay $0x1  }
0x19a: {  	v4 =	vadd.f32 v4, v42;
	_ =	sdelay $0x1  }
0x19b: {  	[tilespmem:s1+$0x8490] =	vst v4  }
0x19c: {  	v4 =	vld [tilespmem:s30+$0x8A0];
	_ =	sdelay $0x1  }
0x19d: {  	v43 =	vld [tilespmem:s30+$0x4A0];
	_ =	sdelay $0x2  }
0x19e: {  	v4 =	vmul.f32 v4, v41;
	_ =	sdelay $0x1  }
0x19f: {  	v4 =	vadd.f32 v4, v43;
	_ =	sdelay $0x1  }
0x1a0: {  	[tilespmem:s1+$0x84A0] =	vst v4  }
0x1a1: {  	v4 =	vld [tilespmem:s30+$0x8B0];
	_ =	sdelay $0x1  }
0x1a2: {  	v44 =	vld [tilespmem:s30+$0x4B0];
	_ =	sdelay $0x2  }
0x1a3: {  	v4 =	vmul.f32 v4, v41;
	_ =	sdelay $0x1  }
0x1a4: {  	v4 =	vadd.f32 v4, v44;
	_ =	sdelay $0x1  }
0x1a5: {  	[tilespmem:s1+$0x84B0] =	vst v4  }
0x1a6: {  	v4 =	vld [tilespmem:s30+$0x8C0];
	_ =	sdelay $0x1  }
0x1a7: {  	v45 =	vld [tilespmem:s30+$0x4C0];
	_ =	sdelay $0x2  }
0x1a8: {  	v4 =	vmul.f32 v4, v41;
	_ =	sdelay $0x1  }
0x1a9: {  	v4 =	vadd.f32 v4, v45;
	_ =	sdelay $0x1  }
0x1aa: {  	[tilespmem:s1+$0x84C0] =	vst v4  }
0x1ab: {  	v4 =	vld [tilespmem:s30+$0x8D0];
	_ =	sdelay $0x1  }
0x1ac: {  	v46 =	vld [tilespmem:s30+$0x4D0];
	_ =	sdelay $0x2  }
0x1ad: {  	v4 =	vmul.f32 v4, v41;
	_ =	sdelay $0x1  }
0x1ae: {  	v4 =	vadd.f32 v4, v46;
	_ =	sdelay $0x1  }
0x1af: {  	[tilespmem:s1+$0x84D0] =	vst v4  }
0x1b0: {  	v4 =	vld [tilespmem:s30+$0x8E0];
	_ =	sdelay $0x1  }
0x1b1: {  	v47 =	vld [tilespmem:s30+$0x4E0];
	_ =	sdelay $0x2  }
0x1b2: {  	v4 =	vmul.f32 v4, v41;
	_ =	sdelay $0x1  }
0x1b3: {  	v4 =	vadd.f32 v4, v47;
	_ =	sdelay $0x1  }
0x1b4: {  	[tilespmem:s1+$0x84E0] =	vst v4  }
0x1b5: {  	v4 =	vld [tilespmem:s30+$0x8F0];
	_ =	sdelay $0x1  }
0x1b6: {  	v48 =	vld [tilespmem:s30+$0x4F0];
	_ =	sdelay $0x2  }
0x1b7: {  	v4 =	vmul.f32 v4, v41;
	_ =	sdelay $0x1  }
0x1b8: {  	s30 =	sor.u32 $0x8, s8;
	v4 =	vadd.f32 v4, v48  }
0x1b9: {  	s2 =	sshll.u32 s30, $0x8  }
0x1ba: {  	[tilespmem:s1+$0x84F0] =	vst v4;
	s1 =	sand.u32 $0x3FFFF800, s2  }
0x1bb: {  	v4 =	vld [tilespmem:s1+$0x500];
	_ =	sdelay $0x1  }
0x1bc: {  	v49 =	vld [tilespmem:s1+$0x100]  }
0x1bd: {  	v50 =	vbroadcast v3, $0x8;
	_ =	sdelay $0x1  }
0x1be: {  	v4 =	vmul.f32 v4, v50;
	_ =	sdelay $0x1  }
0x1bf: {  	s30 =	sshll.u32 s30, $0x7;
	v4 =	vadd.f32 v4, v49  }
0x1c0: {  	s2 =	sand.u32 $0x3FFFFC00, s30  }
0x1c1: {  	[tilespmem:s2+$0x8100] =	vst v4  }
0x1c2: {  	v4 =	vld [tilespmem:s1+$0x510];
	_ =	sdelay $0x1  }
0x1c3: {  	v51 =	vld [tilespmem:s1+$0x110];
	_ =	sdelay $0x2  }
0x1c4: {  	v4 =	vmul.f32 v4, v50;
	_ =	sdelay $0x1  }
0x1c5: {  	v4 =	vadd.f32 v4, v51;
	_ =	sdelay $0x1  }
0x1c6: {  	[tilespmem:s2+$0x8110] =	vst v4  }
0x1c7: {  	v4 =	vld [tilespmem:s1+$0x520];
	_ =	sdelay $0x1  }
0x1c8: {  	v52 =	vld [tilespmem:s1+$0x120];
	_ =	sdelay $0x2  }
0x1c9: {  	v4 =	vmul.f32 v4, v50;
	_ =	sdelay $0x1  }
0x1ca: {  	v4 =	vadd.f32 v4, v52;
	_ =	sdelay $0x1  }
0x1cb: {  	[tilespmem:s2+$0x8120] =	vst v4  }
0x1cc: {  	v4 =	vld [tilespmem:s1+$0x530];
	_ =	sdelay $0x1  }
0x1cd: {  	v53 =	vld [tilespmem:s1+$0x130];
	_ =	sdelay $0x2  }
0x1ce: {  	v4 =	vmul.f32 v4, v50;
	_ =	sdelay $0x1  }
0x1cf: {  	v4 =	vadd.f32 v4, v53;
	_ =	sdelay $0x1  }
0x1d0: {  	[tilespmem:s2+$0x8130] =	vst v4  }
0x1d1: {  	v4 =	vld [tilespmem:s1+$0x540];
	_ =	sdelay $0x1  }
0x1d2: {  	v54 =	vld [tilespmem:s1+$0x140];
	_ =	sdelay $0x2  }
0x1d3: {  	v4 =	vmul.f32 v4, v50;
	_ =	sdelay $0x1  }
0x1d4: {  	v4 =	vadd.f32 v4, v54;
	_ =	sdelay $0x1  }
0x1d5: {  	[tilespmem:s2+$0x8140] =	vst v4  }
0x1d6: {  	v4 =	vld [tilespmem:s1+$0x550];
	_ =	sdelay $0x1  }
0x1d7: {  	v55 =	vld [tilespmem:s1+$0x150];
	_ =	sdelay $0x2  }
0x1d8: {  	v4 =	vmul.f32 v4, v50;
	_ =	sdelay $0x1  }
0x1d9: {  	v4 =	vadd.f32 v4, v55;
	_ =	sdelay $0x1  }
0x1da: {  	[tilespmem:s2+$0x8150] =	vst v4  }
0x1db: {  	v4 =	vld [tilespmem:s1+$0x560];
	_ =	sdelay $0x1  }
0x1dc: {  	v56 =	vld [tilespmem:s1+$0x160];
	_ =	sdelay $0x2  }
0x1dd: {  	v4 =	vmul.f32 v4, v50;
	_ =	sdelay $0x1  }
0x1de: {  	v4 =	vadd.f32 v4, v56;
	_ =	sdelay $0x1  }
0x1df: {  	[tilespmem:s2+$0x8160] =	vst v4  }
0x1e0: {  	v4 =	vld [tilespmem:s1+$0x570];
	_ =	sdelay $0x1  }
0x1e1: {  	v57 =	vld [tilespmem:s1+$0x170];
	_ =	sdelay $0x2  }
0x1e2: {  	v4 =	vmul.f32 v4, v50;
	_ =	sdelay $0x1  }
0x1e3: {  	s1 =	sor.u32 $0x9, s8;
	v4 =	vadd.f32 v4, v57  }
0x1e4: {  	s30 =	sshll.u32 s1, $0x8  }
0x1e5: {  	s30 =	sand.u32 $0x7800, s30;
	[tilespmem:s2+$0x8170] =	vst v4  }
0x1e6: {  	v4 =	vld [tilespmem:s30+$0x580];
	_ =	sdelay $0x1  }
0x1e7: {  	v58 =	vld [tilespmem:s30+$0x180]  }
0x1e8: {  	v59 =	vbroadcast v3, $0x9;
	_ =	sdelay $0x1  }
0x1e9: {  	v4 =	vmul.f32 v4, v59;
	_ =	sdelay $0x1  }
0x1ea: {  	s1 =	sshll.u32 s1, $0x7;
	v4 =	vadd.f32 v4, v58  }
0x1eb: {  	s1 =	sand.u32 $0x3FFFFC80, s1  }
0x1ec: {  	[tilespmem:s1+$0x8100] =	vst v4  }
0x1ed: {  	v4 =	vld [tilespmem:s30+$0x590];
	_ =	sdelay $0x1  }
0x1ee: {  	v60 =	vld [tilespmem:s30+$0x190];
	_ =	sdelay $0x2  }
0x1ef: {  	v4 =	vmul.f32 v4, v59;
	_ =	sdelay $0x1  }
0x1f0: {  	v4 =	vadd.f32 v4, v60;
	_ =	sdelay $0x1  }
0x1f1: {  	[tilespmem:s1+$0x8110] =	vst v4  }
0x1f2: {  	v4 =	vld [tilespmem:s30+$0x5A0];
	_ =	sdelay $0x1  }
0x1f3: {  	v61 =	vld [tilespmem:s30+$0x1A0];
	_ =	sdelay $0x2  }
0x1f4: {  	v4 =	vmul.f32 v4, v59;
	_ =	sdelay $0x1  }
0x1f5: {  	v4 =	vadd.f32 v4, v61;
	_ =	sdelay $0x1  }
0x1f6: {  	[tilespmem:s1+$0x8120] =	vst v4  }
0x1f7: {  	v4 =	vld [tilespmem:s30+$0x5B0];
	_ =	sdelay $0x1  }
0x1f8: {  	v62 =	vld [tilespmem:s30+$0x1B0];
	_ =	sdelay $0x2  }
0x1f9: {  	v4 =	vmul.f32 v4, v59;
	_ =	sdelay $0x1  }
0x1fa: {  	v4 =	vadd.f32 v4, v62;
	_ =	sdelay $0x1  }
0x1fb: {  	[tilespmem:s1+$0x8130] =	vst v4  }
0x1fc: {  	v4 =	vld [tilespmem:s30+$0x5C0];
	_ =	sdelay $0x1  }
0x1fd: {  	v63 =	vld [tilespmem:s30+$0x1C0];
	_ =	sdelay $0x2  }
0x1fe: {  	v4 =	vmul.f32 v4, v59;
	_ =	sdelay $0x1  }
0x1ff: {  	v4 =	vadd.f32 v4, v63;
	_ =	sdelay $0x1  }
0x200: {  	[tilespmem:s1+$0x8140] =	vst v4  }
0x201: {  	v4 =	vld [tilespmem:s30+$0x5D0];
	_ =	sdelay $0x1  }
0x202: {  	v8 =	vld [tilespmem:s30+$0x1D0];
	_ =	sdelay $0x2  }
0x203: {  	v4 =	vmul.f32 v4, v59;
	_ =	sdelay $0x1  }
0x204: {  	v4 =	vadd.f32 v4, v8;
	_ =	sdelay $0x1  }
0x205: {  	[tilespmem:s1+$0x8150] =	vst v4  }
0x206: {  	v4 =	vld [tilespmem:s30+$0x5E0];
	_ =	sdelay $0x1  }
0x207: {  	v9 =	vld [tilespmem:s30+$0x1E0];
	_ =	sdelay $0x2  }
0x208: {  	v4 =	vmul.f32 v4, v59;
	_ =	sdelay $0x1  }
0x209: {  	v4 =	vadd.f32 v4, v9;
	_ =	sdelay $0x1  }
0x20a: {  	[tilespmem:s1+$0x8160] =	vst v4  }
0x20b: {  	v4 =	vld [tilespmem:s30+$0x5F0];
	_ =	sdelay $0x1  }
0x20c: {  	v10 =	vld [tilespmem:s30+$0x1F0];
	_ =	sdelay $0x2  }
0x20d: {  	v4 =	vmul.f32 v4, v59;
	_ =	sdelay $0x1  }
0x20e: {  	s2 =	sor.u32 $0xA, s8;
	v4 =	vadd.f32 v4, v10  }
0x20f: {  	s30 =	sshll.u32 s2, $0x8  }
0x210: {  	s30 =	sand.u32 $0x7800, s30;
	[tilespmem:s1+$0x8170] =	vst v4  }
0x211: {  	v4 =	vld [tilespmem:s30+$0x600];
	_ =	sdelay $0x1  }
0x212: {  	v11 =	vld [tilespmem:s30+$0x200]  }
0x213: {  	v12 =	vbroadcast v3, $0xA;
	_ =	sdelay $0x1  }
0x214: {  	v4 =	vmul.f32 v4, v12;
	_ =	sdelay $0x1  }
0x215: {  	s2 =	sshll.u32 s2, $0x7;
	v4 =	vadd.f32 v4, v11  }
0x216: {  	s2 =	sand.u32 $0x3FFFFD00, s2  }
0x217: {  	[tilespmem:s2+$0x8100] =	vst v4  }
0x218: {  	v4 =	vld [tilespmem:s30+$0x610];
	_ =	sdelay $0x1  }
0x219: {  	v13 =	vld [tilespmem:s30+$0x210];
	_ =	sdelay $0x2  }
0x21a: {  	v4 =	vmul.f32 v4, v12;
	_ =	sdelay $0x1  }
0x21b: {  	v4 =	vadd.f32 v4, v13;
	_ =	sdelay $0x1  }
0x21c: {  	[tilespmem:s2+$0x8110] =	vst v4  }
0x21d: {  	v4 =	vld [tilespmem:s30+$0x620];
	_ =	sdelay $0x1  }
0x21e: {  	v14 =	vld [tilespmem:s30+$0x220];
	_ =	sdelay $0x2  }
0x21f: {  	v4 =	vmul.f32 v4, v12;
	_ =	sdelay $0x1  }
0x220: {  	v4 =	vadd.f32 v4, v14;
	_ =	sdelay $0x1  }
0x221: {  	[tilespmem:s2+$0x8120] =	vst v4  }
0x222: {  	v4 =	vld [tilespmem:s30+$0x630];
	_ =	sdelay $0x1  }
0x223: {  	v15 =	vld [tilespmem:s30+$0x230];
	_ =	sdelay $0x2  }
0x224: {  	v4 =	vmul.f32 v4, v12;
	_ =	sdelay $0x1  }
0x225: {  	v4 =	vadd.f32 v4, v15;
	_ =	sdelay $0x1  }
0x226: {  	[tilespmem:s2+$0x8130] =	vst v4  }
0x227: {  	v4 =	vld [tilespmem:s30+$0x640];
	_ =	sdelay $0x1  }
0x228: {  	v16 =	vld [tilespmem:s30+$0x240];
	_ =	sdelay $0x2  }
0x229: {  	v4 =	vmul.f32 v4, v12;
	_ =	sdelay $0x1  }
0x22a: {  	v4 =	vadd.f32 v4, v16;
	_ =	sdelay $0x1  }
0x22b: {  	[tilespmem:s2+$0x8140] =	vst v4  }
0x22c: {  	v4 =	vld [tilespmem:s30+$0x650];
	_ =	sdelay $0x1  }
0x22d: {  	v17 =	vld [tilespmem:s30+$0x250];
	_ =	sdelay $0x2  }
0x22e: {  	v4 =	vmul.f32 v4, v12;
	_ =	sdelay $0x1  }
0x22f: {  	v4 =	vadd.f32 v4, v17;
	_ =	sdelay $0x1  }
0x230: {  	[tilespmem:s2+$0x8150] =	vst v4  }
0x231: {  	v4 =	vld [tilespmem:s30+$0x660];
	_ =	sdelay $0x1  }
0x232: {  	v18 =	vld [tilespmem:s30+$0x260];
	_ =	sdelay $0x2  }
0x233: {  	v4 =	vmul.f32 v4, v12;
	_ =	sdelay $0x1  }
0x234: {  	v4 =	vadd.f32 v4, v18;
	_ =	sdelay $0x1  }
0x235: {  	[tilespmem:s2+$0x8160] =	vst v4  }
0x236: {  	v4 =	vld [tilespmem:s30+$0x670];
	_ =	sdelay $0x1  }
0x237: {  	v19 =	vld [tilespmem:s30+$0x270];
	_ =	sdelay $0x2  }
0x238: {  	v4 =	vmul.f32 v4, v12;
	_ =	sdelay $0x1  }
0x239: {  	s1 =	sor.u32 $0xB, s8;
	v4 =	vadd.f32 v4, v19  }
0x23a: {  	s30 =	sshll.u32 s1, $0x8  }
0x23b: {  	s30 =	sand.u32 $0x7800, s30;
	[tilespmem:s2+$0x8170] =	vst v4  }
0x23c: {  	v4 =	vld [tilespmem:s30+$0x680];
	_ =	sdelay $0x1  }
0x23d: {  	v20 =	vld [tilespmem:s30+$0x280]  }
0x23e: {  	v21 =	vbroadcast v3, $0xB;
	_ =	sdelay $0x1  }
0x23f: {  	v4 =	vmul.f32 v4, v21;
	_ =	sdelay $0x1  }
0x240: {  	s1 =	sshll.u32 s1, $0x7;
	v4 =	vadd.f32 v4, v20  }
0x241: {  	s1 =	sand.u32 $0x3FFFFD80, s1  }
0x242: {  	[tilespmem:s1+$0x8100] =	vst v4  }
0x243: {  	v4 =	vld [tilespmem:s30+$0x690];
	_ =	sdelay $0x1  }
0x244: {  	v22 =	vld [tilespmem:s30+$0x290];
	_ =	sdelay $0x2  }
0x245: {  	v4 =	vmul.f32 v4, v21;
	_ =	sdelay $0x1  }
0x246: {  	v4 =	vadd.f32 v4, v22;
	_ =	sdelay $0x1  }
0x247: {  	[tilespmem:s1+$0x8110] =	vst v4  }
0x248: {  	v4 =	vld [tilespmem:s30+$0x6A0];
	_ =	sdelay $0x1  }
0x249: {  	v23 =	vld [tilespmem:s30+$0x2A0];
	_ =	sdelay $0x2  }
0x24a: {  	v4 =	vmul.f32 v4, v21;
	_ =	sdelay $0x1  }
0x24b: {  	v4 =	vadd.f32 v4, v23;
	_ =	sdelay $0x1  }
0x24c: {  	[tilespmem:s1+$0x8120] =	vst v4  }
0x24d: {  	v4 =	vld [tilespmem:s30+$0x6B0];
	_ =	sdelay $0x1  }
0x24e: {  	v24 =	vld [tilespmem:s30+$0x2B0];
	_ =	sdelay $0x2  }
0x24f: {  	v4 =	vmul.f32 v4, v21;
	_ =	sdelay $0x1  }
0x250: {  	v4 =	vadd.f32 v4, v24;
	_ =	sdelay $0x1  }
0x251: {  	[tilespmem:s1+$0x8130] =	vst v4  }
0x252: {  	v4 =	vld [tilespmem:s30+$0x6C0];
	_ =	sdelay $0x1  }
0x253: {  	v25 =	vld [tilespmem:s30+$0x2C0];
	_ =	sdelay $0x2  }
0x254: {  	v4 =	vmul.f32 v4, v21;
	_ =	sdelay $0x1  }
0x255: {  	v4 =	vadd.f32 v4, v25;
	_ =	sdelay $0x1  }
0x256: {  	[tilespmem:s1+$0x8140] =	vst v4  }
0x257: {  	v4 =	vld [tilespmem:s30+$0x6D0];
	_ =	sdelay $0x1  }
0x258: {  	v26 =	vld [tilespmem:s30+$0x2D0];
	_ =	sdelay $0x2  }
0x259: {  	v4 =	vmul.f32 v4, v21;
	_ =	sdelay $0x1  }
0x25a: {  	v4 =	vadd.f32 v4, v26;
	_ =	sdelay $0x1  }
0x25b: {  	[tilespmem:s1+$0x8150] =	vst v4  }
0x25c: {  	v4 =	vld [tilespmem:s30+$0x6E0];
	_ =	sdelay $0x1  }
0x25d: {  	v27 =	vld [tilespmem:s30+$0x2E0];
	_ =	sdelay $0x2  }
0x25e: {  	v4 =	vmul.f32 v4, v21;
	_ =	sdelay $0x1  }
0x25f: {  	v4 =	vadd.f32 v4, v27;
	_ =	sdelay $0x1  }
0x260: {  	[tilespmem:s1+$0x8160] =	vst v4  }
0x261: {  	v4 =	vld [tilespmem:s30+$0x6F0];
	_ =	sdelay $0x1  }
0x262: {  	v28 =	vld [tilespmem:s30+$0x2F0];
	_ =	sdelay $0x2  }
0x263: {  	v4 =	vmul.f32 v4, v21;
	_ =	sdelay $0x1  }
0x264: {  	v4 =	vadd.f32 v4, v28  }
0x265: {  	s2 =	sor.u32 $0xC, s8  }
0x266: {  	[tilespmem:s1+$0x8170] =	vst v4;
	s1 =	sshll.u32 s2, $0x8  }
0x267: {  	v4 =	vld [tilespmem:s1+$0x300]  }
0x268: {  	s30 =	sand.u32 $0x7800, s1  }
0x269: {  	v29 =	vld [tilespmem:s30+$0x300]  }
0x26a: {  	v30 =	vbroadcast v3, $0xC;
	_ =	sdelay $0x1  }
0x26b: {  	v4 =	vmul.f32 v4, v30;
	_ =	sdelay $0x1  }
0x26c: {  	s2 =	sshll.u32 s2, $0x7;
	v4 =	vadd.f32 v4, v29  }
0x26d: {  	s2 =	sand.u32 $0x3FFFFE00, s2  }
0x26e: {  	[tilespmem:s2+$0x8100] =	vst v4  }
0x26f: {  	v4 =	vld [tilespmem:s1+$0x310];
	_ =	sdelay $0x1  }
0x270: {  	v31 =	vld [tilespmem:s30+$0x310];
	_ =	sdelay $0x2  }
0x271: {  	v4 =	vmul.f32 v4, v30;
	_ =	sdelay $0x1  }
0x272: {  	v4 =	vadd.f32 v4, v31;
	_ =	sdelay $0x1  }
0x273: {  	[tilespmem:s2+$0x8110] =	vst v4  }
0x274: {  	v4 =	vld [tilespmem:s1+$0x320];
	_ =	sdelay $0x1  }
0x275: {  	v32 =	vld [tilespmem:s30+$0x320];
	_ =	sdelay $0x2  }
0x276: {  	v4 =	vmul.f32 v4, v30;
	_ =	sdelay $0x1  }
0x277: {  	v4 =	vadd.f32 v4, v32;
	_ =	sdelay $0x1  }
0x278: {  	[tilespmem:s2+$0x8120] =	vst v4  }
0x279: {  	v4 =	vld [tilespmem:s1+$0x330];
	_ =	sdelay $0x1  }
0x27a: {  	v33 =	vld [tilespmem:s30+$0x330];
	_ =	sdelay $0x2  }
0x27b: {  	v4 =	vmul.f32 v4, v30;
	_ =	sdelay $0x1  }
0x27c: {  	v4 =	vadd.f32 v4, v33;
	_ =	sdelay $0x1  }
0x27d: {  	[tilespmem:s2+$0x8130] =	vst v4  }
0x27e: {  	v4 =	vld [tilespmem:s1+$0x340];
	_ =	sdelay $0x1  }
0x27f: {  	v34 =	vld [tilespmem:s30+$0x340];
	_ =	sdelay $0x2  }
0x280: {  	v4 =	vmul.f32 v4, v30;
	_ =	sdelay $0x1  }
0x281: {  	v4 =	vadd.f32 v4, v34;
	_ =	sdelay $0x1  }
0x282: {  	[tilespmem:s2+$0x8140] =	vst v4  }
0x283: {  	v4 =	vld [tilespmem:s1+$0x350];
	_ =	sdelay $0x1  }
0x284: {  	v35 =	vld [tilespmem:s30+$0x350];
	_ =	sdelay $0x2  }
0x285: {  	v4 =	vmul.f32 v4, v30;
	_ =	sdelay $0x1  }
0x286: {  	v4 =	vadd.f32 v4, v35;
	_ =	sdelay $0x1  }
0x287: {  	[tilespmem:s2+$0x8150] =	vst v4  }
0x288: {  	v4 =	vld [tilespmem:s1+$0x360];
	_ =	sdelay $0x1  }
0x289: {  	v36 =	vld [tilespmem:s30+$0x360];
	_ =	sdelay $0x2  }
0x28a: {  	v4 =	vmul.f32 v4, v30;
	_ =	sdelay $0x1  }
0x28b: {  	v4 =	vadd.f32 v4, v36;
	_ =	sdelay $0x1  }
0x28c: {  	[tilespmem:s2+$0x8160] =	vst v4  }
0x28d: {  	v4 =	vld [tilespmem:s1+$0x370];
	_ =	sdelay $0x1  }
0x28e: {  	v37 =	vld [tilespmem:s30+$0x370];
	_ =	sdelay $0x2  }
0x28f: {  	v4 =	vmul.f32 v4, v30;
	_ =	sdelay $0x1  }
0x290: {  	s1 =	sor.u32 $0xD, s8;
	v4 =	vadd.f32 v4, v37  }
0x291: {  	s30 =	sshll.u32 s1, $0x8  }
0x292: {  	s30 =	sand.u32 $0x7800, s30;
	[tilespmem:s2+$0x8170] =	vst v4  }
0x293: {  	v4 =	vld [tilespmem:s30+$0x780];
	_ =	sdelay $0x1  }
0x294: {  	v38 =	vld [tilespmem:s30+$0x380]  }
0x295: {  	v39 =	vbroadcast v3, $0xD;
	_ =	sdelay $0x1  }
0x296: {  	v4 =	vmul.f32 v4, v39;
	_ =	sdelay $0x1  }
0x297: {  	s1 =	sshll.u32 s1, $0x7;
	v4 =	vadd.f32 v4, v38  }
0x298: {  	s1 =	sand.u32 $0x3FFFFE80, s1  }
0x299: {  	[tilespmem:s1+$0x8100] =	vst v4  }
0x29a: {  	v4 =	vld [tilespmem:s30+$0x790];
	_ =	sdelay $0x1  }
0x29b: {  	v40 =	vld [tilespmem:s30+$0x390];
	_ =	sdelay $0x2  }
0x29c: {  	v4 =	vmul.f32 v4, v39;
	_ =	sdelay $0x1  }
0x29d: {  	v4 =	vadd.f32 v4, v40;
	_ =	sdelay $0x1  }
0x29e: {  	[tilespmem:s1+$0x8110] =	vst v4  }
0x29f: {  	v4 =	vld [tilespmem:s30+$0x7A0];
	_ =	sdelay $0x1  }
0x2a0: {  	v41 =	vld [tilespmem:s30+$0x3A0];
	_ =	sdelay $0x2  }
0x2a1: {  	v4 =	vmul.f32 v4, v39;
	_ =	sdelay $0x1  }
0x2a2: {  	v4 =	vadd.f32 v4, v41;
	_ =	sdelay $0x1  }
0x2a3: {  	[tilespmem:s1+$0x8120] =	vst v4  }
0x2a4: {  	v4 =	vld [tilespmem:s30+$0x7B0];
	_ =	sdelay $0x1  }
0x2a5: {  	v42 =	vld [tilespmem:s30+$0x3B0];
	_ =	sdelay $0x2  }
0x2a6: {  	v4 =	vmul.f32 v4, v39;
	_ =	sdelay $0x1  }
0x2a7: {  	v4 =	vadd.f32 v4, v42;
	_ =	sdelay $0x1  }
0x2a8: {  	[tilespmem:s1+$0x8130] =	vst v4  }
0x2a9: {  	v4 =	vld [tilespmem:s30+$0x7C0];
	_ =	sdelay $0x1  }
0x2aa: {  	v43 =	vld [tilespmem:s30+$0x3C0];
	_ =	sdelay $0x2  }
0x2ab: {  	v4 =	vmul.f32 v4, v39;
	_ =	sdelay $0x1  }
0x2ac: {  	v4 =	vadd.f32 v4, v43;
	_ =	sdelay $0x1  }
0x2ad: {  	[tilespmem:s1+$0x8140] =	vst v4  }
0x2ae: {  	v4 =	vld [tilespmem:s30+$0x7D0];
	_ =	sdelay $0x1  }
0x2af: {  	v44 =	vld [tilespmem:s30+$0x3D0];
	_ =	sdelay $0x2  }
0x2b0: {  	v4 =	vmul.f32 v4, v39;
	_ =	sdelay $0x1  }
0x2b1: {  	v4 =	vadd.f32 v4, v44;
	_ =	sdelay $0x1  }
0x2b2: {  	[tilespmem:s1+$0x8150] =	vst v4  }
0x2b3: {  	v4 =	vld [tilespmem:s30+$0x7E0];
	_ =	sdelay $0x1  }
0x2b4: {  	v45 =	vld [tilespmem:s30+$0x3E0];
	_ =	sdelay $0x2  }
0x2b5: {  	v4 =	vmul.f32 v4, v39;
	_ =	sdelay $0x1  }
0x2b6: {  	v4 =	vadd.f32 v4, v45;
	_ =	sdelay $0x1  }
0x2b7: {  	[tilespmem:s1+$0x8160] =	vst v4  }
0x2b8: {  	v4 =	vld [tilespmem:s30+$0x7F0];
	_ =	sdelay $0x1  }
0x2b9: {  	v46 =	vld [tilespmem:s30+$0x3F0];
	_ =	sdelay $0x2  }
0x2ba: {  	v4 =	vmul.f32 v4, v39;
	_ =	sdelay $0x1  }
0x2bb: {  	s2 =	sor.u32 $0xE, s8;
	v4 =	vadd.f32 v4, v46  }
0x2bc: {  	s8 =	sshll.u32 s2, $0x8  }
0x2bd: {  	s30 =	sor.u32 $0x700, s8;
	[tilespmem:s1+$0x8170] =	vst v4  }
0x2be: {  	v4 =	vld [tilespmem:s30+$0x100]  }
0x2bf: {  	s1 =	sand.u32 $0x7800, s8  }
0x2c0: {  	v47 =	vld [tilespmem:s1+$0x400]  }
0x2c1: {  	v48 =	vbroadcast v3, $0xE;
	_ =	sdelay $0x1  }
0x2c2: {  	v4 =	vmul.f32 v4, v48;
	_ =	sdelay $0x1  }
0x2c3: {  	s2 =	sshll.u32 s2, $0x7;
	v4 =	vadd.f32 v4, v47  }
0x2c4: {  	s2 =	sand.u32 $0x3FFFFF00, s2  }
0x2c5: {  	s30 =	sor.u32 $0x710, s8;
	[tilespmem:s2+$0x8100] =	vst v4  }
0x2c6: {  	v4 =	vld [tilespmem:s30+$0x100];
	_ =	sdelay $0x1  }
0x2c7: {  	v49 =	vld [tilespmem:s1+$0x410];
	_ =	sdelay $0x2  }
0x2c8: {  	v4 =	vmul.f32 v4, v48;
	_ =	sdelay $0x1  }
0x2c9: {  	v4 =	vadd.f32 v4, v49;
	_ =	sdelay $0x1  }
0x2ca: {  	s30 =	sor.u32 $0x720, s8;
	[tilespmem:s2+$0x8110] =	vst v4  }
0x2cb: {  	v4 =	vld [tilespmem:s30+$0x100];
	_ =	sdelay $0x1  }
0x2cc: {  	v50 =	vld [tilespmem:s1+$0x420];
	_ =	sdelay $0x2  }
0x2cd: {  	v4 =	vmul.f32 v4, v48;
	_ =	sdelay $0x1  }
0x2ce: {  	v4 =	vadd.f32 v4, v50;
	_ =	sdelay $0x1  }
0x2cf: {  	s30 =	sor.u32 $0x730, s8;
	[tilespmem:s2+$0x8120] =	vst v4  }
0x2d0: {  	v4 =	vld [tilespmem:s30+$0x100];
	_ =	sdelay $0x1  }
0x2d1: {  	v51 =	vld [tilespmem:s1+$0x430];
	_ =	sdelay $0x2  }
0x2d2: {  	v4 =	vmul.f32 v4, v48;
	_ =	sdelay $0x1  }
0x2d3: {  	v4 =	vadd.f32 v4, v51;
	_ =	sdelay $0x1  }
0x2d4: {  	s30 =	sor.u32 $0x740, s8;
	[tilespmem:s2+$0x8130] =	vst v4  }
0x2d5: {  	v4 =	vld [tilespmem:s30+$0x100];
	_ =	sdelay $0x1  }
0x2d6: {  	v52 =	vld [tilespmem:s1+$0x440];
	_ =	sdelay $0x2  }
0x2d7: {  	v4 =	vmul.f32 v4, v48;
	_ =	sdelay $0x1  }
0x2d8: {  	v4 =	vadd.f32 v4, v52;
	_ =	sdelay $0x1  }
0x2d9: {  	s30 =	sor.u32 $0x750, s8;
	[tilespmem:s2+$0x8140] =	vst v4  }
0x2da: {  	v4 =	vld [tilespmem:s30+$0x100];
	_ =	sdelay $0x1  }
0x2db: {  	v53 =	vld [tilespmem:s1+$0x450];
	_ =	sdelay $0x2  }
0x2dc: {  	v4 =	vmul.f32 v4, v48;
	_ =	sdelay $0x1  }
0x2dd: {  	v4 =	vadd.f32 v4, v53;
	_ =	sdelay $0x1  }
0x2de: {  	s30 =	sor.u32 $0x760, s8;
	[tilespmem:s2+$0x8150] =	vst v4  }
0x2df: {  	v4 =	vld [tilespmem:s30+$0x100];
	_ =	sdelay $0x1  }
0x2e0: {  	v54 =	vld [tilespmem:s1+$0x460];
	_ =	sdelay $0x2  }
0x2e1: {  	v4 =	vmul.f32 v4, v48;
	_ =	sdelay $0x1  }
0x2e2: {  	v4 =	vadd.f32 v4, v54;
	_ =	sdelay $0x1  }
0x2e3: {  	s8 =	sor.u32 $0x770, s8;
	[tilespmem:s2+$0x8160] =	vst v4  }
0x2e4: {  	v4 =	vld [tilespmem:s8+$0x100];
	_ =	sdelay $0x1  }
0x2e5: {  	v55 =	vld [tilespmem:s1+$0x470];
	_ =	sdelay $0x2  }
0x2e6: {  	v4 =	vmul.f32 v4, v48;
	_ =	sdelay $0x1  }
0x2e7: {  	s1 =	sshllo.u32 s3, $0x4;
	v4 =	vadd.f32 v4, v55  }
0x2e8: {  	s8 =	sshll.u32 s1, $0x8  }
0x2e9: {  	s30 =	sor.u32 $0x780, s8;
	[tilespmem:s2+$0x8170] =	vst v4  }
0x2ea: {  	v4 =	vld [tilespmem:s30+$0x100]  }
0x2eb: {  	s2 =	sand.u32 $0x7800, s8  }
0x2ec: {  	v56 =	vld [tilespmem:s2+$0x480]  }
0x2ed: {  	v3 =	vbroadcast v3, $0xF;
	_ =	sdelay $0x1  }
0x2ee: {  	v4 =	vmul.f32 v4, v3;
	_ =	sdelay $0x1  }
0x2ef: {  	s1 =	sshll.u32 s1, $0x7;
	v4 =	vadd.f32 v4, v56  }
0x2f0: {  	s1 =	sand.u32 $0x3FFFFF80, s1  }
0x2f1: {  	s30 =	sor.u32 $0x790, s8;
	[tilespmem:s1+$0x8100] =	vst v4  }
0x2f2: {  	v4 =	vld [tilespmem:s30+$0x100];
	_ =	sdelay $0x1  }
0x2f3: {  	v57 =	vld [tilespmem:s2+$0x490];
	_ =	sdelay $0x2  }
0x2f4: {  	v4 =	vmul.f32 v4, v3;
	_ =	sdelay $0x1  }
0x2f5: {  	v4 =	vadd.f32 v4, v57;
	_ =	sdelay $0x1  }
0x2f6: {  	s30 =	sor.u32 $0x7A0, s8;
	[tilespmem:s1+$0x8110] =	vst v4  }
0x2f7: {  	v4 =	vld [tilespmem:s30+$0x100];
	_ =	sdelay $0x1  }
0x2f8: {  	v58 =	vld [tilespmem:s2+$0x4A0];
	_ =	sdelay $0x2  }
0x2f9: {  	v4 =	vmul.f32 v4, v3;
	_ =	sdelay $0x1  }
0x2fa: {  	v4 =	vadd.f32 v4, v58;
	_ =	sdelay $0x1  }
0x2fb: {  	s30 =	sor.u32 $0x7B0, s8;
	[tilespmem:s1+$0x8120] =	vst v4  }
0x2fc: {  	v4 =	vld [tilespmem:s30+$0x100];
	_ =	sdelay $0x1  }
0x2fd: {  	v59 =	vld [tilespmem:s2+$0x4B0];
	_ =	sdelay $0x2  }
0x2fe: {  	v4 =	vmul.f32 v4, v3;
	_ =	sdelay $0x1  }
0x2ff: {  	v4 =	vadd.f32 v4, v59;
	_ =	sdelay $0x1  }
0x300: {  	s30 =	sor.u32 $0x7C0, s8;
	[tilespmem:s1+$0x8130] =	vst v4  }
0x301: {  	v4 =	vld [tilespmem:s30+$0x100];
	_ =	sdelay $0x1  }
0x302: {  	v60 =	vld [tilespmem:s2+$0x4C0];
	_ =	sdelay $0x2  }
0x303: {  	v4 =	vmul.f32 v4, v3;
	_ =	sdelay $0x1  }
0x304: {  	v4 =	vadd.f32 v4, v60;
	_ =	sdelay $0x1  }
0x305: {  	s30 =	sor.u32 $0x7D0, s8;
	[tilespmem:s1+$0x8140] =	vst v4  }
0x306: {  	v4 =	vld [tilespmem:s30+$0x100];
	_ =	sdelay $0x1  }
0x307: {  	v61 =	vld [tilespmem:s2+$0x4D0];
	_ =	sdelay $0x2  }
0x308: {  	v4 =	vmul.f32 v4, v3;
	_ =	sdelay $0x1  }
0x309: {  	v4 =	vadd.f32 v4, v61;
	_ =	sdelay $0x1  }
0x30a: {  	s30 =	sor.u32 $0x7E0, s8;
	[tilespmem:s1+$0x8150] =	vst v4  }
0x30b: {  	v4 =	vld [tilespmem:s30+$0x100];
	_ =	sdelay $0x1  }
0x30c: {  	v62 =	vld [tilespmem:s2+$0x4E0];
	_ =	sdelay $0x2  }
0x30d: {  	v4 =	vmul.f32 v4, v3;
	_ =	sdelay $0x1  }
0x30e: {  	v4 =	vadd.f32 v4, v62;
	_ =	sdelay $0x1  }
0x30f: {  	s8 =	sor.u32 $0x7F0, s8;
	[tilespmem:s1+$0x8160] =	vst v4  }
0x310: {  	v4 =	vld [tilespmem:s8+$0x100];
	_ =	sdelay $0x1  }
0x311: {  	v63 =	vld [tilespmem:s2+$0x4F0];
	_ =	sdelay $0x1  }
0x312: {  	p0 =	sne.s32 s3, $0x7  }
.Ltmp0:
0x313: {  	v3 =	vmul.f32 v4, v3;
	(pc) =	sbr.rel @p0 .LBB2_3-.Ltmp0, $3  }
0x314: {  	_ = 	snop  }
0x315: {  	v3 =	vadd.f32 v3, v63;
	_ =	sdelay $0x1  }
0x316: {  	s3 =	sadd.s32 $0x1, s3;
	[tilespmem:s1+$0x8170] =	vst v3  }
0x317: {  	s31 =	sadd.s32 $0x1, s31  }
0x318: {  	s0 =	sshll.u32 s0, $0x4;
	p0 =	sne.s32 s31, $0x50  }
.Ltmp1:
0x319: {  	s1 =	simm.s32 $0x0;
	s0 =	sadd.s32 s6, s0;
	(pc) =	sbr.rel @p0 .LBB2_2-.Ltmp1, $4  }
0x31a: {  	[hbm4b:s0+s1] =	stream.linear.scatter [tilespmem:s29], [sflag:$0x2], $0x4000, $0x38;
	[tilespmem:$0xC100] =	vst v63  }
0x31b: {  	_ =	swait.ge [sflag:s9], $0x4000  }
0x31c: {  	[sflag:s9] =	ssyncset.done $0x0  }
0x31d: {  	[sflag:s9] =	ssyncadd.s32 $0xFFFFC000  }
0x31e: {  	s1 =	rddreg [dreg:$0x4]  }
0x31f: {  	s0 =	rddreg [dreg:$0x3];
	s1 =	sadd.s32 $0x1, s1  }
0x320: {  	p0 =	sne.s32 s1, s0  }
.Ltmp2:
0x321: {  	_ = 	snop;
	(pc) =	sbr.rel @p0 .LBB2_1-.Ltmp2, $1  }
0x322: {  	_ =	sdelay $0x3  }
0x323: {  	_ =	sfence.sel $0x180000  }
0x324: {  	[bflag:$0x0] =	sbarrier.arrive $0xFFFF  }
0x325: {  	_ =	strace $0x90000047  }
0x326: {  	s0 =	stileid.u32;
	[bflag:$0x2] =	sbarrier.arrive $0xFFFF  }
0x327: {  	p0 =	sne.s32 s0, $0x0;
	s0 =	rddreg [dreg:$0x2]  }
0x328: {  	s0 =	sadd.s32 @!p0 $0x100000, s0  }
0x329: {  	[sflag:s0] =	ssyncadd.tile.s32 @!p0 $0x1;
	_ =	shalt  }
.Lfunc_end2:
_tile_overlayer_lowered:
.L_overlay_start_2:
0x32a: {  	(tag) =	ssettag $0x2  }
0x32b: {  	s0 =	rddreg [dreg:$0x0];
	s2 =	stileid.u32  }
0x32c: {  	s1 =	rddreg [dreg:$0x1];
	p0 =	sne.s32 s2, $0x0  }
0x32d: {  	s3 =	rddreg [dreg:$0x2];
	[bflag:$0x3] =	sbarrier.arrive $0xFFFF;
	s2 =	simm.s32 @!p0 $0x1C02  }
0x32e: {  	[timem:s3], [sflag:s2] =	dma.local @!p0 [hbm:s0], s1  }
0x32f: {  	s0 =	simm.s32 @!p0 $0x2  }
0x330: {  	_ =	swait.ge @!p0 [sflag:s0], s1  }
0x331: {  	s1 =	ssub.s32 @!p0 $0x0, s1;
	[sflag:s0] =	ssyncset.done @!p0 $0x0  }
0x332: {  	[sflag:s0] =	ssyncadd.s32 @!p0 s1  }
0x333: {  	[bflag:$0x3] =	sbarrier.arrive $0xFFFF  }
0x334: {  	_ =	shalt  }

// kernel: scatter_offload_async_start.1
scs
__scs_entry_jumppad:
0x0: {  	(pc) =	sbr.rel $0x88, $3  }
0x1: {  	(tag) =	ssettag $0x0;
	lr =	simm.s32 $0x1  }
0x2: {  	[smem:$0x3F98] =	sst lr;
	_ =	strace $0xD0000000  }
0x3: {  	_ = 	snop  }
0x4: {  	_ = 	snop  }
0x5: {  	_ = 	snop  }
0x6: {  	_ = 	snop  }
0x7: {  	_ = 	snop  }
__scs_overlays_trampoline_lowered:
0x8: {  	[smem:$0x3FA7] =	sst s0  }
0x9: {  	[smem:$0x3FA8] =	sst s1  }
0xa: {  	[smem:$0x3FA9] =	sst s2  }
0xb: {  	[smem:$0x3FAA] =	sst s3  }
0xc: {  	[smem:$0x3FAB] =	sst s4  }
0xd: {  	[smem:$0x3FAC] =	sst s5  }
0xe: {  	[smem:$0x3FAD] =	sst s6  }
0xf: {  	[smem:$0x3FAE] =	sst s7  }
0x10: {  	[smem:$0x3FAF] =	sst s8  }
0x11: {  	[smem:$0x3FB0] =	sst s9;
	s0 =	simm.s32 @!p0 $0x0  }
0x12: {  	s1 =	sld [smem:$0x3F96];
	s0 =	simm.s32 @p0 $0x1  }
0x13: {  	[smem:$0x3FB1] =	sst s0;
	s0 =	simm.s32 @!p1 $0x0  }
0x14: {  	s2 =	sld [smem:$0x3F95];
	s0 =	simm.s32 @p1 $0x1  }
0x15: {  	[smem:$0x3FB2] =	sst s0;
	s0 =	simm.s32 @!p2 $0x0  }
0x16: {  	s3 =	sld [smem:$0x3FDB];
	s0 =	simm.s32 @p2 $0x1  }
0x17: {  	s4 =	simm.s32 $0x1BF5;
	[smem:$0x3FB4] =	sst s0  }
0x18: {  	s0 =	sld [smem:$0x3F97];
	_ =	swait.ge [sflag:s4], $0x0  }
0x19: {  	s7 =	sld [smem:$0x3F98]  }
0x1a: {  	s8 =	sadd.s32 $0xFFFFE003, lr  }
0x1b: {  	s9 =	sadd.s32 $0xFFFFFEF7, lr;
	s5 =	simm.s32 $0xFFFFFFFF;
	p2 =	slt.u32 s8, $0xFFFFF086  }
0x1c: {  	p1 =	slt.u32 s9, $0xF7A;
	s5 =	simm.s32 @!p2 $0x0  }
0x1d: {  	s5 =	simm.s32 @p1 $0x1;
	p0 =	seq.s32 s7, s2  }
0x1e: {  	s7 =	smul.u32 @!p0 $0xF7A, s2;
	p2 =	seq.s32 @!p0 s5, $0x0  }
0x1f: {  	s9 =	smul.u32 $0xF7A, s1;
	s8 =	simm.s32 @!p0 $0x1BF5;
	p2 =	por !p2, p0  }
0x20: {  	[sflag:s8] =	ssyncset.s32 @!p0 $0xFFFFF086;
	s6 =	sadd.s32 @!p0 s3, s7;
	s7 =	simm.s32 @!p0 $0x108  }
0x21: {  	s3 =	sadd.s32 s3, s9;
	s6 =	sadd.s32 @!p0 $0x88, s6;
	s7 =	simm.s32 @p2 $0x1082  }
0x22: {  	[simem:s7], [sflag:s8] =	dma.local @!p0 [hbm:s6], $0xF7A  }
0x23: {  	s9 =	sor.u32 $0xD0000000, s2;
	s6 =	simm.s32 $0x108;
	_ =	swait.ge @!p0 [sflag:s8], $0x0  }
0x24: {  	s3 =	sadd.s32 $0x88, s3;
	s6 =	simm.s32 @!p1 $0x1082;
	[sflag:s4] =	ssyncset.s32 $0xFFFFF086  }
0x25: {  	[simem:s6], [sflag:s4] =	dma.local [hbm:s3], $0xF7A  }
0x26: {  	[smem:$0x3F98] =	sst s1;
	(tag) =	ssettag s2;
	_ =	strace s9  }
0x27: {  	s1 =	sld [smem:$0x3FA8]  }
0x28: {  	s2 =	sld [smem:$0x3FA9]  }
0x29: {  	s4 =	sld [smem:$0x3FAB]  }
0x2a: {  	p0 =	seq.s32 s5, $0x0;
	s5 =	sld [smem:$0x3FAC]  }
0x2b: {  	s6 =	sld [smem:$0x3FAD]  }
0x2c: {  	s7 =	sld [smem:$0x3FAE]  }
0x2d: {  	s3 =	simm.s32 $0x108;
	s8 =	sld [smem:$0x3FAF]  }
0x2e: {  	s3 =	simm.s32 @!p0 $0x1082;
	s9 =	sld [smem:$0x3FB0]  }
0x2f: {  	lr =	sadd.s32 s0, s3;
	s0 =	sld [smem:$0x3FA7]  }
0x30: {  	s3 =	sld [smem:$0x3FAA]  }
0x31: {  	[smem:$0x3FB3] =	sst s10  }
0x32: {  	s10 =	sld [smem:$0x3FB1];
	_ =	sdelay $0x3  }
0x33: {  	p0 =	seq.s32 s10, $0x1;
	s10 =	sld [smem:$0x3FB3];
	_ =	sdelay $0x3  }
0x34: {  	[smem:$0x3FB3] =	sst s10  }
0x35: {  	s10 =	sld [smem:$0x3FB2];
	_ =	sdelay $0x3  }
0x36: {  	p1 =	seq.s32 s10, $0x1;
	s10 =	sld [smem:$0x3FB3];
	_ =	sdelay $0x3  }
0x37: {  	[smem:$0x3FB3] =	sst s10  }
0x38: {  	s10 =	sld [smem:$0x3FB4]  }
0x39: {  	_ = 	snop;
	(pc) =	sbr.ind lr, $3  }
0x3a: {  	_ = 	snop  }
0x3b: {  	_ = 	snop  }
0x3c: {  	p2 =	seq.s32 s10, $0x1;
	s10 =	sld [smem:$0x3FB3]  }
0x3d: {  	_ =	shalt  }
0x3e: {  	_ =	shalt  }
0x3f: {  	_ =	shalt  }
0x40: {  	_ =	shalt  }
0x41: {  	_ =	shalt  }
0x42: {  	_ =	shalt  }
0x43: {  	_ =	shalt  }
0x44: {  	_ =	shalt  }
0x45: {  	_ =	shalt  }
0x46: {  	_ =	shalt  }
0x47: {  	_ =	shalt  }
0x48: {  	_ =	shalt  }
0x49: {  	_ =	shalt  }
0x4a: {  	_ =	shalt  }
0x4b: {  	_ =	shalt  }
0x4c: {  	_ =	shalt  }
0x4d: {  	_ =	shalt  }
0x4e: {  	_ =	shalt  }
0x4f: {  	_ =	shalt  }
0x50: {  	_ =	shalt  }
0x51: {  	_ =	shalt  }
0x52: {  	_ =	shalt  }
0x53: {  	_ =	shalt  }
0x54: {  	_ =	shalt  }
0x55: {  	_ =	shalt  }
0x56: {  	_ =	shalt  }
0x57: {  	_ =	shalt  }
0x58: {  	_ =	shalt  }
0x59: {  	_ =	shalt  }
0x5a: {  	_ =	shalt  }
0x5b: {  	_ =	shalt  }
0x5c: {  	_ =	shalt  }
0x5d: {  	_ =	shalt  }
0x5e: {  	_ =	shalt  }
0x5f: {  	_ =	shalt  }
0x60: {  	_ =	shalt  }
0x61: {  	_ =	shalt  }
0x62: {  	_ =	shalt  }
0x63: {  	_ =	shalt  }
0x64: {  	_ =	shalt  }
0x65: {  	_ =	shalt  }
0x66: {  	_ =	shalt  }
0x67: {  	_ =	shalt  }
0x68: {  	_ =	shalt  }
0x69: {  	_ =	shalt  }
0x6a: {  	_ =	shalt  }
0x6b: {  	_ =	shalt  }
0x6c: {  	_ =	shalt  }
0x6d: {  	_ =	shalt  }
0x6e: {  	_ =	shalt  }
0x6f: {  	_ =	shalt  }
0x70: {  	_ =	shalt  }
0x71: {  	_ =	shalt  }
0x72: {  	_ =	shalt  }
0x73: {  	_ =	shalt  }
0x74: {  	_ =	shalt  }
0x75: {  	_ =	shalt  }
0x76: {  	_ =	shalt  }
0x77: {  	_ =	shalt  }
0x78: {  	_ =	shalt  }
0x79: {  	_ =	shalt  }
0x7a: {  	_ =	shalt  }
0x7b: {  	_ =	shalt  }
0x7c: {  	_ =	shalt  }
0x7d: {  	_ =	shalt  }
0x7e: {  	_ =	shalt  }
0x7f: {  	_ =	shalt  }
0x80: {  	_ =	shalt  }
0x81: {  	_ =	shalt  }
0x82: {  	_ =	shalt  }
0x83: {  	_ =	shalt  }
0x84: {  	_ =	shalt  }
0x85: {  	_ =	shalt  }
0x86: {  	_ =	shalt  }
0x87: {  	_ =	shalt  }
.Lfunc_end0:
.L_simem_size_0:
called_computation.1_lowered:
.L_overlay_start_0:
0x88: {  	s0 =	sld [smem:$0x3FD9]  }
0x89: {  	s1 =	sld [smem:$0x3FFE];
	_ =	sdelay $0x3  }
0x8a: {  	s0 =	sadd.s32 s1, s0  }
0x8b: {  	[smem:$0x3FBF] =	sst s0  }
0x8c: {  	_ = 	snop  }
0x8d: {  	(tm) =	ssettm $0x1  }
0x8e: {  	s15 =	sld [smem:$0x3FFB];
	_ =	sdelay $0x3  }
0x8f: {  	_ =	strace s15  }
0x90: {  	s0 =	sld [smem:$0x3FFC];
	_ =	sdelay $0x3  }
0x91: {  	_ =	strace s0  }
0x92: {  	s0 =	sld [smem:$0x3FFD];
	_ =	sdelay $0x3  }
0x93: {  	_ =	strace s0  }
0x94: {  	_ =	strace $0x8FFFFFFF  }
0x95: {  	s16 =	sld [smem:$0x3FDB];
	_ =	sdelay $0x1  }
0x96: {  	s17 =	simm.s32 $_scs_section_size  }
0x97: {  	s2 =	simm.s32 $_size__tile_overlayer_lowered;
	s3 =	simm.s32 $_tile_overlayer_lowered  }
0x98: {  	s20 =	simm.s32 $0x1BFF;
	s19 =	sshll.u32 s3, $0x1;
	s0 =	sadd.s32 s17, s16  }
0x99: {  	s4 =	simm.s32 $0x0;
	s18 =	sshll.u32 s2, $0x1;
	s2 =	sadd.s32 s19, s0  }
0x9a: {  	[timem:s4], [sflag:s20] =	dma.local [hbm:s2], s18  }
0x9b: {  	_ =	swait.ge [sflag:s20], s18  }
0x9c: {  	s1 =	ssub.s32 $0x0, s18;
	[sflag:s20] =	ssyncset.done $0x0  }
0x9d: {  	[sflag:s20] =	ssyncadd.s32 s1;
	_ =	sdelay $0x1  }
0x9e: {  	s21 =	simm.s32 $0x1B8B  }
0x9f: {  	_ =	swait.ge [sflag:s21], $0x1  }
0xa0: {  	[sflag:s21] =	ssyncset.done $0x0  }
0xa1: {  	s23 =	simm.s32 $0x1B8E;
	s22 =	sld [smem:$0x3FFE];
	[sflag:s21] =	ssyncadd.s32 $0xFFFFFFFF  }
0xa2: {  	s24 =	simm.s32 $execute0_lowered;
	[smem:$0x3FD2] =	sst s23  }
0xa3: {  	s2 =	sshll.u32 s24, $0x1;
	_ =	strace $0x80000049;
	[dreg:$0x1] =	wrdreg $0xFFFFFFFF  }
0xa4: {  	s25 =	simm.s32 $_size_execute0_lowered;
	s0 =	sadd.s32 s0, s2;
	[dreg:$0x0] =	wrdreg $0x0  }
0xa5: {  	s2 =	sshll.u32 s25, $0x1;
	[dreg:$0x2] =	wrdreg s0  }
0xa6: {  	[dreg:$0x3] =	wrdreg s2  }
0xa7: {  	[dreg:$0x4] =	wrdreg $0xC0  }
0xa8: {  	_ =	task [dreg:s4], $0x5FFFF  }
0xa9: {  	[dreg:$0x1] =	wrdreg $0xFFFFFFFF  }
0xaa: {  	[dreg:$0x0] =	wrdreg $0x60  }
0xab: {  	[dreg:$0x2] =	wrdreg s22  }
0xac: {  	[dreg:$0x3] =	wrdreg $0xA  }
0xad: {  	_ =	task.clear_ibuf [dreg:s4], $0x4FFFF;
	_ =	strace $0x90000049  }
0xae: {  	s26 =	simm.s32 $0xA;
	_ =	strace $0x8000004B  }
0xaf: {  	_ =	swait.ge [sflag:s26], $0x1  }
0xb0: {  	[sflag:s26] =	ssyncadd.s32 $0xFFFFFFFF  }
0xb1: {  	_ =	strace $0x9000004B  }
0xb2: {  	_ =	sfence  }
0xb3: {  	s28 =	sld [smem:$0x0];
	_ =	sdelay $0x1  }
0xb4: {  	s29 =	srdreg.scid  }
0xb5: {  	s30 =	sshll.u32 s29, $0xD;
	s31 =	sshrl.u32 s29, $0x2  }
0xb6: {  	s1 =	sand.u32 $0x1, s29;
	s2 =	sand.u32 $0x4000, s30;
	s0 =	sadd.s32 s31, s28  }
0xb7: {  	s1 =	sor.u32 s2, s1;
	s0 =	sshll.u32 s0, $0x11  }
0xb8: {  	s0 =	sor.u32 s0, s1  }
0xb9: {  	s0 =	sadd.s32 $0x8F2B, s0  }
0xba: {  	[sflag:s0] =	ssyncadd.remote.s32 $0x1  }
0xbb: {  	_ =	sfence.sel $0xFFFF  }
0xbc: {  	[dreg:$0x0] =	wrdreg $0xFFFFFFFF;
	(pc) =	sbr.abs _section_cstart, $3  }
0xbd: {  	[dreg:$0x1] =	wrdreg $0xFFFFFFFF  }
0xbe: {  	_ =	task.clear_ibuf [dreg:s4], $0x2FFFF;
	_ =	strace $0x9FFFFFFF  }
0xbf: {  	(tm) =	ssettm $0x7FFFFFFF  }
tec
execute0_lowered:
.L_overlay_start_1:
0x0: {  	(tag) =	ssettag $0x1  }
0x1: {  	s0 =	rddreg [dreg:$0x0];
	_ =	strace $0x8000004A;
	s15 =	stileid.u32  }
0x2: {  	s2 =	simm.s32 $0x1;
	s1 =	smin.u32 s15, $0x8;
	s3 =	sshll.u32 s15, $0x1  }
0x3: {  	v1 =	vimm.s32 $0xFFFFFFFF;
	[sflag:s2] =	ssyncpa.u1 $0x0;
	s1 =	sadd.s32 s1, s3  }
0x4: {  	p0 =	slt.u32 s15, $0x8;
	[tilespmem:$0x10] =	vst v1;
	s4 =	smul.u32 $0x1F40, s1;
	s1 =	simm.s32 $0x5DC0  }
0x5: {  	v0 =	vimm.f32 $0.0e+00;
	[tilespmem:$0x20] =	vst v1;
	s1 =	simm.s32 @!p0 $0x3E80  }
0x6: {  	[tilespmem:$0x30] =	vst v0;
	s1 =	sadd.s32 s1, s4  }
0x7: {  	[tilespmem:$0x40] =	vst v0;
	s5 =	smin.u32 s1, $0x4E200  }
0x8: {  	s7 =	simm.s32 $0x2;
	s8 =	simm.s32 $0x8;
	[tilespmem:$0x50] =	vst v0;
	s9 =	ssub.s32 s5, s4  }
0x9: {  	s31 =	simm.s32 $0x9;
	s16 =	simm.s32 $0x0;
	[tilespmem:$0x60] =	vst v1;
	p0 =	sgt.s32 s9, $0x0  }
0xa: {  	s17 =	simm.s32 $0xF0;
	s18 =	simm.s32 $0xFFFFFFFF;
	[tilespmem:$0x70] =	vst v1;
	s9 =	simm.s32 @!p0 $0x0  }
0xb: {  	s19 =	simm.s32 $0xFFFFC280;
	s20 =	simm.s32 $0xFFFFFFFE;
	[tilespmem:$0x80] =	vst v1;
	s30 =	smulhi.u32 $0x10624DD3, s9  }
0xc: {  	s21 =	simm.s32 $0xF;
	s25 =	simm.s32 $0x0;
	s24 =	simm.s32 $0x0;
	v1 =	vimm.s32 $0x0;
	[tilespmem:$0xB0] =	vst v0  }
0xd: {  	s6 =	sadd.s32 $0x56BE00, s0;
	s15 =	sshllo.u32 s15, $0x1;
	[tilespmem:$0x90] =	vst v1;
	s10 =	sshrl.u32 s30, $0x9  }
0xe: {  	[tilespmem:$0xA0] =	vst v1;
	[sflag:s7] =	ssyncpa.u1 $0x0;
	s7 =	simm.s32 $0x7;
	s11 =	smul.u32 $0x1F40, s10  }
.Ltmp0:
0xf: {  	s13 =	sor.u32 $0x80, s3;
	[sflag:s7] =	ssyncpa.u1 $0x0;
	(pc) =	sbr.rel .LBB2_1-.Ltmp0, $4  }
0x10: {  	s14 =	sor.u32 $0x81, s3;
	[sflag:s8] =	ssyncpa.u1 $0x0;
	p0 =	sne.s32 s9, s11  }
0x11: {  	s23 =	smov.u32 s4;
	s1 =	sadd.s32 $0x9E00, s0;
	s2 =	simm.s32 @!p0 $0x0  }
0x12: {  	vm0 =	vmmov $0xffff;
	v2 =	vlaneseq.u32;
	[sflag:s31] =	ssyncpa.u1 $0x0;
	s9 =	sadd.s32 $0x575C00, s0;
	s10 =	sadd.s32 s2, s10  }
0x13: {  	vm1 =	vmxor vm1, vm1;
	vm2 =	vmmov $0x1;
	vm3 =	vcmask $0x3F3C;
	p0 =	por $0x0, $0x0;
	s11 =	sadd.s32 $0x1, s10;
	s12 =	sadd.s32 $0x2, s10  }
.LBB2_9:
0x14: {  	p1 =	slt.u32 s24, $0x3  }
0x15: {  	s0 =	simm.s32 @!p1 $0x2  }
0x16: {  	_ =	swait.ge @!p1 [sflag:s0], $0x1F40  }
0x17: {  	[sflag:s0] =	ssyncset.done @!p1 $0x0  }
0x18: {  	[sflag:s0] =	ssyncadd.s32 @!p1 $0xFFFFE0C0;
	s0 =	simm.s32 @!p1 $0x9  }
0x19: {  	_ =	swait.ge @!p1 [sflag:s0], $0x10  }
0x1a: {  	[sflag:s0] =	ssyncset.done @!p1 $0x0  }
0x1b: {  	[sflag:s0] =	ssyncadd.s32 @!p1 $0xFFFFFFF0;
	p1 =	sne.s32 s24, s12  }
.Ltmp1:
0x1c: {  	s2 =	sadd.s32 $0x1F40, s23;
	(pc) =	sbr.rel @!p1 .LBB2_10-.Ltmp1, $4  }
0x1d: {  	s22 =	smov.u32 s4;
	s31 =	sadd.s32 $0x1, s24;
	s17 =	sadd.s32 $0x1F40, s17  }
0x1e: {  	s18 =	sadd.s32 $0x1, s18;
	s25 =	smov.u32 s23;
	p2 =	slt.s32 s2, s5  }
0x1f: {  	p0 =	por !p0, !p0;
	s19 =	sadd.s32 $0x1F40, s19;
	s22 =	smov.u32 @p2 s2  }
0x20: {  	s20 =	sadd.s32 $0x1, s20;
	s23 =	smov.u32 s22;
	s24 =	smov.u32 s31  }
.LBB2_1:
0x21: {  	p1 =	sge.u32 s24, s10  }
0x22: {  	s0 =	smulhi.u32 @!p1 $0xAAAAAAAB, s24;
	_ =	sdelay $0x1  }
0x23: {  	s0 =	sshrl.u32 @!p1 s0, $0x1  }
0x24: {  	s0 =	smul.u32 @!p1 $0x3, s0;
	_ =	sdelay $0x1  }
0x25: {  	s0 =	ssub.s32 @!p1 s24, s0  }
0x26: {  	s0 =	smul.u32 @!p1 $0x7D00, s0;
	_ =	sdelay $0x1  }
0x27: {  	s2 =	sshrl.u32 @!p1 s23, $0x3;
	s0 =	sshrl.u32 @!p1 s0, $0x2  }
0x28: {  	s22 =	sand.u32 @!p1 $0x7, s23;
	s2 =	sadd.s32 @!p1 s6, s2;
	s0 =	sadd.s32 @!p1 $0x100, s0  }
0x29: {  	[tilespmem:s0], [sflag:$0x7] =	stream.linear.gather @!p1 [hbm4b:s2+s22], $0x1F40, $0x38;
	[tilespmem:$0x11A60] =	vst v63  }
0x2a: {  	s0 =	sadd.s32 $0xFFFFFFFF, s24  }
0x2b: {  	p1 =	sge.u32 s0, s10  }
.Ltmp2:
0x2c: {  	_ = 	snop;
	(pc) =	sbr.rel @p1 .LBB2_5-.Ltmp2, $1  }
0x2d: {  	_ =	sdelay $0x3  }
0x2e: {  	s2 =	smulhi.u32 $0xAAAAAAAB, s0;
	_ =	sdelay $0x1  }
0x2f: {  	s2 =	sshrl.u32 s2, $0x1  }
0x30: {  	s2 =	smul.u32 $0x3, s2;
	_ =	sdelay $0x1  }
0x31: {  	s2 =	ssub.s32 s0, s2  }
0x32: {  	s2 =	smul.u32 $0x7D00, s2  }
0x33: {  	_ =	swait.ge [sflag:s7], $0x1F40  }
0x34: {  	[sflag:s7] =	ssyncset.done $0x0;
	s2 =	sshrl.u32 s2, $0x2  }
0x35: {  	[sflag:s7] =	ssyncadd.s32 $0xFFFFE0C0;
	(ifvalue) =	ssetifvalue $0xFFFFFFFF;
	v3 =	vld.msk [tilespmem:s2+$0x100 ss:$0x1], $0xffff;
	_ =	sdelay $0x2  }
0x36: {  	s30 =	smulhi.u32 $0xAAAAAAAB, s18;
	p1 =	sne.s32 s24, $0x1  }
0x37: {  	v4 =	vimm.s32 @!p1 $0x0  }
0x38: {  	s2 =	sshrl.u32 s30, $0x1;
	v4 =	vperm.xlane @!p1 v3, v4  }
0x39: {  	s22 =	sshll.u32 s24, $0x4;
	s2 =	smul.u32 $0xFFFE8900, s2;
	vm4 =	vlt.u32 v3, $0x2800  }
0x3a: {  	s22 =	sand.u32 $0x10, s22;
	v3 =	vnsel vm4, $0xFFFFFFFE, v3;
	vm4 =	vlt.u32 @!p1 v4, $0x2800  }
0x3b: {  	s2 =	sshra.s32 s2, $0x2;
	[tilespmem:s22+$0x60] =	vst v3;
	v3 =	vnsel @!p1 vm4, $0xFFFFFFFE, v4  }
0x3c: {  	s28 =	sadd.s32 s2, s17;
	[tilespmem:$0x80] =	vst @!p1 v3  }
0x3d: {  	v3 =	vld.msk [tilespmem:s28+$0x0 ss:$0x1], $0xffff;
	_ =	sdelay $0x4  }
0x3e: {  	(xrf1) =	vunique.msk.u32 $0xffff, v3;
	_ =	sdelay $0xd  }
0x3f: {  	v4 =	vimm.s32 $0xFFFFFFFF;
	v5, _, _ =	vpop (xrf1)  }
0x40: {  	vm5 =	vne.s32 v3, v4;
	vm4 =	veq.s32 v5, v2  }
0x41: {  	vm6 =	vlt.u32 v3, $0x2800;
	vm4 =	vmand vm5, vm4  }
0x42: {  	vm4 =	vmand vm6, vm4  }
0x43: {  	v4 =	vnsel vm4, $0xFFFFFFFF, v3  }
0x44: {  	s31 =	sand.u32 $0x1, s0  }
0x45: {  	s0 =	simm.s32 $0x1F40;
	p1 =	seq.s32 s31, $0x1  }
0x46: {  	s0 =	simm.s32 @!p1 $0x0  }
0x47: {  	s26 =	sadd.s32 $0x7DF0, s0;
	(ifvalue) =	ssetifvalue $0xFFFFFFFF  }
0x48: {  	v3 =	vperm.xlane v3, v1;
	[tilespmem:s26], [sflag:$0x8] =	stream.indirect_vreg.gather [hbm4b:s1+s16], $0x1, v4, vm0, $0x4038;
	v4 =	vnsel vm6, $0xFFFFFFFE, v4;
	[tilespmem:$0x11A60] =	vst v63  }
0x49: {  	s2 =	simm.s32 $0x0;
	s22 =	sadd.s32 $0xFFFFFFF0, s28;
	[tilespmem:s28+$0x0] =	vst v4  }
.LBB2_3:
0x4a: {  	v4 =	vld.msk [tilespmem:s22+$0x0 ss:$0x1], $0xffff;
	s2 =	sadd.s32 $0x10, s2;
	v5 =	vmov v3;
	s28 =	smov.u32 s22  }
0x4b: {  	p1 =	slt.u32 s2, $0x1F30;
	_ =	sdelay $0x4  }
0x4c: {  	v3 =	vperm.xlane v4, v1;
	(xrf1) =	vunique.msk.u32 $0xffff, v4;
	_ =	sdelay $0xd  }
0x4d: {  	v6, _, _ =	vpop (xrf1)  }
0x4e: {  	vm5 =	vne.s32 v4, v5;
	vm4 =	veq.s32 v6, v2  }
0x4f: {  	vm6 =	vlt.u32 v4, $0x2800;
	vm4 =	vmand vm5, vm4  }
0x50: {  	vm4 =	vmand vm6, vm4  }
0x51: {  	v4 =	vnsel vm4, $0xFFFFFFFF, v4  }
.Ltmp3:
0x52: {  	v5 =	vnsel vm6, $0xFFFFFFFE, v4;
	(pc) =	sbr.rel @p1 .LBB2_3-.Ltmp3, $3  }
0x53: {  	_ =	sdelay $0x1  }
0x54: {  	s22 =	sadd.s32 $0xFFFFFFF0, s22;
	s26 =	sadd.s32 $0xFFFFFFF0, s26;
	(ifvalue) =	ssetifvalue $0xFFFFFFFF  }
0x55: {  	[tilespmem:s26], [sflag:$0x8] =	stream.indirect_vreg.gather [hbm4b:s1+s16], $0x1, v4, vm0, $0x4038;
	[tilespmem:s28+$0x0] =	vst v5  }
0x56: {  	s2 =	sshrl.u32 s25, $0x3  }
0x57: {  	s0 =	sadd.s32 $0x9D40, s0;
	s2 =	sadd.s32 s9, s2  }
0x58: {  	[tilespmem:s0], [sflag:$0x8] =	stream.linear.gather [hbm:s2], $0x1F40, $0x38;
	[tilespmem:$0x11A60] =	vst v63  }
.LBB2_5:
0x59: {  	p1 =	slt.u32 s24, $0x2  }
0x5a: {  	p2 =	sge.u32 @!p1 s24, s12  }
0x5b: {  	p1 =	por p1, p2  }
.Ltmp4:
0x5c: {  	_ = 	snop;
	(pc) =	sbr.rel @p1 .LBB2_9-.Ltmp4, $1  }
0x5d: {  	_ =	sdelay $0x3  }
0x5e: {  	s0 =	sadd.s32 $0xFFFFFFFE, s24  }
0x5f: {  	s2 =	smulhi.u32 $0xAAAAAAAB, s0;
	_ =	sdelay $0x1  }
0x60: {  	s2 =	sshrl.u32 s2, $0x1  }
0x61: {  	s2 =	smul.u32 $0x3, s2;
	_ =	sdelay $0x1  }
0x62: {  	s0 =	ssub.s32 s0, s2  }
0x63: {  	_ =	swait.ge [sflag:s8], $0x3E80;
	s0 =	smul.u32 $0x1F40, s0  }
0x64: {  	p1 =	sne.s32 s24, s11;
	[sflag:s8] =	ssyncset.done $0x0  }
0x65: {  	[sflag:s8] =	ssyncadd.s32 $0xFFFFC180;
	s2 =	sadd.s32 @!p1 $0x203F, s0  }
0x66: {  	[spmem:s14] =	stream.linear.scatter @!p1 [tilespmem:s2], [sflag:$0x1], $0x1, $0x38;
	[tilespmem:$0x11A60] =	vst v63  }
0x67: {  	s2 =	simm.s32 @!p1 $0x1  }
0x68: {  	_ =	swait.ge @!p1 [sflag:s2], $0x1  }
0x69: {  	s22 =	sshll.u32 s24, $0x4;
	[sflag:s2] =	ssyncset.done @!p1 $0x0  }
0x6a: {  	s25 =	sand.u32 $0x10, s22;
	[sflag:s2] =	ssyncadd.s32 @!p1 $0xFFFFFFFF  }
0x6b: {  	s2 =	sxor.u32 $0x10, s25;
	v4 =	vld [tilespmem:s25+$0x10]  }
0x6c: {  	v5 =	vld [tilespmem:s2+$0x60]  }
0x6d: {  	v3 =	vld [tilespmem:$0x80];
	_ =	sdelay $0x2  }
0x6e: {  	(v2sf) =	vpush v4, $0x0  }
0x6f: {  	(v2sf) =	vpush v5, $0x0  }
0x70: {  	(v2sf) =	vpush v3, $0x0;
	_ =	sdelay $0xc  }
0x71: {  	s22 =	spop (v2sf)  }
0x72: {  	s26 =	spop (v2sf)  }
0x73: {  	s28 =	spop (v2sf)  }
0x74: {  	p2 =	seq.s32 s22, s26;
	p3 =	seq.s32 s28, s22  }
0x75: {  	p3 =	por p2, p3  }
0x76: {  	s26 =	sand.u32 $0x1, s24;
	v4 =	vpsel p3, $0xFFFFFFFF, v4  }
0x77: {  	s29 =	smul.u32 $0x1F40, s26;
	[tilespmem:s25+$0x10] =	vst.msk $0x1, v4  }
0x78: {  	v4 =	vld [tilespmem:$0x30]  }
0x79: {  	v5 =	vld [tilespmem:s29+$0x9D40]  }
0x7a: {  	v6 =	vld [tilespmem:s25+$0x40];
	_ =	sdelay $0x3  }
0x7b: {  	vm4 =	vmmov vm1;
	v5 =	vadd.f32 v5, v4  }
0x7c: {  	vm5 =	vmmov vm2;
	vm4 =	vmmov @p2 vm2;
	s22 =	sshll.u32 s26, $0x4;
	v4 =	vadd.f32 v6, v4  }
0x7d: {  	s26 =	sor.u32 $0x11A40, s22;
	vm5 =	vmmov @p3 vm1;
	[tilespmem:s29+$0x9D40] =	vst.msk vm4, v5  }
0x7e: {  	[tilespmem:s26+$0x0] =	vst.msk vm5, v4  }
0x7f: {  	v4 =	vld [tilespmem:s29+$0x7DF0];
	_ =	sdelay $0x3  }
0x80: {  	v5 =	vimm.f32 $0.0e+00  }
0x81: {  	v4 =	vshift.insert v4, v5, s21  }
0x82: {  	s22 =	sor.u32 $0x40, s2  }
0x83: {  	[tilespmem:s22+$0x0] =	vst.msk $0x1, v4  }
0x84: {  	[tilespmem:s29+$0x7DFF] =	vst.msk $0x1, v5  }
0x85: {  	v4 =	vld [tilespmem:s0+$0x2030];
	_ =	sdelay $0x1  }
0x86: {  	s22 =	smulhi.u32 $0xAAAAAAAB, s20;
	s0 =	simm.s32 $0x1  }
0x87: {  	s0 =	simm.s32 @!p0 $0x0  }
0x88: {  	s22 =	sshrl.u32 s22, $0x1;
	s0 =	smul.u32 $0x7D00, s0  }
0x89: {  	s22 =	smul.u32 $0xFFFE8900, s22;
	v4 =	vshift.insert v4, v1, s21  }
0x8a: {  	s0 =	sshrl.u32 s0, $0x2  }
0x8b: {  	s22 =	sshra.s32 s22, $0x2;
	s30 =	sadd.s32 $0x9D40, s0;
	[tilespmem:s2+$0x10] =	vst.msk $0x1, v4  }
0x8c: {  	s22 =	sadd.s32 s22, s19;
	v6 =	vld [tilespmem:s30+$0x0]  }
0x8d: {  	v7 =	vld [tilespmem:s22+$0x0];
	_ =	sdelay $0x3  }
0x8e: {  	v5 =	vadd.f32 v6, v5  }
0x8f: {  	vm4 =	vne.s32 v7, $0xFFFFFFFF  }
0x90: {  	(xrf2) =	vadd.seg.scan.f32 vm4, v5;
	_ =	sdelay $0x3  }
0x91: {  	s31 =	sadd.s32 $0x5EC0, s0;
	v5 =	vperm.xlane v4, v1  }
0x92: {  	v6 =	vld [tilespmem:s31+$0x0]  }
0x93: {  	vm5 =	veq.s32 v7, v3;
	vm6 =	veq.s32 v7, v5  }
0x94: {  	vm7 =	vgt.u32 v7, $0xFFFFFFFD;
	vm6 =	vmor vm6, vm5  }
0x95: {  	vm6 =	vmor vm6, vm7  }
0x96: {  	v9 =	vld [tilespmem:$0xA0];
	v7 =	vsel vm6, $0xFFFFFFFF, v7  }
0x97: {  	v10 =	vld [tilespmem:$0x90];
	v6 =	vsel vm5, $0x0, v6;
	v8, _, _ =	vpop (xrf2)  }
0x98: {  	v6 =	vadd.f32 v8, v6  }
0x99: {  	s0 =	sadd.s32 $0xDBC0, s0  }
0x9a: {  	vm4 =	vmand vm4, vm3;
	[tilespmem:s0+$0x0] =	vst v6;
	(ifvalue) =	ssetifvalue $0xFFFFFFFF  }
0x9b: {  	vm6 =	veq.s32 v9, $0x1;
	[hbm4b:s1+s16] =	stream.indirect_vreg.scatter [tilespmem:s0], [sflag:$0x2], $0x1, v7, vm0, $0x4038;
	v7 =	vsel vm4, $0x0, v8;
	[tilespmem:$0x11A60] =	vst v63  }
0x9c: {  	s2 =	simm.s32 $0x0;
	s22 =	sadd.s32 $0x10, s22;
	vm4 =	vmor vm6, vm5;
	v6 =	vsel vm5, v8, v10;
	v7 =	vshift.insert v7, v0, s21  }
.LBB2_7:
0x9d: {  	v8 =	vld [tilespmem:s22+$0x0];
	s30 =	sadd.s32 $0x10, s30  }
0x9e: {  	s31 =	sadd.s32 $0x10, s31;
	v9 =	vld [tilespmem:s30+$0x0]  }
0x9f: {  	s2 =	sadd.s32 $0x10, s2;
	v10 =	vld [tilespmem:s31+$0x0]  }
0xa0: {  	p2 =	slt.u32 s2, $0x1F30;
	_ =	sdelay $0x2  }
0xa1: {  	v7 =	vadd.f32 v9, v7  }
0xa2: {  	vm5 =	vne.s32 v8, $0xFFFFFFFF  }
0xa3: {  	vm6 =	vmand vm5, vm3;
	(xrf2) =	vadd.seg.scan.f32 vm5, v7;
	_ =	sdelay $0x5  }
0xa4: {  	vm7 =	veq.s32 v8, v5;
	vm5 =	veq.s32 v8, v3  }
0xa5: {  	vm8 =	vgt.u32 v8, $0xFFFFFFFD;
	vm4 =	vmor vm4, vm5;
	vm7 =	vmor vm7, vm5  }
0xa6: {  	vm7 =	vmor vm7, vm8  }
0xa7: {  	v8 =	vsel vm7, $0xFFFFFFFF, v8  }
.Ltmp5:
0xa8: {  	v7 =	vsel vm5, $0x0, v10;
	v9, _, _ =	vpop (xrf2);
	(pc) =	sbr.rel @p2 .LBB2_7-.Ltmp5, $4  }
0xa9: {  	v6 =	vsel vm5, v9, v6;
	v10 =	vadd.f32 v9, v7;
	v7 =	vsel vm6, $0x0, v9  }
0xaa: {  	s0 =	sadd.s32 $0x10, s0;
	v7 =	vshift.insert v7, v0, s21  }
0xab: {  	s22 =	sadd.s32 $0x10, s22;
	[tilespmem:s0+$0x0] =	vst v10;
	(ifvalue) =	ssetifvalue $0xFFFFFFFF  }
0xac: {  	[hbm4b:s1+s16] =	stream.indirect_vreg.scatter [tilespmem:s0], [sflag:$0x2], $0x1, v8, vm0, $0x4038;
	[tilespmem:$0x11A60] =	vst v63  }
0xad: {  	v3 =	vld [tilespmem:s29+$0xFAF0];
	_ =	sdelay $0x4  }
0xae: {  	v3 =	vshift.insert v3, v0, s21  }
0xaf: {  	s0 =	simm.s32 $0x30  }
0xb0: {  	[tilespmem:s0+$0x0] =	vst.msk $0x1, v3  }
0xb1: {  	v3 =	vsel vm4, $0x1, v1;
	[tilespmem:$0x90] =	vst v6  }
0xb2: {  	s0 =	sadd.s32 @!p1 $0xFAFF, s29;
	[tilespmem:$0xA0] =	vst v3  }
0xb3: {  	[spmem:s15] =	stream.linear.scatter @!p1 [tilespmem:s0], [sflag:$0x1], $0x1, $0x38;
	[tilespmem:$0x11A60] =	vst v63  }
0xb4: {  	s0 =	simm.s32 @!p1 $0x1  }
0xb5: {  	v3 =	vmctz.xlane @!p1 vm4;
	_ =	swait.ge @!p1 [sflag:s0], $0x1  }
0xb6: {  	(v2sf) =	vpush @!p1 v4, $0x0  }
0xb7: {  	(v2sf) =	vpush @!p1 v3, $0x0;
	_ =	sdelay $0xd  }
0xb8: {  	s2 =	spop @!p1 (v2sf)  }
0xb9: {  	s22 =	spop @!p1 (v2sf)  }
0xba: {  	p2 =	sne.s32 @!p1 s28, s2;
	p3 =	slt.s32 @!p1 s22, $0xF  }
0xbb: {  	[sflag:s0] =	ssyncset.done @!p1 $0x0;
	p2 =	por p2, p1;
	p3 =	por !p3, p1  }
0xbc: {  	[sflag:s0] =	ssyncadd.s32 @!p1 $0xFFFFFFFF;
	v3 =	vimm.s32 @!p2 $0xFFFFFFFF;
	s22 =	simm.s32 @p3 $0xF  }
0xbd: {  	[tilespmem:$0x80] =	vst @!p2 v3;
	s2 =	sadd.s32 @!p1 $0x90, s22  }
0xbe: {  	[spmem:s3] =	stream.linear.scatter @!p1 [tilespmem:s2], [sflag:$0x1], $0x1, $0x38;
	[tilespmem:$0x11A60] =	vst v63  }
0xbf: {  	_ =	swait.ge @!p1 [sflag:s0], $0x1  }
0xc0: {  	[sflag:s0] =	ssyncset.done @!p1 $0x0  }
0xc1: {  	s2 =	simm.s32 @!p1 $0x80;
	[sflag:s0] =	ssyncadd.s32 @!p1 $0xFFFFFFFF  }
0xc2: {  	[spmem:s13] =	stream.linear.scatter @!p1 [tilespmem:s2], [sflag:$0x1], $0x1, $0x38;
	[tilespmem:$0x11A60] =	vst v63  }
0xc3: {  	_ =	swait.ge @!p1 [sflag:s0], $0x1  }
0xc4: {  	[sflag:s0] =	ssyncset.done @!p1 $0x0  }
0xc5: {  	[sflag:s0] =	ssyncadd.s32 @!p1 $0xFFFFFFFF;
	(ifvalue) =	ssetifvalue $0xFFFFFFFF;
	v3 =	vld [tilespmem:s25+$0x10];
	_ =	sdelay $0x3  }
.Ltmp6:
0xc6: {  	_ = 	snop;
	(pc) =	sbr.rel .LBB2_9-.Ltmp6, $3  }
0xc7: {  	_ =	sdelay $0x1  }
0xc8: {  	(ifvalue) =	ssetifvalue $0xFFFFFFFF  }
0xc9: {  	[hbm4b:s1+s16] =	stream.indirect_vreg.scatter [tilespmem:s26], [sflag:$0x9], $0x1, v3, vm0, $0x4038;
	[tilespmem:$0x11A60] =	vst v63  }
.LBB2_10:
0xca: {  	_ =	sfence.sel $0x180000  }
0xcb: {  	s0 =	simm.s32 $0x7;
	[bflag:$0x0] =	sbarrier.arrive $0xFFFF  }
0xcc: {  	s26 =	simm.s32 $0x8;
	[sflag:s0] =	ssyncpa.u1 $0x1  }
0xcd: {  	s28 =	simm.s32 $0x9;
	[sflag:s26] =	ssyncpa.u1 $0x1  }
0xce: {  	[sflag:s28] =	ssyncpa.u1 $0x1  }
0xcf: {  	_ =	sfence.stream.spmem  }
0xd0: {  	s29 =	simm.s32 $0x3;
	[bflag:$0x0] =	sbarrier.arrive $0xFFFF  }
0xd1: {  	s30 =	simm.s32 $0x4;
	[sflag:s29] =	ssyncpa.u1 $0x1  }
0xd2: {  	s31 =	simm.s32 $0x3C;
	s2 =	stileid.u32;
	[sflag:s30] =	ssyncpa.u1 $0x1  }
0xd3: {  	p0 =	sne.s32 s2, $0x0;
	[sflag:s31] =	ssyncpa.u1 $0x1  }
0xd4: {  	s0 =	simm.s32 @p0 $0x1;
	_ =	sfence @p0  }
0xd5: {  	[sflag:s0] =	ssyncpa.u1 @p0 $0x1;
	s0 =	simm.s32 @p0 $0x2  }
0xd6: {  	[sflag:s0] =	ssyncpa.u1 @p0 $0x1  }
0xd7: {  	_ =	strace @p0 $0x9000004A  }
0xd8: {  	[bflag:$0x2] =	sbarrier.arrive @p0 $0xFFFF  }
0xd9: {  	_ =	shalt @p0  }
.LBB2_11:
0xda: {  	_ =	sfence.stream.spmem;
	s0 =	simm.s32 $0x5  }
0xdb: {  	s2 =	simm.s32 $0x80;
	s3 =	simm.s32 $0xC0;
	[sflag:s0] =	ssyncpa.u1 $0x0  }
0xdc: {  	[tilespmem:s3], [sflag:$0x5] =	stream.linear.gather [spmem:s2], $0x20, $0x38;
	[tilespmem:$0x11A60] =	vst v63  }
0xdd: {  	s2 =	simm.s32 $0x0;
	s3 =	simm.s32 $0xE0  }
0xde: {  	[tilespmem:s3], [sflag:$0x5] =	stream.linear.gather [spmem:s2], $0x20, $0x38;
	[tilespmem:$0x11A60] =	vst v63  }
.Ltmp7:
0xdf: {  	_ = 	snop;
	(pc) =	sbr.rel .LBB2_12-.Ltmp7, $4  }
0xe0: {  	_ =	swait.ge [sflag:s0], $0x40  }
0xe1: {  	[sflag:s0] =	ssyncset.done $0x0  }
0xe2: {  	s31 =	simm.s32 $0x6;
	[sflag:s0] =	ssyncadd.s32 $0xFFFFFFC0  }
0xe3: {  	s4 =	simm.s32 $0x0;
	[sflag:s31] =	ssyncpa.u1 $0x0  }
.LBB2_17:
0xe4: {  	p0 =	sgt.u32 s5, $0x27FF  }
0xe5: {  	s0 =	sshrl.u32 @!p0 s5, $0x3  }
0xe6: {  	s5 =	sand.u32 @!p0 $0x7, s5;
	s6 =	simm.s32 @!p0 $0xB0;
	s0 =	sadd.s32 @!p0 s1, s0  }
0xe7: {  	[tilespmem:s6], [sflag:$0x6] =	stream.linear.gather @!p0 [hbm4b:s0+s5], $0x1, $0x38;
	[tilespmem:$0x11A60] =	vst v63  }
0xe8: {  	s0 =	simm.s32 @!p0 $0x6  }
0xe9: {  	_ =	swait.ge @!p0 [sflag:s0], $0x1  }
0xea: {  	[sflag:s0] =	ssyncset.done @!p0 $0x0  }
0xeb: {  	[sflag:s0] =	ssyncadd.s32 @!p0 $0xFFFFFFFF  }
0xec: {  	v2 =	vmov @!p0 s4;
	v1 =	vld.msk @!p0 [tilespmem:$0xB0], $0x1;
	_ =	sdelay $0x3  }
0xed: {  	s0 =	simm.s32 @!p0 $0xE0  }
0xee: {  	[tilespmem:v2+s0+$0x0], v1 =	vst.idx.ret.add.f32.msk @!p0 $0x1, v1  }
0xef: {  	[tilespmem:s2+$0xC0] =	vst.msk $0x1, v0  }
0xf0: {  	v0 =	vld.msk [tilespmem:s4+$0xE0], $0x1;
	_ =	sdelay $0x4  }
0xf1: {  	[tilespmem:s2+$0xE0] =	vst.msk $0x1, v0;
	s2 =	sadd.s32 $0x1, s2  }
.LBB2_19:
0xf2: {  	s4 =	sadd.s32 $0x1, s4  }
0xf3: {  	p0 =	sne.s32 s4, $0x20  }
.Ltmp8:
0xf4: {  	_ = 	snop;
	(pc) =	sbr.rel @!p0 .LBB2_20-.Ltmp8, $1  }
0xf5: {  	_ =	sdelay $0x3  }
.LBB2_12:
0xf6: {  	v0 =	vld.msk [tilespmem:s4+$0xC0], $0x1;
	_ =	sdelay $0x4  }
0xf7: {  	(v2sf) =	vpush v0, $0x0;
	_ =	sdelay $0xe  }
0xf8: {  	s5 =	spop (v2sf)  }
0xf9: {  	p0 =	seq.s32 s5, $0xFFFFFFFF  }
.Ltmp9:
0xfa: {  	_ = 	snop;
	(pc) =	sbr.rel @p0 .LBB2_19-.Ltmp9, $1  }
0xfb: {  	_ =	sdelay $0x3  }
0xfc: {  	p0 =	slt.s32 s2, $0x1  }
.Ltmp10:
0xfd: {  	_ = 	snop;
	(pc) =	sbr.rel @p0 .LBB2_17-.Ltmp10, $1  }
0xfe: {  	_ =	sdelay $0x3  }
0xff: {  	s0 =	simm.s32 $0xC0;
	p0 =	por $0x0, $0x0  }
0x100: {  	v1 =	vld.msk @!p0 [tilespmem:s0+$0x0], $0x1;
	_ =	sdelay $0x4  }
0x101: {  	(v2sf) =	vpush @!p0 v1, $0x0;
	_ =	sdelay $0xd  }
0x102: {  	p2 =	sne.s32 s2, $0x1  }
.Ltmp11:
0x103: {  	s6 =	spop @!p0 (v2sf);
	(pc) =	sbr.rel @!p2 .LBB2_16-.Ltmp11, $4  }
0x104: {  	p1 =	seq.s32 @!p0 s5, s6  }
0x105: {  	s6 =	simm.s32 $0x0;
	p1 =	por !p1, p0  }
0x106: {  	s8 =	simm.s32 $0xFFFFFFFF;
	s6 =	simm.s32 @p1 $0xFFFFFFFF  }
0x107: {  	s7 =	simm.s32 $0x1;
	s6 =	smov.u32 @p0 s8  }
.LBB2_15:
0x108: {  	s8 =	smov.u32 s6;
	p0 =	sne.s32 s6, $0xFFFFFFFF  }
0x109: {  	s0 =	sadd.s32 $0x1, s0;
	s6 =	smov.u32 s7;
	s7 =	sadd.s32 $0x1, s7  }
0x10a: {  	p1 =	sne.s32 s2, s7;
	v1 =	vld.msk @!p0 [tilespmem:s0+$0x0], $0x1;
	_ =	sdelay $0x4  }
0x10b: {  	(v2sf) =	vpush @!p0 v1, $0x0;
	_ =	sdelay $0xe  }
.Ltmp12:
0x10c: {  	s9 =	spop @!p0 (v2sf);
	(pc) =	sbr.rel @p1 .LBB2_15-.Ltmp12, $4  }
0x10d: {  	p2 =	seq.s32 @!p0 s5, s9  }
0x10e: {  	p2 =	por !p2, p0  }
0x10f: {  	s6 =	simm.s32 @p2 $0xFFFFFFFF  }
0x110: {  	s6 =	smov.u32 @p0 s8  }
.LBB2_16:
0x111: {  	p0 =	sne.s32 s6, $0xFFFFFFFF  }
.Ltmp13:
0x112: {  	_ = 	snop;
	(pc) =	sbr.rel @!p0 .LBB2_17-.Ltmp13, $1  }
0x113: {  	_ =	sdelay $0x3  }
0x114: {  	v0 =	vld.msk [tilespmem:s4+$0xE0], $0x1;
	v1 =	vmov s6  }
.Ltmp14:
0x115: {  	_ = 	snop;
	(pc) =	sbr.rel .LBB2_19-.Ltmp14, $2  }
0x116: {  	_ =	sdelay $0x2  }
0x117: {  	[tilespmem:v1+s3+$0x0], v0 =	vst.idx.ret.add.f32.msk $0x1, v0  }
.LBB2_20:
0x118: {  	p0 =	slt.s32 s2, $0x1  }
.Ltmp15:
0x119: {  	_ = 	snop;
	(pc) =	sbr.rel @p0 .LBB2_24-.Ltmp15, $3  }
0x11a: {  	_ =	sdelay $0x1  }
0x11b: {  	s0 =	simm.s32 $0x6  }
0x11c: {  	s3 =	simm.s32 $0x0;
	[sflag:s0] =	ssyncpa.u1 $0x1  }
0x11d: {  	s0 =	simm.s32 $0xC0  }
0x11e: {  	v0 =	vld.msk [tilespmem:s0+$0x0], $0x1;
	_ =	sdelay $0x4  }
0x11f: {  	(v2sf) =	vpush v0, $0x0;
	_ =	sdelay $0xe  }
0x120: {  	s2 =	sadd.s32 $0xFFFFFFFF, s2;
	s4 =	spop (v2sf)  }
0x121: {  	p1 =	sne.s32 s2, $0x0;
	p0 =	sgt.u32 s4, $0x27FF  }
.Ltmp16:
0x122: {  	s5 =	sshrl.u32 @!p0 s4, $0x3;
	(pc) =	sbr.rel @!p1 .LBB2_23-.Ltmp16, $4  }
0x123: {  	s0 =	simm.s32 $0xE0;
	s4 =	sand.u32 @!p0 $0x7, s4;
	s5 =	sadd.s32 @!p0 s1, s5  }
0x124: {  	[hbm4b:s5+s4] =	stream.linear.scatter @!p0 [tilespmem:s0], [sflag:$0x5], $0x1, $0x38;
	[tilespmem:$0x11A60] =	vst v63  }
0x125: {  	s5 =	simm.s32 $0x0  }
0x126: {  	s4 =	simm.s32 $0xC1;
	s5 =	simm.s32 @!p0 $0x4  }
.LBB2_22:
0x127: {  	v0 =	vld.msk [tilespmem:s4+$0x0], $0x1;
	s2 =	sadd.s32 $0xFFFFFFFF, s2;
	s3 =	sadd.s32 s3, s5  }
0x128: {  	p0 =	sne.s32 s2, $0x0;
	_ =	sdelay $0x3  }
0x129: {  	(v2sf) =	vpush v0, $0x0;
	_ =	sdelay $0xe  }
.Ltmp17:
0x12a: {  	s6 =	spop (v2sf);
	(pc) =	sbr.rel @p0 .LBB2_22-.Ltmp17, $4  }
0x12b: {  	s5 =	simm.s32 $0x0;
	p1 =	sgt.u32 s6, $0x27FF  }
0x12c: {  	s0 =	sadd.s32 $0x1, s0;
	s5 =	simm.s32 @!p1 $0x4;
	s7 =	sshrl.u32 @!p1 s6, $0x3  }
0x12d: {  	s4 =	sadd.s32 $0x1, s4;
	s6 =	sand.u32 @!p1 $0x7, s6;
	s7 =	sadd.s32 @!p1 s1, s7  }
0x12e: {  	[hbm4b:s7+s6] =	stream.linear.scatter @!p1 [tilespmem:s0], [sflag:$0x5], $0x1, $0x38;
	[tilespmem:$0x11A60] =	vst v63  }
.LBB2_23:
0x12f: {  	s0 =	sadd.s32 s3, s5  }
0x130: {  	s3 =	sshrl.u32 s0, $0x2  }
.LBB2_24:
0x131: {  	s0 =	simm.s32 $0x5  }
0x132: {  	_ =	swait.ge [sflag:s0], s3  }
0x133: {  	s1 =	ssub.s32 $0x0, s3;
	[sflag:s0] =	ssyncset.done $0x0  }
0x134: {  	[sflag:s0] =	ssyncadd.s32 s1  }
0x135: {  	[sflag:s0] =	ssyncpa.u1 $0x1  }
0x136: {  	s29 =	simm.s32 $0x1;
	_ =	sfence  }
0x137: {  	s30 =	simm.s32 $0x2;
	[sflag:s29] =	ssyncpa.u1 $0x1  }
0x138: {  	[sflag:s30] =	ssyncpa.u1 $0x1  }
0x139: {  	_ =	strace $0x9000004A  }
0x13a: {  	[bflag:$0x2] =	sbarrier.arrive $0xFFFF  }
0x13b: {  	s31 =	rddreg [dreg:$0x1]  }
0x13c: {  	s0 =	sadd.s32 $0x100000, s31  }
0x13d: {  	[sflag:s0] =	ssyncadd.tile.s32 $0x1;
	_ =	shalt  }
.Lfunc_end2:
_tile_overlayer_lowered:
.L_overlay_start_2:
0x13e: {  	(tag) =	ssettag $0x2  }
0x13f: {  	s0 =	rddreg [dreg:$0x0];
	s2 =	stileid.u32  }
0x140: {  	s1 =	rddreg [dreg:$0x1];
	p0 =	sne.s32 s2, $0x0  }
0x141: {  	s3 =	rddreg [dreg:$0x2];
	[bflag:$0x3] =	sbarrier.arrive $0xFFFF;
	s2 =	simm.s32 @!p0 $0x1C01  }
0x142: {  	[timem:s3], [sflag:s2] =	dma.local @!p0 [hbm:s0], s1  }
0x143: {  	s0 =	simm.s32 @!p0 $0x1  }
0x144: {  	_ =	swait.ge @!p0 [sflag:s0], s1  }
0x145: {  	s1 =	ssub.s32 @!p0 $0x0, s1;
	[sflag:s0] =	ssyncset.done @!p0 $0x0  }
0x146: {  	[sflag:s0] =	ssyncadd.s32 @!p0 s1  }
0x147: {  	[bflag:$0x3] =	sbarrier.arrive $0xFFFF  }
0x148: {  	_ =	shalt  }

// kernel: scatter_offload_async_start
scs
__scs_entry_jumppad:
0x0: {  	(pc) =	sbr.rel $0x88, $3  }
0x1: {  	(tag) =	ssettag $0x0;
	lr =	simm.s32 $0x1  }
0x2: {  	[smem:$0x3F98] =	sst lr;
	_ =	strace $0xD0000000  }
0x3: {  	_ = 	snop  }
0x4: {  	_ = 	snop  }
0x5: {  	_ = 	snop  }
0x6: {  	_ = 	snop  }
0x7: {  	_ = 	snop  }
__scs_overlays_trampoline_lowered:
0x8: {  	[smem:$0x3FA7] =	sst s0  }
0x9: {  	[smem:$0x3FA8] =	sst s1  }
0xa: {  	[smem:$0x3FA9] =	sst s2  }
0xb: {  	[smem:$0x3FAA] =	sst s3  }
0xc: {  	[smem:$0x3FAB] =	sst s4  }
0xd: {  	[smem:$0x3FAC] =	sst s5  }
0xe: {  	[smem:$0x3FAD] =	sst s6  }
0xf: {  	[smem:$0x3FAE] =	sst s7  }
0x10: {  	[smem:$0x3FAF] =	sst s8  }
0x11: {  	[smem:$0x3FB0] =	sst s9;
	s0 =	simm.s32 @!p0 $0x0  }
0x12: {  	s1 =	sld [smem:$0x3F96];
	s0 =	simm.s32 @p0 $0x1  }
0x13: {  	[smem:$0x3FB1] =	sst s0;
	s0 =	simm.s32 @!p1 $0x0  }
0x14: {  	s2 =	sld [smem:$0x3F95];
	s0 =	simm.s32 @p1 $0x1  }
0x15: {  	[smem:$0x3FB2] =	sst s0;
	s0 =	simm.s32 @!p2 $0x0  }
0x16: {  	s3 =	sld [smem:$0x3FDB];
	s0 =	simm.s32 @p2 $0x1  }
0x17: {  	s4 =	simm.s32 $0x1BF5;
	[smem:$0x3FB4] =	sst s0  }
0x18: {  	s0 =	sld [smem:$0x3F97];
	_ =	swait.ge [sflag:s4], $0x0  }
0x19: {  	s7 =	sld [smem:$0x3F98]  }
0x1a: {  	s8 =	sadd.s32 $0xFFFFE003, lr  }
0x1b: {  	s9 =	sadd.s32 $0xFFFFFEF7, lr;
	s5 =	simm.s32 $0xFFFFFFFF;
	p2 =	slt.u32 s8, $0xFFFFF086  }
0x1c: {  	p1 =	slt.u32 s9, $0xF7A;
	s5 =	simm.s32 @!p2 $0x0  }
0x1d: {  	s5 =	simm.s32 @p1 $0x1;
	p0 =	seq.s32 s7, s2  }
0x1e: {  	s7 =	smul.u32 @!p0 $0xF7A, s2;
	p2 =	seq.s32 @!p0 s5, $0x0  }
0x1f: {  	s9 =	smul.u32 $0xF7A, s1;
	s8 =	simm.s32 @!p0 $0x1BF5;
	p2 =	por !p2, p0  }
0x20: {  	[sflag:s8] =	ssyncset.s32 @!p0 $0xFFFFF086;
	s6 =	sadd.s32 @!p0 s3, s7;
	s7 =	simm.s32 @!p0 $0x108  }
0x21: {  	s3 =	sadd.s32 s3, s9;
	s6 =	sadd.s32 @!p0 $0x88, s6;
	s7 =	simm.s32 @p2 $0x1082  }
0x22: {  	[simem:s7], [sflag:s8] =	dma.local @!p0 [hbm:s6], $0xF7A  }
0x23: {  	s9 =	sor.u32 $0xD0000000, s2;
	s6 =	simm.s32 $0x108;
	_ =	swait.ge @!p0 [sflag:s8], $0x0  }
0x24: {  	s3 =	sadd.s32 $0x88, s3;
	s6 =	simm.s32 @!p1 $0x1082;
	[sflag:s4] =	ssyncset.s32 $0xFFFFF086  }
0x25: {  	[simem:s6], [sflag:s4] =	dma.local [hbm:s3], $0xF7A  }
0x26: {  	[smem:$0x3F98] =	sst s1;
	(tag) =	ssettag s2;
	_ =	strace s9  }
0x27: {  	s1 =	sld [smem:$0x3FA8]  }
0x28: {  	s2 =	sld [smem:$0x3FA9]  }
0x29: {  	s4 =	sld [smem:$0x3FAB]  }
0x2a: {  	p0 =	seq.s32 s5, $0x0;
	s5 =	sld [smem:$0x3FAC]  }
0x2b: {  	s6 =	sld [smem:$0x3FAD]  }
0x2c: {  	s7 =	sld [smem:$0x3FAE]  }
0x2d: {  	s3 =	simm.s32 $0x108;
	s8 =	sld [smem:$0x3FAF]  }
0x2e: {  	s3 =	simm.s32 @!p0 $0x1082;
	s9 =	sld [smem:$0x3FB0]  }
0x2f: {  	lr =	sadd.s32 s0, s3;
	s0 =	sld [smem:$0x3FA7]  }
0x30: {  	s3 =	sld [smem:$0x3FAA]  }
0x31: {  	[smem:$0x3FB3] =	sst s10  }
0x32: {  	s10 =	sld [smem:$0x3FB1];
	_ =	sdelay $0x3  }
0x33: {  	p0 =	seq.s32 s10, $0x1;
	s10 =	sld [smem:$0x3FB3];
	_ =	sdelay $0x3  }
0x34: {  	[smem:$0x3FB3] =	sst s10  }
0x35: {  	s10 =	sld [smem:$0x3FB2];
	_ =	sdelay $0x3  }
0x36: {  	p1 =	seq.s32 s10, $0x1;
	s10 =	sld [smem:$0x3FB3];
	_ =	sdelay $0x3  }
0x37: {  	[smem:$0x3FB3] =	sst s10  }
0x38: {  	s10 =	sld [smem:$0x3FB4]  }
0x39: {  	_ = 	snop;
	(pc) =	sbr.ind lr, $3  }
0x3a: {  	_ = 	snop  }
0x3b: {  	_ = 	snop  }
0x3c: {  	p2 =	seq.s32 s10, $0x1;
	s10 =	sld [smem:$0x3FB3]  }
0x3d: {  	_ =	shalt  }
0x3e: {  	_ =	shalt  }
0x3f: {  	_ =	shalt  }
0x40: {  	_ =	shalt  }
0x41: {  	_ =	shalt  }
0x42: {  	_ =	shalt  }
0x43: {  	_ =	shalt  }
0x44: {  	_ =	shalt  }
0x45: {  	_ =	shalt  }
0x46: {  	_ =	shalt  }
0x47: {  	_ =	shalt  }
0x48: {  	_ =	shalt  }
0x49: {  	_ =	shalt  }
0x4a: {  	_ =	shalt  }
0x4b: {  	_ =	shalt  }
0x4c: {  	_ =	shalt  }
0x4d: {  	_ =	shalt  }
0x4e: {  	_ =	shalt  }
0x4f: {  	_ =	shalt  }
0x50: {  	_ =	shalt  }
0x51: {  	_ =	shalt  }
0x52: {  	_ =	shalt  }
0x53: {  	_ =	shalt  }
0x54: {  	_ =	shalt  }
0x55: {  	_ =	shalt  }
0x56: {  	_ =	shalt  }
0x57: {  	_ =	shalt  }
0x58: {  	_ =	shalt  }
0x59: {  	_ =	shalt  }
0x5a: {  	_ =	shalt  }
0x5b: {  	_ =	shalt  }
0x5c: {  	_ =	shalt  }
0x5d: {  	_ =	shalt  }
0x5e: {  	_ =	shalt  }
0x5f: {  	_ =	shalt  }
0x60: {  	_ =	shalt  }
0x61: {  	_ =	shalt  }
0x62: {  	_ =	shalt  }
0x63: {  	_ =	shalt  }
0x64: {  	_ =	shalt  }
0x65: {  	_ =	shalt  }
0x66: {  	_ =	shalt  }
0x67: {  	_ =	shalt  }
0x68: {  	_ =	shalt  }
0x69: {  	_ =	shalt  }
0x6a: {  	_ =	shalt  }
0x6b: {  	_ =	shalt  }
0x6c: {  	_ =	shalt  }
0x6d: {  	_ =	shalt  }
0x6e: {  	_ =	shalt  }
0x6f: {  	_ =	shalt  }
0x70: {  	_ =	shalt  }
0x71: {  	_ =	shalt  }
0x72: {  	_ =	shalt  }
0x73: {  	_ =	shalt  }
0x74: {  	_ =	shalt  }
0x75: {  	_ =	shalt  }
0x76: {  	_ =	shalt  }
0x77: {  	_ =	shalt  }
0x78: {  	_ =	shalt  }
0x79: {  	_ =	shalt  }
0x7a: {  	_ =	shalt  }
0x7b: {  	_ =	shalt  }
0x7c: {  	_ =	shalt  }
0x7d: {  	_ =	shalt  }
0x7e: {  	_ =	shalt  }
0x7f: {  	_ =	shalt  }
0x80: {  	_ =	shalt  }
0x81: {  	_ =	shalt  }
0x82: {  	_ =	shalt  }
0x83: {  	_ =	shalt  }
0x84: {  	_ =	shalt  }
0x85: {  	_ =	shalt  }
0x86: {  	_ =	shalt  }
0x87: {  	_ =	shalt  }
.Lfunc_end0:
.L_simem_size_0:
called_computation_lowered:
.L_overlay_start_0:
0x88: {  	s2 =	sld [smem:$0x3FD9]  }
0x89: {  	s3 =	sld [smem:$0x3FFE];
	_ =	sdelay $0x1  }
0x8a: {  	s1 =	srdreg.scid  }
0x8b: {  	s0 =	sand.u32 $0x1, s1  }
0x8c: {  	s17 =	sshll.u32 s0, $0xA;
	s2 =	sadd.s32 s3, s2  }
0x8d: {  	s2 =	sadd.s32 s2, s17  }
0x8e: {  	[smem:$0x3FBF] =	sst s2  }
0x8f: {  	_ = 	snop  }
0x90: {  	s18 =	sld [smem:$0x3FD0];
	(tm) =	ssettm $0x1  }
0x91: {  	s19 =	sld [smem:$0x3FFB];
	_ =	sdelay $0x3  }
0x92: {  	_ =	strace s19  }
0x93: {  	s2 =	sld [smem:$0x3FFC];
	_ =	sdelay $0x3  }
0x94: {  	_ =	strace s2  }
0x95: {  	s2 =	sld [smem:$0x3FFD];
	_ =	sdelay $0x3  }
0x96: {  	_ =	strace s2  }
0x97: {  	_ =	strace $0x8FFFFFFF  }
0x98: {  	s20 =	sld [smem:$0x3FDB];
	_ =	sdelay $0x1  }
0x99: {  	s4 =	simm.s32 $_scs_section_size  }
0x9a: {  	s5 =	simm.s32 $_size__tile_overlayer_lowered;
	s6 =	simm.s32 $_tile_overlayer_lowered  }
0x9b: {  	s7 =	simm.s32 $0x1BFF;
	s21 =	sshll.u32 s6, $0x1;
	s4 =	sadd.s32 s4, s20  }
0x9c: {  	s22 =	simm.s32 $0x0;
	s5 =	sshll.u32 s5, $0x1;
	s6 =	sadd.s32 s21, s4  }
0x9d: {  	[timem:s22], [sflag:s7] =	dma.local [hbm:s6], s5  }
0x9e: {  	_ =	swait.ge [sflag:s7], s5  }
0x9f: {  	s5 =	ssub.s32 $0x0, s5;
	[sflag:s7] =	ssyncset.done $0x0  }
0xa0: {  	[sflag:s7] =	ssyncadd.s32 s5;
	_ =	sdelay $0x1  }
0xa1: {  	s23 =	simm.s32 $0x1B8B  }
0xa2: {  	_ =	swait.ge [sflag:s23], $0x1  }
0xa3: {  	[sflag:s23] =	ssyncset.done $0x0  }
0xa4: {  	[sflag:s23] =	ssyncadd.s32 $0xFFFFFFFF  }
0xa5: {  	s5 =	sld [smem:$0x0]  }
0xa6: {  	s6 =	sand.u32 $0xFFFFFFFE, s1  }
0xa7: {  	p0 =	sne.s32 s1, s6  }
0xa8: {  	s6 =	sshll.u32 @p0 s6, $0xE  }
0xa9: {  	s6 =	sadd.s32 @p0 $0x11B8D, s6;
	s7 =	sshll.u32 @p0 s5, $0x11  }
0xaa: {  	s6 =	sor.u32 @p0 s7, s6  }
0xab: {  	[sflag:s6] =	ssyncadd.remote.s32 @p0 $0x1;
	_ =	sdelay $0x1  }
0xac: {  	s6 =	simm.s32 @p0 $0x1B8D  }
0xad: {  	_ =	swait.eq @p0 [sflag:s6], $0x1  }
0xae: {  	[sflag:s6] =	ssyncadd.s32 @p0 $0xFFFFFFFF  }
0xaf: {  	s7 =	sshll.u32 @!p0 s1, $0xE  }
0xb0: {  	s7 =	sor.u32 @!p0 $0x4000, s7;
	s6 =	simm.s32 @!p0 $0x1B8D  }
0xb1: {  	s8 =	sshll.u32 @!p0 s5, $0x11;
	s7 =	sadd.s32 @!p0 $0x11B8D, s7;
	_ =	swait.eq @!p0 [sflag:s6], $0x1  }
0xb2: {  	[sflag:s6] =	ssyncadd.s32 @!p0 $0xFFFFFFFF;
	s6 =	sor.u32 @!p0 s8, s7  }
0xb3: {  	s25 =	simm.s32 $0x1B8E;
	s24 =	sld [smem:$0x3FFE];
	[sflag:s6] =	ssyncadd.remote.s32 @!p0 $0x1  }
0xb4: {  	s26 =	simm.s32 $execute0_lowered;
	[smem:$0x3FD2] =	sst s25  }
0xb5: {  	s7 =	sshll.u32 s26, $0x1;
	_ =	strace $0x8000004C;
	[dreg:$0x1] =	wrdreg $0xFFFFFFFF  }
0xb6: {  	s28 =	simm.s32 $_size_execute0_lowered;
	s4 =	sadd.s32 s4, s7;
	[dreg:$0x0] =	wrdreg $0x0  }
0xb7: {  	s7 =	sshll.u32 s28, $0x1;
	[dreg:$0x2] =	wrdreg s4  }
0xb8: {  	[dreg:$0x3] =	wrdreg s7  }
0xb9: {  	[dreg:$0x4] =	wrdreg $0xC0  }
0xba: {  	_ =	task [dreg:s22], $0x5FFFF  }
0xbb: {  	[dreg:$0x1] =	wrdreg $0xFFFFFFFF  }
0xbc: {  	[dreg:$0x0] =	wrdreg $0x60  }
0xbd: {  	[dreg:$0x2] =	wrdreg s18  }
0xbe: {  	[dreg:$0x3] =	wrdreg s24  }
0xbf: {  	[dreg:$0x4] =	wrdreg s1  }
0xc0: {  	[dreg:$0x5] =	wrdreg s5  }
0xc1: {  	[dreg:$0x6] =	wrdreg $0x9  }
0xc2: {  	_ =	task.clear_ibuf [dreg:s22], $0x7FFFF;
	_ =	strace $0x9000004C  }
0xc3: {  	s29 =	simm.s32 $0x9;
	_ =	strace $0x8000004E  }
0xc4: {  	_ =	swait.ge [sflag:s29], $0x1  }
0xc5: {  	[sflag:s29] =	ssyncadd.s32 $0xFFFFFFFF  }
0xc6: {  	_ =	strace $0x9000004E  }
0xc7: {  	_ =	sfence  }
0xc8: {  	s30 =	sld [smem:$0x0];
	_ =	sdelay $0x2  }
0xc9: {  	s31 =	sshll.u32 s1, $0xD;
	s1 =	sshrl.u32 s1, $0x2  }
0xca: {  	s4 =	sand.u32 $0x4000, s31;
	s1 =	sadd.s32 s1, s30  }
0xcb: {  	s0 =	sor.u32 s4, s0;
	s1 =	sshll.u32 s1, $0x11  }
0xcc: {  	s0 =	sor.u32 s1, s0  }
0xcd: {  	s0 =	sadd.s32 $0x8F2B, s0  }
0xce: {  	[sflag:s0] =	ssyncadd.remote.s32 $0x1  }
0xcf: {  	_ =	sfence.sel $0xFFFF  }
0xd0: {  	[dreg:$0x0] =	wrdreg $0xFFFFFFFF;
	(pc) =	sbr.abs _section_cstart, $3  }
0xd1: {  	[dreg:$0x1] =	wrdreg $0xFFFFFFFF  }
0xd2: {  	_ =	task.clear_ibuf [dreg:s22], $0x2FFFF;
	_ =	strace $0x9FFFFFFF  }
0xd3: {  	(tm) =	ssettm $0x7FFFFFFF  }
tec
execute0_lowered:
.L_overlay_start_1:
0x0: {  	(tag) =	ssettag $0x1  }
0x1: {  	s1 =	rddreg [dreg:$0x0]  }
0x2: {  	s15 =	rddreg [dreg:$0x1]  }
0x3: {  	s2 =	rddreg [dreg:$0x2];
	_ =	strace $0x8000004D;
	s0 =	simm.s32 $0x1  }
0x4: {  	v0 =	vimm.s32 $0x0;
	[sflag:s0] =	ssyncpa.u1 $0x0;
	s0 =	simm.s32 $0x108  }
0x5: {  	[tilespmem:s0+$0x70] =	vst v0  }
0x6: {  	[tilespmem:s0+$0x60] =	vst v0  }
0x7: {  	[tilespmem:s0+$0x50] =	vst v0  }
0x8: {  	[tilespmem:s0+$0x40] =	vst v0  }
0x9: {  	[tilespmem:s0+$0x30] =	vst v0  }
0xa: {  	s3 =	simm.s32 $0x40;
	[tilespmem:s0+$0x20] =	vst v0  }
0xb: {  	s6 =	sadd.s32 $0x57FA00, s15;
	s14 =	sadd.s32 $0x562000, s15;
	s5 =	sand.u32 $0x1, s2;
	[tilespmem:s0+$0x10] =	vst v0  }
.LBB2_1:
0xc: {  	s3 =	sadd.s32 $0x40, s3;
	[tilespmem:s0+$0x0] =	vst v0;
	s0 =	sadd.s32 $0x80, s0  }
0xd: {  	p0 =	slt.u32 s3, $0x3C40;
	[tilespmem:s0+$0x70] =	vst v0  }
0xe: {  	[tilespmem:s0+$0x60] =	vst v0  }
.Ltmp0:
0xf: {  	[tilespmem:s0+$0x50] =	vst v0;
	(pc) =	sbr.rel @p0 .LBB2_1-.Ltmp0, $4  }
0x10: {  	[tilespmem:s0+$0x40] =	vst v0  }
0x11: {  	[tilespmem:s0+$0x30] =	vst v0  }
0x12: {  	[tilespmem:s0+$0x20] =	vst v0  }
0x13: {  	[tilespmem:s0+$0x10] =	vst v0  }
0x14: {  	s9 =	stileid.u32  }
0x15: {  	s2 =	smul.u32 $0x29, s9  }
0x16: {  	s3 =	smin.u32 s9, $0xB  }
0x17: {  	s2 =	sadd.s32 s3, s2  }
0x18: {  	p0 =	slt.u32 s9, $0xB;
	s7 =	smul.u32 $0xF0, s2;
	s2 =	simm.s32 $0x2760  }
0x19: {  	s2 =	simm.s32 @!p0 $0x2670  }
0x1a: {  	s2 =	sadd.s32 s2, s7  }
0x1b: {  	s8 =	smin.u32 s2, $0x27100  }
0x1c: {  	s2 =	ssub.s32 s8, s7  }
0x1d: {  	p0 =	sgt.s32 s2, $0x0  }
0x1e: {  	s29 =	simm.s32 $0x2;
	s10 =	simm.s32 $0x9;
	s2 =	simm.s32 @!p0 $0x0  }
0x1f: {  	s4 =	simm.s32 $0xA;
	s11 =	simm.s32 $0xB;
	s28 =	smulhi.u32 $0x88888889, s2  }
0x20: {  	[dreg:$0x5] =	wrdreg s5;
	s31 =	smul.u32 $0x4E20, s5;
	s12 =	simm.s32 $0x1  }
0x21: {  	s22 =	simm.s32 $0x0;
	s18 =	simm.s32 $0xC;
	s30 =	sshrl.u32 s28, $0x7  }
0x22: {  	s20 =	simm.s32 $0x0;
	s21 =	simm.s32 $0x0;
	s3 =	smul.u32 $0xF0, s30  }
.Ltmp1:
0x23: {  	[tilespmem:s0+$0x0] =	vst v0;
	v0 =	vimm.s32 $0xFFFFFFFF;
	[sflag:s29] =	ssyncpa.u1 $0x0;
	s16 =	sshll.u32 s9, $0x8;
	(pc) =	sbr.rel .LBB2_3-.Ltmp1, $4  }
0x24: {  	[tilespmem:$0xF208] =	vst v0;
	[sflag:s10] =	ssyncpa.u1 $0x0;
	p0 =	sne.s32 s2, s3;
	s2 =	simm.s32 $0x1  }
0x25: {  	s14 =	sadd.s32 s31, s14;
	[sflag:s4] =	ssyncpa.u1 $0x0;
	s2 =	simm.s32 @!p0 $0x0  }
0x26: {  	s15 =	sadd.s32 s31, s15;
	[sflag:s11] =	ssyncpa.u1 $0x0;
	s13 =	sadd.s32 s2, s30  }
0x27: {  	v0 =	vlaneseq.u32;
	s19 =	smov.u32 s7;
	p0 =	por $0x0, $0x0;
	s17 =	sadd.s32 $0x1, s13  }
.LBB2_18:
0x28: {  	s0 =	sshrl.u32 s31, $0x2  }
.LBB2_20:
0x29: {  	_ =	swait.ge [sflag:s18], s0  }
0x2a: {  	s31 =	ssub.s32 $0x0, s0;
	v1 =	vmov s24;
	vm0 =	veq.s32 v0, $0x0;
	[sflag:s18] =	ssyncset.done $0x0  }
0x2b: {  	vm15 =	veq.s32 v0, $0x2;
	v1 =	vsel vm0, s30, v1;
	[sflag:s18] =	ssyncadd.s32 s31  }
0x2c: {  	v1 =	vsel vm15, s22, v1;
	[sflag:s18] =	ssyncpa.u1 $0x1  }
0x2d: {  	[tilespmem:$0xF208] =	vst v1  }
.LBB2_21:
0x2e: {  	s0 =	sadd.s32 $0xF0, s19  }
0x2f: {  	s2 =	smov.u32 s7;
	p1 =	slt.s32 s0, s8  }
0x30: {  	s2 =	smov.u32 @p1 s0;
	p1 =	sne.s32 s21, s17  }
.Ltmp2:
0x31: {  	_ = 	snop;
	(pc) =	sbr.rel @!p1 .LBB2_22-.Ltmp2, $3  }
0x32: {  	_ =	sdelay $0x1  }
0x33: {  	s22 =	smov.u32 s20;
	s31 =	sadd.s32 $0x1, s21;
	s20 =	smov.u32 s19  }
0x34: {  	p0 =	por !p0, !p0;
	s21 =	smov.u32 s31;
	s19 =	smov.u32 s2  }
.LBB2_3:
0x35: {  	p1 =	sge.u32 s21, s13  }
0x36: {  	s0 =	smulhi.u32 @!p1 $0xAAAAAAAB, s21  }
0x37: {  	s2 =	smov.u32 s19;
	p2 =	sgt.s32 @!p1 s19, $0x27010  }
0x38: {  	s3 =	sshra.s32 @!p1 s19, $0x1F;
	p2 =	por !p2, p1;
	s0 =	sshrl.u32 @!p1 s0, $0x1  }
0x39: {  	s3 =	sand.u32 @!p1 s3, s19;
	s2 =	simm.s32 @p2 $0x27010;
	s0 =	smul.u32 @!p1 $0x3, s0  }
0x3a: {  	s2 =	ssub.s32 @!p1 s2, s3  }
0x3b: {  	s2 =	sadd.s32 @!p1 $0xFFFD8FF0, s2;
	s0 =	ssub.s32 @!p1 s21, s0  }
0x3c: {  	s3 =	sshll.u32 @!p1 s2, $0x2;
	p2 =	sgt.s32 @!p1 s2, $0xEF;
	s0 =	smul.u32 @!p1 $0x3C0, s0  }
0x3d: {  	s4 =	sand.u32 @!p1 $0x7, s19;
	s2 =	ssub.s32 @!p1 $0x3C0, s3;
	p2 =	por !p2, p1  }
0x3e: {  	s3 =	sshrl.u32 @!p1 s19, $0x3;
	s2 =	sshrl.u32 @!p1 s2, $0x2;
	s0 =	sshrl.u32 @!p1 s0, $0x2  }
0x3f: {  	s3 =	sadd.s32 @!p1 s3, s14;
	s2 =	simm.s32 @!p2 $0x0;
	s0 =	sadd.s32 @!p1 $0x10248, s0  }
0x40: {  	[tilespmem:s0], [sflag:$0xA] =	stream.linear.gather @!p1 [hbm4b:s3+s4], s2, $0x38;
	[tilespmem:$0x1F6F8] =	vst v63  }
0x41: {  	s0 =	sadd.s32 $0xFFFFFFFF, s21  }
0x42: {  	p1 =	sge.u32 s0, s13  }
0x43: {  	p2 =	sgt.s32 @!p1 s20, $0x27010  }
0x44: {  	s2 =	smov.u32 s20;
	s3 =	sshra.s32 @!p1 s20, $0x1F;
	p2 =	por !p2, p1  }
0x45: {  	s3 =	sand.u32 @!p1 s3, s20;
	s2 =	simm.s32 @p2 $0x27010  }
0x46: {  	s2 =	ssub.s32 @!p1 s2, s3  }
0x47: {  	s2 =	sadd.s32 @!p1 $0xFFFD8FF0, s2  }
0x48: {  	s4 =	sand.u32 @!p1 $0x1, s0;
	s3 =	sshll.u32 @!p1 s2, $0x2  }
0x49: {  	p2 =	sgt.s32 @!p1 s2, $0xEF;
	s2 =	ssub.s32 @!p1 $0x3C0, s3;
	s3 =	smulhi.u32 @!p1 $0xAAAAAAAB, s0  }
0x4a: {  	s23 =	smul.u32 @!p1 $0x3C0, s4;
	p2 =	por !p2, p1;
	s2 =	sshrl.u32 @!p1 s2, $0x2  }
0x4b: {  	s5 =	simm.s32 @!p1 $0xA;
	s2 =	simm.s32 @!p2 $0x0;
	s3 =	sshrl.u32 @!p1 s3, $0x1  }
0x4c: {  	s23 =	sshrl.u32 @!p1 s23, $0x2;
	_ =	swait.ge @!p1 [sflag:s5], s2;
	s3 =	smul.u32 @!p1 $0x3, s3  }
0x4d: {  	s23 =	sadd.s32 @!p1 $0x10518, s23;
	s24 =	ssub.s32 @!p1 $0x0, s2;
	[sflag:s5] =	ssyncset.done @!p1 $0x0  }
0x4e: {  	[sflag:s5] =	ssyncadd.s32 @!p1 s24;
	s5 =	sshrl.u32 @!p1 s20, $0x3;
	s0 =	ssub.s32 @!p1 s0, s3  }
0x4f: {  	s24 =	sand.u32 @!p1 $0x7, s20;
	s5 =	sadd.s32 @!p1 s5, s15;
	s0 =	smul.u32 @!p1 $0x3C0, s0  }
0x50: {  	[tilespmem:s23], [sflag:$0xB] =	stream.linear.gather @!p1 [hbm4b:s5+s24], s2, $0x38;
	[tilespmem:$0x1F6F8] =	vst v63  }
0x51: {  	s3 =	ssub.s32 @!p1 $0x27100, s20;
	s2 =	smul.u32 @!p1 $0x1E000, s4  }
0x52: {  	p2 =	slt.s32 @!p1 s3, $0xF0  }
0x53: {  	p2 =	por !p2, p1;
	s0 =	sshrl.u32 @!p1 s0, $0x2;
	s2 =	sshrl.u32 @!p1 s2, $0x2  }
0x54: {  	s3 =	simm.s32 @p2 $0xF0;
	s0 =	sadd.s32 @!p1 $0x10248, s0;
	s2 =	sor.u32 @!p1 $0x106F8, s2  }
0x55: {  	[tilespmem:s2], [sflag:$0x9] =	stream.indirect.gather @!p1 [hbm4b:s6+s3], $0x80, s0, s3, $0xb8;
	[tilespmem:$0x1F6F8] =	vst v63  }
0x56: {  	p1 =	slt.u32 s21, $0x2  }
.Ltmp3:
0x57: {  	_ = 	snop;
	(pc) =	sbr.rel @p1 .LBB2_21-.Ltmp3, $1  }
0x58: {  	_ =	sdelay $0x3  }
0x59: {  	p1 =	sgt.s32 s22, $0x27010  }
0x5a: {  	s0 =	smov.u32 s22;
	s2 =	sshra.s32 s22, $0x1F;
	s3 =	ssub.s32 $0x27100, s22  }
0x5b: {  	s0 =	simm.s32 @!p1 $0x27010;
	s2 =	sand.u32 s2, s22;
	p1 =	slt.s32 s3, $0xF0  }
0x5c: {  	s0 =	ssub.s32 s0, s2;
	s3 =	simm.s32 @!p1 $0xF0  }
0x5d: {  	s0 =	sadd.s32 $0xFFFD8FF0, s0;
	s25 =	sshll.u32 s3, $0x7  }
0x5e: {  	s26 =	sshll.u32 s0, $0x2;
	s2 =	sand.u32 $0x3FFFFF80, s25  }
0x5f: {  	p1 =	sgt.s32 s0, $0xEF;
	s29 =	ssub.s32 $0x3C0, s26;
	_ =	swait.ge [sflag:s10], s2  }
0x60: {  	s2 =	ssub.s32 $0x0, s2;
	[sflag:s10] =	ssyncset.done $0x0;
	s0 =	sshrl.u32 s29, $0x2  }
0x61: {  	[sflag:s10] =	ssyncadd.s32 s2;
	s0 =	simm.s32 @p1 $0x0  }
0x62: {  	_ =	swait.ge [sflag:s11], s0  }
0x63: {  	s0 =	ssub.s32 $0x0, s0;
	[sflag:s11] =	ssyncset.done $0x0  }
0x64: {  	[sflag:s11] =	ssyncadd.s32 s0  }
0x65: {  	v1 =	vld [tilespmem:$0xF208];
	_ =	sdelay $0x4  }
0x66: {  	(v2sf) =	vpush v1, $0x0  }
0x67: {  	(v2sf) =	vpush v1, $0x1  }
0x68: {  	(v2sf) =	vpush v1, $0x2;
	_ =	sdelay $0x3  }
0x69: {  	s0 =	sadd.s32 $0xF0, s22  }
0x6a: {  	s2 =	ssub.s32 $0x4E200, s22;
	p1 =	slt.s32 s8, s0  }
0x6b: {  	s0 =	smov.u32 @p1 s8;
	p1 =	sgt.s32 s2, $0x0  }
0x6c: {  	s26 =	ssub.s32 s0, s22;
	s2 =	simm.s32 @!p1 $0x0  }
0x6d: {  	p1 =	slt.s32 s2, s26  }
0x6e: {  	s26 =	smov.u32 @p1 s2  }
0x6f: {  	s25 =	simm.s32 $0x1;
	p1 =	slt.s32 s26, $0x1  }
.Ltmp4:
0x70: {  	s25 =	simm.s32 @!p0 $0x0;
	(pc) =	sbr.rel @p1 .LBB2_8-.Ltmp4, $4  }
0x71: {  	s31 =	smul.u32 $0x3C0, s25  }
0x72: {  	s28 =	spop (v2sf)  }
0x73: {  	s0 =	sshrl.u32 s31, $0x2;
	s30 =	spop (v2sf)  }
0x74: {  	s23 =	sadd.s32 $0x10518, s0;
	s22 =	spop (v2sf)  }
0x75: {  	s0 =	smin.u32 s26, $0x10  }
0x76: {  	v1 =	vmov s0  }
0x77: {  	p2 =	sgt.s32 s26, $0x10;
	vm1 =	vgt.u32 v1, v0  }
.Ltmp5:
0x78: {  	_ = 	snop;
	(pc) =	sbr.rel @!p2 .LBB2_7-.Ltmp5, $2  }
0x79: {  	_ =	sdelay $0x2  }
0x7a: {  	s4 =	simm.s32 $0x10;
	s24 =	sadd.s32 $0xFFFFFFF0, s26;
	s0 =	smov.u32 s23;
	vm0 =	vmmov vm1  }
.LBB2_6:
0x7b: {  	s2 =	smin.u32 s24, $0x10;
	s4 =	sadd.s32 $0x10, s4;
	v1 =	vld.msk [tilespmem:s0+$0x0 ss:$0x1], vm1  }
0x7c: {  	v2 =	vmov s2;
	p2 =	slt.s32 s4, s26  }
0x7d: {  	vm1 =	vgt.u32 v2, v0  }
.Ltmp6:
0x7e: {  	(pc) =	sbr.rel @p2 .LBB2_6-.Ltmp6, $3  }
0x7f: {  	_ =	sdelay $0x1  }
0x80: {  	v1 =	vshll.u32 v1, $0x4  }
0x81: {  	s24 =	sadd.s32 $0xFFFFFFF0, s24;
	[tilespmem:s0+$0x0] =	vst.msk vm0, v1;
	s0 =	sadd.s32 $0x10, s0;
	vm0 =	vmmov vm1  }
.LBB2_7:
0x82: {  	_ =	sdelay $0x4  }
0x83: {  	v1 =	vld.msk [tilespmem:s0+$0x0 ss:$0x1], vm1;
	_ =	sdelay $0x4  }
0x84: {  	v1 =	vshll.u32 v1, $0x4  }
0x85: {  	[tilespmem:s0+$0x0] =	vst.msk vm0, v1  }
.LBB2_8:
0x86: {  	s0 =	sand.u32 $0x1, s21  }
0x87: {  	s0 =	smul.u32 $0xF0, s0  }
0x88: {  	p2 =	sne.s32 s30, $0xFFFFFFFF  }
0x89: {  	v1 =	vld.msk @!p2 [tilespmem:s0+$0x10518], $0x1;
	_ =	sdelay $0x4  }
0x8a: {  	(v2sf) =	vpush @!p2 v1, $0x0;
	_ =	sdelay $0xc  }
.Ltmp7:
0x8b: {  	_ = 	snop;
	(pc) =	sbr.rel @p1 .LBB2_19-.Ltmp7, $4  }
0x8c: {  	_ = 	snop  }
0x8d: {  	s29 =	spop @!p2 (v2sf)  }
0x8e: {  	s22 =	simm.s32 @!p2 $0x0;
	s24 =	smov.u32 s29  }
0x8f: {  	[sflag:s18] =	ssyncpa.u1 $0x0;
	s29 =	smov.u32 @p2 s28;
	s24 =	smov.u32 @p2 s30  }
0x90: {  	v1 =	vld.msk [tilespmem:s23+$0x0], $0x1;
	_ =	sdelay $0x4  }
0x91: {  	(v2sf) =	vpush v1, $0x0;
	_ =	sdelay $0xe  }
0x92: {  	s2 =	smul.u32 $0x1E000, s25;
	s0 =	spop (v2sf)  }
0x93: {  	s26 =	ssub.s32 $0x0, s26;
	p1 =	seq.s32 s29, s0  }
0x94: {  	s30 =	sadd.s32 $0x1, s26;
	s2 =	sshrl.u32 s2, $0x2;
	p2 =	sgt.s32 @!p1 s29, $0x0  }
0x95: {  	s25 =	sor.u32 $0x10738, s2;
	s2 =	smov.u32 s29;
	p2 =	por !p2, p1  }
0x96: {  	s2 =	simm.s32 @p2 $0x0;
	p2 =	seq.s32 s30, $0x0  }
.Ltmp8:
0x97: {  	_ = 	snop;
	(pc) =	sbr.rel @p2 .LBB2_11-.Ltmp8, $4  }
0x98: {  	_ = 	snop  }
0x99: {  	s28 =	simm.s32 $0x0;
	s31 =	sadd.s32 $0x1, s23;
	s2 =	smin.u32 @!p1 s2, $0x270F0  }
0x9a: {  	s4 =	simm.s32 @!p1 $0x1;
	s5 =	simm.s32 @!p1 $0x7988;
	s3 =	sand.u32 @!p1 $0x3FFF8, s2  }
0x9b: {  	s4 =	smov.u32 @p1 s28;
	s2 =	sand.u32 @!p1 $0x7, s2;
	s3 =	sadd.s32 @!p1 s1, s3  }
.LBB2_10:
0x9c: {  	s9 =	smov.u32 s4  }
0x9d: {  	[tilespmem:s5], [sflag:$0x2] =	stream.linear.gather @!p1 [hbm4b:s3+s2], $0x80, $0x38;
	[tilespmem:$0x1F6F8] =	vst v63  }
0x9e: {  	s30 =	sadd.s32 $0x1, s30;
	s2 =	smov.u32 s0;
	v1 =	vld.msk [tilespmem:s31+$0x0], $0x1  }
0x9f: {  	p2 =	seq.s32 s30, $0x0;
	_ =	sdelay $0x3  }
0xa0: {  	(v2sf) =	vpush v1, $0x0;
	_ =	sdelay $0xe  }
0xa1: {  	s0 =	spop (v2sf)  }
0xa2: {  	p1 =	seq.s32 s2, s0  }
0xa3: {  	p3 =	sgt.s32 @!p1 s2, $0x0;
	s3 =	sshll.u32 @!p1 s4, $0x9;
	s4 =	sadd.s32 @!p1 $0x1, s4  }
.Ltmp9:
0xa4: {  	p3 =	por !p3, p1;
	s3 =	sshra.s32 @!p1 s3, $0x2;
	(pc) =	sbr.rel @!p2 .LBB2_10-.Ltmp9, $4  }
0xa5: {  	s4 =	smov.u32 @p1 s9;
	s2 =	simm.s32 @p3 $0x0;
	s5 =	sadd.s32 @!p1 $0x7988, s3  }
0xa6: {  	s2 =	smin.u32 @!p1 s2, $0x270F0  }
0xa7: {  	s3 =	sand.u32 @!p1 $0x3FFF8, s2;
	s2 =	sand.u32 @!p1 $0x7, s2  }
0xa8: {  	s31 =	sadd.s32 $0x1, s31;
	s3 =	sadd.s32 @!p1 s1, s3  }
.LBB2_11:
0xa9: {  	[tilespmem:s5], [sflag:$0x2] =	stream.linear.gather @!p1 [hbm4b:s3+s2], $0x80, $0x38;
	[tilespmem:$0x1F6F8] =	vst v63  }
.Ltmp10:
0xaa: {  	s0 =	sshll.u32 s4, $0x7;
	(pc) =	sbr.rel .LBB2_12-.Ltmp10, $4  }
0xab: {  	s30 =	simm.s32 $0x2;
	s0 =	sand.u32 $0x3FFFFF80, s0  }
0xac: {  	_ =	swait.ge [sflag:s30], s0  }
0xad: {  	s0 =	ssub.s32 $0x0, s0;
	[sflag:s30] =	ssyncset.done $0x0  }
0xae: {  	s31 =	simm.s32 $0x0;
	[sflag:s30] =	ssyncadd.s32 s0  }
.LBB2_13:
0xaf: {  	v1 =	vld [tilespmem:s25+$0xFFFFFFC0];
	_ =	sdelay $0x3  }
0xb0: {  	s0 =	sshra.s32 s0, $0x2  }
0xb1: {  	[tilespmem:s0+$0x108] =	vst.add.f32.msk $0xffff, v1  }
0xb2: {  	v1 =	vld [tilespmem:s25+$0xFFFFFFD0];
	_ =	sdelay $0x4  }
0xb3: {  	[tilespmem:s0+$0x118] =	vst.add.f32.msk $0xffff, v1  }
0xb4: {  	v1 =	vld [tilespmem:s25+$0xFFFFFFE0];
	_ =	sdelay $0x4  }
0xb5: {  	[tilespmem:s0+$0x128] =	vst.add.f32.msk $0xffff, v1  }
0xb6: {  	v1 =	vld [tilespmem:s25+$0xFFFFFFF0];
	_ =	sdelay $0x4  }
0xb7: {  	[tilespmem:s0+$0x138] =	vst.add.f32.msk $0xffff, v1  }
0xb8: {  	v1 =	vld [tilespmem:s25+$0x0];
	_ =	sdelay $0x4  }
0xb9: {  	[tilespmem:s0+$0x148] =	vst.add.f32.msk $0xffff, v1  }
0xba: {  	v1 =	vld [tilespmem:s25+$0x10];
	_ =	sdelay $0x4  }
0xbb: {  	[tilespmem:s0+$0x158] =	vst.add.f32.msk $0xffff, v1  }
0xbc: {  	v1 =	vld [tilespmem:s25+$0x20];
	_ =	sdelay $0x4  }
0xbd: {  	[tilespmem:s0+$0x168] =	vst.add.f32.msk $0xffff, v1  }
0xbe: {  	v1 =	vld [tilespmem:s25+$0x30];
	_ =	sdelay $0x4  }
0xbf: {  	[tilespmem:s0+$0x178] =	vst.add.f32.msk $0xffff, v1  }
.LBB2_17:
0xc0: {  	s26 =	sadd.s32 $0x1, s26  }
0xc1: {  	p1 =	seq.s32 s26, $0x0  }
.Ltmp11:
0xc2: {  	_ = 	snop;
	(pc) =	sbr.rel @p1 .LBB2_18-.Ltmp11, $2  }
0xc3: {  	_ =	sdelay $0x2  }
0xc4: {  	s23 =	sadd.s32 $0x1, s23;
	s25 =	sadd.s32 $0x80, s25;
	s29 =	smov.u32 s30  }
.LBB2_12:
0xc5: {  	v1 =	vld.msk [tilespmem:s23+$0x0], $0x1;
	_ =	sdelay $0x4  }
0xc6: {  	(v2sf) =	vpush v1, $0x0;
	_ =	sdelay $0xe  }
0xc7: {  	s30 =	spop (v2sf)  }
0xc8: {  	p1 =	sne.s32 s29, s30  }
.Ltmp12:
0xc9: {  	_ = 	snop;
	(pc) =	sbr.rel @!p1 .LBB2_13-.Ltmp12, $2  }
0xca: {  	_ =	sdelay $0x2  }
0xcb: {  	s0 =	sshll.u32 s22, $0x9  }
0xcc: {  	p1 =	seq.s32 s29, s24  }
.Ltmp13:
0xcd: {  	_ = 	snop;
	(pc) =	sbr.rel @!p1 .LBB2_15-.Ltmp13, $1  }
0xce: {  	_ =	sdelay $0x3  }
0xcf: {  	s0 =	sshra.s32 s0, $0x2  }
.Ltmp14:
0xd0: {  	s0 =	sadd.s32 $0x108, s0;
	(pc) =	sbr.rel .LBB2_16-.Ltmp14, $4  }
0xd1: {  	[spmem:s16] =	stream.linear.scatter [tilespmem:s0], [sflag:$0x1], $0x80, $0x38;
	[tilespmem:$0x1F6F8] =	vst v63  }
0xd2: {  	_ =	swait.ge [sflag:s12], $0x80  }
0xd3: {  	[sflag:s12] =	ssyncset.done $0x0  }
0xd4: {  	[sflag:s12] =	ssyncadd.s32 $0xFFFFFF80  }
.LBB2_15:
0xd5: {  	s2 =	sshll.u32 s28, $0x9  }
0xd6: {  	s2 =	sshra.s32 s2, $0x2  }
0xd7: {  	v1 =	vld [tilespmem:s2+$0x7988];
	_ =	sdelay $0x3  }
0xd8: {  	s0 =	sshra.s32 s0, $0x2  }
0xd9: {  	[tilespmem:s0+$0x108] =	vst.add.f32.msk $0xffff, v1  }
0xda: {  	v1 =	vld [tilespmem:s2+$0x7998];
	_ =	sdelay $0x4  }
0xdb: {  	[tilespmem:s0+$0x118] =	vst.add.f32.msk $0xffff, v1  }
0xdc: {  	v1 =	vld [tilespmem:s2+$0x79A8];
	_ =	sdelay $0x4  }
0xdd: {  	[tilespmem:s0+$0x128] =	vst.add.f32.msk $0xffff, v1  }
0xde: {  	v1 =	vld [tilespmem:s2+$0x79B8];
	_ =	sdelay $0x4  }
0xdf: {  	[tilespmem:s0+$0x138] =	vst.add.f32.msk $0xffff, v1  }
0xe0: {  	v1 =	vld [tilespmem:s2+$0x79C8];
	_ =	sdelay $0x4  }
0xe1: {  	[tilespmem:s0+$0x148] =	vst.add.f32.msk $0xffff, v1  }
0xe2: {  	v1 =	vld [tilespmem:s2+$0x79D8];
	_ =	sdelay $0x4  }
0xe3: {  	[tilespmem:s0+$0x158] =	vst.add.f32.msk $0xffff, v1  }
0xe4: {  	v1 =	vld [tilespmem:s2+$0x79E8];
	_ =	sdelay $0x4  }
0xe5: {  	[tilespmem:s0+$0x168] =	vst.add.f32.msk $0xffff, v1  }
0xe6: {  	v1 =	vld [tilespmem:s2+$0x79F8];
	_ =	sdelay $0x2  }
0xe7: {  	p1 =	sgt.u32 s29, $0x270F0  }
0xe8: {  	s2 =	sand.u32 @!p1 $0x3FFF8, s29  }
0xe9: {  	s3 =	sadd.s32 $0x108, s0;
	[tilespmem:s0+$0x178] =	vst.add.f32.msk $0xffff, v1;
	s0 =	sadd.s32 @!p1 s1, s2;
	s2 =	sand.u32 @!p1 $0x7, s29  }
0xea: {  	[hbm4b:s0+s2] =	stream.linear.scatter @!p1 [tilespmem:s3], [sflag:$0xC], $0x80, $0x38;
	[tilespmem:$0x1F6F8] =	vst v63  }
0xeb: {  	s0 =	simm.s32 $0x0  }
0xec: {  	s0 =	simm.s32 @!p1 $0x200  }
0xed: {  	s31 =	sadd.s32 s0, s31  }
.LBB2_16:
0xee: {  	s0 =	sadd.s32 $0x1, s22  }
0xef: {  	s2 =	smulhi.u32 $0x88888889, s0;
	_ =	sdelay $0x1  }
0xf0: {  	v1 =	vld [tilespmem:s25+$0xFFFFFFC0];
	s2 =	sshrl.u32 s2, $0x7  }
0xf1: {  	s2 =	smul.u32 $0xF0, s2;
	_ =	sdelay $0x1  }
0xf2: {  	s22 =	ssub.s32 s0, s2  }
0xf3: {  	s0 =	sshll.u32 s22, $0x7  }
0xf4: {  	[tilespmem:s0+$0x108] =	vst v1  }
0xf5: {  	v1 =	vld [tilespmem:s25+$0xFFFFFFD0];
	_ =	sdelay $0x4  }
0xf6: {  	[tilespmem:s0+$0x118] =	vst v1  }
0xf7: {  	v1 =	vld [tilespmem:s25+$0xFFFFFFE0];
	_ =	sdelay $0x4  }
0xf8: {  	[tilespmem:s0+$0x128] =	vst v1  }
0xf9: {  	v1 =	vld [tilespmem:s25+$0xFFFFFFF0];
	_ =	sdelay $0x4  }
0xfa: {  	[tilespmem:s0+$0x138] =	vst v1  }
0xfb: {  	v1 =	vld [tilespmem:s25+$0x0];
	_ =	sdelay $0x4  }
0xfc: {  	[tilespmem:s0+$0x148] =	vst v1  }
0xfd: {  	v1 =	vld [tilespmem:s25+$0x10];
	_ =	sdelay $0x4  }
0xfe: {  	[tilespmem:s0+$0x158] =	vst v1  }
0xff: {  	v1 =	vld [tilespmem:s25+$0x20];
	_ =	sdelay $0x4  }
0x100: {  	[tilespmem:s0+$0x168] =	vst v1  }
0x101: {  	v1 =	vld [tilespmem:s25+$0x30]  }
.Ltmp15:
0x102: {  	_ = 	snop;
	(pc) =	sbr.rel .LBB2_17-.Ltmp15, $2  }
0x103: {  	_ =	sdelay $0x2  }
0x104: {  	s28 =	sadd.s32 $0x1, s28;
	[tilespmem:s0+$0x178] =	vst v1  }
.LBB2_19:
.Ltmp16:
0x105: {  	(pc) =	sbr.rel .LBB2_20-.Ltmp16, $4  }
0x106: {  	_ = 	snop  }
0x107: {  	s0 =	simm.s32 $0x2  }
0x108: {  	_ =	swait.ge [sflag:s0], $0x0  }
0x109: {  	s30 =	smov.u32 s29;
	[sflag:s0] =	ssyncset.done $0x0;
	s0 =	simm.s32 $0x0  }
.LBB2_22:
0x10a: {  	_ =	sfence.sel $0x180000  }
0x10b: {  	s0 =	simm.s32 $0x9;
	[bflag:$0x0] =	sbarrier.arrive $0xFFFF  }
0x10c: {  	s24 =	simm.s32 $0xA;
	[sflag:s0] =	ssyncpa.u1 $0x1  }
0x10d: {  	s25 =	simm.s32 $0xB;
	[sflag:s24] =	ssyncpa.u1 $0x1  }
0x10e: {  	s26 =	simm.s32 $0x2;
	[sflag:s25] =	ssyncpa.u1 $0x1  }
0x10f: {  	[sflag:s26] =	ssyncpa.u1 $0x1  }
0x110: {  	v0 =	vld [tilespmem:$0xF208];
	_ =	sdelay $0x4  }
0x111: {  	(v2sf) =	vpush v0, $0x0  }
0x112: {  	(v2sf) =	vpush v0, $0x1;
	_ =	sdelay $0x1  }
0x113: {  	(v2sf) =	vpush v0, $0x2;
	_ =	sdelay $0xb  }
0x114: {  	s0 =	spop (v2sf)  }
0x115: {  	s2 =	spop (v2sf)  }
0x116: {  	s3 =	smov.u32 s0;
	p0 =	sne.s32 s0, s2  }
0x117: {  	s4 =	spop (v2sf);
	s3 =	simm.s32 @!p0 $0xFFFFFFFF  }
0x118: {  	v2 =	vimm.s32 $0x1;
	v3 =	vlaneseq.u32;
	p0 =	seq.s32 s4, $0xFFFFFFFF;
	v1 =	vmov s3  }
0x119: {  	s16 =	stileid.u32;
	v0 =	vperm.xlane v0, v2;
	p1 =	sne.s32 @!p0 s0, s2;
	v1 =	vperm.xlane v1, v3  }
0x11a: {  	vm0 =	vcmask $0x3F04;
	s6 =	simm.s32 $0xF208;
	s0 =	simm.s32 @!p0 $0x1;
	p1 =	por !p1, p0  }
0x11b: {  	s3 =	sshll.u32 s16, $0x1;
	s2 =	sshll.u32 @!p0 s4, $0x9;
	s0 =	simm.s32 @p1 $0x0;
	v0 =	vsel vm0, v1, v0  }
0x11c: {  	s5 =	sor.u32 $0x1000, s3;
	s2 =	sshra.s32 @!p0 s2, $0x2;
	s0 =	sor.u32 @!p0 s0, s3;
	[tilespmem:$0xF208] =	vst v0  }
0x11d: {  	[spmem:s5] =	stream.linear.scatter [tilespmem:s6], [sflag:$0x1], $0x2, $0x38;
	[tilespmem:$0x1F6F8] =	vst v63  }
0x11e: {  	s2 =	sadd.s32 @!p0 $0x108, s2;
	s0 =	sshll.u32 @!p0 s0, $0x7  }
0x11f: {  	[spmem:s0] =	stream.linear.scatter @!p0 [tilespmem:s2], [sflag:$0x1], $0x80, $0x38;
	[tilespmem:$0x1F6F8] =	vst v63  }
0x120: {  	s0 =	simm.s32 @!p0 $0x82  }
0x121: {  	s28 =	simm.s32 $0x1;
	s0 =	simm.s32 @p0 $0x2  }
0x122: {  	_ =	swait.ge [sflag:s28], s0  }
0x123: {  	s0 =	ssub.s32 $0x0, s0;
	[sflag:s28] =	ssyncset.done $0x0  }
0x124: {  	p0 =	sne.s32 s16, $0x0;
	[sflag:s28] =	ssyncadd.s32 s0  }
.Ltmp17:
0x125: {  	_ =	sfence.stream.spmem;
	(pc) =	sbr.rel @p0 .LBB2_39-.Ltmp17, $4  }
0x126: {  	s29 =	simm.s32 $0x3;
	[bflag:$0x0] =	sbarrier.arrive $0xFFFF  }
0x127: {  	s30 =	simm.s32 $0x4;
	[sflag:s29] =	ssyncpa.u1 $0x1  }
0x128: {  	s31 =	simm.s32 $0x3C;
	[sflag:s30] =	ssyncpa.u1 $0x1  }
0x129: {  	s15 =	rddreg [dreg:$0x5];
	[sflag:s31] =	ssyncpa.u1 $0x1  }
0x12a: {  	_ =	sfence.stream.spmem;
	s0 =	simm.s32 $0x5  }
0x12b: {  	s2 =	simm.s32 $0x1000;
	s3 =	simm.s32 $0xF218;
	[sflag:s0] =	ssyncpa.u1 $0x0  }
0x12c: {  	[tilespmem:s3], [sflag:$0x5] =	stream.linear.gather [spmem:s2], $0x20, $0x38;
	[tilespmem:$0x1F6F8] =	vst v63  }
0x12d: {  	s26 =	simm.s32 $0x0;
	s28 =	simm.s32 $0xF238  }
0x12e: {  	[tilespmem:s28], [sflag:$0x5] =	stream.linear.gather [spmem:s26], $0x1000, $0x38;
	[tilespmem:$0x1F6F8] =	vst v63  }
0x12f: {  	_ =	swait.ge [sflag:s0], $0x1020  }
0x130: {  	[sflag:s0] =	ssyncset.done $0x0  }
0x131: {  	s29 =	simm.s32 $0x0;
	[sflag:s0] =	ssyncadd.s32 $0xFFFFEFE0  }
0x132: {  	v0 =	vld.msk [tilespmem:s29+$0xF218], $0x1;
	_ =	sdelay $0x1  }
0x133: {  	s30 =	simm.s32 $0x1  }
0x134: {  	v1 =	vld.msk [tilespmem:s30+$0xF218], $0x1;
	_ =	sdelay $0x1  }
0x135: {  	(v2sf) =	vpush v0, $0x0;
	_ =	sdelay $0x2  }
0x136: {  	(v2sf) =	vpush v1, $0x0;
	_ =	sdelay $0x2  }
0x137: {  	s31 =	simm.s32 $0x2  }
0x138: {  	v0 =	vld.msk [tilespmem:s31+$0xF218], $0x1;
	_ =	sdelay $0x2  }
0x139: {  	s4 =	simm.s32 $0xFFFFFFFF;
	s5 =	simm.s32 $0xFFFFFFFF;
	s0 =	simm.s32 $0xC  }
.LBB2_24:
0x13a: {  	s2 =	smov.u32 s5;
	s3 =	smov.u32 s4  }
0x13b: {  	s4 =	sshra.s32 s0, $0x2;
	p1 =	sne.s32 s0, $0x7C;
	s0 =	sadd.s32 $0x4, s0;
	(v2sf) =	vpush v0, $0x0  }
0x13c: {  	v0 =	vld.msk [tilespmem:s4+$0xF218], $0x1  }
.Ltmp18:
0x13d: {  	(pc) =	sbr.rel @p1 .LBB2_24-.Ltmp18, $4  }
0x13e: {  	s5 =	spop (v2sf)  }
0x13f: {  	p2 =	sne.s32 s3, $0xFFFFFFFF;
	s4 =	smov.u32 s5  }
0x140: {  	p3 =	seq.s32 s5, $0xFFFFFFFF;
	s4 =	smov.u32 @p2 s3  }
0x141: {  	s5 =	smov.u32 @p3 s2;
	s4 =	smov.u32 @p3 s3  }
0x142: {  	(v2sf) =	vpush v0, $0x0;
	_ =	sdelay $0x8  }
0x143: {  	s0 =	spop (v2sf)  }
0x144: {  	p1 =	sne.s32 s4, $0xFFFFFFFF;
	s2 =	smov.u32 s0  }
0x145: {  	s9 =	simm.s32 $0x6;
	p2 =	seq.s32 s0, $0xFFFFFFFF;
	s2 =	smov.u32 @p1 s4  }
0x146: {  	s6 =	simm.s32 $0x0;
	s2 =	smov.u32 @p2 s4;
	s3 =	spop (v2sf)  }
0x147: {  	s0 =	smov.u32 @p2 s5;
	p1 =	sne.s32 s2, $0xFFFFFFFF;
	s4 =	smov.u32 s3  }
.Ltmp19:
0x148: {  	p2 =	seq.s32 s3, $0xFFFFFFFF;
	s4 =	smov.u32 @p1 s2;
	(pc) =	sbr.rel .LBB2_26-.Ltmp19, $4  }
0x149: {  	s10 =	simm.s32 $0xF188;
	s4 =	smov.u32 @p2 s2;
	s7 =	spop (v2sf)  }
0x14a: {  	s11 =	simm.s32 $0x0;
	p1 =	sne.s32 s4, $0xFFFFFFFF;
	s8 =	smov.u32 s7  }
0x14b: {  	s3 =	smov.u32 @p2 s0;
	p2 =	seq.s32 s7, $0xFFFFFFFF;
	s8 =	smov.u32 @p1 s4  }
0x14c: {  	[sflag:s9] =	ssyncpa.u1 $0x0;
	s7 =	smov.u32 @p2 s3;
	s8 =	smov.u32 @p2 s4  }
.LBB2_32:
0x14d: {  	p1 =	sgt.u32 s12, $0x270F0  }
0x14e: {  	p2 =	seq.s32 @!p1 s12, s8  }
0x14f: {  	p1 =	por p1, p2  }
0x150: {  	p2 =	sne.s32 @!p1 s12, s7  }
0x151: {  	p1 =	por p1, !p2  }
0x152: {  	s0 =	sshll.u32 @p1 s11, $0x9  }
0x153: {  	s0 =	sand.u32 @!p1 $0x3FFF8, s12  }
0x154: {  	s2 =	sand.u32 @!p1 $0x7, s12;
	s0 =	sadd.s32 @!p1 s1, s0  }
0x155: {  	[tilespmem:s10], [sflag:$0x6] =	stream.linear.gather @!p1 [hbm4b:s0+s2], $0x80, $0x38;
	[tilespmem:$0x1F6F8] =	vst v63  }
0x156: {  	_ =	swait.ge @!p1 [sflag:s9], $0x80  }
0x157: {  	[sflag:s9] =	ssyncset.done @!p1 $0x0  }
0x158: {  	[sflag:s9] =	ssyncadd.s32 @!p1 $0xFFFFFF80  }
0x159: {  	v1 =	vld @!p1 [tilespmem:$0xF188];
	_ =	sdelay $0x2  }
0x15a: {  	s0 =	sshll.u32 @!p1 s11, $0x9  }
0x15b: {  	s2 =	sshrl.u32 @!p1 s0, $0x2  }
0x15c: {  	[tilespmem:s2+$0xF238] =	vst.add.f32.msk @!p1 $0xffff, v1  }
0x15d: {  	v1 =	vld @!p1 [tilespmem:$0xF198];
	_ =	sdelay $0x4  }
0x15e: {  	[tilespmem:s2+$0xF248] =	vst.add.f32.msk @!p1 $0xffff, v1  }
0x15f: {  	v1 =	vld @!p1 [tilespmem:$0xF1A8];
	_ =	sdelay $0x4  }
0x160: {  	[tilespmem:s2+$0xF258] =	vst.add.f32.msk @!p1 $0xffff, v1  }
0x161: {  	v1 =	vld @!p1 [tilespmem:$0xF1B8];
	_ =	sdelay $0x4  }
0x162: {  	[tilespmem:s2+$0xF268] =	vst.add.f32.msk @!p1 $0xffff, v1  }
0x163: {  	v1 =	vld @!p1 [tilespmem:$0xF1C8];
	_ =	sdelay $0x4  }
0x164: {  	[tilespmem:s2+$0xF278] =	vst.add.f32.msk @!p1 $0xffff, v1  }
0x165: {  	v1 =	vld @!p1 [tilespmem:$0xF1D8];
	_ =	sdelay $0x4  }
0x166: {  	[tilespmem:s2+$0xF288] =	vst.add.f32.msk @!p1 $0xffff, v1  }
0x167: {  	v1 =	vld @!p1 [tilespmem:$0xF1E8];
	_ =	sdelay $0x4  }
0x168: {  	[tilespmem:s2+$0xF298] =	vst.add.f32.msk @!p1 $0xffff, v1  }
0x169: {  	v1 =	vld @!p1 [tilespmem:$0xF1F8];
	_ =	sdelay $0x4  }
0x16a: {  	[tilespmem:s2+$0xF2A8] =	vst.add.f32.msk @!p1 $0xffff, v1  }
0x16b: {  	s0 =	sshrl.u32 s0, $0x2;
	[tilespmem:s6+$0xF218] =	vst.msk $0x1, v0  }
0x16c: {  	v0 =	vld [tilespmem:s0+$0xF238];
	_ =	sdelay $0x2  }
0x16d: {  	s31 =	sshll.u32 s6, $0x9  }
0x16e: {  	s2 =	sshra.s32 s31, $0x2  }
0x16f: {  	[tilespmem:s2+$0xF238] =	vst v0  }
0x170: {  	v0 =	vld [tilespmem:s0+$0xF248];
	_ =	sdelay $0x4  }
0x171: {  	[tilespmem:s2+$0xF248] =	vst v0  }
0x172: {  	v0 =	vld [tilespmem:s0+$0xF258];
	_ =	sdelay $0x4  }
0x173: {  	[tilespmem:s2+$0xF258] =	vst v0  }
0x174: {  	v0 =	vld [tilespmem:s0+$0xF268];
	_ =	sdelay $0x4  }
0x175: {  	[tilespmem:s2+$0xF268] =	vst v0  }
0x176: {  	v0 =	vld [tilespmem:s0+$0xF278];
	_ =	sdelay $0x4  }
0x177: {  	[tilespmem:s2+$0xF278] =	vst v0  }
0x178: {  	v0 =	vld [tilespmem:s0+$0xF288];
	_ =	sdelay $0x4  }
0x179: {  	[tilespmem:s2+$0xF288] =	vst v0  }
0x17a: {  	v0 =	vld [tilespmem:s0+$0xF298];
	_ =	sdelay $0x4  }
0x17b: {  	[tilespmem:s2+$0xF298] =	vst v0  }
0x17c: {  	v0 =	vld [tilespmem:s0+$0xF2A8];
	_ =	sdelay $0x4  }
0x17d: {  	s6 =	sadd.s32 $0x1, s6;
	[tilespmem:s2+$0xF2A8] =	vst v0  }
.LBB2_33:
0x17e: {  	s11 =	sadd.s32 $0x1, s11  }
0x17f: {  	p1 =	sne.s32 s11, $0x20  }
.Ltmp20:
0x180: {  	_ = 	snop;
	(pc) =	sbr.rel @!p1 .LBB2_34-.Ltmp20, $1  }
0x181: {  	_ =	sdelay $0x3  }
.LBB2_26:
0x182: {  	v0 =	vld.msk [tilespmem:s11+$0xF218], $0x1;
	_ =	sdelay $0x4  }
0x183: {  	(v2sf) =	vpush v0, $0x0;
	_ =	sdelay $0xe  }
0x184: {  	s12 =	spop (v2sf)  }
0x185: {  	p1 =	seq.s32 s12, $0xFFFFFFFF  }
.Ltmp21:
0x186: {  	_ = 	snop;
	(pc) =	sbr.rel @p1 .LBB2_33-.Ltmp21, $1  }
0x187: {  	_ =	sdelay $0x3  }
0x188: {  	p1 =	slt.s32 s6, $0x1  }
.Ltmp22:
0x189: {  	_ = 	snop;
	(pc) =	sbr.rel @p1 .LBB2_32-.Ltmp22, $1  }
0x18a: {  	_ =	sdelay $0x3  }
0x18b: {  	s13 =	simm.s32 $0xF218;
	p1 =	por $0x0, $0x0  }
0x18c: {  	v1 =	vld.msk @!p1 [tilespmem:s13+$0x0], $0x1;
	_ =	sdelay $0x4  }
0x18d: {  	(v2sf) =	vpush @!p1 v1, $0x0;
	_ =	sdelay $0xd  }
0x18e: {  	p3 =	sne.s32 s6, $0x1  }
.Ltmp23:
0x18f: {  	s0 =	spop @!p1 (v2sf);
	(pc) =	sbr.rel @!p3 .LBB2_30-.Ltmp23, $4  }
0x190: {  	p2 =	seq.s32 @!p1 s12, s0  }
0x191: {  	s14 =	simm.s32 $0x0;
	p2 =	por !p2, p1  }
0x192: {  	s2 =	simm.s32 $0xFFFFFFFF;
	s14 =	simm.s32 @p2 $0xFFFFFFFF  }
0x193: {  	s0 =	simm.s32 $0x1;
	s14 =	smov.u32 @p1 s2  }
.LBB2_29:
0x194: {  	s2 =	smov.u32 s14;
	p1 =	sne.s32 s14, $0xFFFFFFFF  }
0x195: {  	s13 =	sadd.s32 $0x1, s13;
	s14 =	smov.u32 s0;
	s0 =	sadd.s32 $0x1, s0  }
0x196: {  	p2 =	sne.s32 s6, s0;
	v1 =	vld.msk @!p1 [tilespmem:s13+$0x0], $0x1;
	_ =	sdelay $0x4  }
0x197: {  	(v2sf) =	vpush @!p1 v1, $0x0;
	_ =	sdelay $0xe  }
.Ltmp24:
0x198: {  	s3 =	spop @!p1 (v2sf);
	(pc) =	sbr.rel @p2 .LBB2_29-.Ltmp24, $4  }
0x199: {  	p3 =	seq.s32 @!p1 s12, s3  }
0x19a: {  	p3 =	por !p3, p1  }
0x19b: {  	s14 =	simm.s32 @p3 $0xFFFFFFFF  }
0x19c: {  	s14 =	smov.u32 @p1 s2  }
.LBB2_30:
0x19d: {  	p1 =	seq.s32 s14, $0xFFFFFFFF  }
.Ltmp25:
0x19e: {  	_ = 	snop;
	(pc) =	sbr.rel @p1 .LBB2_32-.Ltmp25, $1  }
0x19f: {  	_ =	sdelay $0x3  }
0x1a0: {  	s0 =	sshll.u32 s11, $0x7  }
0x1a1: {  	s0 =	sand.u32 $0x3FFFFF80, s0  }
0x1a2: {  	v0 =	vld [tilespmem:s0+$0xF238];
	_ =	sdelay $0x2  }
0x1a3: {  	s2 =	sshll.u32 s14, $0x9  }
0x1a4: {  	s2 =	sshra.s32 s2, $0x2  }
0x1a5: {  	[tilespmem:s2+$0xF238] =	vst.add.f32.msk $0xffff, v0  }
0x1a6: {  	v0 =	vld [tilespmem:s0+$0xF248];
	_ =	sdelay $0x4  }
0x1a7: {  	[tilespmem:s2+$0xF248] =	vst.add.f32.msk $0xffff, v0  }
0x1a8: {  	v0 =	vld [tilespmem:s0+$0xF258];
	_ =	sdelay $0x4  }
0x1a9: {  	[tilespmem:s2+$0xF258] =	vst.add.f32.msk $0xffff, v0  }
0x1aa: {  	v0 =	vld [tilespmem:s0+$0xF268];
	_ =	sdelay $0x4  }
0x1ab: {  	[tilespmem:s2+$0xF268] =	vst.add.f32.msk $0xffff, v0  }
0x1ac: {  	v0 =	vld [tilespmem:s0+$0xF278];
	_ =	sdelay $0x4  }
0x1ad: {  	[tilespmem:s2+$0xF278] =	vst.add.f32.msk $0xffff, v0  }
0x1ae: {  	v0 =	vld [tilespmem:s0+$0xF288];
	_ =	sdelay $0x4  }
0x1af: {  	[tilespmem:s2+$0xF288] =	vst.add.f32.msk $0xffff, v0  }
0x1b0: {  	v0 =	vld [tilespmem:s0+$0xF298];
	_ =	sdelay $0x4  }
0x1b1: {  	[tilespmem:s2+$0xF298] =	vst.add.f32.msk $0xffff, v0  }
0x1b2: {  	v0 =	vld [tilespmem:s0+$0xF2A8]  }
.Ltmp26:
0x1b3: {  	_ = 	snop;
	(pc) =	sbr.rel .LBB2_33-.Ltmp26, $2  }
0x1b4: {  	_ =	sdelay $0x2  }
0x1b5: {  	[tilespmem:s2+$0xF2A8] =	vst.add.f32.msk $0xffff, v0  }
.LBB2_34:
0x1b6: {  	s0 =	simm.s32 $0x6;
	p1 =	seq.s32 s6, $0x0  }
0x1b7: {  	[sflag:s0] =	ssyncpa.u1 $0x1;
	v0 =	vimm.s32 @p1 $0xFFFFFFFF  }
0x1b8: {  	s9 =	sadd.s32 $0xFFFFFFFF, s6;
	[tilespmem:$0x10238] =	vst @p1 v0  }
0x1b9: {  	v0 =	vld.msk @!p1 [tilespmem:s9+$0xF218], $0x1;
	_ =	sdelay $0x1  }
0x1ba: {  	v1 =	vld.msk @!p1 [tilespmem:$0xF218], $0x1;
	_ =	sdelay $0x2  }
0x1bb: {  	p2 =	seq.s32 @!p1 s9, $0x0;
	v0 =	vbroadcast @!p1 v0, $0x0  }
0x1bc: {  	vm0 =	vmmov @!p1 $0x1;
	p2 =	por !p2, p1  }
0x1bd: {  	v1 =	vnsel @!p1 vm0, $0xFFFFFFFF, v1;
	vm0 =	vcmask @!p1 $0x308;
	v0 =	vpsel !p2, $0xFFFFFFFF, v0  }
0x1be: {  	p2 =	sne.s32 @!p1 s8, s7;
	v0 =	vsel @!p1 vm0, v1, v0  }
0x1bf: {  	s0 =	simm.s32 @!p1 $0xF238;
	s2 =	simm.s32 @!p1 $0x0;
	p3 =	por !p2, p1;
	[tilespmem:$0x10238] =	vst @!p1 v0  }
0x1c0: {  	[spmem:s2] =	stream.linear.scatter @!p1 [tilespmem:s0], [sflag:$0x1], $0x80, $0x38;
	[tilespmem:$0x1F6F8] =	vst v63  }
0x1c1: {  	s0 =	sshll.u32 @!p3 s9, $0x9  }
0x1c2: {  	s0 =	sshra.s32 @!p3 s0, $0x2  }
0x1c3: {  	s2 =	simm.s32 @!p3 $0x80;
	s0 =	sadd.s32 @!p3 $0xF238, s0  }
0x1c4: {  	[spmem:s2] =	stream.linear.scatter @!p3 [tilespmem:s0], [sflag:$0x1], $0x80, $0x38;
	[tilespmem:$0x1F6F8] =	vst v63  }
0x1c5: {  	s0 =	simm.s32 @!p3 $0x1  }
0x1c6: {  	_ =	swait.ge @!p3 [sflag:s0], $0x100  }
0x1c7: {  	p1 =	por p2, p1;
	[sflag:s0] =	ssyncset.done @!p3 $0x0  }
0x1c8: {  	[sflag:s0] =	ssyncadd.s32 @!p3 $0xFFFFFF00;
	s0 =	simm.s32 @!p1 $0x1  }
0x1c9: {  	_ =	swait.ge @!p1 [sflag:s0], $0x80  }
0x1ca: {  	s29 =	simm.s32 $0x10238;
	[sflag:s0] =	ssyncset.done @!p1 $0x0  }
0x1cb: {  	s30 =	simm.s32 $0x1000;
	s31 =	simm.s32 $0x1;
	[sflag:s0] =	ssyncadd.s32 @!p1 $0xFFFFFF80  }
0x1cc: {  	[spmem:s30] =	stream.linear.scatter [tilespmem:s29], [sflag:$0x1], $0x10, $0x38;
	[tilespmem:$0x1F6F8] =	vst v63  }
0x1cd: {  	_ =	swait.ge [sflag:s31], $0x10  }
0x1ce: {  	[sflag:s31] =	ssyncset.done $0x0  }
0x1cf: {  	p1 =	seq.s32 s15, $0x0;
	s8 =	rddreg [dreg:$0x2];
	[sflag:s31] =	ssyncadd.s32 $0xFFFFFFF0  }
0x1d0: {  	s2 =	sshll.u32 @p1 s8, $0xE;
	s7 =	rddreg [dreg:$0x3]  }
0x1d1: {  	s0 =	sadd.s32 @p1 $0x15C3C, s2;
	s2 =	sshll.u32 @p1 s7, $0x11  }
0x1d2: {  	_ =	sfence.stream.spmem;
	s0 =	sor.u32 @p1 s2, s0  }
0x1d3: {  	[sflag:s0] =	ssyncadd.remote.s32 @p1 $0x1;
	s0 =	simm.s32 @p1 $0x4  }
0x1d4: {  	s3 =	simm.s32 @!p1 $0x3C;
	s2 =	sand.u32 $0xFFFFFFFE, s8;
	_ =	swait.ge @p1 [sflag:s0], $0x22  }
0x1d5: {  	s4 =	simm.s32 @!p1 $0x0;
	s2 =	sadd.s32 @!p1 $0x4, s2;
	[sflag:s0] =	ssyncset.done @p1 $0x0  }
0x1d6: {  	s5 =	simm.s32 @!p1 $0x100;
	[sflag:s0] =	ssyncadd.s32 @p1 $0xFFFFFFDE;
	s0 =	sshll.u32 @!p1 s2, $0x1A  }
0x1d7: {  	s2 =	sshll.u32 @!p1 s2, $0xD;
	s0 =	sor.u32 @!p1 s0, s7;
	_ =	swait.eq @!p1 [sflag:s3], $0x1  }
0x1d8: {  	s2 =	sor.u32 @!p1 $0x1C04, s2;
	s3 =	simm.s32 @!p1 $0x1C03;
	s0 =	sor.u32 @!p1 $0x80004000, s0  }
0x1d9: {  	[spmem:s5], [sflag:s2] =	dma.general @!p1 [spmem:s4], [sflag:s3], length:$0x20, [dreg:$0x0], stride_count:$0x0, ici_dest:s0, dma_misc:DstOpCode:WRITE  }
0x1da: {  	p2 =	slt.s32 s9, $0x2;
	s4 =	simm.s32 @!p1 $0x200;
	s5 =	simm.s32 @!p1 $0x202  }
0x1db: {  	[spmem:s5], [sflag:s2] =	dma.general @!p1 [spmem:s4], [sflag:s3], length:$0x2, [dreg:$0x0], stride_count:$0x0, ici_dest:s0, dma_misc:DstOpCode:WRITE  }
.Ltmp27:
0x1dc: {  	s0 =	simm.s32 @!p1 $0x3;
	(pc) =	sbr.rel @p2 .LBB2_38-.Ltmp27, $4  }
0x1dd: {  	s2 =	sshll.u32 @!p1 s8, $0xE;
	_ =	swait.ge @!p1 [sflag:s0], $0x22  }
0x1de: {  	s3 =	sshll.u32 @!p1 s7, $0x11;
	s2 =	sadd.s32 @!p1 $0x11C3C, s2;
	[sflag:s0] =	ssyncset.done @!p1 $0x0  }
0x1df: {  	[sflag:s0] =	ssyncadd.s32 @!p1 $0xFFFFFFDE;
	s0 =	sor.u32 @!p1 s3, s2  }
0x1e0: {  	[sflag:s0] =	ssyncadd.remote.s32 @!p1 $0xFFFFFFFF;
	s0 =	simm.s32 $0x0  }
0x1e1: {  	s0 =	simm.s32 $0xF219  }
0x1e2: {  	v0 =	vld.msk [tilespmem:s0+$0x0], $0x1;
	_ =	sdelay $0x4  }
0x1e3: {  	(v2sf) =	vpush v0, $0x0;
	_ =	sdelay $0xb  }
0x1e4: {  	s31 =	sadd.s32 $0xFFFFFFFE, s6  }
0x1e5: {  	s0 =	sadd.s32 $0xFFFFFFFF, s31  }
0x1e6: {  	p2 =	sne.s32 s0, $0x0  }
.Ltmp28:
0x1e7: {  	s2 =	spop (v2sf);
	(pc) =	sbr.rel @!p2 .LBB2_37-.Ltmp28, $4  }
0x1e8: {  	s4 =	simm.s32 $0xF2B8;
	s7 =	simm.s32 $0x0;
	p1 =	sgt.u32 s2, $0x270F0  }
0x1e9: {  	s5 =	simm.s32 $0x0;
	s6 =	simm.s32 $0xF21A;
	s3 =	sand.u32 @!p1 $0x3FFF8, s2  }
0x1ea: {  	s2 =	sand.u32 @!p1 $0x7, s2;
	s7 =	simm.s32 @!p1 $0x200;
	s3 =	sadd.s32 @!p1 s1, s3  }
0x1eb: {  	[hbm4b:s3+s2] =	stream.linear.scatter @!p1 [tilespmem:s4], [sflag:$0x5], $0x80, $0x38;
	[tilespmem:$0x1F6F8] =	vst v63  }
.LBB2_36:
0x1ec: {  	v0 =	vld.msk [tilespmem:s6+$0x0], $0x1;
	s0 =	sadd.s32 $0xFFFFFFFF, s0;
	s5 =	sadd.s32 s5, s7  }
0x1ed: {  	p1 =	sne.s32 s0, $0x0;
	_ =	sdelay $0x3  }
0x1ee: {  	(v2sf) =	vpush v0, $0x0;
	_ =	sdelay $0xe  }
.Ltmp29:
0x1ef: {  	s2 =	spop (v2sf);
	(pc) =	sbr.rel @p1 .LBB2_36-.Ltmp29, $4  }
0x1f0: {  	s7 =	simm.s32 $0x0;
	p2 =	sgt.u32 s2, $0x270F0  }
0x1f1: {  	s4 =	sadd.s32 $0x80, s4;
	s7 =	simm.s32 @!p2 $0x200;
	s3 =	sand.u32 @!p2 $0x3FFF8, s2  }
0x1f2: {  	s6 =	sadd.s32 $0x1, s6;
	s2 =	sand.u32 @!p2 $0x7, s2;
	s3 =	sadd.s32 @!p2 s1, s3  }
0x1f3: {  	[hbm4b:s3+s2] =	stream.linear.scatter @!p2 [tilespmem:s4], [sflag:$0x5], $0x80, $0x38;
	[tilespmem:$0x1F6F8] =	vst v63  }
.LBB2_37:
0x1f4: {  	s0 =	sadd.s32 s5, s7  }
0x1f5: {  	s0 =	sshrl.u32 s0, $0x2  }
.LBB2_38:
0x1f6: {  	s2 =	simm.s32 $0x5  }
0x1f7: {  	_ =	swait.ge [sflag:s2], s0  }
0x1f8: {  	s31 =	ssub.s32 $0x0, s0;
	[sflag:s2] =	ssyncset.done $0x0  }
0x1f9: {  	[sflag:s2] =	ssyncadd.s32 s31  }
0x1fa: {  	[sflag:s2] =	ssyncpa.u1 $0x1  }
.LBB2_39:
0x1fb: {  	s0 =	sor.u32 s15, s16  }
0x1fc: {  	p1 =	sne.s32 s0, $0x0  }
.Ltmp30:
0x1fd: {  	_ = 	snop;
	(pc) =	sbr.rel @p1 .LBB2_54-.Ltmp30, $3  }
0x1fe: {  	_ =	sdelay $0x1  }
0x1ff: {  	[bflag:$0x0] =	sbarrier.arrive $0xFFFF  }
0x200: {  	_ =	sfence  }
0x201: {  	s0 =	simm.s32 $0x7  }
0x202: {  	s2 =	simm.s32 $0x1000;
	s3 =	simm.s32 $0xF218;
	[sflag:s0] =	ssyncpa.u1 $0x0  }
0x203: {  	[tilespmem:s3], [sflag:$0x7] =	stream.linear.gather [spmem:s2], $0x20, $0x38;
	[tilespmem:$0x1F6F8] =	vst v63  }
0x204: {  	s30 =	simm.s32 $0xF238;
	s2 =	simm.s32 $0x0  }
0x205: {  	[tilespmem:s30], [sflag:$0x7] =	stream.linear.gather [spmem:s2], $0x1000, $0x38;
	[tilespmem:$0x1F6F8] =	vst v63  }
.Ltmp31:
0x206: {  	_ = 	snop;
	(pc) =	sbr.rel .LBB2_41-.Ltmp31, $4  }
0x207: {  	_ =	swait.ge [sflag:s0], $0x1020  }
0x208: {  	[sflag:s0] =	ssyncset.done $0x0  }
0x209: {  	s31 =	simm.s32 $0x8;
	[sflag:s0] =	ssyncadd.s32 $0xFFFFEFE0  }
0x20a: {  	s3 =	simm.s32 $0x0;
	[sflag:s31] =	ssyncpa.u1 $0x0  }
.LBB2_47:
0x20b: {  	p1 =	slt.u32 s4, $0x270F1  }
0x20c: {  	s0 =	sand.u32 @p1 $0x3FFF8, s4  }
0x20d: {  	s4 =	sand.u32 @p1 $0x7, s4;
	s5 =	simm.s32 @p1 $0xF188;
	s0 =	sadd.s32 @p1 s1, s0  }
0x20e: {  	[tilespmem:s5], [sflag:$0x8] =	stream.linear.gather @p1 [hbm4b:s0+s4], $0x80, $0x38;
	[tilespmem:$0x1F6F8] =	vst v63  }
0x20f: {  	s0 =	simm.s32 @p1 $0x8  }
0x210: {  	_ =	swait.ge @p1 [sflag:s0], $0x80  }
0x211: {  	[sflag:s0] =	ssyncset.done @p1 $0x0  }
0x212: {  	[sflag:s0] =	ssyncadd.s32 @p1 $0xFFFFFF80  }
0x213: {  	v1 =	vld @p1 [tilespmem:$0xF188];
	_ =	sdelay $0x2  }
0x214: {  	s0 =	sshll.u32 @p1 s3, $0x9  }
0x215: {  	s4 =	sshrl.u32 @p1 s0, $0x2  }
0x216: {  	[tilespmem:s4+$0xF238] =	vst.add.f32.msk @p1 $0xffff, v1  }
0x217: {  	v1 =	vld @p1 [tilespmem:$0xF198];
	_ =	sdelay $0x4  }
0x218: {  	[tilespmem:s4+$0xF248] =	vst.add.f32.msk @p1 $0xffff, v1  }
0x219: {  	v1 =	vld @p1 [tilespmem:$0xF1A8];
	_ =	sdelay $0x4  }
0x21a: {  	[tilespmem:s4+$0xF258] =	vst.add.f32.msk @p1 $0xffff, v1  }
0x21b: {  	v1 =	vld @p1 [tilespmem:$0xF1B8];
	_ =	sdelay $0x4  }
0x21c: {  	[tilespmem:s4+$0xF268] =	vst.add.f32.msk @p1 $0xffff, v1  }
0x21d: {  	v1 =	vld @p1 [tilespmem:$0xF1C8];
	_ =	sdelay $0x4  }
0x21e: {  	[tilespmem:s4+$0xF278] =	vst.add.f32.msk @p1 $0xffff, v1  }
0x21f: {  	v1 =	vld @p1 [tilespmem:$0xF1D8];
	_ =	sdelay $0x4  }
0x220: {  	[tilespmem:s4+$0xF288] =	vst.add.f32.msk @p1 $0xffff, v1  }
0x221: {  	v1 =	vld @p1 [tilespmem:$0xF1E8];
	_ =	sdelay $0x4  }
0x222: {  	[tilespmem:s4+$0xF298] =	vst.add.f32.msk @p1 $0xffff, v1  }
0x223: {  	v1 =	vld @p1 [tilespmem:$0xF1F8];
	_ =	sdelay $0x3  }
0x224: {  	s5 =	sshll.u32 @!p1 s3, $0x9  }
0x225: {  	s5 =	smov.u32 @p1 s0;
	[tilespmem:s4+$0xF2A8] =	vst.add.f32.msk @p1 $0xffff, v1  }
0x226: {  	s0 =	sshrl.u32 s5, $0x2;
	[tilespmem:s2+$0xF218] =	vst.msk $0x1, v0  }
0x227: {  	v0 =	vld [tilespmem:s0+$0xF238];
	_ =	sdelay $0x2  }
0x228: {  	s31 =	sshll.u32 s2, $0x9  }
0x229: {  	s4 =	sshra.s32 s31, $0x2  }
0x22a: {  	[tilespmem:s4+$0xF238] =	vst v0  }
0x22b: {  	v0 =	vld [tilespmem:s0+$0xF248];
	_ =	sdelay $0x4  }
0x22c: {  	[tilespmem:s4+$0xF248] =	vst v0  }
0x22d: {  	v0 =	vld [tilespmem:s0+$0xF258];
	_ =	sdelay $0x4  }
0x22e: {  	[tilespmem:s4+$0xF258] =	vst v0  }
0x22f: {  	v0 =	vld [tilespmem:s0+$0xF268];
	_ =	sdelay $0x4  }
0x230: {  	[tilespmem:s4+$0xF268] =	vst v0  }
0x231: {  	v0 =	vld [tilespmem:s0+$0xF278];
	_ =	sdelay $0x4  }
0x232: {  	[tilespmem:s4+$0xF278] =	vst v0  }
0x233: {  	v0 =	vld [tilespmem:s0+$0xF288];
	_ =	sdelay $0x4  }
0x234: {  	[tilespmem:s4+$0xF288] =	vst v0  }
0x235: {  	v0 =	vld [tilespmem:s0+$0xF298];
	_ =	sdelay $0x4  }
0x236: {  	[tilespmem:s4+$0xF298] =	vst v0  }
0x237: {  	v0 =	vld [tilespmem:s0+$0xF2A8];
	_ =	sdelay $0x4  }
0x238: {  	s2 =	sadd.s32 $0x1, s2;
	[tilespmem:s4+$0xF2A8] =	vst v0  }
.LBB2_48:
0x239: {  	s3 =	sadd.s32 $0x1, s3  }
0x23a: {  	p1 =	sne.s32 s3, $0x20  }
.Ltmp32:
0x23b: {  	_ = 	snop;
	(pc) =	sbr.rel @!p1 .LBB2_49-.Ltmp32, $1  }
0x23c: {  	_ =	sdelay $0x3  }
.LBB2_41:
0x23d: {  	v0 =	vld.msk [tilespmem:s3+$0xF218], $0x1;
	_ =	sdelay $0x4  }
0x23e: {  	(v2sf) =	vpush v0, $0x0;
	_ =	sdelay $0xe  }
0x23f: {  	s4 =	spop (v2sf)  }
0x240: {  	p1 =	seq.s32 s4, $0xFFFFFFFF  }
.Ltmp33:
0x241: {  	_ = 	snop;
	(pc) =	sbr.rel @p1 .LBB2_48-.Ltmp33, $1  }
0x242: {  	_ =	sdelay $0x3  }
0x243: {  	p1 =	slt.s32 s2, $0x1  }
.Ltmp34:
0x244: {  	_ = 	snop;
	(pc) =	sbr.rel @p1 .LBB2_47-.Ltmp34, $1  }
0x245: {  	_ =	sdelay $0x3  }
0x246: {  	s5 =	simm.s32 $0xF218;
	p1 =	por $0x0, $0x0  }
0x247: {  	v1 =	vld.msk @!p1 [tilespmem:s5+$0x0], $0x1;
	_ =	sdelay $0x4  }
0x248: {  	(v2sf) =	vpush @!p1 v1, $0x0;
	_ =	sdelay $0xd  }
0x249: {  	p3 =	sne.s32 s2, $0x1  }
.Ltmp35:
0x24a: {  	s0 =	spop @!p1 (v2sf);
	(pc) =	sbr.rel @!p3 .LBB2_45-.Ltmp35, $4  }
0x24b: {  	p2 =	seq.s32 @!p1 s4, s0  }
0x24c: {  	s6 =	simm.s32 $0x0;
	p2 =	por !p2, p1  }
0x24d: {  	s7 =	simm.s32 $0xFFFFFFFF;
	s6 =	simm.s32 @p2 $0xFFFFFFFF  }
0x24e: {  	s0 =	simm.s32 $0x1;
	s6 =	smov.u32 @p1 s7  }
.LBB2_44:
0x24f: {  	s7 =	smov.u32 s6;
	p1 =	sne.s32 s6, $0xFFFFFFFF  }
0x250: {  	s5 =	sadd.s32 $0x1, s5;
	s6 =	smov.u32 s0;
	s0 =	sadd.s32 $0x1, s0  }
0x251: {  	p2 =	sne.s32 s2, s0;
	v1 =	vld.msk @!p1 [tilespmem:s5+$0x0], $0x1;
	_ =	sdelay $0x4  }
0x252: {  	(v2sf) =	vpush @!p1 v1, $0x0;
	_ =	sdelay $0xe  }
.Ltmp36:
0x253: {  	s8 =	spop @!p1 (v2sf);
	(pc) =	sbr.rel @p2 .LBB2_44-.Ltmp36, $4  }
0x254: {  	p3 =	seq.s32 @!p1 s4, s8  }
0x255: {  	p3 =	por !p3, p1  }
0x256: {  	s6 =	simm.s32 @p3 $0xFFFFFFFF  }
0x257: {  	s6 =	smov.u32 @p1 s7  }
.LBB2_45:
0x258: {  	p1 =	seq.s32 s6, $0xFFFFFFFF  }
.Ltmp37:
0x259: {  	_ = 	snop;
	(pc) =	sbr.rel @p1 .LBB2_47-.Ltmp37, $1  }
0x25a: {  	_ =	sdelay $0x3  }
0x25b: {  	s0 =	sshll.u32 s3, $0x7  }
0x25c: {  	s0 =	sand.u32 $0x3FFFFF80, s0  }
0x25d: {  	v0 =	vld [tilespmem:s0+$0xF238];
	_ =	sdelay $0x2  }
0x25e: {  	s4 =	sshll.u32 s6, $0x9  }
0x25f: {  	s4 =	sshra.s32 s4, $0x2  }
0x260: {  	[tilespmem:s4+$0xF238] =	vst.add.f32.msk $0xffff, v0  }
0x261: {  	v0 =	vld [tilespmem:s0+$0xF248];
	_ =	sdelay $0x4  }
0x262: {  	[tilespmem:s4+$0xF248] =	vst.add.f32.msk $0xffff, v0  }
0x263: {  	v0 =	vld [tilespmem:s0+$0xF258];
	_ =	sdelay $0x4  }
0x264: {  	[tilespmem:s4+$0xF258] =	vst.add.f32.msk $0xffff, v0  }
0x265: {  	v0 =	vld [tilespmem:s0+$0xF268];
	_ =	sdelay $0x4  }
0x266: {  	[tilespmem:s4+$0xF268] =	vst.add.f32.msk $0xffff, v0  }
0x267: {  	v0 =	vld [tilespmem:s0+$0xF278];
	_ =	sdelay $0x4  }
0x268: {  	[tilespmem:s4+$0xF278] =	vst.add.f32.msk $0xffff, v0  }
0x269: {  	v0 =	vld [tilespmem:s0+$0xF288];
	_ =	sdelay $0x4  }
0x26a: {  	[tilespmem:s4+$0xF288] =	vst.add.f32.msk $0xffff, v0  }
0x26b: {  	v0 =	vld [tilespmem:s0+$0xF298];
	_ =	sdelay $0x4  }
0x26c: {  	[tilespmem:s4+$0xF298] =	vst.add.f32.msk $0xffff, v0  }
0x26d: {  	v0 =	vld [tilespmem:s0+$0xF2A8]  }
.Ltmp38:
0x26e: {  	_ = 	snop;
	(pc) =	sbr.rel .LBB2_48-.Ltmp38, $2  }
0x26f: {  	_ =	sdelay $0x2  }
0x270: {  	[tilespmem:s4+$0xF2A8] =	vst.add.f32.msk $0xffff, v0  }
.LBB2_49:
0x271: {  	p1 =	slt.s32 s2, $0x1  }
.Ltmp39:
0x272: {  	_ = 	snop;
	(pc) =	sbr.rel @p1 .LBB2_53-.Ltmp39, $3  }
0x273: {  	_ =	sdelay $0x1  }
0x274: {  	s0 =	simm.s32 $0x8  }
0x275: {  	s3 =	simm.s32 $0x0;
	[sflag:s0] =	ssyncpa.u1 $0x1  }
0x276: {  	s0 =	simm.s32 $0xF218  }
0x277: {  	v0 =	vld.msk [tilespmem:s0+$0x0], $0x1;
	_ =	sdelay $0x4  }
0x278: {  	(v2sf) =	vpush v0, $0x0;
	_ =	sdelay $0xe  }
0x279: {  	s0 =	sadd.s32 $0xFFFFFFFF, s2;
	s5 =	spop (v2sf)  }
0x27a: {  	p2 =	sne.s32 s0, $0x0;
	p1 =	sgt.u32 s5, $0x270F0  }
.Ltmp40:
0x27b: {  	s6 =	sand.u32 @!p1 $0x3FFF8, s5;
	(pc) =	sbr.rel @!p2 .LBB2_52-.Ltmp40, $4  }
0x27c: {  	s4 =	simm.s32 $0xF238;
	s5 =	sand.u32 @!p1 $0x7, s5;
	s2 =	sadd.s32 @!p1 s1, s6  }
0x27d: {  	[hbm4b:s2+s5] =	stream.linear.scatter @!p1 [tilespmem:s4], [sflag:$0x7], $0x80, $0x38;
	[tilespmem:$0x1F6F8] =	vst v63  }
0x27e: {  	s5 =	simm.s32 $0x0  }
0x27f: {  	s2 =	simm.s32 $0xF219;
	s5 =	simm.s32 @!p1 $0x200  }
.LBB2_51:
0x280: {  	v0 =	vld.msk [tilespmem:s2+$0x0], $0x1;
	s0 =	sadd.s32 $0xFFFFFFFF, s0;
	s3 =	sadd.s32 s3, s5  }
0x281: {  	p1 =	sne.s32 s0, $0x0;
	_ =	sdelay $0x3  }
0x282: {  	(v2sf) =	vpush v0, $0x0;
	_ =	sdelay $0xe  }
.Ltmp41:
0x283: {  	s6 =	spop (v2sf);
	(pc) =	sbr.rel @p1 .LBB2_51-.Ltmp41, $4  }
0x284: {  	s5 =	simm.s32 $0x0;
	p2 =	sgt.u32 s6, $0x270F0  }
0x285: {  	s4 =	sadd.s32 $0x80, s4;
	s5 =	simm.s32 @!p2 $0x200;
	s7 =	sand.u32 @!p2 $0x3FFF8, s6  }
0x286: {  	s2 =	sadd.s32 $0x1, s2;
	s6 =	sand.u32 @!p2 $0x7, s6;
	s7 =	sadd.s32 @!p2 s1, s7  }
0x287: {  	[hbm4b:s7+s6] =	stream.linear.scatter @!p2 [tilespmem:s4], [sflag:$0x7], $0x80, $0x38;
	[tilespmem:$0x1F6F8] =	vst v63  }
.LBB2_52:
0x288: {  	s0 =	sadd.s32 s3, s5  }
0x289: {  	s3 =	sshrl.u32 s0, $0x2  }
.LBB2_53:
0x28a: {  	s0 =	simm.s32 $0x7  }
0x28b: {  	_ =	swait.ge [sflag:s0], s3  }
0x28c: {  	s1 =	ssub.s32 $0x0, s3;
	[sflag:s0] =	ssyncset.done $0x0  }
0x28d: {  	[sflag:s0] =	ssyncadd.s32 s1  }
0x28e: {  	[sflag:s0] =	ssyncpa.u1 $0x1  }
.LBB2_54:
0x28f: {  	_ =	sfence;
	s0 =	simm.s32 $0x1  }
0x290: {  	[sflag:s0] =	ssyncpa.u1 $0x1  }
0x291: {  	_ =	strace $0x9000004D  }
0x292: {  	[bflag:$0x2] =	sbarrier.arrive $0xFFFF  }
0x293: {  	s0 =	rddreg [dreg:$0x4]  }
0x294: {  	s0 =	sadd.s32 @!p0 $0x100000, s0  }
0x295: {  	[sflag:s0] =	ssyncadd.tile.s32 @!p0 $0x1;
	_ =	shalt  }
.Lfunc_end2:
_tile_overlayer_lowered:
.L_overlay_start_2:
0x296: {  	(tag) =	ssettag $0x2  }
0x297: {  	s0 =	rddreg [dreg:$0x0];
	s2 =	stileid.u32  }
0x298: {  	s1 =	rddreg [dreg:$0x1];
	p0 =	sne.s32 s2, $0x0  }
0x299: {  	s3 =	rddreg [dreg:$0x2];
	[bflag:$0x3] =	sbarrier.arrive $0xFFFF;
	s2 =	simm.s32 @!p0 $0x1C01  }
0x29a: {  	[timem:s3], [sflag:s2] =	dma.local @!p0 [hbm:s0], s1  }
0x29b: {  	s0 =	simm.s32 @!p0 $0x1  }
0x29c: {  	_ =	swait.ge @!p0 [sflag:s0], s1  }
0x29d: {  	s1 =	ssub.s32 @!p0 $0x0, s1;
	[sflag:s0] =	ssyncset.done @!p0 $0x0  }
0x29e: {  	[sflag:s0] =	ssyncadd.s32 @!p0 s1  }
0x29f: {  	[bflag:$0x3] =	sbarrier.arrive $0xFFFF  }
0x2a0: {  	_ =	shalt  }

</sc_bundles>
